<compile_context>
chip_gen: v7x
topology: tpu7x:2x2x1
jax: 0.10.2.dev20260603
libtpu: 0.0.44.dev20260713+nightly
codegen_flags: <defaults>
</compile_context>

<pallas_src>
import functools

import jax
import jax.numpy as jnp
from jax import lax
from jax.experimental import pallas as pl
from jax.experimental.pallas import tpu as pltpu
from jax.experimental.pallas import tpu_sc as plsc

NC, NS, L = 2, 16, 16
NW = NC * NS
B, S, D = 256, 16, 128
BPW = B // NW
HALF = S * (2 * S + 2)
RPB = 2 * HALF
NCH = 17


def _sc_body(nid_hbm, feat_hbm, sin_hbm, sout_hbm, win_hbm, wout_hbm,
             fa_hbm, pf_hbm, wt_hbm,
             nid_v, n1in, n1out, w1in, w1out, n2in, n2out, w2in, w2out,
             idx_v, pref8, wout8, outbuf, sem, osem):
    wid = lax.axis_index("s") * NC + lax.axis_index("c")
    base_b = wid * BPW
    pltpu.sync_copy(nid_hbm.at[pl.ds(base_b, BPW)], nid_v)
    l1 = [pltpu.async_copy(sin_hbm.at[nid_v], n1in, sem),
          pltpu.async_copy(sout_hbm.at[nid_v], n1out, sem),
          pltpu.async_copy(win_hbm.at[nid_v], w1in, sem),
          pltpu.async_copy(wout_hbm.at[nid_v], w1out, sem)]
    for d in l1:
        d.wait()

    iota = lax.iota(jnp.int32, L)
    zeros = jnp.zeros((L,), jnp.int32)

    for d1 in range(2):
        n1ref = n1in if d1 == 0 else n1out
        w1ref = w1in if d1 == 0 else w1out
        roff = d1 * HALF

        @pl.loop(0, BPW)
        def _half(i):
            ivec = zeros + i
            l2 = [pltpu.async_copy(sin_hbm.at[n1ref.at[i]], n2in, sem),
                  pltpu.async_copy(sout_hbm.at[n1ref.at[i]], n2out, sem),
                  pltpu.async_copy(win_hbm.at[n1ref.at[i]], w2in, sem),
                  pltpu.async_copy(wout_hbm.at[n1ref.at[i]], w2out, sem)]
            n1row = plsc.load_gather(n1ref, [ivec, iota])
            w1row = plsc.load_gather(w1ref, [ivec, iota])
            pos0 = iota * 34
            pos17 = pos0 + 17
            plsc.store_scatter(idx_v, [pos0 >> 5, pos0 & 31], n1row)
            plsc.store_scatter(idx_v, [pos17 >> 5, pos17 & 31], n1row)
            plsc.store_scatter(pref8, [pos0, ivec], w1row)
            plsc.store_scatter(pref8, [pos17, ivec], w1row)
            w1sq = w1row * w1row
            plsc.store_scatter(wout8, [pos0, ivec], w1sq)
            plsc.store_scatter(wout8, [pos17, ivec], w1sq)
            for d in l2:
                d.wait()
            for j in range(S):
                pin = j * 34 + 1 + iota
                pout = j * 34 + 18 + iota
                plsc.store_scatter(idx_v, [pin >> 5, pin & 31], n2in[j, :])
                plsc.store_scatter(idx_v, [pout >> 5, pout & 31], n2out[j, :])
            fg = [pltpu.async_copy(feat_hbm.at[idx_v.at[c]],
                                   outbuf.at[pl.ds(c * 32, 32), :], sem)
                  for c in range(NCH)]
            for j in range(S):
                w1j = plsc.load_gather(
                    w1ref, [ivec, jnp.full((L,), j, jnp.int32)])
                pin = j * 34 + 1 + iota
                pout = j * 34 + 18 + iota
                w2i = w2in[j, :]
                w2o = w2out[j, :]
                plsc.store_scatter(pref8, [pin, ivec], w2i)
                plsc.store_scatter(pref8, [pout, ivec], w2o)
                plsc.store_scatter(wout8, [pin, ivec], w2i * w1j)
                plsc.store_scatter(wout8, [pout, ivec], w2o * w1j)
            outs = []
            for lo, hi in ((0, 5), (5, 9), (9, 13), (13, 17)):
                for d in fg[lo:hi]:
                    d.wait()
                outs.append(pltpu.async_copy(
                    outbuf.at[pl.ds(lo * 32, (hi - lo) * 32), :],
                    fa_hbm.at[base_b + i,
                              pl.ds(roff + lo * 32, (hi - lo) * 32), :],
                    osem))
            for o in outs:
                o.wait()

        pltpu.sync_copy(pref8, pf_hbm.at[wid, pl.ds(roff, HALF), :])
        pltpu.sync_copy(wout8, wt_hbm.at[wid, pl.ds(roff, HALF), :])


def _tc_body(a_ref, b_ref, o_ref):
    o_ref[0, :, :] = b_ref[...]
    for r in range(8):
        o_ref[pl.ds(1, D), r, :] = jnp.transpose(a_ref[:, r, :], (1, 0))


def kernel(node_ids, features, in_sample, out_sample, in_sample_amnt,
           out_sample_amnt):
    n = features.shape[0]
    mesh = plsc.VectorSubcoreMesh(core_axis_name="c", subcore_axis_name="s")
    run = functools.partial(
        pl.kernel,
        out_type=(jax.ShapeDtypeStruct((B, RPB, D), jnp.float32),
                  jax.ShapeDtypeStruct((NW, RPB, BPW), jnp.float32),
                  jax.ShapeDtypeStruct((NW, RPB, BPW), jnp.float32)),
        mesh=mesh,
        compiler_params=pltpu.CompilerParams(
            use_tc_tiling_on_sc=False, needs_layout_passes=False),
        scratch_types=[
            pltpu.VMEM((BPW,), jnp.int32),
            pltpu.VMEM((BPW, S), jnp.int32),
            pltpu.VMEM((BPW, S), jnp.int32),
            pltpu.VMEM((BPW, S), jnp.float32),
            pltpu.VMEM((BPW, S), jnp.float32),
            pltpu.VMEM((S, S), jnp.int32),
            pltpu.VMEM((S, S), jnp.int32),
            pltpu.VMEM((S, S), jnp.float32),
            pltpu.VMEM((S, S), jnp.float32),
            pltpu.VMEM((NCH, 32), jnp.int32),
            pltpu.VMEM((HALF, BPW), jnp.float32),
            pltpu.VMEM((HALF, BPW), jnp.float32),
            pltpu.VMEM((HALF, D), jnp.float32),
            pltpu.SemaphoreType.DMA,
            pltpu.SemaphoreType.DMA,
        ],
    )(_sc_body)
    feat_a, pref_w, wout_w = run(
        node_ids.astype(jnp.int32), features,
        in_sample.astype(jnp.int32), out_sample.astype(jnp.int32),
        jnp.reshape(in_sample_amnt, (n, S)),
        jnp.reshape(out_sample_amnt, (n, S)))

    pref_t = jnp.reshape(jnp.transpose(pref_w, (1, 0, 2)), (RPB, B))
    wout_t = jnp.reshape(jnp.transpose(wout_w, (1, 0, 2)), (RPB, B))

    feat_t = pl.pallas_call(
        _tc_body,
        grid=(RPB // 8, B // D),
        in_specs=[pl.BlockSpec((D, 8, D), lambda r, b: (b, r, 0)),
                  pl.BlockSpec((8, D), lambda r, b: (r, b))],
        out_specs=pl.BlockSpec((D + 1, 8, D), lambda r, b: (0, r, b)),
        out_shape=jax.ShapeDtypeStruct((D + 1, RPB, B), jnp.float32),
    )(feat_a, pref_t)

    feat = jnp.transpose(feat_t, (2, 1, 0))
    weight = jnp.transpose(wout_t, (1, 0))
    return feat, weight

# --- scband reference (transcript-rebuilt; emitter-appended) ---
"""Pipeline reference for scband-graph-auto-encoder-model-89446988907007 (READ-ONLY COPY).

The authoritative reference and input builder live on the scoring server;
editing this copy changes nothing except your own understanding.
"""

import jax, jax.numpy as jnp
import numpy as np

SUPPORT_SIZE = [16, 16]


def setup_inputs(seed: int = 0):
    N, F, S, De, B = 100000, 128, 16, 1, 256
    key = jax.random.key(seed)
    k = jax.random.split(key, 6)
    return {
        "node_ids": jax.random.randint(k[0], (B,), 0, N),
        "features": jax.random.normal(k[1], (N, F), dtype=jnp.float32),
        "in_sample": jax.random.randint(k[2], (N, S), 0, N),
        "out_sample": jax.random.randint(k[3], (N, S), 0, N),
        "in_sample_amnt": jax.random.uniform(k[4], (N, S, De), dtype=jnp.float32),
        "out_sample_amnt": jax.random.uniform(k[5], (N, S, De), dtype=jnp.float32),
    }


def _get_next_hub(node_ids, hub, direction, feat, weight, features, in_sample, out_sample, in_amnt, out_amnt):
    support = SUPPORT_SIZE[hub - 1]
    if direction == 'in':
        sample_node = in_sample[:, :support]
        sample_weight = in_amnt[:, :support]
    else:
        sample_node = out_sample[:, :support]
        sample_weight = out_amnt[:, :support]
    next_nodes = jnp.take(sample_node, node_ids, axis=0)
    weight_next = jnp.take(sample_weight, node_ids, axis=0)
    feat_next = jnp.take(features, next_nodes, axis=0)
    feat_next = jnp.concatenate([weight_next, feat_next], axis=-1)
    weight_next = jnp.squeeze(weight_next[..., :1], axis=-1)
    if hub < len(SUPPORT_SIZE):
        feat_next = jnp.expand_dims(feat_next, -2)
        weight_next = jnp.expand_dims(weight_next, -1)
        if feat is not None:
            tile_shape = [1] * (feat.ndim - 2) + [support, 1]
            feat = jnp.tile(feat, tile_shape)
            feat = jnp.expand_dims(feat, -2)
            feat_next = jnp.concatenate([feat, feat_next], axis=-2)
            weight = jnp.tile(weight, tile_shape[:-1])
            weight = jnp.expand_dims(weight, -1)
            weight_next = jnp.concatenate([weight, weight_next], axis=-1)
        feat_next, weight_next = get_input_layer(next_nodes, hub + 1, feat_next, weight_next, features, in_sample, out_sample, in_amnt, out_amnt)
    return feat_next, weight_next


def get_input_layer(node_ids, hub, feat, weight, features, in_sample, out_sample, in_amnt, out_amnt):
    nif, niw = _get_next_hub(node_ids, hub, 'in', feat, weight, features, in_sample, out_sample, in_amnt, out_amnt)
    nof, now = _get_next_hub(node_ids, hub, 'out', feat, weight, features, in_sample, out_sample, in_amnt, out_amnt)
    if feat is not None:
        if hub == len(SUPPORT_SIZE):
            feat = jnp.concatenate([feat, nif, feat, nof], axis=-2)
            nlev = weight.shape[-1]
            head = None
            tail = None
            for level in range(nlev):
                factor = weight[..., level:level + 1]
                niw = niw * factor
                now = now * factor
                if head is None:
                    head = factor ** (nlev - level + 1)
                    tail = weight[..., level + 1:] * factor
                else:
                    tail = tail * factor
                    head = jnp.concatenate([head, tail[..., :1]], axis=-1)
                    tail = tail[..., 1:]
            weight_comb = jnp.concatenate([head, niw, head, now], axis=-1)
        else:
            feat = jnp.concatenate([nif, nof], axis=-2)
            weight_comb = jnp.concatenate([niw, now], axis=-1)
        shape = list(feat.shape)
        new_shape = shape[:-3] + [shape[-3] * shape[-2], shape[-1]]
        feat = jnp.reshape(feat, new_shape)
        weight = jnp.reshape(weight_comb, new_shape[:-1])
    else:
        feat = jnp.concatenate([nif, nof], axis=-2)
        weight = jnp.concatenate([niw, now], axis=-1)
    return feat, weight


def reference(node_ids, features, in_sample, out_sample, in_sample_amnt, out_sample_amnt):
    return get_input_layer(node_ids, 1, None, None, features, in_sample, out_sample, in_sample_amnt, out_sample_amnt)

if __name__ == "__main__":
    import jax
    _d = setup_inputs()
    print(jax.jit(kernel)(*tuple(_d.values())))

</pallas_src>

<mosaic_0001>
#map = affine_map<(d0, d1) -> (0)>
#map1 = affine_map<(d0, d1) -> (0, 0)>
#map2 = affine_map<(d0, d1) -> (0, 0, 0)>
module attributes {stable_mosaic.version = 14 : i64} {
  func.func @_sc_body(%arg0: i32, %arg1: i32, %arg2: memref<256xi32, #tpu.memory_space<hbm>>, %arg3: memref<100000x128xf32, #tpu.memory_space<hbm>>, %arg4: memref<100000x16xi32, #tpu.memory_space<hbm>>, %arg5: memref<100000x16xi32, #tpu.memory_space<hbm>>, %arg6: memref<100000x16xf32, #tpu.memory_space<hbm>>, %arg7: memref<100000x16xf32, #tpu.memory_space<hbm>>, %arg8: memref<256x1088x128xf32, #tpu.memory_space<hbm>>, %arg9: memref<32x1088x8xf32, #tpu.memory_space<hbm>>, %arg10: memref<32x1088x8xf32, #tpu.memory_space<hbm>>, %arg11: memref<8xi32, #tpu.memory_space<vmem>>, %arg12: memref<8x16xi32, #tpu.memory_space<vmem>>, %arg13: memref<8x16xi32, #tpu.memory_space<vmem>>, %arg14: memref<8x16xf32, #tpu.memory_space<vmem>>, %arg15: memref<8x16xf32, #tpu.memory_space<vmem>>, %arg16: memref<16x16xi32, #tpu.memory_space<vmem>>, %arg17: memref<16x16xi32, #tpu.memory_space<vmem>>, %arg18: memref<16x16xf32, #tpu.memory_space<vmem>>, %arg19: memref<16x16xf32, #tpu.memory_space<vmem>>, %arg20: memref<17x32xi32, #tpu.memory_space<vmem>>, %arg21: memref<544x8xf32, #tpu.memory_space<vmem>>, %arg22: memref<544x8xf32, #tpu.memory_space<vmem>>, %arg23: memref<544x128xf32, #tpu.memory_space<vmem>>, %arg24: memref<!tpu.dma_semaphore, #tpu.memory_space<semaphore_mem>>, %arg25: memref<!tpu.dma_semaphore, #tpu.memory_space<semaphore_mem>>) attributes {dimension_semantics = [#tpu.dimension_semantics<core_parallel>, #tpu.dimension_semantics<subcore_parallel>], iteration_bounds = array<i64: 2, 16>, scalar_prefetch = 0 : i64, scratch_operands = 15 : i64, tpu.core_type = #tpu.core_type<sc_vector_subcore>, window_params = [{transform_indices = #map}, {transform_indices = #map1}, {transform_indices = #map1}, {transform_indices = #map1}, {transform_indices = #map1}, {transform_indices = #map1}, {transform_indices = #map2}, {transform_indices = #map2}, {transform_indices = #map2}]} {
    %mul3A = arith.constant 2 : i32
    %mul3A_0 = arith.muli %arg1, %mul3A : i32
    %add3A = arith.addi %mul3A_0, %arg0 : i32
    %mul3A_1 = arith.constant 8 : i32
    %mul3A_2 = arith.muli %add3A, %mul3A_1 : i32
    "tpu.region"() ({
      %run_scoped3A = tpu.sem_alloc : memref<!tpu.dma_semaphore, #tpu.memory_space<semaphore_mem>>
      %dma_start3A_35 = tpu.memref_slice %arg2[%mul3A_2] : memref<256xi32, #tpu.memory_space<hbm>> -> memref<8xi32, #tpu.memory_space<hbm>>
      %dma_start3A_36 = tpu.memref_slice %arg2[%mul3A_2] : memref<256xi32, #tpu.memory_space<hbm>> -> memref<8xi32, #tpu.memory_space<hbm>>
      tpu.enqueue_dma source(%dma_start3A_36 : memref<8xi32, #tpu.memory_space<hbm>>) target(%arg11 : memref<8xi32, #tpu.memory_space<vmem>>) target_semaphore(%run_scoped3A : memref<!tpu.dma_semaphore, #tpu.memory_space<semaphore_mem>>)
      %dma_wait3A_37 = tpu.memref_slice %arg2[%mul3A_2] : memref<256xi32, #tpu.memory_space<hbm>> -> memref<8xi32, #tpu.memory_space<hbm>>
      %dma_wait3A_38 = tpu.memref_slice %arg2[%mul3A_2] : memref<256xi32, #tpu.memory_space<hbm>> -> memref<8xi32, #tpu.memory_space<hbm>>
      tpu.wait_dma2 semaphore(%run_scoped3A : memref<!tpu.dma_semaphore, #tpu.memory_space<semaphore_mem>>) src(%dma_wait3A_38 : memref<8xi32, #tpu.memory_space<hbm>>) dst(%arg11 : memref<8xi32, #tpu.memory_space<vmem>>)
      tpu.yield
    }) : () -> ()
    %dma_start3A = arith.constant 0 : i32
    %dma_start3A_3 = arith.constant 0 : i32
    %dma_start3A_4 = tpu.memref_slice %arg4[%dma_start3A, %dma_start3A_3] : memref<100000x16xi32, #tpu.memory_space<hbm>> -> memref<100000x16xi32, #tpu.memory_space<hbm>>
    tpu.enqueue_indirect_dma source(%dma_start3A_4 : memref<100000x16xi32, #tpu.memory_space<hbm>>) target(%arg12 : memref<8x16xi32, #tpu.memory_space<vmem>>) offsets(%arg11 : memref<8xi32, #tpu.memory_space<vmem>>) semaphore(%arg24 : memref<!tpu.dma_semaphore, #tpu.memory_space<semaphore_mem>>)
    %dma_start3A_5 = arith.constant 0 : i32
    %dma_start3A_6 = arith.constant 0 : i32
    %dma_start3A_7 = tpu.memref_slice %arg5[%dma_start3A_5, %dma_start3A_6] : memref<100000x16xi32, #tpu.memory_space<hbm>> -> memref<100000x16xi32, #tpu.memory_space<hbm>>
    tpu.enqueue_indirect_dma source(%dma_start3A_7 : memref<100000x16xi32, #tpu.memory_space<hbm>>) target(%arg13 : memref<8x16xi32, #tpu.memory_space<vmem>>) offsets(%arg11 : memref<8xi32, #tpu.memory_space<vmem>>) semaphore(%arg24 : memref<!tpu.dma_semaphore, #tpu.memory_space<semaphore_mem>>)
    %dma_start3A_8 = arith.constant 0 : i32
    %dma_start3A_9 = arith.constant 0 : i32
    %dma_start3A_10 = tpu.memref_slice %arg6[%dma_start3A_8, %dma_start3A_9] : memref<100000x16xf32, #tpu.memory_space<hbm>> -> memref<100000x16xf32, #tpu.memory_space<hbm>>
    tpu.enqueue_indirect_dma source(%dma_start3A_10 : memref<100000x16xf32, #tpu.memory_space<hbm>>) target(%arg14 : memref<8x16xf32, #tpu.memory_space<vmem>>) offsets(%arg11 : memref<8xi32, #tpu.memory_space<vmem>>) semaphore(%arg24 : memref<!tpu.dma_semaphore, #tpu.memory_space<semaphore_mem>>)
    %dma_start3A_11 = arith.constant 0 : i32
    %dma_start3A_12 = arith.constant 0 : i32
    %dma_start3A_13 = tpu.memref_slice %arg7[%dma_start3A_11, %dma_start3A_12] : memref<100000x16xf32, #tpu.memory_space<hbm>> -> memref<100000x16xf32, #tpu.memory_space<hbm>>
    tpu.enqueue_indirect_dma source(%dma_start3A_13 : memref<100000x16xf32, #tpu.memory_space<hbm>>) target(%arg15 : memref<8x16xf32, #tpu.memory_space<vmem>>) offsets(%arg11 : memref<8xi32, #tpu.memory_space<vmem>>) semaphore(%arg24 : memref<!tpu.dma_semaphore, #tpu.memory_space<semaphore_mem>>)
    %dma_wait3A = arith.constant 0 : i32
    %dma_wait3A_14 = arith.constant 0 : i32
    %dma_wait3A_15 = tpu.memref_slice %arg4[%dma_wait3A, %dma_wait3A_14] : memref<100000x16xi32, #tpu.memory_space<hbm>> -> memref<100000x16xi32, #tpu.memory_space<hbm>>
    tpu.wait_indirect_dma semaphore(%arg24 : memref<!tpu.dma_semaphore, #tpu.memory_space<semaphore_mem>>) src(%dma_wait3A_15 : memref<100000x16xi32, #tpu.memory_space<hbm>>) dst(%arg12 : memref<8x16xi32, #tpu.memory_space<vmem>>)
    %dma_wait3A_16 = arith.constant 0 : i32
    %dma_wait3A_17 = arith.constant 0 : i32
    %dma_wait3A_18 = tpu.memref_slice %arg5[%dma_wait3A_16, %dma_wait3A_17] : memref<100000x16xi32, #tpu.memory_space<hbm>> -> memref<100000x16xi32, #tpu.memory_space<hbm>>
    tpu.wait_indirect_dma semaphore(%arg24 : memref<!tpu.dma_semaphore, #tpu.memory_space<semaphore_mem>>) src(%dma_wait3A_18 : memref<100000x16xi32, #tpu.memory_space<hbm>>) dst(%arg13 : memref<8x16xi32, #tpu.memory_space<vmem>>)
    %dma_wait3A_19 = arith.constant 0 : i32
    %dma_wait3A_20 = arith.constant 0 : i32
    %dma_wait3A_21 = tpu.memref_slice %arg6[%dma_wait3A_19, %dma_wait3A_20] : memref<100000x16xf32, #tpu.memory_space<hbm>> -> memref<100000x16xf32, #tpu.memory_space<hbm>>
    tpu.wait_indirect_dma semaphore(%arg24 : memref<!tpu.dma_semaphore, #tpu.memory_space<semaphore_mem>>) src(%dma_wait3A_21 : memref<100000x16xf32, #tpu.memory_space<hbm>>) dst(%arg14 : memref<8x16xf32, #tpu.memory_space<vmem>>)
    %dma_wait3A_22 = arith.constant 0 : i32
    %dma_wait3A_23 = arith.constant 0 : i32
    %dma_wait3A_24 = tpu.memref_slice %arg7[%dma_wait3A_22, %dma_wait3A_23] : memref<100000x16xf32, #tpu.memory_space<hbm>> -> memref<100000x16xf32, #tpu.memory_space<hbm>>
    tpu.wait_indirect_dma semaphore(%arg24 : memref<!tpu.dma_semaphore, #tpu.memory_space<semaphore_mem>>) src(%dma_wait3A_24 : memref<100000x16xf32, #tpu.memory_space<hbm>>) dst(%arg15 : memref<8x16xf32, #tpu.memory_space<vmem>>)
    %iota3A = tpu.iota {dimensions = array<i32: 0>} : vector<16xi32>
    %broadcast_in_dim3A = arith.constant 0 : i32
    %broadcast_in_dim3A_25 = vector.broadcast %broadcast_in_dim3A : i32 to vector<16xi32>
    %scan3A = arith.constant 0 : i32
    %scan3A_26 = arith.constant 8 : i32
    %scan3A_27 = arith.addi %scan3A, %scan3A_26 : i32
    %scan3A_28 = arith.constant 1 : i32
    scf.for %scan3A_35 = %scan3A to %scan3A_27 step %scan3A_28  : i32 {
      %mul3A_36 = arith.constant 1 : i32
      %mul3A_37 = arith.muli %scan3A_35, %mul3A_36 : i32
      %add3A_38 = arith.constant 0 : i32
      %add3A_39 = arith.addi %add3A_38, %mul3A_37 : i32
      %add3A_40 = vector.broadcast %add3A_39 : i32 to vector<16xi32>
      %add3A_41 = arith.addi %broadcast_in_dim3A_25, %add3A_40 : vector<16xi32>
      %dma_start3A_42 = arith.constant 0 : i32
      %dma_start3A_43 = tpu.memref_slice %arg12[%add3A_39, %dma_start3A_42] : memref<8x16xi32, #tpu.memory_space<vmem>> -> memref<1x16xi32, #tpu.memory_space<vmem>>
      %dma_start3A_44 = tpu.memref_squeeze %dma_start3A_43 : memref<1x16xi32, #tpu.memory_space<vmem>> -> memref<16xi32, #tpu.memory_space<vmem>>
      %dma_start3A_45 = arith.constant 0 : i32
      %dma_start3A_46 = arith.constant 0 : i32
      %dma_start3A_47 = tpu.memref_slice %arg4[%dma_start3A_45, %dma_start3A_46] : memref<100000x16xi32, #tpu.memory_space<hbm>> -> memref<100000x16xi32, #tpu.memory_space<hbm>>
      tpu.enqueue_indirect_dma source(%dma_start3A_47 : memref<100000x16xi32, #tpu.memory_space<hbm>>) target(%arg16 : memref<16x16xi32, #tpu.memory_space<vmem>>) offsets(%dma_start3A_44 : memref<16xi32, #tpu.memory_space<vmem>>) semaphore(%arg24 : memref<!tpu.dma_semaphore, #tpu.memory_space<semaphore_mem>>)
      %dma_start3A_48 = arith.constant 0 : i32
      %dma_start3A_49 = tpu.memref_slice %arg12[%add3A_39, %dma_start3A_48] : memref<8x16xi32, #tpu.memory_space<vmem>> -> memref<1x16xi32, #tpu.memory_space<vmem>>
      %dma_start3A_50 = tpu.memref_squeeze %dma_start3A_49 : memref<1x16xi32, #tpu.memory_space<vmem>> -> memref<16xi32, #tpu.memory_space<vmem>>
      %dma_start3A_51 = arith.constant 0 : i32
      %dma_start3A_52 = arith.constant 0 : i32
      %dma_start3A_53 = tpu.memref_slice %arg5[%dma_start3A_51, %dma_start3A_52] : memref<100000x16xi32, #tpu.memory_space<hbm>> -> memref<100000x16xi32, #tpu.memory_space<hbm>>
      tpu.enqueue_indirect_dma source(%dma_start3A_53 : memref<100000x16xi32, #tpu.memory_space<hbm>>) target(%arg17 : memref<16x16xi32, #tpu.memory_space<vmem>>) offsets(%dma_start3A_50 : memref<16xi32, #tpu.memory_space<vmem>>) semaphore(%arg24 : memref<!tpu.dma_semaphore, #tpu.memory_space<semaphore_mem>>)
      %dma_start3A_54 = arith.constant 0 : i32
      %dma_start3A_55 = tpu.memref_slice %arg12[%add3A_39, %dma_start3A_54] : memref<8x16xi32, #tpu.memory_space<vmem>> -> memref<1x16xi32, #tpu.memory_space<vmem>>
      %dma_start3A_56 = tpu.memref_squeeze %dma_start3A_55 : memref<1x16xi32, #tpu.memory_space<vmem>> -> memref<16xi32, #tpu.memory_space<vmem>>
      %dma_start3A_57 = arith.constant 0 : i32
      %dma_start3A_58 = arith.constant 0 : i32
      %dma_start3A_59 = tpu.memref_slice %arg6[%dma_start3A_57, %dma_start3A_58] : memref<100000x16xf32, #tpu.memory_space<hbm>> -> memref<100000x16xf32, #tpu.memory_space<hbm>>
      tpu.enqueue_indirect_dma source(%dma_start3A_59 : memref<100000x16xf32, #tpu.memory_space<hbm>>) target(%arg18 : memref<16x16xf32, #tpu.memory_space<vmem>>) offsets(%dma_start3A_56 : memref<16xi32, #tpu.memory_space<vmem>>) semaphore(%arg24 : memref<!tpu.dma_semaphore, #tpu.memory_space<semaphore_mem>>)
      %dma_start3A_60 = arith.constant 0 : i32
      %dma_start3A_61 = tpu.memref_slice %arg12[%add3A_39, %dma_start3A_60] : memref<8x16xi32, #tpu.memory_space<vmem>> -> memref<1x16xi32, #tpu.memory_space<vmem>>
      %dma_start3A_62 = tpu.memref_squeeze %dma_start3A_61 : memref<1x16xi32, #tpu.memory_space<vmem>> -> memref<16xi32, #tpu.memory_space<vmem>>
      %dma_start3A_63 = arith.constant 0 : i32
      %dma_start3A_64 = arith.constant 0 : i32
      %dma_start3A_65 = tpu.memref_slice %arg7[%dma_start3A_63, %dma_start3A_64] : memref<100000x16xf32, #tpu.memory_space<hbm>> -> memref<100000x16xf32, #tpu.memory_space<hbm>>
      tpu.enqueue_indirect_dma source(%dma_start3A_65 : memref<100000x16xf32, #tpu.memory_space<hbm>>) target(%arg19 : memref<16x16xf32, #tpu.memory_space<vmem>>) offsets(%dma_start3A_62 : memref<16xi32, #tpu.memory_space<vmem>>) semaphore(%arg24 : memref<!tpu.dma_semaphore, #tpu.memory_space<semaphore_mem>>)
      %gather3A = tpu.vector_load_idx %arg12[%add3A_41, %iota3A] : memref<8x16xi32, #tpu.memory_space<vmem>>[vector<16xi32>, vector<16xi32>], vector<16xi32>,
      %gather3A_66 = tpu.vector_load_idx %arg14[%add3A_41, %iota3A] : memref<8x16xf32, #tpu.memory_space<vmem>>[vector<16xi32>, vector<16xi32>], vector<16xf32>,
      %mul3A_67 = arith.constant 34 : i32
      %mul3A_68 = vector.broadcast %mul3A_67 : i32 to vector<16xi32>
      %mul3A_69 = arith.muli %iota3A, %mul3A_68 : vector<16xi32>
      %add3A_70 = arith.constant 17 : i32
      %add3A_71 = vector.broadcast %add3A_70 : i32 to vector<16xi32>
      %add3A_72 = arith.addi %mul3A_69, %add3A_71 : vector<16xi32>
      %shift_right_arithmetic3A = arith.constant 5 : i32
      %shift_right_arithmetic3A_73 = vector.broadcast %shift_right_arithmetic3A : i32 to vector<16xi32>
      %shift_right_arithmetic3A_74 = arith.shrsi %mul3A_69, %shift_right_arithmetic3A_73 : vector<16xi32>
      %and3A = arith.constant 31 : i32
      %and3A_75 = vector.broadcast %and3A : i32 to vector<16xi32>
      %and3A_76 = arith.andi %mul3A_69, %and3A_75 : vector<16xi32>
      tpu.vector_store_idx %arg20[%shift_right_arithmetic3A_74, %and3A_76], %gather3A : memref<17x32xi32, #tpu.memory_space<vmem>>[vector<16xi32>, vector<16xi32>], vector<16xi32>,
      %shift_right_arithmetic3A_77 = arith.constant 5 : i32
      %shift_right_arithmetic3A_78 = vector.broadcast %shift_right_arithmetic3A_77 : i32 to vector<16xi32>
      %shift_right_arithmetic3A_79 = arith.shrsi %add3A_72, %shift_right_arithmetic3A_78 : vector<16xi32>
      %and3A_80 = arith.constant 31 : i32
      %and3A_81 = vector.broadcast %and3A_80 : i32 to vector<16xi32>
      %and3A_82 = arith.andi %add3A_72, %and3A_81 : vector<16xi32>
      tpu.vector_store_idx %arg20[%shift_right_arithmetic3A_79, %and3A_82], %gather3A : memref<17x32xi32, #tpu.memory_space<vmem>>[vector<16xi32>, vector<16xi32>], vector<16xi32>,
      tpu.vector_store_idx %arg21[%mul3A_69, %add3A_41], %gather3A_66 : memref<544x8xf32, #tpu.memory_space<vmem>>[vector<16xi32>, vector<16xi32>], vector<16xf32>,
      tpu.vector_store_idx %arg21[%add3A_72, %add3A_41], %gather3A_66 : memref<544x8xf32, #tpu.memory_space<vmem>>[vector<16xi32>, vector<16xi32>], vector<16xf32>,
      %mul3A_83 = arith.mulf %gather3A_66, %gather3A_66 : vector<16xf32>
      tpu.vector_store_idx %arg22[%mul3A_69, %add3A_41], %mul3A_83 : memref<544x8xf32, #tpu.memory_space<vmem>>[vector<16xi32>, vector<16xi32>], vector<16xf32>,
      tpu.vector_store_idx %arg22[%add3A_72, %add3A_41], %mul3A_83 : memref<544x8xf32, #tpu.memory_space<vmem>>[vector<16xi32>, vector<16xi32>], vector<16xf32>,
      %dma_wait3A_84 = arith.constant 0 : i32
      %dma_wait3A_85 = tpu.memref_slice %arg12[%add3A_39, %dma_wait3A_84] : memref<8x16xi32, #tpu.memory_space<vmem>> -> memref<1x16xi32, #tpu.memory_space<vmem>>
      %dma_wait3A_86 = tpu.memref_squeeze %dma_wait3A_85 : memref<1x16xi32, #tpu.memory_space<vmem>> -> memref<16xi32, #tpu.memory_space<vmem>>
      %dma_wait3A_87 = arith.constant 0 : i32
      %dma_wait3A_88 = arith.constant 0 : i32
      %dma_wait3A_89 = tpu.memref_slice %arg4[%dma_wait3A_87, %dma_wait3A_88] : memref<100000x16xi32, #tpu.memory_space<hbm>> -> memref<100000x16xi32, #tpu.memory_space<hbm>>
      tpu.wait_indirect_dma semaphore(%arg24 : memref<!tpu.dma_semaphore, #tpu.memory_space<semaphore_mem>>) src(%dma_wait3A_89 : memref<100000x16xi32, #tpu.memory_space<hbm>>) dst(%arg16 : memref<16x16xi32, #tpu.memory_space<vmem>>)
      %dma_wait3A_90 = arith.constant 0 : i32
      %dma_wait3A_91 = tpu.memref_slice %arg12[%add3A_39, %dma_wait3A_90] : memref<8x16xi32, #tpu.memory_space<vmem>> -> memref<1x16xi32, #tpu.memory_space<vmem>>
      %dma_wait3A_92 = tpu.memref_squeeze %dma_wait3A_91 : memref<1x16xi32, #tpu.memory_space<vmem>> -> memref<16xi32, #tpu.memory_space<vmem>>
      %dma_wait3A_93 = arith.constant 0 : i32
      %dma_wait3A_94 = arith.constant 0 : i32
      %dma_wait3A_95 = tpu.memref_slice %arg5[%dma_wait3A_93, %dma_wait3A_94] : memref<100000x16xi32, #tpu.memory_space<hbm>> -> memref<100000x16xi32, #tpu.memory_space<hbm>>
      tpu.wait_indirect_dma semaphore(%arg24 : memref<!tpu.dma_semaphore, #tpu.memory_space<semaphore_mem>>) src(%dma_wait3A_95 : memref<100000x16xi32, #tpu.memory_space<hbm>>) dst(%arg17 : memref<16x16xi32, #tpu.memory_space<vmem>>)
      %dma_wait3A_96 = arith.constant 0 : i32
      %dma_wait3A_97 = tpu.memref_slice %arg12[%add3A_39, %dma_wait3A_96] : memref<8x16xi32, #tpu.memory_space<vmem>> -> memref<1x16xi32, #tpu.memory_space<vmem>>
      %dma_wait3A_98 = tpu.memref_squeeze %dma_wait3A_97 : memref<1x16xi32, #tpu.memory_space<vmem>> -> memref<16xi32, #tpu.memory_space<vmem>>
      %dma_wait3A_99 = arith.constant 0 : i32
      %dma_wait3A_100 = arith.constant 0 : i32
      %dma_wait3A_101 = tpu.memref_slice %arg6[%dma_wait3A_99, %dma_wait3A_100] : memref<100000x16xf32, #tpu.memory_space<hbm>> -> memref<100000x16xf32, #tpu.memory_space<hbm>>
      tpu.wait_indirect_dma semaphore(%arg24 : memref<!tpu.dma_semaphore, #tpu.memory_space<semaphore_mem>>) src(%dma_wait3A_101 : memref<100000x16xf32, #tpu.memory_space<hbm>>) dst(%arg18 : memref<16x16xf32, #tpu.memory_space<vmem>>)
      %dma_wait3A_102 = arith.constant 0 : i32
      %dma_wait3A_103 = tpu.memref_slice %arg12[%add3A_39, %dma_wait3A_102] : memref<8x16xi32, #tpu.memory_space<vmem>> -> memref<1x16xi32, #tpu.memory_space<vmem>>
      %dma_wait3A_104 = tpu.memref_squeeze %dma_wait3A_103 : memref<1x16xi32, #tpu.memory_space<vmem>> -> memref<16xi32, #tpu.memory_space<vmem>>
      %dma_wait3A_105 = arith.constant 0 : i32
      %dma_wait3A_106 = arith.constant 0 : i32
      %dma_wait3A_107 = tpu.memref_slice %arg7[%dma_wait3A_105, %dma_wait3A_106] : memref<100000x16xf32, #tpu.memory_space<hbm>> -> memref<100000x16xf32, #tpu.memory_space<hbm>>
      tpu.wait_indirect_dma semaphore(%arg24 : memref<!tpu.dma_semaphore, #tpu.memory_space<semaphore_mem>>) src(%dma_wait3A_107 : memref<100000x16xf32, #tpu.memory_space<hbm>>) dst(%arg19 : memref<16x16xf32, #tpu.memory_space<vmem>>)
      %add3A_108 = arith.constant 1 : i32
      %add3A_109 = vector.broadcast %add3A_108 : i32 to vector<16xi32>
      %add3A_110 = arith.addi %add3A_109, %iota3A : vector<16xi32>
      %add3A_111 = arith.constant 18 : i32
      %add3A_112 = vector.broadcast %add3A_111 : i32 to vector<16xi32>
      %add3A_113 = arith.addi %add3A_112, %iota3A : vector<16xi32>
      %shift_right_arithmetic3A_114 = arith.constant 5 : i32
      %shift_right_arithmetic3A_115 = vector.broadcast %shift_right_arithmetic3A_114 : i32 to vector<16xi32>
      %shift_right_arithmetic3A_116 = arith.shrsi %add3A_110, %shift_right_arithmetic3A_115 : vector<16xi32>
      %and3A_117 = arith.constant 31 : i32
      %and3A_118 = vector.broadcast %and3A_117 : i32 to vector<16xi32>
      %and3A_119 = arith.andi %add3A_110, %and3A_118 : vector<16xi32>
      %get3A = arith.constant 0 : i32
      %get3A_120 = arith.index_cast %get3A : i32 to index
      %get3A_121 = arith.constant 0 : index
      %get3A_122 = tpu.vector_load %arg16[%get3A_120, %get3A_121] {strides = array<i32>} : memref<16x16xi32, #tpu.memory_space<vmem>>, vector<16xi32>,
      tpu.vector_store_idx %arg20[%shift_right_arithmetic3A_116, %and3A_119], %get3A_122 : memref<17x32xi32, #tpu.memory_space<vmem>>[vector<16xi32>, vector<16xi32>], vector<16xi32>,
      %shift_right_arithmetic3A_123 = arith.constant 5 : i32
      %shift_right_arithmetic3A_124 = vector.broadcast %shift_right_arithmetic3A_123 : i32 to vector<16xi32>
      %shift_right_arithmetic3A_125 = arith.shrsi %add3A_113, %shift_right_arithmetic3A_124 : vector<16xi32>
      %and3A_126 = arith.constant 31 : i32
      %and3A_127 = vector.broadcast %and3A_126 : i32 to vector<16xi32>
      %and3A_128 = arith.andi %add3A_113, %and3A_127 : vector<16xi32>
      %get3A_129 = arith.constant 0 : i32
      %get3A_130 = arith.index_cast %get3A_129 : i32 to index
      %get3A_131 = arith.constant 0 : index
      %get3A_132 = tpu.vector_load %arg17[%get3A_130, %get3A_131] {strides = array<i32>} : memref<16x16xi32, #tpu.memory_space<vmem>>, vector<16xi32>,
      tpu.vector_store_idx %arg20[%shift_right_arithmetic3A_125, %and3A_128], %get3A_132 : memref<17x32xi32, #tpu.memory_space<vmem>>[vector<16xi32>, vector<16xi32>], vector<16xi32>,
      %add3A_133 = arith.constant 35 : i32
      %add3A_134 = vector.broadcast %add3A_133 : i32 to vector<16xi32>
      %add3A_135 = arith.addi %add3A_134, %iota3A : vector<16xi32>
      %add3A_136 = arith.constant 52 : i32
      %add3A_137 = vector.broadcast %add3A_136 : i32 to vector<16xi32>
      %add3A_138 = arith.addi %add3A_137, %iota3A : vector<16xi32>
      %shift_right_arithmetic3A_139 = arith.constant 5 : i32
      %shift_right_arithmetic3A_140 = vector.broadcast %shift_right_arithmetic3A_139 : i32 to vector<16xi32>
      %shift_right_arithmetic3A_141 = arith.shrsi %add3A_135, %shift_right_arithmetic3A_140 : vector<16xi32>
      %and3A_142 = arith.constant 31 : i32
      %and3A_143 = vector.broadcast %and3A_142 : i32 to vector<16xi32>
      %and3A_144 = arith.andi %add3A_135, %and3A_143 : vector<16xi32>
      %get3A_145 = arith.constant 1 : i32
      %get3A_146 = arith.index_cast %get3A_145 : i32 to index
      %get3A_147 = arith.constant 0 : index
      %get3A_148 = tpu.vector_load %arg16[%get3A_146, %get3A_147] {strides = array<i32>} : memref<16x16xi32, #tpu.memory_space<vmem>>, vector<16xi32>,
      tpu.vector_store_idx %arg20[%shift_right_arithmetic3A_141, %and3A_144], %get3A_148 : memref<17x32xi32, #tpu.memory_space<vmem>>[vector<16xi32>, vector<16xi32>], vector<16xi32>,
      %shift_right_arithmetic3A_149 = arith.constant 5 : i32
      %shift_right_arithmetic3A_150 = vector.broadcast %shift_right_arithmetic3A_149 : i32 to vector<16xi32>
      %shift_right_arithmetic3A_151 = arith.shrsi %add3A_138, %shift_right_arithmetic3A_150 : vector<16xi32>
      %and3A_152 = arith.constant 31 : i32
      %and3A_153 = vector.broadcast %and3A_152 : i32 to vector<16xi32>
      %and3A_154 = arith.andi %add3A_138, %and3A_153 : vector<16xi32>
      %get3A_155 = arith.constant 1 : i32
      %get3A_156 = arith.index_cast %get3A_155 : i32 to index
      %get3A_157 = arith.constant 0 : index
      %get3A_158 = tpu.vector_load %arg17[%get3A_156, %get3A_157] {strides = array<i32>} : memref<16x16xi32, #tpu.memory_space<vmem>>, vector<16xi32>,
      tpu.vector_store_idx %arg20[%shift_right_arithmetic3A_151, %and3A_154], %get3A_158 : memref<17x32xi32, #tpu.memory_space<vmem>>[vector<16xi32>, vector<16xi32>], vector<16xi32>,
      %add3A_159 = arith.constant 69 : i32
      %add3A_160 = vector.broadcast %add3A_159 : i32 to vector<16xi32>
      %add3A_161 = arith.addi %add3A_160, %iota3A : vector<16xi32>
      %add3A_162 = arith.constant 86 : i32
      %add3A_163 = vector.broadcast %add3A_162 : i32 to vector<16xi32>
      %add3A_164 = arith.addi %add3A_163, %iota3A : vector<16xi32>
      %shift_right_arithmetic3A_165 = arith.constant 5 : i32
      %shift_right_arithmetic3A_166 = vector.broadcast %shift_right_arithmetic3A_165 : i32 to vector<16xi32>
      %shift_right_arithmetic3A_167 = arith.shrsi %add3A_161, %shift_right_arithmetic3A_166 : vector<16xi32>
      %and3A_168 = arith.constant 31 : i32
      %and3A_169 = vector.broadcast %and3A_168 : i32 to vector<16xi32>
      %and3A_170 = arith.andi %add3A_161, %and3A_169 : vector<16xi32>
      %get3A_171 = arith.constant 2 : i32
      %get3A_172 = arith.index_cast %get3A_171 : i32 to index
      %get3A_173 = arith.constant 0 : index
      %get3A_174 = tpu.vector_load %arg16[%get3A_172, %get3A_173] {strides = array<i32>} : memref<16x16xi32, #tpu.memory_space<vmem>>, vector<16xi32>,
      tpu.vector_store_idx %arg20[%shift_right_arithmetic3A_167, %and3A_170], %get3A_174 : memref<17x32xi32, #tpu.memory_space<vmem>>[vector<16xi32>, vector<16xi32>], vector<16xi32>,
      %shift_right_arithmetic3A_175 = arith.constant 5 : i32
      %shift_right_arithmetic3A_176 = vector.broadcast %shift_right_arithmetic3A_175 : i32 to vector<16xi32>
      %shift_right_arithmetic3A_177 = arith.shrsi %add3A_164, %shift_right_arithmetic3A_176 : vector<16xi32>
      %and3A_178 = arith.constant 31 : i32
      %and3A_179 = vector.broadcast %and3A_178 : i32 to vector<16xi32>
      %and3A_180 = arith.andi %add3A_164, %and3A_179 : vector<16xi32>
      %get3A_181 = arith.constant 2 : i32
      %get3A_182 = arith.index_cast %get3A_181 : i32 to index
      %get3A_183 = arith.constant 0 : index
      %get3A_184 = tpu.vector_load %arg17[%get3A_182, %get3A_183] {strides = array<i32>} : memref<16x16xi32, #tpu.memory_space<vmem>>, vector<16xi32>,
      tpu.vector_store_idx %arg20[%shift_right_arithmetic3A_177, %and3A_180], %get3A_184 : memref<17x32xi32, #tpu.memory_space<vmem>>[vector<16xi32>, vector<16xi32>], vector<16xi32>,
      %add3A_185 = arith.constant 103 : i32
      %add3A_186 = vector.broadcast %add3A_185 : i32 to vector<16xi32>
      %add3A_187 = arith.addi %add3A_186, %iota3A : vector<16xi32>
      %add3A_188 = arith.constant 120 : i32
      %add3A_189 = vector.broadcast %add3A_188 : i32 to vector<16xi32>
      %add3A_190 = arith.addi %add3A_189, %iota3A : vector<16xi32>
      %shift_right_arithmetic3A_191 = arith.constant 5 : i32
      %shift_right_arithmetic3A_192 = vector.broadcast %shift_right_arithmetic3A_191 : i32 to vector<16xi32>
      %shift_right_arithmetic3A_193 = arith.shrsi %add3A_187, %shift_right_arithmetic3A_192 : vector<16xi32>
      %and3A_194 = arith.constant 31 : i32
      %and3A_195 = vector.broadcast %and3A_194 : i32 to vector<16xi32>
      %and3A_196 = arith.andi %add3A_187, %and3A_195 : vector<16xi32>
      %get3A_197 = arith.constant 3 : i32
      %get3A_198 = arith.index_cast %get3A_197 : i32 to index
      %get3A_199 = arith.constant 0 : index
      %get3A_200 = tpu.vector_load %arg16[%get3A_198, %get3A_199] {strides = array<i32>} : memref<16x16xi32, #tpu.memory_space<vmem>>, vector<16xi32>,
      tpu.vector_store_idx %arg20[%shift_right_arithmetic3A_193, %and3A_196], %get3A_200 : memref<17x32xi32, #tpu.memory_space<vmem>>[vector<16xi32>, vector<16xi32>], vector<16xi32>,
      %shift_right_arithmetic3A_201 = arith.constant 5 : i32
      %shift_right_arithmetic3A_202 = vector.broadcast %shift_right_arithmetic3A_201 : i32 to vector<16xi32>
      %shift_right_arithmetic3A_203 = arith.shrsi %add3A_190, %shift_right_arithmetic3A_202 : vector<16xi32>
      %and3A_204 = arith.constant 31 : i32
      %and3A_205 = vector.broadcast %and3A_204 : i32 to vector<16xi32>
      %and3A_206 = arith.andi %add3A_190, %and3A_205 : vector<16xi32>
      %get3A_207 = arith.constant 3 : i32
      %get3A_208 = arith.index_cast %get3A_207 : i32 to index
      %get3A_209 = arith.constant 0 : index
      %get3A_210 = tpu.vector_load %arg17[%get3A_208, %get3A_209] {strides = array<i32>} : memref<16x16xi32, #tpu.memory_space<vmem>>, vector<16xi32>,
      tpu.vector_store_idx %arg20[%shift_right_arithmetic3A_203, %and3A_206], %get3A_210 : memref<17x32xi32, #tpu.memory_space<vmem>>[vector<16xi32>, vector<16xi32>], vector<16xi32>,
      %add3A_211 = arith.constant 137 : i32
      %add3A_212 = vector.broadcast %add3A_211 : i32 to vector<16xi32>
      %add3A_213 = arith.addi %add3A_212, %iota3A : vector<16xi32>
      %add3A_214 = arith.constant 154 : i32
      %add3A_215 = vector.broadcast %add3A_214 : i32 to vector<16xi32>
      %add3A_216 = arith.addi %add3A_215, %iota3A : vector<16xi32>
      %shift_right_arithmetic3A_217 = arith.constant 5 : i32
      %shift_right_arithmetic3A_218 = vector.broadcast %shift_right_arithmetic3A_217 : i32 to vector<16xi32>
      %shift_right_arithmetic3A_219 = arith.shrsi %add3A_213, %shift_right_arithmetic3A_218 : vector<16xi32>
      %and3A_220 = arith.constant 31 : i32
      %and3A_221 = vector.broadcast %and3A_220 : i32 to vector<16xi32>
      %and3A_222 = arith.andi %add3A_213, %and3A_221 : vector<16xi32>
      %get3A_223 = arith.constant 4 : i32
      %get3A_224 = arith.index_cast %get3A_223 : i32 to index
      %get3A_225 = arith.constant 0 : index
      %get3A_226 = tpu.vector_load %arg16[%get3A_224, %get3A_225] {strides = array<i32>} : memref<16x16xi32, #tpu.memory_space<vmem>>, vector<16xi32>,
      tpu.vector_store_idx %arg20[%shift_right_arithmetic3A_219, %and3A_222], %get3A_226 : memref<17x32xi32, #tpu.memory_space<vmem>>[vector<16xi32>, vector<16xi32>], vector<16xi32>,
      %shift_right_arithmetic3A_227 = arith.constant 5 : i32
      %shift_right_arithmetic3A_228 = vector.broadcast %shift_right_arithmetic3A_227 : i32 to vector<16xi32>
      %shift_right_arithmetic3A_229 = arith.shrsi %add3A_216, %shift_right_arithmetic3A_228 : vector<16xi32>
      %and3A_230 = arith.constant 31 : i32
      %and3A_231 = vector.broadcast %and3A_230 : i32 to vector<16xi32>
      %and3A_232 = arith.andi %add3A_216, %and3A_231 : vector<16xi32>
      %get3A_233 = arith.constant 4 : i32
      %get3A_234 = arith.index_cast %get3A_233 : i32 to index
      %get3A_235 = arith.constant 0 : index
      %get3A_236 = tpu.vector_load %arg17[%get3A_234, %get3A_235] {strides = array<i32>} : memref<16x16xi32, #tpu.memory_space<vmem>>, vector<16xi32>,
      tpu.vector_store_idx %arg20[%shift_right_arithmetic3A_229, %and3A_232], %get3A_236 : memref<17x32xi32, #tpu.memory_space<vmem>>[vector<16xi32>, vector<16xi32>], vector<16xi32>,
      %add3A_237 = arith.constant 171 : i32
      %add3A_238 = vector.broadcast %add3A_237 : i32 to vector<16xi32>
      %add3A_239 = arith.addi %add3A_238, %iota3A : vector<16xi32>
      %add3A_240 = arith.constant 188 : i32
      %add3A_241 = vector.broadcast %add3A_240 : i32 to vector<16xi32>
      %add3A_242 = arith.addi %add3A_241, %iota3A : vector<16xi32>
      %shift_right_arithmetic3A_243 = arith.constant 5 : i32
      %shift_right_arithmetic3A_244 = vector.broadcast %shift_right_arithmetic3A_243 : i32 to vector<16xi32>
      %shift_right_arithmetic3A_245 = arith.shrsi %add3A_239, %shift_right_arithmetic3A_244 : vector<16xi32>
      %and3A_246 = arith.constant 31 : i32
      %and3A_247 = vector.broadcast %and3A_246 : i32 to vector<16xi32>
      %and3A_248 = arith.andi %add3A_239, %and3A_247 : vector<16xi32>
      %get3A_249 = arith.constant 5 : i32
      %get3A_250 = arith.index_cast %get3A_249 : i32 to index
      %get3A_251 = arith.constant 0 : index
      %get3A_252 = tpu.vector_load %arg16[%get3A_250, %get3A_251] {strides = array<i32>} : memref<16x16xi32, #tpu.memory_space<vmem>>, vector<16xi32>,
      tpu.vector_store_idx %arg20[%shift_right_arithmetic3A_245, %and3A_248], %get3A_252 : memref<17x32xi32, #tpu.memory_space<vmem>>[vector<16xi32>, vector<16xi32>], vector<16xi32>,
      %shift_right_arithmetic3A_253 = arith.constant 5 : i32
      %shift_right_arithmetic3A_254 = vector.broadcast %shift_right_arithmetic3A_253 : i32 to vector<16xi32>
      %shift_right_arithmetic3A_255 = arith.shrsi %add3A_242, %shift_right_arithmetic3A_254 : vector<16xi32>
      %and3A_256 = arith.constant 31 : i32
      %and3A_257 = vector.broadcast %and3A_256 : i32 to vector<16xi32>
      %and3A_258 = arith.andi %add3A_242, %and3A_257 : vector<16xi32>
      %get3A_259 = arith.constant 5 : i32
      %get3A_260 = arith.index_cast %get3A_259 : i32 to index
      %get3A_261 = arith.constant 0 : index
      %get3A_262 = tpu.vector_load %arg17[%get3A_260, %get3A_261] {strides = array<i32>} : memref<16x16xi32, #tpu.memory_space<vmem>>, vector<16xi32>,
      tpu.vector_store_idx %arg20[%shift_right_arithmetic3A_255, %and3A_258], %get3A_262 : memref<17x32xi32, #tpu.memory_space<vmem>>[vector<16xi32>, vector<16xi32>], vector<16xi32>,
      %add3A_263 = arith.constant 205 : i32
      %add3A_264 = vector.broadcast %add3A_263 : i32 to vector<16xi32>
      %add3A_265 = arith.addi %add3A_264, %iota3A : vector<16xi32>
      %add3A_266 = arith.constant 222 : i32
      %add3A_267 = vector.broadcast %add3A_266 : i32 to vector<16xi32>
      %add3A_268 = arith.addi %add3A_267, %iota3A : vector<16xi32>
      %shift_right_arithmetic3A_269 = arith.constant 5 : i32
      %shift_right_arithmetic3A_270 = vector.broadcast %shift_right_arithmetic3A_269 : i32 to vector<16xi32>
      %shift_right_arithmetic3A_271 = arith.shrsi %add3A_265, %shift_right_arithmetic3A_270 : vector<16xi32>
      %and3A_272 = arith.constant 31 : i32
      %and3A_273 = vector.broadcast %and3A_272 : i32 to vector<16xi32>
      %and3A_274 = arith.andi %add3A_265, %and3A_273 : vector<16xi32>
      %get3A_275 = arith.constant 6 : i32
      %get3A_276 = arith.index_cast %get3A_275 : i32 to index
      %get3A_277 = arith.constant 0 : index
      %get3A_278 = tpu.vector_load %arg16[%get3A_276, %get3A_277] {strides = array<i32>} : memref<16x16xi32, #tpu.memory_space<vmem>>, vector<16xi32>,
      tpu.vector_store_idx %arg20[%shift_right_arithmetic3A_271, %and3A_274], %get3A_278 : memref<17x32xi32, #tpu.memory_space<vmem>>[vector<16xi32>, vector<16xi32>], vector<16xi32>,
      %shift_right_arithmetic3A_279 = arith.constant 5 : i32
      %shift_right_arithmetic3A_280 = vector.broadcast %shift_right_arithmetic3A_279 : i32 to vector<16xi32>
      %shift_right_arithmetic3A_281 = arith.shrsi %add3A_268, %shift_right_arithmetic3A_280 : vector<16xi32>
      %and3A_282 = arith.constant 31 : i32
      %and3A_283 = vector.broadcast %and3A_282 : i32 to vector<16xi32>
      %and3A_284 = arith.andi %add3A_268, %and3A_283 : vector<16xi32>
      %get3A_285 = arith.constant 6 : i32
      %get3A_286 = arith.index_cast %get3A_285 : i32 to index
      %get3A_287 = arith.constant 0 : index
      %get3A_288 = tpu.vector_load %arg17[%get3A_286, %get3A_287] {strides = array<i32>} : memref<16x16xi32, #tpu.memory_space<vmem>>, vector<16xi32>,
      tpu.vector_store_idx %arg20[%shift_right_arithmetic3A_281, %and3A_284], %get3A_288 : memref<17x32xi32, #tpu.memory_space<vmem>>[vector<16xi32>, vector<16xi32>], vector<16xi32>,
      %add3A_289 = arith.constant 239 : i32
      %add3A_290 = vector.broadcast %add3A_289 : i32 to vector<16xi32>
      %add3A_291 = arith.addi %add3A_290, %iota3A : vector<16xi32>
      %add3A_292 = arith.constant 256 : i32
      %add3A_293 = vector.broadcast %add3A_292 : i32 to vector<16xi32>
      %add3A_294 = arith.addi %add3A_293, %iota3A : vector<16xi32>
      %shift_right_arithmetic3A_295 = arith.constant 5 : i32
      %shift_right_arithmetic3A_296 = vector.broadcast %shift_right_arithmetic3A_295 : i32 to vector<16xi32>
      %shift_right_arithmetic3A_297 = arith.shrsi %add3A_291, %shift_right_arithmetic3A_296 : vector<16xi32>
      %and3A_298 = arith.constant 31 : i32
      %and3A_299 = vector.broadcast %and3A_298 : i32 to vector<16xi32>
      %and3A_300 = arith.andi %add3A_291, %and3A_299 : vector<16xi32>
      %get3A_301 = arith.constant 7 : i32
      %get3A_302 = arith.index_cast %get3A_301 : i32 to index
      %get3A_303 = arith.constant 0 : index
      %get3A_304 = tpu.vector_load %arg16[%get3A_302, %get3A_303] {strides = array<i32>} : memref<16x16xi32, #tpu.memory_space<vmem>>, vector<16xi32>,
      tpu.vector_store_idx %arg20[%shift_right_arithmetic3A_297, %and3A_300], %get3A_304 : memref<17x32xi32, #tpu.memory_space<vmem>>[vector<16xi32>, vector<16xi32>], vector<16xi32>,
      %shift_right_arithmetic3A_305 = arith.constant 5 : i32
      %shift_right_arithmetic3A_306 = vector.broadcast %shift_right_arithmetic3A_305 : i32 to vector<16xi32>
      %shift_right_arithmetic3A_307 = arith.shrsi %add3A_294, %shift_right_arithmetic3A_306 : vector<16xi32>
      %and3A_308 = arith.constant 31 : i32
      %and3A_309 = vector.broadcast %and3A_308 : i32 to vector<16xi32>
      %and3A_310 = arith.andi %add3A_294, %and3A_309 : vector<16xi32>
      %get3A_311 = arith.constant 7 : i32
      %get3A_312 = arith.index_cast %get3A_311 : i32 to index
      %get3A_313 = arith.constant 0 : index
      %get3A_314 = tpu.vector_load %arg17[%get3A_312, %get3A_313] {strides = array<i32>} : memref<16x16xi32, #tpu.memory_space<vmem>>, vector<16xi32>,
      tpu.vector_store_idx %arg20[%shift_right_arithmetic3A_307, %and3A_310], %get3A_314 : memref<17x32xi32, #tpu.memory_space<vmem>>[vector<16xi32>, vector<16xi32>], vector<16xi32>,
      %add3A_315 = arith.constant 273 : i32
      %add3A_316 = vector.broadcast %add3A_315 : i32 to vector<16xi32>
      %add3A_317 = arith.addi %add3A_316, %iota3A : vector<16xi32>
      %add3A_318 = arith.constant 290 : i32
      %add3A_319 = vector.broadcast %add3A_318 : i32 to vector<16xi32>
      %add3A_320 = arith.addi %add3A_319, %iota3A : vector<16xi32>
      %shift_right_arithmetic3A_321 = arith.constant 5 : i32
      %shift_right_arithmetic3A_322 = vector.broadcast %shift_right_arithmetic3A_321 : i32 to vector<16xi32>
      %shift_right_arithmetic3A_323 = arith.shrsi %add3A_317, %shift_right_arithmetic3A_322 : vector<16xi32>
      %and3A_324 = arith.constant 31 : i32
      %and3A_325 = vector.broadcast %and3A_324 : i32 to vector<16xi32>
      %and3A_326 = arith.andi %add3A_317, %and3A_325 : vector<16xi32>
      %get3A_327 = arith.constant 8 : i32
      %get3A_328 = arith.index_cast %get3A_327 : i32 to index
      %get3A_329 = arith.constant 0 : index
      %get3A_330 = tpu.vector_load %arg16[%get3A_328, %get3A_329] {strides = array<i32>} : memref<16x16xi32, #tpu.memory_space<vmem>>, vector<16xi32>,
      tpu.vector_store_idx %arg20[%shift_right_arithmetic3A_323, %and3A_326], %get3A_330 : memref<17x32xi32, #tpu.memory_space<vmem>>[vector<16xi32>, vector<16xi32>], vector<16xi32>,
      %shift_right_arithmetic3A_331 = arith.constant 5 : i32
      %shift_right_arithmetic3A_332 = vector.broadcast %shift_right_arithmetic3A_331 : i32 to vector<16xi32>
      %shift_right_arithmetic3A_333 = arith.shrsi %add3A_320, %shift_right_arithmetic3A_332 : vector<16xi32>
      %and3A_334 = arith.constant 31 : i32
      %and3A_335 = vector.broadcast %and3A_334 : i32 to vector<16xi32>
      %and3A_336 = arith.andi %add3A_320, %and3A_335 : vector<16xi32>
      %get3A_337 = arith.constant 8 : i32
      %get3A_338 = arith.index_cast %get3A_337 : i32 to index
      %get3A_339 = arith.constant 0 : index
      %get3A_340 = tpu.vector_load %arg17[%get3A_338, %get3A_339] {strides = array<i32>} : memref<16x16xi32, #tpu.memory_space<vmem>>, vector<16xi32>,
      tpu.vector_store_idx %arg20[%shift_right_arithmetic3A_333, %and3A_336], %get3A_340 : memref<17x32xi32, #tpu.memory_space<vmem>>[vector<16xi32>, vector<16xi32>], vector<16xi32>,
      %add3A_341 = arith.constant 307 : i32
      %add3A_342 = vector.broadcast %add3A_341 : i32 to vector<16xi32>
      %add3A_343 = arith.addi %add3A_342, %iota3A : vector<16xi32>
      %add3A_344 = arith.constant 324 : i32
      %add3A_345 = vector.broadcast %add3A_344 : i32 to vector<16xi32>
      %add3A_346 = arith.addi %add3A_345, %iota3A : vector<16xi32>
      %shift_right_arithmetic3A_347 = arith.constant 5 : i32
      %shift_right_arithmetic3A_348 = vector.broadcast %shift_right_arithmetic3A_347 : i32 to vector<16xi32>
      %shift_right_arithmetic3A_349 = arith.shrsi %add3A_343, %shift_right_arithmetic3A_348 : vector<16xi32>
      %and3A_350 = arith.constant 31 : i32
      %and3A_351 = vector.broadcast %and3A_350 : i32 to vector<16xi32>
      %and3A_352 = arith.andi %add3A_343, %and3A_351 : vector<16xi32>
      %get3A_353 = arith.constant 9 : i32
      %get3A_354 = arith.index_cast %get3A_353 : i32 to index
      %get3A_355 = arith.constant 0 : index
      %get3A_356 = tpu.vector_load %arg16[%get3A_354, %get3A_355] {strides = array<i32>} : memref<16x16xi32, #tpu.memory_space<vmem>>, vector<16xi32>,
      tpu.vector_store_idx %arg20[%shift_right_arithmetic3A_349, %and3A_352], %get3A_356 : memref<17x32xi32, #tpu.memory_space<vmem>>[vector<16xi32>, vector<16xi32>], vector<16xi32>,
      %shift_right_arithmetic3A_357 = arith.constant 5 : i32
      %shift_right_arithmetic3A_358 = vector.broadcast %shift_right_arithmetic3A_357 : i32 to vector<16xi32>
      %shift_right_arithmetic3A_359 = arith.shrsi %add3A_346, %shift_right_arithmetic3A_358 : vector<16xi32>
      %and3A_360 = arith.constant 31 : i32
      %and3A_361 = vector.broadcast %and3A_360 : i32 to vector<16xi32>
      %and3A_362 = arith.andi %add3A_346, %and3A_361 : vector<16xi32>
      %get3A_363 = arith.constant 9 : i32
      %get3A_364 = arith.index_cast %get3A_363 : i32 to index
      %get3A_365 = arith.constant 0 : index
      %get3A_366 = tpu.vector_load %arg17[%get3A_364, %get3A_365] {strides = array<i32>} : memref<16x16xi32, #tpu.memory_space<vmem>>, vector<16xi32>,
      tpu.vector_store_idx %arg20[%shift_right_arithmetic3A_359, %and3A_362], %get3A_366 : memref<17x32xi32, #tpu.memory_space<vmem>>[vector<16xi32>, vector<16xi32>], vector<16xi32>,
      %add3A_367 = arith.constant 341 : i32
      %add3A_368 = vector.broadcast %add3A_367 : i32 to vector<16xi32>
      %add3A_369 = arith.addi %add3A_368, %iota3A : vector<16xi32>
      %add3A_370 = arith.constant 358 : i32
      %add3A_371 = vector.broadcast %add3A_370 : i32 to vector<16xi32>
      %add3A_372 = arith.addi %add3A_371, %iota3A : vector<16xi32>
      %shift_right_arithmetic3A_373 = arith.constant 5 : i32
      %shift_right_arithmetic3A_374 = vector.broadcast %shift_right_arithmetic3A_373 : i32 to vector<16xi32>
      %shift_right_arithmetic3A_375 = arith.shrsi %add3A_369, %shift_right_arithmetic3A_374 : vector<16xi32>
      %and3A_376 = arith.constant 31 : i32
      %and3A_377 = vector.broadcast %and3A_376 : i32 to vector<16xi32>
      %and3A_378 = arith.andi %add3A_369, %and3A_377 : vector<16xi32>
      %get3A_379 = arith.constant 10 : i32
      %get3A_380 = arith.index_cast %get3A_379 : i32 to index
      %get3A_381 = arith.constant 0 : index
      %get3A_382 = tpu.vector_load %arg16[%get3A_380, %get3A_381] {strides = array<i32>} : memref<16x16xi32, #tpu.memory_space<vmem>>, vector<16xi32>,
      tpu.vector_store_idx %arg20[%shift_right_arithmetic3A_375, %and3A_378], %get3A_382 : memref<17x32xi32, #tpu.memory_space<vmem>>[vector<16xi32>, vector<16xi32>], vector<16xi32>,
      %shift_right_arithmetic3A_383 = arith.constant 5 : i32
      %shift_right_arithmetic3A_384 = vector.broadcast %shift_right_arithmetic3A_383 : i32 to vector<16xi32>
      %shift_right_arithmetic3A_385 = arith.shrsi %add3A_372, %shift_right_arithmetic3A_384 : vector<16xi32>
      %and3A_386 = arith.constant 31 : i32
      %and3A_387 = vector.broadcast %and3A_386 : i32 to vector<16xi32>
      %and3A_388 = arith.andi %add3A_372, %and3A_387 : vector<16xi32>
      %get3A_389 = arith.constant 10 : i32
      %get3A_390 = arith.index_cast %get3A_389 : i32 to index
      %get3A_391 = arith.constant 0 : index
      %get3A_392 = tpu.vector_load %arg17[%get3A_390, %get3A_391] {strides = array<i32>} : memref<16x16xi32, #tpu.memory_space<vmem>>, vector<16xi32>,
      tpu.vector_store_idx %arg20[%shift_right_arithmetic3A_385, %and3A_388], %get3A_392 : memref<17x32xi32, #tpu.memory_space<vmem>>[vector<16xi32>, vector<16xi32>], vector<16xi32>,
      %add3A_393 = arith.constant 375 : i32
      %add3A_394 = vector.broadcast %add3A_393 : i32 to vector<16xi32>
      %add3A_395 = arith.addi %add3A_394, %iota3A : vector<16xi32>
      %add3A_396 = arith.constant 392 : i32
      %add3A_397 = vector.broadcast %add3A_396 : i32 to vector<16xi32>
      %add3A_398 = arith.addi %add3A_397, %iota3A : vector<16xi32>
      %shift_right_arithmetic3A_399 = arith.constant 5 : i32
      %shift_right_arithmetic3A_400 = vector.broadcast %shift_right_arithmetic3A_399 : i32 to vector<16xi32>
      %shift_right_arithmetic3A_401 = arith.shrsi %add3A_395, %shift_right_arithmetic3A_400 : vector<16xi32>
      %and3A_402 = arith.constant 31 : i32
      %and3A_403 = vector.broadcast %and3A_402 : i32 to vector<16xi32>
      %and3A_404 = arith.andi %add3A_395, %and3A_403 : vector<16xi32>
      %get3A_405 = arith.constant 11 : i32
      %get3A_406 = arith.index_cast %get3A_405 : i32 to index
      %get3A_407 = arith.constant 0 : index
      %get3A_408 = tpu.vector_load %arg16[%get3A_406, %get3A_407] {strides = array<i32>} : memref<16x16xi32, #tpu.memory_space<vmem>>, vector<16xi32>,
      tpu.vector_store_idx %arg20[%shift_right_arithmetic3A_401, %and3A_404], %get3A_408 : memref<17x32xi32, #tpu.memory_space<vmem>>[vector<16xi32>, vector<16xi32>], vector<16xi32>,
      %shift_right_arithmetic3A_409 = arith.constant 5 : i32
      %shift_right_arithmetic3A_410 = vector.broadcast %shift_right_arithmetic3A_409 : i32 to vector<16xi32>
      %shift_right_arithmetic3A_411 = arith.shrsi %add3A_398, %shift_right_arithmetic3A_410 : vector<16xi32>
      %and3A_412 = arith.constant 31 : i32
      %and3A_413 = vector.broadcast %and3A_412 : i32 to vector<16xi32>
      %and3A_414 = arith.andi %add3A_398, %and3A_413 : vector<16xi32>
      %get3A_415 = arith.constant 11 : i32
      %get3A_416 = arith.index_cast %get3A_415 : i32 to index
      %get3A_417 = arith.constant 0 : index
      %get3A_418 = tpu.vector_load %arg17[%get3A_416, %get3A_417] {strides = array<i32>} : memref<16x16xi32, #tpu.memory_space<vmem>>, vector<16xi32>,
      tpu.vector_store_idx %arg20[%shift_right_arithmetic3A_411, %and3A_414], %get3A_418 : memref<17x32xi32, #tpu.memory_space<vmem>>[vector<16xi32>, vector<16xi32>], vector<16xi32>,
      %add3A_419 = arith.constant 409 : i32
      %add3A_420 = vector.broadcast %add3A_419 : i32 to vector<16xi32>
      %add3A_421 = arith.addi %add3A_420, %iota3A : vector<16xi32>
      %add3A_422 = arith.constant 426 : i32
      %add3A_423 = vector.broadcast %add3A_422 : i32 to vector<16xi32>
      %add3A_424 = arith.addi %add3A_423, %iota3A : vector<16xi32>
      %shift_right_arithmetic3A_425 = arith.constant 5 : i32
      %shift_right_arithmetic3A_426 = vector.broadcast %shift_right_arithmetic3A_425 : i32 to vector<16xi32>
      %shift_right_arithmetic3A_427 = arith.shrsi %add3A_421, %shift_right_arithmetic3A_426 : vector<16xi32>
      %and3A_428 = arith.constant 31 : i32
      %and3A_429 = vector.broadcast %and3A_428 : i32 to vector<16xi32>
      %and3A_430 = arith.andi %add3A_421, %and3A_429 : vector<16xi32>
      %get3A_431 = arith.constant 12 : i32
      %get3A_432 = arith.index_cast %get3A_431 : i32 to index
      %get3A_433 = arith.constant 0 : index
      %get3A_434 = tpu.vector_load %arg16[%get3A_432, %get3A_433] {strides = array<i32>} : memref<16x16xi32, #tpu.memory_space<vmem>>, vector<16xi32>,
      tpu.vector_store_idx %arg20[%shift_right_arithmetic3A_427, %and3A_430], %get3A_434 : memref<17x32xi32, #tpu.memory_space<vmem>>[vector<16xi32>, vector<16xi32>], vector<16xi32>,
      %shift_right_arithmetic3A_435 = arith.constant 5 : i32
      %shift_right_arithmetic3A_436 = vector.broadcast %shift_right_arithmetic3A_435 : i32 to vector<16xi32>
      %shift_right_arithmetic3A_437 = arith.shrsi %add3A_424, %shift_right_arithmetic3A_436 : vector<16xi32>
      %and3A_438 = arith.constant 31 : i32
      %and3A_439 = vector.broadcast %and3A_438 : i32 to vector<16xi32>
      %and3A_440 = arith.andi %add3A_424, %and3A_439 : vector<16xi32>
      %get3A_441 = arith.constant 12 : i32
      %get3A_442 = arith.index_cast %get3A_441 : i32 to index
      %get3A_443 = arith.constant 0 : index
      %get3A_444 = tpu.vector_load %arg17[%get3A_442, %get3A_443] {strides = array<i32>} : memref<16x16xi32, #tpu.memory_space<vmem>>, vector<16xi32>,
      tpu.vector_store_idx %arg20[%shift_right_arithmetic3A_437, %and3A_440], %get3A_444 : memref<17x32xi32, #tpu.memory_space<vmem>>[vector<16xi32>, vector<16xi32>], vector<16xi32>,
      %add3A_445 = arith.constant 443 : i32
      %add3A_446 = vector.broadcast %add3A_445 : i32 to vector<16xi32>
      %add3A_447 = arith.addi %add3A_446, %iota3A : vector<16xi32>
      %add3A_448 = arith.constant 460 : i32
      %add3A_449 = vector.broadcast %add3A_448 : i32 to vector<16xi32>
      %add3A_450 = arith.addi %add3A_449, %iota3A : vector<16xi32>
      %shift_right_arithmetic3A_451 = arith.constant 5 : i32
      %shift_right_arithmetic3A_452 = vector.broadcast %shift_right_arithmetic3A_451 : i32 to vector<16xi32>
      %shift_right_arithmetic3A_453 = arith.shrsi %add3A_447, %shift_right_arithmetic3A_452 : vector<16xi32>
      %and3A_454 = arith.constant 31 : i32
      %and3A_455 = vector.broadcast %and3A_454 : i32 to vector<16xi32>
      %and3A_456 = arith.andi %add3A_447, %and3A_455 : vector<16xi32>
      %get3A_457 = arith.constant 13 : i32
      %get3A_458 = arith.index_cast %get3A_457 : i32 to index
      %get3A_459 = arith.constant 0 : index
      %get3A_460 = tpu.vector_load %arg16[%get3A_458, %get3A_459] {strides = array<i32>} : memref<16x16xi32, #tpu.memory_space<vmem>>, vector<16xi32>,
      tpu.vector_store_idx %arg20[%shift_right_arithmetic3A_453, %and3A_456], %get3A_460 : memref<17x32xi32, #tpu.memory_space<vmem>>[vector<16xi32>, vector<16xi32>], vector<16xi32>,
      %shift_right_arithmetic3A_461 = arith.constant 5 : i32
      %shift_right_arithmetic3A_462 = vector.broadcast %shift_right_arithmetic3A_461 : i32 to vector<16xi32>
      %shift_right_arithmetic3A_463 = arith.shrsi %add3A_450, %shift_right_arithmetic3A_462 : vector<16xi32>
      %and3A_464 = arith.constant 31 : i32
      %and3A_465 = vector.broadcast %and3A_464 : i32 to vector<16xi32>
      %and3A_466 = arith.andi %add3A_450, %and3A_465 : vector<16xi32>
      %get3A_467 = arith.constant 13 : i32
      %get3A_468 = arith.index_cast %get3A_467 : i32 to index
      %get3A_469 = arith.constant 0 : index
      %get3A_470 = tpu.vector_load %arg17[%get3A_468, %get3A_469] {strides = array<i32>} : memref<16x16xi32, #tpu.memory_space<vmem>>, vector<16xi32>,
      tpu.vector_store_idx %arg20[%shift_right_arithmetic3A_463, %and3A_466], %get3A_470 : memref<17x32xi32, #tpu.memory_space<vmem>>[vector<16xi32>, vector<16xi32>], vector<16xi32>,
      %add3A_471 = arith.constant 477 : i32
      %add3A_472 = vector.broadcast %add3A_471 : i32 to vector<16xi32>
      %add3A_473 = arith.addi %add3A_472, %iota3A : vector<16xi32>
      %add3A_474 = arith.constant 494 : i32
      %add3A_475 = vector.broadcast %add3A_474 : i32 to vector<16xi32>
      %add3A_476 = arith.addi %add3A_475, %iota3A : vector<16xi32>
      %shift_right_arithmetic3A_477 = arith.constant 5 : i32
      %shift_right_arithmetic3A_478 = vector.broadcast %shift_right_arithmetic3A_477 : i32 to vector<16xi32>
      %shift_right_arithmetic3A_479 = arith.shrsi %add3A_473, %shift_right_arithmetic3A_478 : vector<16xi32>
      %and3A_480 = arith.constant 31 : i32
      %and3A_481 = vector.broadcast %and3A_480 : i32 to vector<16xi32>
      %and3A_482 = arith.andi %add3A_473, %and3A_481 : vector<16xi32>
      %get3A_483 = arith.constant 14 : i32
      %get3A_484 = arith.index_cast %get3A_483 : i32 to index
      %get3A_485 = arith.constant 0 : index
      %get3A_486 = tpu.vector_load %arg16[%get3A_484, %get3A_485] {strides = array<i32>} : memref<16x16xi32, #tpu.memory_space<vmem>>, vector<16xi32>,
      tpu.vector_store_idx %arg20[%shift_right_arithmetic3A_479, %and3A_482], %get3A_486 : memref<17x32xi32, #tpu.memory_space<vmem>>[vector<16xi32>, vector<16xi32>], vector<16xi32>,
      %shift_right_arithmetic3A_487 = arith.constant 5 : i32
      %shift_right_arithmetic3A_488 = vector.broadcast %shift_right_arithmetic3A_487 : i32 to vector<16xi32>
      %shift_right_arithmetic3A_489 = arith.shrsi %add3A_476, %shift_right_arithmetic3A_488 : vector<16xi32>
      %and3A_490 = arith.constant 31 : i32
      %and3A_491 = vector.broadcast %and3A_490 : i32 to vector<16xi32>
      %and3A_492 = arith.andi %add3A_476, %and3A_491 : vector<16xi32>
      %get3A_493 = arith.constant 14 : i32
      %get3A_494 = arith.index_cast %get3A_493 : i32 to index
      %get3A_495 = arith.constant 0 : index
      %get3A_496 = tpu.vector_load %arg17[%get3A_494, %get3A_495] {strides = array<i32>} : memref<16x16xi32, #tpu.memory_space<vmem>>, vector<16xi32>,
      tpu.vector_store_idx %arg20[%shift_right_arithmetic3A_489, %and3A_492], %get3A_496 : memref<17x32xi32, #tpu.memory_space<vmem>>[vector<16xi32>, vector<16xi32>], vector<16xi32>,
      %add3A_497 = arith.constant 511 : i32
      %add3A_498 = vector.broadcast %add3A_497 : i32 to vector<16xi32>
      %add3A_499 = arith.addi %add3A_498, %iota3A : vector<16xi32>
      %add3A_500 = arith.constant 528 : i32
      %add3A_501 = vector.broadcast %add3A_500 : i32 to vector<16xi32>
      %add3A_502 = arith.addi %add3A_501, %iota3A : vector<16xi32>
      %shift_right_arithmetic3A_503 = arith.constant 5 : i32
      %shift_right_arithmetic3A_504 = vector.broadcast %shift_right_arithmetic3A_503 : i32 to vector<16xi32>
      %shift_right_arithmetic3A_505 = arith.shrsi %add3A_499, %shift_right_arithmetic3A_504 : vector<16xi32>
      %and3A_506 = arith.constant 31 : i32
      %and3A_507 = vector.broadcast %and3A_506 : i32 to vector<16xi32>
      %and3A_508 = arith.andi %add3A_499, %and3A_507 : vector<16xi32>
      %get3A_509 = arith.constant 15 : i32
      %get3A_510 = arith.index_cast %get3A_509 : i32 to index
      %get3A_511 = arith.constant 0 : index
      %get3A_512 = tpu.vector_load %arg16[%get3A_510, %get3A_511] {strides = array<i32>} : memref<16x16xi32, #tpu.memory_space<vmem>>, vector<16xi32>,
      tpu.vector_store_idx %arg20[%shift_right_arithmetic3A_505, %and3A_508], %get3A_512 : memref<17x32xi32, #tpu.memory_space<vmem>>[vector<16xi32>, vector<16xi32>], vector<16xi32>,
      %shift_right_arithmetic3A_513 = arith.constant 5 : i32
      %shift_right_arithmetic3A_514 = vector.broadcast %shift_right_arithmetic3A_513 : i32 to vector<16xi32>
      %shift_right_arithmetic3A_515 = arith.shrsi %add3A_502, %shift_right_arithmetic3A_514 : vector<16xi32>
      %and3A_516 = arith.constant 31 : i32
      %and3A_517 = vector.broadcast %and3A_516 : i32 to vector<16xi32>
      %and3A_518 = arith.andi %add3A_502, %and3A_517 : vector<16xi32>
      %get3A_519 = arith.constant 15 : i32
      %get3A_520 = arith.index_cast %get3A_519 : i32 to index
      %get3A_521 = arith.constant 0 : index
      %get3A_522 = tpu.vector_load %arg17[%get3A_520, %get3A_521] {strides = array<i32>} : memref<16x16xi32, #tpu.memory_space<vmem>>, vector<16xi32>,
      tpu.vector_store_idx %arg20[%shift_right_arithmetic3A_515, %and3A_518], %get3A_522 : memref<17x32xi32, #tpu.memory_space<vmem>>[vector<16xi32>, vector<16xi32>], vector<16xi32>,
      %dma_start3A_523 = arith.constant 0 : i32
      %dma_start3A_524 = arith.constant 0 : i32
      %dma_start3A_525 = arith.constant 0 : i32
      %dma_start3A_526 = tpu.memref_slice %arg23[%dma_start3A_524, %dma_start3A_525] : memref<544x128xf32, #tpu.memory_space<vmem>> -> memref<32x128xf32, #tpu.memory_space<vmem>>
      %dma_start3A_527 = arith.constant 0 : i32
      %dma_start3A_528 = tpu.memref_slice %arg20[%dma_start3A_523, %dma_start3A_527] : memref<17x32xi32, #tpu.memory_space<vmem>> -> memref<1x32xi32, #tpu.memory_space<vmem>>
      %dma_start3A_529 = tpu.memref_squeeze %dma_start3A_528 : memref<1x32xi32, #tpu.memory_space<vmem>> -> memref<32xi32, #tpu.memory_space<vmem>>
      %dma_start3A_530 = arith.constant 0 : i32
      %dma_start3A_531 = arith.constant 0 : i32
      %dma_start3A_532 = tpu.memref_slice %arg3[%dma_start3A_530, %dma_start3A_531] : memref<100000x128xf32, #tpu.memory_space<hbm>> -> memref<100000x128xf32, #tpu.memory_space<hbm>>
      tpu.enqueue_indirect_dma source(%dma_start3A_532 : memref<100000x128xf32, #tpu.memory_space<hbm>>) target(%dma_start3A_526 : memref<32x128xf32, #tpu.memory_space<vmem>>) offsets(%dma_start3A_529 : memref<32xi32, #tpu.memory_space<vmem>>) semaphore(%arg24 : memref<!tpu.dma_semaphore, #tpu.memory_space<semaphore_mem>>)
      %dma_start3A_533 = arith.constant 1 : i32
      %dma_start3A_534 = arith.constant 32 : i32
      %dma_start3A_535 = arith.constant 0 : i32
      %dma_start3A_536 = tpu.memref_slice %arg23[%dma_start3A_534, %dma_start3A_535] : memref<544x128xf32, #tpu.memory_space<vmem>> -> memref<32x128xf32, #tpu.memory_space<vmem>>
      %dma_start3A_537 = arith.constant 0 : i32
      %dma_start3A_538 = tpu.memref_slice %arg20[%dma_start3A_533, %dma_start3A_537] : memref<17x32xi32, #tpu.memory_space<vmem>> -> memref<1x32xi32, #tpu.memory_space<vmem>>
      %dma_start3A_539 = tpu.memref_squeeze %dma_start3A_538 : memref<1x32xi32, #tpu.memory_space<vmem>> -> memref<32xi32, #tpu.memory_space<vmem>>
      %dma_start3A_540 = arith.constant 0 : i32
      %dma_start3A_541 = arith.constant 0 : i32
      %dma_start3A_542 = tpu.memref_slice %arg3[%dma_start3A_540, %dma_start3A_541] : memref<100000x128xf32, #tpu.memory_space<hbm>> -> memref<100000x128xf32, #tpu.memory_space<hbm>>
      tpu.enqueue_indirect_dma source(%dma_start3A_542 : memref<100000x128xf32, #tpu.memory_space<hbm>>) target(%dma_start3A_536 : memref<32x128xf32, #tpu.memory_space<vmem>>) offsets(%dma_start3A_539 : memref<32xi32, #tpu.memory_space<vmem>>) semaphore(%arg24 : memref<!tpu.dma_semaphore, #tpu.memory_space<semaphore_mem>>)
      %dma_start3A_543 = arith.constant 2 : i32
      %dma_start3A_544 = arith.constant 64 : i32
      %dma_start3A_545 = arith.constant 0 : i32
      %dma_start3A_546 = tpu.memref_slice %arg23[%dma_start3A_544, %dma_start3A_545] : memref<544x128xf32, #tpu.memory_space<vmem>> -> memref<32x128xf32, #tpu.memory_space<vmem>>
      %dma_start3A_547 = arith.constant 0 : i32
      %dma_start3A_548 = tpu.memref_slice %arg20[%dma_start3A_543, %dma_start3A_547] : memref<17x32xi32, #tpu.memory_space<vmem>> -> memref<1x32xi32, #tpu.memory_space<vmem>>
      %dma_start3A_549 = tpu.memref_squeeze %dma_start3A_548 : memref<1x32xi32, #tpu.memory_space<vmem>> -> memref<32xi32, #tpu.memory_space<vmem>>
      %dma_start3A_550 = arith.constant 0 : i32
      %dma_start3A_551 = arith.constant 0 : i32
      %dma_start3A_552 = tpu.memref_slice %arg3[%dma_start3A_550, %dma_start3A_551] : memref<100000x128xf32, #tpu.memory_space<hbm>> -> memref<100000x128xf32, #tpu.memory_space<hbm>>
      tpu.enqueue_indirect_dma source(%dma_start3A_552 : memref<100000x128xf32, #tpu.memory_space<hbm>>) target(%dma_start3A_546 : memref<32x128xf32, #tpu.memory_space<vmem>>) offsets(%dma_start3A_549 : memref<32xi32, #tpu.memory_space<vmem>>) semaphore(%arg24 : memref<!tpu.dma_semaphore, #tpu.memory_space<semaphore_mem>>)
      %dma_start3A_553 = arith.constant 3 : i32
      %dma_start3A_554 = arith.constant 96 : i32
      %dma_start3A_555 = arith.constant 0 : i32
      %dma_start3A_556 = tpu.memref_slice %arg23[%dma_start3A_554, %dma_start3A_555] : memref<544x128xf32, #tpu.memory_space<vmem>> -> memref<32x128xf32, #tpu.memory_space<vmem>>
      %dma_start3A_557 = arith.constant 0 : i32
      %dma_start3A_558 = tpu.memref_slice %arg20[%dma_start3A_553, %dma_start3A_557] : memref<17x32xi32, #tpu.memory_space<vmem>> -> memref<1x32xi32, #tpu.memory_space<vmem>>
      %dma_start3A_559 = tpu.memref_squeeze %dma_start3A_558 : memref<1x32xi32, #tpu.memory_space<vmem>> -> memref<32xi32, #tpu.memory_space<vmem>>
      %dma_start3A_560 = arith.constant 0 : i32
      %dma_start3A_561 = arith.constant 0 : i32
      %dma_start3A_562 = tpu.memref_slice %arg3[%dma_start3A_560, %dma_start3A_561] : memref<100000x128xf32, #tpu.memory_space<hbm>> -> memref<100000x128xf32, #tpu.memory_space<hbm>>
      tpu.enqueue_indirect_dma source(%dma_start3A_562 : memref<100000x128xf32, #tpu.memory_space<hbm>>) target(%dma_start3A_556 : memref<32x128xf32, #tpu.memory_space<vmem>>) offsets(%dma_start3A_559 : memref<32xi32, #tpu.memory_space<vmem>>) semaphore(%arg24 : memref<!tpu.dma_semaphore, #tpu.memory_space<semaphore_mem>>)
      %dma_start3A_563 = arith.constant 4 : i32
      %dma_start3A_564 = arith.constant 128 : i32
      %dma_start3A_565 = arith.constant 0 : i32
      %dma_start3A_566 = tpu.memref_slice %arg23[%dma_start3A_564, %dma_start3A_565] : memref<544x128xf32, #tpu.memory_space<vmem>> -> memref<32x128xf32, #tpu.memory_space<vmem>>
      %dma_start3A_567 = arith.constant 0 : i32
      %dma_start3A_568 = tpu.memref_slice %arg20[%dma_start3A_563, %dma_start3A_567] : memref<17x32xi32, #tpu.memory_space<vmem>> -> memref<1x32xi32, #tpu.memory_space<vmem>>
      %dma_start3A_569 = tpu.memref_squeeze %dma_start3A_568 : memref<1x32xi32, #tpu.memory_space<vmem>> -> memref<32xi32, #tpu.memory_space<vmem>>
      %dma_start3A_570 = arith.constant 0 : i32
      %dma_start3A_571 = arith.constant 0 : i32
      %dma_start3A_572 = tpu.memref_slice %arg3[%dma_start3A_570, %dma_start3A_571] : memref<100000x128xf32, #tpu.memory_space<hbm>> -> memref<100000x128xf32, #tpu.memory_space<hbm>>
      tpu.enqueue_indirect_dma source(%dma_start3A_572 : memref<100000x128xf32, #tpu.memory_space<hbm>>) target(%dma_start3A_566 : memref<32x128xf32, #tpu.memory_space<vmem>>) offsets(%dma_start3A_569 : memref<32xi32, #tpu.memory_space<vmem>>) semaphore(%arg24 : memref<!tpu.dma_semaphore, #tpu.memory_space<semaphore_mem>>)
      %dma_start3A_573 = arith.constant 5 : i32
      %dma_start3A_574 = arith.constant 160 : i32
      %dma_start3A_575 = arith.constant 0 : i32
      %dma_start3A_576 = tpu.memref_slice %arg23[%dma_start3A_574, %dma_start3A_575] : memref<544x128xf32, #tpu.memory_space<vmem>> -> memref<32x128xf32, #tpu.memory_space<vmem>>
      %dma_start3A_577 = arith.constant 0 : i32
      %dma_start3A_578 = tpu.memref_slice %arg20[%dma_start3A_573, %dma_start3A_577] : memref<17x32xi32, #tpu.memory_space<vmem>> -> memref<1x32xi32, #tpu.memory_space<vmem>>
      %dma_start3A_579 = tpu.memref_squeeze %dma_start3A_578 : memref<1x32xi32, #tpu.memory_space<vmem>> -> memref<32xi32, #tpu.memory_space<vmem>>
      %dma_start3A_580 = arith.constant 0 : i32
      %dma_start3A_581 = arith.constant 0 : i32
      %dma_start3A_582 = tpu.memref_slice %arg3[%dma_start3A_580, %dma_start3A_581] : memref<100000x128xf32, #tpu.memory_space<hbm>> -> memref<100000x128xf32, #tpu.memory_space<hbm>>
      tpu.enqueue_indirect_dma source(%dma_start3A_582 : memref<100000x128xf32, #tpu.memory_space<hbm>>) target(%dma_start3A_576 : memref<32x128xf32, #tpu.memory_space<vmem>>) offsets(%dma_start3A_579 : memref<32xi32, #tpu.memory_space<vmem>>) semaphore(%arg24 : memref<!tpu.dma_semaphore, #tpu.memory_space<semaphore_mem>>)
      %dma_start3A_583 = arith.constant 6 : i32
      %dma_start3A_584 = arith.constant 192 : i32
      %dma_start3A_585 = arith.constant 0 : i32
      %dma_start3A_586 = tpu.memref_slice %arg23[%dma_start3A_584, %dma_start3A_585] : memref<544x128xf32, #tpu.memory_space<vmem>> -> memref<32x128xf32, #tpu.memory_space<vmem>>
      %dma_start3A_587 = arith.constant 0 : i32
      %dma_start3A_588 = tpu.memref_slice %arg20[%dma_start3A_583, %dma_start3A_587] : memref<17x32xi32, #tpu.memory_space<vmem>> -> memref<1x32xi32, #tpu.memory_space<vmem>>
      %dma_start3A_589 = tpu.memref_squeeze %dma_start3A_588 : memref<1x32xi32, #tpu.memory_space<vmem>> -> memref<32xi32, #tpu.memory_space<vmem>>
      %dma_start3A_590 = arith.constant 0 : i32
      %dma_start3A_591 = arith.constant 0 : i32
      %dma_start3A_592 = tpu.memref_slice %arg3[%dma_start3A_590, %dma_start3A_591] : memref<100000x128xf32, #tpu.memory_space<hbm>> -> memref<100000x128xf32, #tpu.memory_space<hbm>>
      tpu.enqueue_indirect_dma source(%dma_start3A_592 : memref<100000x128xf32, #tpu.memory_space<hbm>>) target(%dma_start3A_586 : memref<32x128xf32, #tpu.memory_space<vmem>>) offsets(%dma_start3A_589 : memref<32xi32, #tpu.memory_space<vmem>>) semaphore(%arg24 : memref<!tpu.dma_semaphore, #tpu.memory_space<semaphore_mem>>)
      %dma_start3A_593 = arith.constant 7 : i32
      %dma_start3A_594 = arith.constant 224 : i32
      %dma_start3A_595 = arith.constant 0 : i32
      %dma_start3A_596 = tpu.memref_slice %arg23[%dma_start3A_594, %dma_start3A_595] : memref<544x128xf32, #tpu.memory_space<vmem>> -> memref<32x128xf32, #tpu.memory_space<vmem>>
      %dma_start3A_597 = arith.constant 0 : i32
      %dma_start3A_598 = tpu.memref_slice %arg20[%dma_start3A_593, %dma_start3A_597] : memref<17x32xi32, #tpu.memory_space<vmem>> -> memref<1x32xi32, #tpu.memory_space<vmem>>
      %dma_start3A_599 = tpu.memref_squeeze %dma_start3A_598 : memref<1x32xi32, #tpu.memory_space<vmem>> -> memref<32xi32, #tpu.memory_space<vmem>>
      %dma_start3A_600 = arith.constant 0 : i32
      %dma_start3A_601 = arith.constant 0 : i32
      %dma_start3A_602 = tpu.memref_slice %arg3[%dma_start3A_600, %dma_start3A_601] : memref<100000x128xf32, #tpu.memory_space<hbm>> -> memref<100000x128xf32, #tpu.memory_space<hbm>>
      tpu.enqueue_indirect_dma source(%dma_start3A_602 : memref<100000x128xf32, #tpu.memory_space<hbm>>) target(%dma_start3A_596 : memref<32x128xf32, #tpu.memory_space<vmem>>) offsets(%dma_start3A_599 : memref<32xi32, #tpu.memory_space<vmem>>) semaphore(%arg24 : memref<!tpu.dma_semaphore, #tpu.memory_space<semaphore_mem>>)
      %dma_start3A_603 = arith.constant 8 : i32
      %dma_start3A_604 = arith.constant 256 : i32
      %dma_start3A_605 = arith.constant 0 : i32
      %dma_start3A_606 = tpu.memref_slice %arg23[%dma_start3A_604, %dma_start3A_605] : memref<544x128xf32, #tpu.memory_space<vmem>> -> memref<32x128xf32, #tpu.memory_space<vmem>>
      %dma_start3A_607 = arith.constant 0 : i32
      %dma_start3A_608 = tpu.memref_slice %arg20[%dma_start3A_603, %dma_start3A_607] : memref<17x32xi32, #tpu.memory_space<vmem>> -> memref<1x32xi32, #tpu.memory_space<vmem>>
      %dma_start3A_609 = tpu.memref_squeeze %dma_start3A_608 : memref<1x32xi32, #tpu.memory_space<vmem>> -> memref<32xi32, #tpu.memory_space<vmem>>
      %dma_start3A_610 = arith.constant 0 : i32
      %dma_start3A_611 = arith.constant 0 : i32
      %dma_start3A_612 = tpu.memref_slice %arg3[%dma_start3A_610, %dma_start3A_611] : memref<100000x128xf32, #tpu.memory_space<hbm>> -> memref<100000x128xf32, #tpu.memory_space<hbm>>
      tpu.enqueue_indirect_dma source(%dma_start3A_612 : memref<100000x128xf32, #tpu.memory_space<hbm>>) target(%dma_start3A_606 : memref<32x128xf32, #tpu.memory_space<vmem>>) offsets(%dma_start3A_609 : memref<32xi32, #tpu.memory_space<vmem>>) semaphore(%arg24 : memref<!tpu.dma_semaphore, #tpu.memory_space<semaphore_mem>>)
      %dma_start3A_613 = arith.constant 9 : i32
      %dma_start3A_614 = arith.constant 288 : i32
      %dma_start3A_615 = arith.constant 0 : i32
      %dma_start3A_616 = tpu.memref_slice %arg23[%dma_start3A_614, %dma_start3A_615] : memref<544x128xf32, #tpu.memory_space<vmem>> -> memref<32x128xf32, #tpu.memory_space<vmem>>
      %dma_start3A_617 = arith.constant 0 : i32
      %dma_start3A_618 = tpu.memref_slice %arg20[%dma_start3A_613, %dma_start3A_617] : memref<17x32xi32, #tpu.memory_space<vmem>> -> memref<1x32xi32, #tpu.memory_space<vmem>>
      %dma_start3A_619 = tpu.memref_squeeze %dma_start3A_618 : memref<1x32xi32, #tpu.memory_space<vmem>> -> memref<32xi32, #tpu.memory_space<vmem>>
      %dma_start3A_620 = arith.constant 0 : i32
      %dma_start3A_621 = arith.constant 0 : i32
      %dma_start3A_622 = tpu.memref_slice %arg3[%dma_start3A_620, %dma_start3A_621] : memref<100000x128xf32, #tpu.memory_space<hbm>> -> memref<100000x128xf32, #tpu.memory_space<hbm>>
      tpu.enqueue_indirect_dma source(%dma_start3A_622 : memref<100000x128xf32, #tpu.memory_space<hbm>>) target(%dma_start3A_616 : memref<32x128xf32, #tpu.memory_space<vmem>>) offsets(%dma_start3A_619 : memref<32xi32, #tpu.memory_space<vmem>>) semaphore(%arg24 : memref<!tpu.dma_semaphore, #tpu.memory_space<semaphore_mem>>)
      %dma_start3A_623 = arith.constant 10 : i32
      %dma_start3A_624 = arith.constant 320 : i32
      %dma_start3A_625 = arith.constant 0 : i32
      %dma_start3A_626 = tpu.memref_slice %arg23[%dma_start3A_624, %dma_start3A_625] : memref<544x128xf32, #tpu.memory_space<vmem>> -> memref<32x128xf32, #tpu.memory_space<vmem>>
      %dma_start3A_627 = arith.constant 0 : i32
      %dma_start3A_628 = tpu.memref_slice %arg20[%dma_start3A_623, %dma_start3A_627] : memref<17x32xi32, #tpu.memory_space<vmem>> -> memref<1x32xi32, #tpu.memory_space<vmem>>
      %dma_start3A_629 = tpu.memref_squeeze %dma_start3A_628 : memref<1x32xi32, #tpu.memory_space<vmem>> -> memref<32xi32, #tpu.memory_space<vmem>>
      %dma_start3A_630 = arith.constant 0 : i32
      %dma_start3A_631 = arith.constant 0 : i32
      %dma_start3A_632 = tpu.memref_slice %arg3[%dma_start3A_630, %dma_start3A_631] : memref<100000x128xf32, #tpu.memory_space<hbm>> -> memref<100000x128xf32, #tpu.memory_space<hbm>>
      tpu.enqueue_indirect_dma source(%dma_start3A_632 : memref<100000x128xf32, #tpu.memory_space<hbm>>) target(%dma_start3A_626 : memref<32x128xf32, #tpu.memory_space<vmem>>) offsets(%dma_start3A_629 : memref<32xi32, #tpu.memory_space<vmem>>) semaphore(%arg24 : memref<!tpu.dma_semaphore, #tpu.memory_space<semaphore_mem>>)
      %dma_start3A_633 = arith.constant 11 : i32
      %dma_start3A_634 = arith.constant 352 : i32
      %dma_start3A_635 = arith.constant 0 : i32
      %dma_start3A_636 = tpu.memref_slice %arg23[%dma_start3A_634, %dma_start3A_635] : memref<544x128xf32, #tpu.memory_space<vmem>> -> memref<32x128xf32, #tpu.memory_space<vmem>>
      %dma_start3A_637 = arith.constant 0 : i32
      %dma_start3A_638 = tpu.memref_slice %arg20[%dma_start3A_633, %dma_start3A_637] : memref<17x32xi32, #tpu.memory_space<vmem>> -> memref<1x32xi32, #tpu.memory_space<vmem>>
      %dma_start3A_639 = tpu.memref_squeeze %dma_start3A_638 : memref<1x32xi32, #tpu.memory_space<vmem>> -> memref<32xi32, #tpu.memory_space<vmem>>
      %dma_start3A_640 = arith.constant 0 : i32
      %dma_start3A_641 = arith.constant 0 : i32
      %dma_start3A_642 = tpu.memref_slice %arg3[%dma_start3A_640, %dma_start3A_641] : memref<100000x128xf32, #tpu.memory_space<hbm>> -> memref<100000x128xf32, #tpu.memory_space<hbm>>
      tpu.enqueue_indirect_dma source(%dma_start3A_642 : memref<100000x128xf32, #tpu.memory_space<hbm>>) target(%dma_start3A_636 : memref<32x128xf32, #tpu.memory_space<vmem>>) offsets(%dma_start3A_639 : memref<32xi32, #tpu.memory_space<vmem>>) semaphore(%arg24 : memref<!tpu.dma_semaphore, #tpu.memory_space<semaphore_mem>>)
      %dma_start3A_643 = arith.constant 12 : i32
      %dma_start3A_644 = arith.constant 384 : i32
      %dma_start3A_645 = arith.constant 0 : i32
      %dma_start3A_646 = tpu.memref_slice %arg23[%dma_start3A_644, %dma_start3A_645] : memref<544x128xf32, #tpu.memory_space<vmem>> -> memref<32x128xf32, #tpu.memory_space<vmem>>
      %dma_start3A_647 = arith.constant 0 : i32
      %dma_start3A_648 = tpu.memref_slice %arg20[%dma_start3A_643, %dma_start3A_647] : memref<17x32xi32, #tpu.memory_space<vmem>> -> memref<1x32xi32, #tpu.memory_space<vmem>>
      %dma_start3A_649 = tpu.memref_squeeze %dma_start3A_648 : memref<1x32xi32, #tpu.memory_space<vmem>> -> memref<32xi32, #tpu.memory_space<vmem>>
      %dma_start3A_650 = arith.constant 0 : i32
      %dma_start3A_651 = arith.constant 0 : i32
      %dma_start3A_652 = tpu.memref_slice %arg3[%dma_start3A_650, %dma_start3A_651] : memref<100000x128xf32, #tpu.memory_space<hbm>> -> memref<100000x128xf32, #tpu.memory_space<hbm>>
      tpu.enqueue_indirect_dma source(%dma_start3A_652 : memref<100000x128xf32, #tpu.memory_space<hbm>>) target(%dma_start3A_646 : memref<32x128xf32, #tpu.memory_space<vmem>>) offsets(%dma_start3A_649 : memref<32xi32, #tpu.memory_space<vmem>>) semaphore(%arg24 : memref<!tpu.dma_semaphore, #tpu.memory_space<semaphore_mem>>)
      %dma_start3A_653 = arith.constant 13 : i32
      %dma_start3A_654 = arith.constant 416 : i32
      %dma_start3A_655 = arith.constant 0 : i32
      %dma_start3A_656 = tpu.memref_slice %arg23[%dma_start3A_654, %dma_start3A_655] : memref<544x128xf32, #tpu.memory_space<vmem>> -> memref<32x128xf32, #tpu.memory_space<vmem>>
      %dma_start3A_657 = arith.constant 0 : i32
      %dma_start3A_658 = tpu.memref_slice %arg20[%dma_start3A_653, %dma_start3A_657] : memref<17x32xi32, #tpu.memory_space<vmem>> -> memref<1x32xi32, #tpu.memory_space<vmem>>
      %dma_start3A_659 = tpu.memref_squeeze %dma_start3A_658 : memref<1x32xi32, #tpu.memory_space<vmem>> -> memref<32xi32, #tpu.memory_space<vmem>>
      %dma_start3A_660 = arith.constant 0 : i32
      %dma_start3A_661 = arith.constant 0 : i32
      %dma_start3A_662 = tpu.memref_slice %arg3[%dma_start3A_660, %dma_start3A_661] : memref<100000x128xf32, #tpu.memory_space<hbm>> -> memref<100000x128xf32, #tpu.memory_space<hbm>>
      tpu.enqueue_indirect_dma source(%dma_start3A_662 : memref<100000x128xf32, #tpu.memory_space<hbm>>) target(%dma_start3A_656 : memref<32x128xf32, #tpu.memory_space<vmem>>) offsets(%dma_start3A_659 : memref<32xi32, #tpu.memory_space<vmem>>) semaphore(%arg24 : memref<!tpu.dma_semaphore, #tpu.memory_space<semaphore_mem>>)
      %dma_start3A_663 = arith.constant 14 : i32
      %dma_start3A_664 = arith.constant 448 : i32
      %dma_start3A_665 = arith.constant 0 : i32
      %dma_start3A_666 = tpu.memref_slice %arg23[%dma_start3A_664, %dma_start3A_665] : memref<544x128xf32, #tpu.memory_space<vmem>> -> memref<32x128xf32, #tpu.memory_space<vmem>>
      %dma_start3A_667 = arith.constant 0 : i32
      %dma_start3A_668 = tpu.memref_slice %arg20[%dma_start3A_663, %dma_start3A_667] : memref<17x32xi32, #tpu.memory_space<vmem>> -> memref<1x32xi32, #tpu.memory_space<vmem>>
      %dma_start3A_669 = tpu.memref_squeeze %dma_start3A_668 : memref<1x32xi32, #tpu.memory_space<vmem>> -> memref<32xi32, #tpu.memory_space<vmem>>
      %dma_start3A_670 = arith.constant 0 : i32
      %dma_start3A_671 = arith.constant 0 : i32
      %dma_start3A_672 = tpu.memref_slice %arg3[%dma_start3A_670, %dma_start3A_671] : memref<100000x128xf32, #tpu.memory_space<hbm>> -> memref<100000x128xf32, #tpu.memory_space<hbm>>
      tpu.enqueue_indirect_dma source(%dma_start3A_672 : memref<100000x128xf32, #tpu.memory_space<hbm>>) target(%dma_start3A_666 : memref<32x128xf32, #tpu.memory_space<vmem>>) offsets(%dma_start3A_669 : memref<32xi32, #tpu.memory_space<vmem>>) semaphore(%arg24 : memref<!tpu.dma_semaphore, #tpu.memory_space<semaphore_mem>>)
      %dma_start3A_673 = arith.constant 15 : i32
      %dma_start3A_674 = arith.constant 480 : i32
      %dma_start3A_675 = arith.constant 0 : i32
      %dma_start3A_676 = tpu.memref_slice %arg23[%dma_start3A_674, %dma_start3A_675] : memref<544x128xf32, #tpu.memory_space<vmem>> -> memref<32x128xf32, #tpu.memory_space<vmem>>
      %dma_start3A_677 = arith.constant 0 : i32
      %dma_start3A_678 = tpu.memref_slice %arg20[%dma_start3A_673, %dma_start3A_677] : memref<17x32xi32, #tpu.memory_space<vmem>> -> memref<1x32xi32, #tpu.memory_space<vmem>>
      %dma_start3A_679 = tpu.memref_squeeze %dma_start3A_678 : memref<1x32xi32, #tpu.memory_space<vmem>> -> memref<32xi32, #tpu.memory_space<vmem>>
      %dma_start3A_680 = arith.constant 0 : i32
      %dma_start3A_681 = arith.constant 0 : i32
      %dma_start3A_682 = tpu.memref_slice %arg3[%dma_start3A_680, %dma_start3A_681] : memref<100000x128xf32, #tpu.memory_space<hbm>> -> memref<100000x128xf32, #tpu.memory_space<hbm>>
      tpu.enqueue_indirect_dma source(%dma_start3A_682 : memref<100000x128xf32, #tpu.memory_space<hbm>>) target(%dma_start3A_676 : memref<32x128xf32, #tpu.memory_space<vmem>>) offsets(%dma_start3A_679 : memref<32xi32, #tpu.memory_space<vmem>>) semaphore(%arg24 : memref<!tpu.dma_semaphore, #tpu.memory_space<semaphore_mem>>)
      %dma_start3A_683 = arith.constant 16 : i32
      %dma_start3A_684 = arith.constant 512 : i32
      %dma_start3A_685 = arith.constant 0 : i32
      %dma_start3A_686 = tpu.memref_slice %arg23[%dma_start3A_684, %dma_start3A_685] : memref<544x128xf32, #tpu.memory_space<vmem>> -> memref<32x128xf32, #tpu.memory_space<vmem>>
      %dma_start3A_687 = arith.constant 0 : i32
      %dma_start3A_688 = tpu.memref_slice %arg20[%dma_start3A_683, %dma_start3A_687] : memref<17x32xi32, #tpu.memory_space<vmem>> -> memref<1x32xi32, #tpu.memory_space<vmem>>
      %dma_start3A_689 = tpu.memref_squeeze %dma_start3A_688 : memref<1x32xi32, #tpu.memory_space<vmem>> -> memref<32xi32, #tpu.memory_space<vmem>>
      %dma_start3A_690 = arith.constant 0 : i32
      %dma_start3A_691 = arith.constant 0 : i32
      %dma_start3A_692 = tpu.memref_slice %arg3[%dma_start3A_690, %dma_start3A_691] : memref<100000x128xf32, #tpu.memory_space<hbm>> -> memref<100000x128xf32, #tpu.memory_space<hbm>>
      tpu.enqueue_indirect_dma source(%dma_start3A_692 : memref<100000x128xf32, #tpu.memory_space<hbm>>) target(%dma_start3A_686 : memref<32x128xf32, #tpu.memory_space<vmem>>) offsets(%dma_start3A_689 : memref<32xi32, #tpu.memory_space<vmem>>) semaphore(%arg24 : memref<!tpu.dma_semaphore, #tpu.memory_space<semaphore_mem>>)
      %broadcast_in_dim3A_693 = arith.constant 0 : i32
      %broadcast_in_dim3A_694 = vector.broadcast %broadcast_in_dim3A_693 : i32 to vector<16xi32>
      %gather3A_695 = tpu.vector_load_idx %arg14[%add3A_41, %broadcast_in_dim3A_694] : memref<8x16xf32, #tpu.memory_space<vmem>>[vector<16xi32>, vector<16xi32>], vector<16xf32>,
      %add3A_696 = arith.constant 1 : i32
      %add3A_697 = vector.broadcast %add3A_696 : i32 to vector<16xi32>
      %add3A_698 = arith.addi %add3A_697, %iota3A : vector<16xi32>
      %add3A_699 = arith.constant 18 : i32
      %add3A_700 = vector.broadcast %add3A_699 : i32 to vector<16xi32>
      %add3A_701 = arith.addi %add3A_700, %iota3A : vector<16xi32>
      %get3A_702 = arith.constant 0 : i32
      %get3A_703 = arith.index_cast %get3A_702 : i32 to index
      %get3A_704 = arith.constant 0 : index
      %get3A_705 = tpu.vector_load %arg18[%get3A_703, %get3A_704] {strides = array<i32>} : memref<16x16xf32, #tpu.memory_space<vmem>>, vector<16xf32>,
      %get3A_706 = arith.constant 0 : i32
      %get3A_707 = arith.index_cast %get3A_706 : i32 to index
      %get3A_708 = arith.constant 0 : index
      %get3A_709 = tpu.vector_load %arg19[%get3A_707, %get3A_708] {strides = array<i32>} : memref<16x16xf32, #tpu.memory_space<vmem>>, vector<16xf32>,
      tpu.vector_store_idx %arg21[%add3A_698, %add3A_41], %get3A_705 : memref<544x8xf32, #tpu.memory_space<vmem>>[vector<16xi32>, vector<16xi32>], vector<16xf32>,
      tpu.vector_store_idx %arg21[%add3A_701, %add3A_41], %get3A_709 : memref<544x8xf32, #tpu.memory_space<vmem>>[vector<16xi32>, vector<16xi32>], vector<16xf32>,
      %mul3A_710 = arith.mulf %get3A_705, %gather3A_695 : vector<16xf32>
      tpu.vector_store_idx %arg22[%add3A_698, %add3A_41], %mul3A_710 : memref<544x8xf32, #tpu.memory_space<vmem>>[vector<16xi32>, vector<16xi32>], vector<16xf32>,
      %mul3A_711 = arith.mulf %get3A_709, %gather3A_695 : vector<16xf32>
      tpu.vector_store_idx %arg22[%add3A_701, %add3A_41], %mul3A_711 : memref<544x8xf32, #tpu.memory_space<vmem>>[vector<16xi32>, vector<16xi32>], vector<16xf32>,
      %broadcast_in_dim3A_712 = arith.constant 1 : i32
      %broadcast_in_dim3A_713 = vector.broadcast %broadcast_in_dim3A_712 : i32 to vector<16xi32>
      %gather3A_714 = tpu.vector_load_idx %arg14[%add3A_41, %broadcast_in_dim3A_713] : memref<8x16xf32, #tpu.memory_space<vmem>>[vector<16xi32>, vector<16xi32>], vector<16xf32>,
      %add3A_715 = arith.constant 35 : i32
      %add3A_716 = vector.broadcast %add3A_715 : i32 to vector<16xi32>
      %add3A_717 = arith.addi %add3A_716, %iota3A : vector<16xi32>
      %add3A_718 = arith.constant 52 : i32
      %add3A_719 = vector.broadcast %add3A_718 : i32 to vector<16xi32>
      %add3A_720 = arith.addi %add3A_719, %iota3A : vector<16xi32>
      %get3A_721 = arith.constant 1 : i32
      %get3A_722 = arith.index_cast %get3A_721 : i32 to index
      %get3A_723 = arith.constant 0 : index
      %get3A_724 = tpu.vector_load %arg18[%get3A_722, %get3A_723] {strides = array<i32>} : memref<16x16xf32, #tpu.memory_space<vmem>>, vector<16xf32>,
      %get3A_725 = arith.constant 1 : i32
      %get3A_726 = arith.index_cast %get3A_725 : i32 to index
      %get3A_727 = arith.constant 0 : index
      %get3A_728 = tpu.vector_load %arg19[%get3A_726, %get3A_727] {strides = array<i32>} : memref<16x16xf32, #tpu.memory_space<vmem>>, vector<16xf32>,
      tpu.vector_store_idx %arg21[%add3A_717, %add3A_41], %get3A_724 : memref<544x8xf32, #tpu.memory_space<vmem>>[vector<16xi32>, vector<16xi32>], vector<16xf32>,
      tpu.vector_store_idx %arg21[%add3A_720, %add3A_41], %get3A_728 : memref<544x8xf32, #tpu.memory_space<vmem>>[vector<16xi32>, vector<16xi32>], vector<16xf32>,
      %mul3A_729 = arith.mulf %get3A_724, %gather3A_714 : vector<16xf32>
      tpu.vector_store_idx %arg22[%add3A_717, %add3A_41], %mul3A_729 : memref<544x8xf32, #tpu.memory_space<vmem>>[vector<16xi32>, vector<16xi32>], vector<16xf32>,
      %mul3A_730 = arith.mulf %get3A_728, %gather3A_714 : vector<16xf32>
      tpu.vector_store_idx %arg22[%add3A_720, %add3A_41], %mul3A_730 : memref<544x8xf32, #tpu.memory_space<vmem>>[vector<16xi32>, vector<16xi32>], vector<16xf32>,
      %broadcast_in_dim3A_731 = arith.constant 2 : i32
      %broadcast_in_dim3A_732 = vector.broadcast %broadcast_in_dim3A_731 : i32 to vector<16xi32>
      %gather3A_733 = tpu.vector_load_idx %arg14[%add3A_41, %broadcast_in_dim3A_732] : memref<8x16xf32, #tpu.memory_space<vmem>>[vector<16xi32>, vector<16xi32>], vector<16xf32>,
      %add3A_734 = arith.constant 69 : i32
      %add3A_735 = vector.broadcast %add3A_734 : i32 to vector<16xi32>
      %add3A_736 = arith.addi %add3A_735, %iota3A : vector<16xi32>
      %add3A_737 = arith.constant 86 : i32
      %add3A_738 = vector.broadcast %add3A_737 : i32 to vector<16xi32>
      %add3A_739 = arith.addi %add3A_738, %iota3A : vector<16xi32>
      %get3A_740 = arith.constant 2 : i32
      %get3A_741 = arith.index_cast %get3A_740 : i32 to index
      %get3A_742 = arith.constant 0 : index
      %get3A_743 = tpu.vector_load %arg18[%get3A_741, %get3A_742] {strides = array<i32>} : memref<16x16xf32, #tpu.memory_space<vmem>>, vector<16xf32>,
      %get3A_744 = arith.constant 2 : i32
      %get3A_745 = arith.index_cast %get3A_744 : i32 to index
      %get3A_746 = arith.constant 0 : index
      %get3A_747 = tpu.vector_load %arg19[%get3A_745, %get3A_746] {strides = array<i32>} : memref<16x16xf32, #tpu.memory_space<vmem>>, vector<16xf32>,
      tpu.vector_store_idx %arg21[%add3A_736, %add3A_41], %get3A_743 : memref<544x8xf32, #tpu.memory_space<vmem>>[vector<16xi32>, vector<16xi32>], vector<16xf32>,
      tpu.vector_store_idx %arg21[%add3A_739, %add3A_41], %get3A_747 : memref<544x8xf32, #tpu.memory_space<vmem>>[vector<16xi32>, vector<16xi32>], vector<16xf32>,
      %mul3A_748 = arith.mulf %get3A_743, %gather3A_733 : vector<16xf32>
      tpu.vector_store_idx %arg22[%add3A_736, %add3A_41], %mul3A_748 : memref<544x8xf32, #tpu.memory_space<vmem>>[vector<16xi32>, vector<16xi32>], vector<16xf32>,
      %mul3A_749 = arith.mulf %get3A_747, %gather3A_733 : vector<16xf32>
      tpu.vector_store_idx %arg22[%add3A_739, %add3A_41], %mul3A_749 : memref<544x8xf32, #tpu.memory_space<vmem>>[vector<16xi32>, vector<16xi32>], vector<16xf32>,
      %broadcast_in_dim3A_750 = arith.constant 3 : i32
      %broadcast_in_dim3A_751 = vector.broadcast %broadcast_in_dim3A_750 : i32 to vector<16xi32>
      %gather3A_752 = tpu.vector_load_idx %arg14[%add3A_41, %broadcast_in_dim3A_751] : memref<8x16xf32, #tpu.memory_space<vmem>>[vector<16xi32>, vector<16xi32>], vector<16xf32>,
      %add3A_753 = arith.constant 103 : i32
      %add3A_754 = vector.broadcast %add3A_753 : i32 to vector<16xi32>
      %add3A_755 = arith.addi %add3A_754, %iota3A : vector<16xi32>
      %add3A_756 = arith.constant 120 : i32
      %add3A_757 = vector.broadcast %add3A_756 : i32 to vector<16xi32>
      %add3A_758 = arith.addi %add3A_757, %iota3A : vector<16xi32>
      %get3A_759 = arith.constant 3 : i32
      %get3A_760 = arith.index_cast %get3A_759 : i32 to index
      %get3A_761 = arith.constant 0 : index
      %get3A_762 = tpu.vector_load %arg18[%get3A_760, %get3A_761] {strides = array<i32>} : memref<16x16xf32, #tpu.memory_space<vmem>>, vector<16xf32>,
      %get3A_763 = arith.constant 3 : i32
      %get3A_764 = arith.index_cast %get3A_763 : i32 to index
      %get3A_765 = arith.constant 0 : index
      %get3A_766 = tpu.vector_load %arg19[%get3A_764, %get3A_765] {strides = array<i32>} : memref<16x16xf32, #tpu.memory_space<vmem>>, vector<16xf32>,
      tpu.vector_store_idx %arg21[%add3A_755, %add3A_41], %get3A_762 : memref<544x8xf32, #tpu.memory_space<vmem>>[vector<16xi32>, vector<16xi32>], vector<16xf32>,
      tpu.vector_store_idx %arg21[%add3A_758, %add3A_41], %get3A_766 : memref<544x8xf32, #tpu.memory_space<vmem>>[vector<16xi32>, vector<16xi32>], vector<16xf32>,
      %mul3A_767 = arith.mulf %get3A_762, %gather3A_752 : vector<16xf32>
      tpu.vector_store_idx %arg22[%add3A_755, %add3A_41], %mul3A_767 : memref<544x8xf32, #tpu.memory_space<vmem>>[vector<16xi32>, vector<16xi32>], vector<16xf32>,
      %mul3A_768 = arith.mulf %get3A_766, %gather3A_752 : vector<16xf32>
      tpu.vector_store_idx %arg22[%add3A_758, %add3A_41], %mul3A_768 : memref<544x8xf32, #tpu.memory_space<vmem>>[vector<16xi32>, vector<16xi32>], vector<16xf32>,
      %broadcast_in_dim3A_769 = arith.constant 4 : i32
      %broadcast_in_dim3A_770 = vector.broadcast %broadcast_in_dim3A_769 : i32 to vector<16xi32>
      %gather3A_771 = tpu.vector_load_idx %arg14[%add3A_41, %broadcast_in_dim3A_770] : memref<8x16xf32, #tpu.memory_space<vmem>>[vector<16xi32>, vector<16xi32>], vector<16xf32>,
      %add3A_772 = arith.constant 137 : i32
      %add3A_773 = vector.broadcast %add3A_772 : i32 to vector<16xi32>
      %add3A_774 = arith.addi %add3A_773, %iota3A : vector<16xi32>
      %add3A_775 = arith.constant 154 : i32
      %add3A_776 = vector.broadcast %add3A_775 : i32 to vector<16xi32>
      %add3A_777 = arith.addi %add3A_776, %iota3A : vector<16xi32>
      %get3A_778 = arith.constant 4 : i32
      %get3A_779 = arith.index_cast %get3A_778 : i32 to index
      %get3A_780 = arith.constant 0 : index
      %get3A_781 = tpu.vector_load %arg18[%get3A_779, %get3A_780] {strides = array<i32>} : memref<16x16xf32, #tpu.memory_space<vmem>>, vector<16xf32>,
      %get3A_782 = arith.constant 4 : i32
      %get3A_783 = arith.index_cast %get3A_782 : i32 to index
      %get3A_784 = arith.constant 0 : index
      %get3A_785 = tpu.vector_load %arg19[%get3A_783, %get3A_784] {strides = array<i32>} : memref<16x16xf32, #tpu.memory_space<vmem>>, vector<16xf32>,
      tpu.vector_store_idx %arg21[%add3A_774, %add3A_41], %get3A_781 : memref<544x8xf32, #tpu.memory_space<vmem>>[vector<16xi32>, vector<16xi32>], vector<16xf32>,
      tpu.vector_store_idx %arg21[%add3A_777, %add3A_41], %get3A_785 : memref<544x8xf32, #tpu.memory_space<vmem>>[vector<16xi32>, vector<16xi32>], vector<16xf32>,
      %mul3A_786 = arith.mulf %get3A_781, %gather3A_771 : vector<16xf32>
      tpu.vector_store_idx %arg22[%add3A_774, %add3A_41], %mul3A_786 : memref<544x8xf32, #tpu.memory_space<vmem>>[vector<16xi32>, vector<16xi32>], vector<16xf32>,
      %mul3A_787 = arith.mulf %get3A_785, %gather3A_771 : vector<16xf32>
      tpu.vector_store_idx %arg22[%add3A_777, %add3A_41], %mul3A_787 : memref<544x8xf32, #tpu.memory_space<vmem>>[vector<16xi32>, vector<16xi32>], vector<16xf32>,
      %broadcast_in_dim3A_788 = arith.constant 5 : i32
      %broadcast_in_dim3A_789 = vector.broadcast %broadcast_in_dim3A_788 : i32 to vector<16xi32>
      %gather3A_790 = tpu.vector_load_idx %arg14[%add3A_41, %broadcast_in_dim3A_789] : memref<8x16xf32, #tpu.memory_space<vmem>>[vector<16xi32>, vector<16xi32>], vector<16xf32>,
      %add3A_791 = arith.constant 171 : i32
      %add3A_792 = vector.broadcast %add3A_791 : i32 to vector<16xi32>
      %add3A_793 = arith.addi %add3A_792, %iota3A : vector<16xi32>
      %add3A_794 = arith.constant 188 : i32
      %add3A_795 = vector.broadcast %add3A_794 : i32 to vector<16xi32>
      %add3A_796 = arith.addi %add3A_795, %iota3A : vector<16xi32>
      %get3A_797 = arith.constant 5 : i32
      %get3A_798 = arith.index_cast %get3A_797 : i32 to index
      %get3A_799 = arith.constant 0 : index
      %get3A_800 = tpu.vector_load %arg18[%get3A_798, %get3A_799] {strides = array<i32>} : memref<16x16xf32, #tpu.memory_space<vmem>>, vector<16xf32>,
      %get3A_801 = arith.constant 5 : i32
      %get3A_802 = arith.index_cast %get3A_801 : i32 to index
      %get3A_803 = arith.constant 0 : index
      %get3A_804 = tpu.vector_load %arg19[%get3A_802, %get3A_803] {strides = array<i32>} : memref<16x16xf32, #tpu.memory_space<vmem>>, vector<16xf32>,
      tpu.vector_store_idx %arg21[%add3A_793, %add3A_41], %get3A_800 : memref<544x8xf32, #tpu.memory_space<vmem>>[vector<16xi32>, vector<16xi32>], vector<16xf32>,
      tpu.vector_store_idx %arg21[%add3A_796, %add3A_41], %get3A_804 : memref<544x8xf32, #tpu.memory_space<vmem>>[vector<16xi32>, vector<16xi32>], vector<16xf32>,
      %mul3A_805 = arith.mulf %get3A_800, %gather3A_790 : vector<16xf32>
      tpu.vector_store_idx %arg22[%add3A_793, %add3A_41], %mul3A_805 : memref<544x8xf32, #tpu.memory_space<vmem>>[vector<16xi32>, vector<16xi32>], vector<16xf32>,
      %mul3A_806 = arith.mulf %get3A_804, %gather3A_790 : vector<16xf32>
      tpu.vector_store_idx %arg22[%add3A_796, %add3A_41], %mul3A_806 : memref<544x8xf32, #tpu.memory_space<vmem>>[vector<16xi32>, vector<16xi32>], vector<16xf32>,
      %broadcast_in_dim3A_807 = arith.constant 6 : i32
      %broadcast_in_dim3A_808 = vector.broadcast %broadcast_in_dim3A_807 : i32 to vector<16xi32>
      %gather3A_809 = tpu.vector_load_idx %arg14[%add3A_41, %broadcast_in_dim3A_808] : memref<8x16xf32, #tpu.memory_space<vmem>>[vector<16xi32>, vector<16xi32>], vector<16xf32>,
      %add3A_810 = arith.constant 205 : i32
      %add3A_811 = vector.broadcast %add3A_810 : i32 to vector<16xi32>
      %add3A_812 = arith.addi %add3A_811, %iota3A : vector<16xi32>
      %add3A_813 = arith.constant 222 : i32
      %add3A_814 = vector.broadcast %add3A_813 : i32 to vector<16xi32>
      %add3A_815 = arith.addi %add3A_814, %iota3A : vector<16xi32>
      %get3A_816 = arith.constant 6 : i32
      %get3A_817 = arith.index_cast %get3A_816 : i32 to index
      %get3A_818 = arith.constant 0 : index
      %get3A_819 = tpu.vector_load %arg18[%get3A_817, %get3A_818] {strides = array<i32>} : memref<16x16xf32, #tpu.memory_space<vmem>>, vector<16xf32>,
      %get3A_820 = arith.constant 6 : i32
      %get3A_821 = arith.index_cast %get3A_820 : i32 to index
      %get3A_822 = arith.constant 0 : index
      %get3A_823 = tpu.vector_load %arg19[%get3A_821, %get3A_822] {strides = array<i32>} : memref<16x16xf32, #tpu.memory_space<vmem>>, vector<16xf32>,
      tpu.vector_store_idx %arg21[%add3A_812, %add3A_41], %get3A_819 : memref<544x8xf32, #tpu.memory_space<vmem>>[vector<16xi32>, vector<16xi32>], vector<16xf32>,
      tpu.vector_store_idx %arg21[%add3A_815, %add3A_41], %get3A_823 : memref<544x8xf32, #tpu.memory_space<vmem>>[vector<16xi32>, vector<16xi32>], vector<16xf32>,
      %mul3A_824 = arith.mulf %get3A_819, %gather3A_809 : vector<16xf32>
      tpu.vector_store_idx %arg22[%add3A_812, %add3A_41], %mul3A_824 : memref<544x8xf32, #tpu.memory_space<vmem>>[vector<16xi32>, vector<16xi32>], vector<16xf32>,
      %mul3A_825 = arith.mulf %get3A_823, %gather3A_809 : vector<16xf32>
      tpu.vector_store_idx %arg22[%add3A_815, %add3A_41], %mul3A_825 : memref<544x8xf32, #tpu.memory_space<vmem>>[vector<16xi32>, vector<16xi32>], vector<16xf32>,
      %broadcast_in_dim3A_826 = arith.constant 7 : i32
      %broadcast_in_dim3A_827 = vector.broadcast %broadcast_in_dim3A_826 : i32 to vector<16xi32>
      %gather3A_828 = tpu.vector_load_idx %arg14[%add3A_41, %broadcast_in_dim3A_827] : memref<8x16xf32, #tpu.memory_space<vmem>>[vector<16xi32>, vector<16xi32>], vector<16xf32>,
      %add3A_829 = arith.constant 239 : i32
      %add3A_830 = vector.broadcast %add3A_829 : i32 to vector<16xi32>
      %add3A_831 = arith.addi %add3A_830, %iota3A : vector<16xi32>
      %add3A_832 = arith.constant 256 : i32
      %add3A_833 = vector.broadcast %add3A_832 : i32 to vector<16xi32>
      %add3A_834 = arith.addi %add3A_833, %iota3A : vector<16xi32>
      %get3A_835 = arith.constant 7 : i32
      %get3A_836 = arith.index_cast %get3A_835 : i32 to index
      %get3A_837 = arith.constant 0 : index
      %get3A_838 = tpu.vector_load %arg18[%get3A_836, %get3A_837] {strides = array<i32>} : memref<16x16xf32, #tpu.memory_space<vmem>>, vector<16xf32>,
      %get3A_839 = arith.constant 7 : i32
      %get3A_840 = arith.index_cast %get3A_839 : i32 to index
      %get3A_841 = arith.constant 0 : index
      %get3A_842 = tpu.vector_load %arg19[%get3A_840, %get3A_841] {strides = array<i32>} : memref<16x16xf32, #tpu.memory_space<vmem>>, vector<16xf32>,
      tpu.vector_store_idx %arg21[%add3A_831, %add3A_41], %get3A_838 : memref<544x8xf32, #tpu.memory_space<vmem>>[vector<16xi32>, vector<16xi32>], vector<16xf32>,
      tpu.vector_store_idx %arg21[%add3A_834, %add3A_41], %get3A_842 : memref<544x8xf32, #tpu.memory_space<vmem>>[vector<16xi32>, vector<16xi32>], vector<16xf32>,
      %mul3A_843 = arith.mulf %get3A_838, %gather3A_828 : vector<16xf32>
      tpu.vector_store_idx %arg22[%add3A_831, %add3A_41], %mul3A_843 : memref<544x8xf32, #tpu.memory_space<vmem>>[vector<16xi32>, vector<16xi32>], vector<16xf32>,
      %mul3A_844 = arith.mulf %get3A_842, %gather3A_828 : vector<16xf32>
      tpu.vector_store_idx %arg22[%add3A_834, %add3A_41], %mul3A_844 : memref<544x8xf32, #tpu.memory_space<vmem>>[vector<16xi32>, vector<16xi32>], vector<16xf32>,
      %broadcast_in_dim3A_845 = arith.constant 8 : i32
      %broadcast_in_dim3A_846 = vector.broadcast %broadcast_in_dim3A_845 : i32 to vector<16xi32>
      %gather3A_847 = tpu.vector_load_idx %arg14[%add3A_41, %broadcast_in_dim3A_846] : memref<8x16xf32, #tpu.memory_space<vmem>>[vector<16xi32>, vector<16xi32>], vector<16xf32>,
      %add3A_848 = arith.constant 273 : i32
      %add3A_849 = vector.broadcast %add3A_848 : i32 to vector<16xi32>
      %add3A_850 = arith.addi %add3A_849, %iota3A : vector<16xi32>
      %add3A_851 = arith.constant 290 : i32
      %add3A_852 = vector.broadcast %add3A_851 : i32 to vector<16xi32>
      %add3A_853 = arith.addi %add3A_852, %iota3A : vector<16xi32>
      %get3A_854 = arith.constant 8 : i32
      %get3A_855 = arith.index_cast %get3A_854 : i32 to index
      %get3A_856 = arith.constant 0 : index
      %get3A_857 = tpu.vector_load %arg18[%get3A_855, %get3A_856] {strides = array<i32>} : memref<16x16xf32, #tpu.memory_space<vmem>>, vector<16xf32>,
      %get3A_858 = arith.constant 8 : i32
      %get3A_859 = arith.index_cast %get3A_858 : i32 to index
      %get3A_860 = arith.constant 0 : index
      %get3A_861 = tpu.vector_load %arg19[%get3A_859, %get3A_860] {strides = array<i32>} : memref<16x16xf32, #tpu.memory_space<vmem>>, vector<16xf32>,
      tpu.vector_store_idx %arg21[%add3A_850, %add3A_41], %get3A_857 : memref<544x8xf32, #tpu.memory_space<vmem>>[vector<16xi32>, vector<16xi32>], vector<16xf32>,
      tpu.vector_store_idx %arg21[%add3A_853, %add3A_41], %get3A_861 : memref<544x8xf32, #tpu.memory_space<vmem>>[vector<16xi32>, vector<16xi32>], vector<16xf32>,
      %mul3A_862 = arith.mulf %get3A_857, %gather3A_847 : vector<16xf32>
      tpu.vector_store_idx %arg22[%add3A_850, %add3A_41], %mul3A_862 : memref<544x8xf32, #tpu.memory_space<vmem>>[vector<16xi32>, vector<16xi32>], vector<16xf32>,
      %mul3A_863 = arith.mulf %get3A_861, %gather3A_847 : vector<16xf32>
      tpu.vector_store_idx %arg22[%add3A_853, %add3A_41], %mul3A_863 : memref<544x8xf32, #tpu.memory_space<vmem>>[vector<16xi32>, vector<16xi32>], vector<16xf32>,
      %broadcast_in_dim3A_864 = arith.constant 9 : i32
      %broadcast_in_dim3A_865 = vector.broadcast %broadcast_in_dim3A_864 : i32 to vector<16xi32>
      %gather3A_866 = tpu.vector_load_idx %arg14[%add3A_41, %broadcast_in_dim3A_865] : memref<8x16xf32, #tpu.memory_space<vmem>>[vector<16xi32>, vector<16xi32>], vector<16xf32>,
      %add3A_867 = arith.constant 307 : i32
      %add3A_868 = vector.broadcast %add3A_867 : i32 to vector<16xi32>
      %add3A_869 = arith.addi %add3A_868, %iota3A : vector<16xi32>
      %add3A_870 = arith.constant 324 : i32
      %add3A_871 = vector.broadcast %add3A_870 : i32 to vector<16xi32>
      %add3A_872 = arith.addi %add3A_871, %iota3A : vector<16xi32>
      %get3A_873 = arith.constant 9 : i32
      %get3A_874 = arith.index_cast %get3A_873 : i32 to index
      %get3A_875 = arith.constant 0 : index
      %get3A_876 = tpu.vector_load %arg18[%get3A_874, %get3A_875] {strides = array<i32>} : memref<16x16xf32, #tpu.memory_space<vmem>>, vector<16xf32>,
      %get3A_877 = arith.constant 9 : i32
      %get3A_878 = arith.index_cast %get3A_877 : i32 to index
      %get3A_879 = arith.constant 0 : index
      %get3A_880 = tpu.vector_load %arg19[%get3A_878, %get3A_879] {strides = array<i32>} : memref<16x16xf32, #tpu.memory_space<vmem>>, vector<16xf32>,
      tpu.vector_store_idx %arg21[%add3A_869, %add3A_41], %get3A_876 : memref<544x8xf32, #tpu.memory_space<vmem>>[vector<16xi32>, vector<16xi32>], vector<16xf32>,
      tpu.vector_store_idx %arg21[%add3A_872, %add3A_41], %get3A_880 : memref<544x8xf32, #tpu.memory_space<vmem>>[vector<16xi32>, vector<16xi32>], vector<16xf32>,
      %mul3A_881 = arith.mulf %get3A_876, %gather3A_866 : vector<16xf32>
      tpu.vector_store_idx %arg22[%add3A_869, %add3A_41], %mul3A_881 : memref<544x8xf32, #tpu.memory_space<vmem>>[vector<16xi32>, vector<16xi32>], vector<16xf32>,
      %mul3A_882 = arith.mulf %get3A_880, %gather3A_866 : vector<16xf32>
      tpu.vector_store_idx %arg22[%add3A_872, %add3A_41], %mul3A_882 : memref<544x8xf32, #tpu.memory_space<vmem>>[vector<16xi32>, vector<16xi32>], vector<16xf32>,
      %broadcast_in_dim3A_883 = arith.constant 10 : i32
      %broadcast_in_dim3A_884 = vector.broadcast %broadcast_in_dim3A_883 : i32 to vector<16xi32>
      %gather3A_885 = tpu.vector_load_idx %arg14[%add3A_41, %broadcast_in_dim3A_884] : memref<8x16xf32, #tpu.memory_space<vmem>>[vector<16xi32>, vector<16xi32>], vector<16xf32>,
      %add3A_886 = arith.constant 341 : i32
      %add3A_887 = vector.broadcast %add3A_886 : i32 to vector<16xi32>
      %add3A_888 = arith.addi %add3A_887, %iota3A : vector<16xi32>
      %add3A_889 = arith.constant 358 : i32
      %add3A_890 = vector.broadcast %add3A_889 : i32 to vector<16xi32>
      %add3A_891 = arith.addi %add3A_890, %iota3A : vector<16xi32>
      %get3A_892 = arith.constant 10 : i32
      %get3A_893 = arith.index_cast %get3A_892 : i32 to index
      %get3A_894 = arith.constant 0 : index
      %get3A_895 = tpu.vector_load %arg18[%get3A_893, %get3A_894] {strides = array<i32>} : memref<16x16xf32, #tpu.memory_space<vmem>>, vector<16xf32>,
      %get3A_896 = arith.constant 10 : i32
      %get3A_897 = arith.index_cast %get3A_896 : i32 to index
      %get3A_898 = arith.constant 0 : index
      %get3A_899 = tpu.vector_load %arg19[%get3A_897, %get3A_898] {strides = array<i32>} : memref<16x16xf32, #tpu.memory_space<vmem>>, vector<16xf32>,
      tpu.vector_store_idx %arg21[%add3A_888, %add3A_41], %get3A_895 : memref<544x8xf32, #tpu.memory_space<vmem>>[vector<16xi32>, vector<16xi32>], vector<16xf32>,
      tpu.vector_store_idx %arg21[%add3A_891, %add3A_41], %get3A_899 : memref<544x8xf32, #tpu.memory_space<vmem>>[vector<16xi32>, vector<16xi32>], vector<16xf32>,
      %mul3A_900 = arith.mulf %get3A_895, %gather3A_885 : vector<16xf32>
      tpu.vector_store_idx %arg22[%add3A_888, %add3A_41], %mul3A_900 : memref<544x8xf32, #tpu.memory_space<vmem>>[vector<16xi32>, vector<16xi32>], vector<16xf32>,
      %mul3A_901 = arith.mulf %get3A_899, %gather3A_885 : vector<16xf32>
      tpu.vector_store_idx %arg22[%add3A_891, %add3A_41], %mul3A_901 : memref<544x8xf32, #tpu.memory_space<vmem>>[vector<16xi32>, vector<16xi32>], vector<16xf32>,
      %broadcast_in_dim3A_902 = arith.constant 11 : i32
      %broadcast_in_dim3A_903 = vector.broadcast %broadcast_in_dim3A_902 : i32 to vector<16xi32>
      %gather3A_904 = tpu.vector_load_idx %arg14[%add3A_41, %broadcast_in_dim3A_903] : memref<8x16xf32, #tpu.memory_space<vmem>>[vector<16xi32>, vector<16xi32>], vector<16xf32>,
      %add3A_905 = arith.constant 375 : i32
      %add3A_906 = vector.broadcast %add3A_905 : i32 to vector<16xi32>
      %add3A_907 = arith.addi %add3A_906, %iota3A : vector<16xi32>
      %add3A_908 = arith.constant 392 : i32
      %add3A_909 = vector.broadcast %add3A_908 : i32 to vector<16xi32>
      %add3A_910 = arith.addi %add3A_909, %iota3A : vector<16xi32>
      %get3A_911 = arith.constant 11 : i32
      %get3A_912 = arith.index_cast %get3A_911 : i32 to index
      %get3A_913 = arith.constant 0 : index
      %get3A_914 = tpu.vector_load %arg18[%get3A_912, %get3A_913] {strides = array<i32>} : memref<16x16xf32, #tpu.memory_space<vmem>>, vector<16xf32>,
      %get3A_915 = arith.constant 11 : i32
      %get3A_916 = arith.index_cast %get3A_915 : i32 to index
      %get3A_917 = arith.constant 0 : index
      %get3A_918 = tpu.vector_load %arg19[%get3A_916, %get3A_917] {strides = array<i32>} : memref<16x16xf32, #tpu.memory_space<vmem>>, vector<16xf32>,
      tpu.vector_store_idx %arg21[%add3A_907, %add3A_41], %get3A_914 : memref<544x8xf32, #tpu.memory_space<vmem>>[vector<16xi32>, vector<16xi32>], vector<16xf32>,
      tpu.vector_store_idx %arg21[%add3A_910, %add3A_41], %get3A_918 : memref<544x8xf32, #tpu.memory_space<vmem>>[vector<16xi32>, vector<16xi32>], vector<16xf32>,
      %mul3A_919 = arith.mulf %get3A_914, %gather3A_904 : vector<16xf32>
      tpu.vector_store_idx %arg22[%add3A_907, %add3A_41], %mul3A_919 : memref<544x8xf32, #tpu.memory_space<vmem>>[vector<16xi32>, vector<16xi32>], vector<16xf32>,
      %mul3A_920 = arith.mulf %get3A_918, %gather3A_904 : vector<16xf32>
      tpu.vector_store_idx %arg22[%add3A_910, %add3A_41], %mul3A_920 : memref<544x8xf32, #tpu.memory_space<vmem>>[vector<16xi32>, vector<16xi32>], vector<16xf32>,
      %broadcast_in_dim3A_921 = arith.constant 12 : i32
      %broadcast_in_dim3A_922 = vector.broadcast %broadcast_in_dim3A_921 : i32 to vector<16xi32>
      %gather3A_923 = tpu.vector_load_idx %arg14[%add3A_41, %broadcast_in_dim3A_922] : memref<8x16xf32, #tpu.memory_space<vmem>>[vector<16xi32>, vector<16xi32>], vector<16xf32>,
      %add3A_924 = arith.constant 409 : i32
      %add3A_925 = vector.broadcast %add3A_924 : i32 to vector<16xi32>
      %add3A_926 = arith.addi %add3A_925, %iota3A : vector<16xi32>
      %add3A_927 = arith.constant 426 : i32
      %add3A_928 = vector.broadcast %add3A_927 : i32 to vector<16xi32>
      %add3A_929 = arith.addi %add3A_928, %iota3A : vector<16xi32>
      %get3A_930 = arith.constant 12 : i32
      %get3A_931 = arith.index_cast %get3A_930 : i32 to index
      %get3A_932 = arith.constant 0 : index
      %get3A_933 = tpu.vector_load %arg18[%get3A_931, %get3A_932] {strides = array<i32>} : memref<16x16xf32, #tpu.memory_space<vmem>>, vector<16xf32>,
      %get3A_934 = arith.constant 12 : i32
      %get3A_935 = arith.index_cast %get3A_934 : i32 to index
      %get3A_936 = arith.constant 0 : index
      %get3A_937 = tpu.vector_load %arg19[%get3A_935, %get3A_936] {strides = array<i32>} : memref<16x16xf32, #tpu.memory_space<vmem>>, vector<16xf32>,
      tpu.vector_store_idx %arg21[%add3A_926, %add3A_41], %get3A_933 : memref<544x8xf32, #tpu.memory_space<vmem>>[vector<16xi32>, vector<16xi32>], vector<16xf32>,
      tpu.vector_store_idx %arg21[%add3A_929, %add3A_41], %get3A_937 : memref<544x8xf32, #tpu.memory_space<vmem>>[vector<16xi32>, vector<16xi32>], vector<16xf32>,
      %mul3A_938 = arith.mulf %get3A_933, %gather3A_923 : vector<16xf32>
      tpu.vector_store_idx %arg22[%add3A_926, %add3A_41], %mul3A_938 : memref<544x8xf32, #tpu.memory_space<vmem>>[vector<16xi32>, vector<16xi32>], vector<16xf32>,
      %mul3A_939 = arith.mulf %get3A_937, %gather3A_923 : vector<16xf32>
      tpu.vector_store_idx %arg22[%add3A_929, %add3A_41], %mul3A_939 : memref<544x8xf32, #tpu.memory_space<vmem>>[vector<16xi32>, vector<16xi32>], vector<16xf32>,
      %broadcast_in_dim3A_940 = arith.constant 13 : i32
      %broadcast_in_dim3A_941 = vector.broadcast %broadcast_in_dim3A_940 : i32 to vector<16xi32>
      %gather3A_942 = tpu.vector_load_idx %arg14[%add3A_41, %broadcast_in_dim3A_941] : memref<8x16xf32, #tpu.memory_space<vmem>>[vector<16xi32>, vector<16xi32>], vector<16xf32>,
      %add3A_943 = arith.constant 443 : i32
      %add3A_944 = vector.broadcast %add3A_943 : i32 to vector<16xi32>
      %add3A_945 = arith.addi %add3A_944, %iota3A : vector<16xi32>
      %add3A_946 = arith.constant 460 : i32
      %add3A_947 = vector.broadcast %add3A_946 : i32 to vector<16xi32>
      %add3A_948 = arith.addi %add3A_947, %iota3A : vector<16xi32>
      %get3A_949 = arith.constant 13 : i32
      %get3A_950 = arith.index_cast %get3A_949 : i32 to index
      %get3A_951 = arith.constant 0 : index
      %get3A_952 = tpu.vector_load %arg18[%get3A_950, %get3A_951] {strides = array<i32>} : memref<16x16xf32, #tpu.memory_space<vmem>>, vector<16xf32>,
      %get3A_953 = arith.constant 13 : i32
      %get3A_954 = arith.index_cast %get3A_953 : i32 to index
      %get3A_955 = arith.constant 0 : index
      %get3A_956 = tpu.vector_load %arg19[%get3A_954, %get3A_955] {strides = array<i32>} : memref<16x16xf32, #tpu.memory_space<vmem>>, vector<16xf32>,
      tpu.vector_store_idx %arg21[%add3A_945, %add3A_41], %get3A_952 : memref<544x8xf32, #tpu.memory_space<vmem>>[vector<16xi32>, vector<16xi32>], vector<16xf32>,
      tpu.vector_store_idx %arg21[%add3A_948, %add3A_41], %get3A_956 : memref<544x8xf32, #tpu.memory_space<vmem>>[vector<16xi32>, vector<16xi32>], vector<16xf32>,
      %mul3A_957 = arith.mulf %get3A_952, %gather3A_942 : vector<16xf32>
      tpu.vector_store_idx %arg22[%add3A_945, %add3A_41], %mul3A_957 : memref<544x8xf32, #tpu.memory_space<vmem>>[vector<16xi32>, vector<16xi32>], vector<16xf32>,
      %mul3A_958 = arith.mulf %get3A_956, %gather3A_942 : vector<16xf32>
      tpu.vector_store_idx %arg22[%add3A_948, %add3A_41], %mul3A_958 : memref<544x8xf32, #tpu.memory_space<vmem>>[vector<16xi32>, vector<16xi32>], vector<16xf32>,
      %broadcast_in_dim3A_959 = arith.constant 14 : i32
      %broadcast_in_dim3A_960 = vector.broadcast %broadcast_in_dim3A_959 : i32 to vector<16xi32>
      %gather3A_961 = tpu.vector_load_idx %arg14[%add3A_41, %broadcast_in_dim3A_960] : memref<8x16xf32, #tpu.memory_space<vmem>>[vector<16xi32>, vector<16xi32>], vector<16xf32>,
      %add3A_962 = arith.constant 477 : i32
      %add3A_963 = vector.broadcast %add3A_962 : i32 to vector<16xi32>
      %add3A_964 = arith.addi %add3A_963, %iota3A : vector<16xi32>
      %add3A_965 = arith.constant 494 : i32
      %add3A_966 = vector.broadcast %add3A_965 : i32 to vector<16xi32>
      %add3A_967 = arith.addi %add3A_966, %iota3A : vector<16xi32>
      %get3A_968 = arith.constant 14 : i32
      %get3A_969 = arith.index_cast %get3A_968 : i32 to index
      %get3A_970 = arith.constant 0 : index
      %get3A_971 = tpu.vector_load %arg18[%get3A_969, %get3A_970] {strides = array<i32>} : memref<16x16xf32, #tpu.memory_space<vmem>>, vector<16xf32>,
      %get3A_972 = arith.constant 14 : i32
      %get3A_973 = arith.index_cast %get3A_972 : i32 to index
      %get3A_974 = arith.constant 0 : index
      %get3A_975 = tpu.vector_load %arg19[%get3A_973, %get3A_974] {strides = array<i32>} : memref<16x16xf32, #tpu.memory_space<vmem>>, vector<16xf32>,
      tpu.vector_store_idx %arg21[%add3A_964, %add3A_41], %get3A_971 : memref<544x8xf32, #tpu.memory_space<vmem>>[vector<16xi32>, vector<16xi32>], vector<16xf32>,
      tpu.vector_store_idx %arg21[%add3A_967, %add3A_41], %get3A_975 : memref<544x8xf32, #tpu.memory_space<vmem>>[vector<16xi32>, vector<16xi32>], vector<16xf32>,
      %mul3A_976 = arith.mulf %get3A_971, %gather3A_961 : vector<16xf32>
      tpu.vector_store_idx %arg22[%add3A_964, %add3A_41], %mul3A_976 : memref<544x8xf32, #tpu.memory_space<vmem>>[vector<16xi32>, vector<16xi32>], vector<16xf32>,
      %mul3A_977 = arith.mulf %get3A_975, %gather3A_961 : vector<16xf32>
      tpu.vector_store_idx %arg22[%add3A_967, %add3A_41], %mul3A_977 : memref<544x8xf32, #tpu.memory_space<vmem>>[vector<16xi32>, vector<16xi32>], vector<16xf32>,
      %broadcast_in_dim3A_978 = arith.constant 15 : i32
      %broadcast_in_dim3A_979 = vector.broadcast %broadcast_in_dim3A_978 : i32 to vector<16xi32>
      %gather3A_980 = tpu.vector_load_idx %arg14[%add3A_41, %broadcast_in_dim3A_979] : memref<8x16xf32, #tpu.memory_space<vmem>>[vector<16xi32>, vector<16xi32>], vector<16xf32>,
      %add3A_981 = arith.constant 511 : i32
      %add3A_982 = vector.broadcast %add3A_981 : i32 to vector<16xi32>
      %add3A_983 = arith.addi %add3A_982, %iota3A : vector<16xi32>
      %add3A_984 = arith.constant 528 : i32
      %add3A_985 = vector.broadcast %add3A_984 : i32 to vector<16xi32>
      %add3A_986 = arith.addi %add3A_985, %iota3A : vector<16xi32>
      %get3A_987 = arith.constant 15 : i32
      %get3A_988 = arith.index_cast %get3A_987 : i32 to index
      %get3A_989 = arith.constant 0 : index
      %get3A_990 = tpu.vector_load %arg18[%get3A_988, %get3A_989] {strides = array<i32>} : memref<16x16xf32, #tpu.memory_space<vmem>>, vector<16xf32>,
      %get3A_991 = arith.constant 15 : i32
      %get3A_992 = arith.index_cast %get3A_991 : i32 to index
      %get3A_993 = arith.constant 0 : index
      %get3A_994 = tpu.vector_load %arg19[%get3A_992, %get3A_993] {strides = array<i32>} : memref<16x16xf32, #tpu.memory_space<vmem>>, vector<16xf32>,
      tpu.vector_store_idx %arg21[%add3A_983, %add3A_41], %get3A_990 : memref<544x8xf32, #tpu.memory_space<vmem>>[vector<16xi32>, vector<16xi32>], vector<16xf32>,
      tpu.vector_store_idx %arg21[%add3A_986, %add3A_41], %get3A_994 : memref<544x8xf32, #tpu.memory_space<vmem>>[vector<16xi32>, vector<16xi32>], vector<16xf32>,
      %mul3A_995 = arith.mulf %get3A_990, %gather3A_980 : vector<16xf32>
      tpu.vector_store_idx %arg22[%add3A_983, %add3A_41], %mul3A_995 : memref<544x8xf32, #tpu.memory_space<vmem>>[vector<16xi32>, vector<16xi32>], vector<16xf32>,
      %mul3A_996 = arith.mulf %get3A_994, %gather3A_980 : vector<16xf32>
      tpu.vector_store_idx %arg22[%add3A_986, %add3A_41], %mul3A_996 : memref<544x8xf32, #tpu.memory_space<vmem>>[vector<16xi32>, vector<16xi32>], vector<16xf32>,
      %dma_wait3A_997 = arith.constant 0 : i32
      %dma_wait3A_998 = arith.constant 0 : i32
      %dma_wait3A_999 = arith.constant 0 : i32
      %dma_wait3A_1000 = tpu.memref_slice %arg23[%dma_wait3A_998, %dma_wait3A_999] : memref<544x128xf32, #tpu.memory_space<vmem>> -> memref<32x128xf32, #tpu.memory_space<vmem>>
      %dma_wait3A_1001 = arith.constant 0 : i32
      %dma_wait3A_1002 = tpu.memref_slice %arg20[%dma_wait3A_997, %dma_wait3A_1001] : memref<17x32xi32, #tpu.memory_space<vmem>> -> memref<1x32xi32, #tpu.memory_space<vmem>>
      %dma_wait3A_1003 = tpu.memref_squeeze %dma_wait3A_1002 : memref<1x32xi32, #tpu.memory_space<vmem>> -> memref<32xi32, #tpu.memory_space<vmem>>
      %dma_wait3A_1004 = arith.constant 0 : i32
      %dma_wait3A_1005 = arith.constant 0 : i32
      %dma_wait3A_1006 = tpu.memref_slice %arg3[%dma_wait3A_1004, %dma_wait3A_1005] : memref<100000x128xf32, #tpu.memory_space<hbm>> -> memref<100000x128xf32, #tpu.memory_space<hbm>>
      tpu.wait_indirect_dma semaphore(%arg24 : memref<!tpu.dma_semaphore, #tpu.memory_space<semaphore_mem>>) src(%dma_wait3A_1006 : memref<100000x128xf32, #tpu.memory_space<hbm>>) dst(%dma_wait3A_1000 : memref<32x128xf32, #tpu.memory_space<vmem>>)
      %dma_wait3A_1007 = arith.constant 1 : i32
      %dma_wait3A_1008 = arith.constant 32 : i32
      %dma_wait3A_1009 = arith.constant 0 : i32
      %dma_wait3A_1010 = tpu.memref_slice %arg23[%dma_wait3A_1008, %dma_wait3A_1009] : memref<544x128xf32, #tpu.memory_space<vmem>> -> memref<32x128xf32, #tpu.memory_space<vmem>>
      %dma_wait3A_1011 = arith.constant 0 : i32
      %dma_wait3A_1012 = tpu.memref_slice %arg20[%dma_wait3A_1007, %dma_wait3A_1011] : memref<17x32xi32, #tpu.memory_space<vmem>> -> memref<1x32xi32, #tpu.memory_space<vmem>>
      %dma_wait3A_1013 = tpu.memref_squeeze %dma_wait3A_1012 : memref<1x32xi32, #tpu.memory_space<vmem>> -> memref<32xi32, #tpu.memory_space<vmem>>
      %dma_wait3A_1014 = arith.constant 0 : i32
      %dma_wait3A_1015 = arith.constant 0 : i32
      %dma_wait3A_1016 = tpu.memref_slice %arg3[%dma_wait3A_1014, %dma_wait3A_1015] : memref<100000x128xf32, #tpu.memory_space<hbm>> -> memref<100000x128xf32, #tpu.memory_space<hbm>>
      tpu.wait_indirect_dma semaphore(%arg24 : memref<!tpu.dma_semaphore, #tpu.memory_space<semaphore_mem>>) src(%dma_wait3A_1016 : memref<100000x128xf32, #tpu.memory_space<hbm>>) dst(%dma_wait3A_1010 : memref<32x128xf32, #tpu.memory_space<vmem>>)
      %dma_wait3A_1017 = arith.constant 2 : i32
      %dma_wait3A_1018 = arith.constant 64 : i32
      %dma_wait3A_1019 = arith.constant 0 : i32
      %dma_wait3A_1020 = tpu.memref_slice %arg23[%dma_wait3A_1018, %dma_wait3A_1019] : memref<544x128xf32, #tpu.memory_space<vmem>> -> memref<32x128xf32, #tpu.memory_space<vmem>>
      %dma_wait3A_1021 = arith.constant 0 : i32
      %dma_wait3A_1022 = tpu.memref_slice %arg20[%dma_wait3A_1017, %dma_wait3A_1021] : memref<17x32xi32, #tpu.memory_space<vmem>> -> memref<1x32xi32, #tpu.memory_space<vmem>>
      %dma_wait3A_1023 = tpu.memref_squeeze %dma_wait3A_1022 : memref<1x32xi32, #tpu.memory_space<vmem>> -> memref<32xi32, #tpu.memory_space<vmem>>
      %dma_wait3A_1024 = arith.constant 0 : i32
      %dma_wait3A_1025 = arith.constant 0 : i32
      %dma_wait3A_1026 = tpu.memref_slice %arg3[%dma_wait3A_1024, %dma_wait3A_1025] : memref<100000x128xf32, #tpu.memory_space<hbm>> -> memref<100000x128xf32, #tpu.memory_space<hbm>>
      tpu.wait_indirect_dma semaphore(%arg24 : memref<!tpu.dma_semaphore, #tpu.memory_space<semaphore_mem>>) src(%dma_wait3A_1026 : memref<100000x128xf32, #tpu.memory_space<hbm>>) dst(%dma_wait3A_1020 : memref<32x128xf32, #tpu.memory_space<vmem>>)
      %dma_wait3A_1027 = arith.constant 3 : i32
      %dma_wait3A_1028 = arith.constant 96 : i32
      %dma_wait3A_1029 = arith.constant 0 : i32
      %dma_wait3A_1030 = tpu.memref_slice %arg23[%dma_wait3A_1028, %dma_wait3A_1029] : memref<544x128xf32, #tpu.memory_space<vmem>> -> memref<32x128xf32, #tpu.memory_space<vmem>>
      %dma_wait3A_1031 = arith.constant 0 : i32
      %dma_wait3A_1032 = tpu.memref_slice %arg20[%dma_wait3A_1027, %dma_wait3A_1031] : memref<17x32xi32, #tpu.memory_space<vmem>> -> memref<1x32xi32, #tpu.memory_space<vmem>>
      %dma_wait3A_1033 = tpu.memref_squeeze %dma_wait3A_1032 : memref<1x32xi32, #tpu.memory_space<vmem>> -> memref<32xi32, #tpu.memory_space<vmem>>
      %dma_wait3A_1034 = arith.constant 0 : i32
      %dma_wait3A_1035 = arith.constant 0 : i32
      %dma_wait3A_1036 = tpu.memref_slice %arg3[%dma_wait3A_1034, %dma_wait3A_1035] : memref<100000x128xf32, #tpu.memory_space<hbm>> -> memref<100000x128xf32, #tpu.memory_space<hbm>>
      tpu.wait_indirect_dma semaphore(%arg24 : memref<!tpu.dma_semaphore, #tpu.memory_space<semaphore_mem>>) src(%dma_wait3A_1036 : memref<100000x128xf32, #tpu.memory_space<hbm>>) dst(%dma_wait3A_1030 : memref<32x128xf32, #tpu.memory_space<vmem>>)
      %dma_wait3A_1037 = arith.constant 4 : i32
      %dma_wait3A_1038 = arith.constant 128 : i32
      %dma_wait3A_1039 = arith.constant 0 : i32
      %dma_wait3A_1040 = tpu.memref_slice %arg23[%dma_wait3A_1038, %dma_wait3A_1039] : memref<544x128xf32, #tpu.memory_space<vmem>> -> memref<32x128xf32, #tpu.memory_space<vmem>>
      %dma_wait3A_1041 = arith.constant 0 : i32
      %dma_wait3A_1042 = tpu.memref_slice %arg20[%dma_wait3A_1037, %dma_wait3A_1041] : memref<17x32xi32, #tpu.memory_space<vmem>> -> memref<1x32xi32, #tpu.memory_space<vmem>>
      %dma_wait3A_1043 = tpu.memref_squeeze %dma_wait3A_1042 : memref<1x32xi32, #tpu.memory_space<vmem>> -> memref<32xi32, #tpu.memory_space<vmem>>
      %dma_wait3A_1044 = arith.constant 0 : i32
      %dma_wait3A_1045 = arith.constant 0 : i32
      %dma_wait3A_1046 = tpu.memref_slice %arg3[%dma_wait3A_1044, %dma_wait3A_1045] : memref<100000x128xf32, #tpu.memory_space<hbm>> -> memref<100000x128xf32, #tpu.memory_space<hbm>>
      tpu.wait_indirect_dma semaphore(%arg24 : memref<!tpu.dma_semaphore, #tpu.memory_space<semaphore_mem>>) src(%dma_wait3A_1046 : memref<100000x128xf32, #tpu.memory_space<hbm>>) dst(%dma_wait3A_1040 : memref<32x128xf32, #tpu.memory_space<vmem>>)
      %add3A_1047 = arith.addi %mul3A_2, %add3A_39 : i32
      %dma_start3A_1048 = arith.constant 0 : i32
      %dma_start3A_1049 = arith.constant 0 : i32
      %dma_start3A_1050 = tpu.memref_slice %arg23[%dma_start3A_1048, %dma_start3A_1049] : memref<544x128xf32, #tpu.memory_space<vmem>> -> memref<160x128xf32, #tpu.memory_space<vmem>>
      %dma_start3A_1051 = arith.constant 0 : i32
      %dma_start3A_1052 = arith.constant 0 : i32
      %dma_start3A_1053 = tpu.memref_slice %arg8[%add3A_1047, %dma_start3A_1051, %dma_start3A_1052] : memref<256x1088x128xf32, #tpu.memory_space<hbm>> -> memref<1x160x128xf32, #tpu.memory_space<hbm>>
      %dma_start3A_1054 = tpu.memref_squeeze %dma_start3A_1053 : memref<1x160x128xf32, #tpu.memory_space<hbm>> -> memref<160x128xf32, #tpu.memory_space<hbm>>
      %dma_start3A_1055 = arith.constant 0 : i32
      %dma_start3A_1056 = arith.constant 0 : i32
      %dma_start3A_1057 = tpu.memref_slice %arg8[%add3A_1047, %dma_start3A_1055, %dma_start3A_1056] : memref<256x1088x128xf32, #tpu.memory_space<hbm>> -> memref<1x160x128xf32, #tpu.memory_space<hbm>>
      %dma_start3A_1058 = tpu.memref_squeeze %dma_start3A_1057 : memref<1x160x128xf32, #tpu.memory_space<hbm>> -> memref<160x128xf32, #tpu.memory_space<hbm>>
      %dma_start3A_1059 = arith.constant 0 : i32
      %dma_start3A_1060 = arith.constant 0 : i32
      %dma_start3A_1061 = tpu.memref_slice %arg23[%dma_start3A_1059, %dma_start3A_1060] : memref<544x128xf32, #tpu.memory_space<vmem>> -> memref<160x128xf32, #tpu.memory_space<vmem>>
      tpu.enqueue_dma source(%dma_start3A_1061 : memref<160x128xf32, #tpu.memory_space<vmem>>) target(%dma_start3A_1058 : memref<160x128xf32, #tpu.memory_space<hbm>>) target_semaphore(%arg25 : memref<!tpu.dma_semaphore, #tpu.memory_space<semaphore_mem>>)
      %dma_wait3A_1062 = arith.constant 5 : i32
      %dma_wait3A_1063 = arith.constant 160 : i32
      %dma_wait3A_1064 = arith.constant 0 : i32
      %dma_wait3A_1065 = tpu.memref_slice %arg23[%dma_wait3A_1063, %dma_wait3A_1064] : memref<544x128xf32, #tpu.memory_space<vmem>> -> memref<32x128xf32, #tpu.memory_space<vmem>>
      %dma_wait3A_1066 = arith.constant 0 : i32
      %dma_wait3A_1067 = tpu.memref_slice %arg20[%dma_wait3A_1062, %dma_wait3A_1066] : memref<17x32xi32, #tpu.memory_space<vmem>> -> memref<1x32xi32, #tpu.memory_space<vmem>>
      %dma_wait3A_1068 = tpu.memref_squeeze %dma_wait3A_1067 : memref<1x32xi32, #tpu.memory_space<vmem>> -> memref<32xi32, #tpu.memory_space<vmem>>
      %dma_wait3A_1069 = arith.constant 0 : i32
      %dma_wait3A_1070 = arith.constant 0 : i32
      %dma_wait3A_1071 = tpu.memref_slice %arg3[%dma_wait3A_1069, %dma_wait3A_1070] : memref<100000x128xf32, #tpu.memory_space<hbm>> -> memref<100000x128xf32, #tpu.memory_space<hbm>>
      tpu.wait_indirect_dma semaphore(%arg24 : memref<!tpu.dma_semaphore, #tpu.memory_space<semaphore_mem>>) src(%dma_wait3A_1071 : memref<100000x128xf32, #tpu.memory_space<hbm>>) dst(%dma_wait3A_1065 : memref<32x128xf32, #tpu.memory_space<vmem>>)
      %dma_wait3A_1072 = arith.constant 6 : i32
      %dma_wait3A_1073 = arith.constant 192 : i32
      %dma_wait3A_1074 = arith.constant 0 : i32
      %dma_wait3A_1075 = tpu.memref_slice %arg23[%dma_wait3A_1073, %dma_wait3A_1074] : memref<544x128xf32, #tpu.memory_space<vmem>> -> memref<32x128xf32, #tpu.memory_space<vmem>>
      %dma_wait3A_1076 = arith.constant 0 : i32
      %dma_wait3A_1077 = tpu.memref_slice %arg20[%dma_wait3A_1072, %dma_wait3A_1076] : memref<17x32xi32, #tpu.memory_space<vmem>> -> memref<1x32xi32, #tpu.memory_space<vmem>>
      %dma_wait3A_1078 = tpu.memref_squeeze %dma_wait3A_1077 : memref<1x32xi32, #tpu.memory_space<vmem>> -> memref<32xi32, #tpu.memory_space<vmem>>
      %dma_wait3A_1079 = arith.constant 0 : i32
      %dma_wait3A_1080 = arith.constant 0 : i32
      %dma_wait3A_1081 = tpu.memref_slice %arg3[%dma_wait3A_1079, %dma_wait3A_1080] : memref<100000x128xf32, #tpu.memory_space<hbm>> -> memref<100000x128xf32, #tpu.memory_space<hbm>>
      tpu.wait_indirect_dma semaphore(%arg24 : memref<!tpu.dma_semaphore, #tpu.memory_space<semaphore_mem>>) src(%dma_wait3A_1081 : memref<100000x128xf32, #tpu.memory_space<hbm>>) dst(%dma_wait3A_1075 : memref<32x128xf32, #tpu.memory_space<vmem>>)
      %dma_wait3A_1082 = arith.constant 7 : i32
      %dma_wait3A_1083 = arith.constant 224 : i32
      %dma_wait3A_1084 = arith.constant 0 : i32
      %dma_wait3A_1085 = tpu.memref_slice %arg23[%dma_wait3A_1083, %dma_wait3A_1084] : memref<544x128xf32, #tpu.memory_space<vmem>> -> memref<32x128xf32, #tpu.memory_space<vmem>>
      %dma_wait3A_1086 = arith.constant 0 : i32
      %dma_wait3A_1087 = tpu.memref_slice %arg20[%dma_wait3A_1082, %dma_wait3A_1086] : memref<17x32xi32, #tpu.memory_space<vmem>> -> memref<1x32xi32, #tpu.memory_space<vmem>>
      %dma_wait3A_1088 = tpu.memref_squeeze %dma_wait3A_1087 : memref<1x32xi32, #tpu.memory_space<vmem>> -> memref<32xi32, #tpu.memory_space<vmem>>
      %dma_wait3A_1089 = arith.constant 0 : i32
      %dma_wait3A_1090 = arith.constant 0 : i32
      %dma_wait3A_1091 = tpu.memref_slice %arg3[%dma_wait3A_1089, %dma_wait3A_1090] : memref<100000x128xf32, #tpu.memory_space<hbm>> -> memref<100000x128xf32, #tpu.memory_space<hbm>>
      tpu.wait_indirect_dma semaphore(%arg24 : memref<!tpu.dma_semaphore, #tpu.memory_space<semaphore_mem>>) src(%dma_wait3A_1091 : memref<100000x128xf32, #tpu.memory_space<hbm>>) dst(%dma_wait3A_1085 : memref<32x128xf32, #tpu.memory_space<vmem>>)
      %dma_wait3A_1092 = arith.constant 8 : i32
      %dma_wait3A_1093 = arith.constant 256 : i32
      %dma_wait3A_1094 = arith.constant 0 : i32
      %dma_wait3A_1095 = tpu.memref_slice %arg23[%dma_wait3A_1093, %dma_wait3A_1094] : memref<544x128xf32, #tpu.memory_space<vmem>> -> memref<32x128xf32, #tpu.memory_space<vmem>>
      %dma_wait3A_1096 = arith.constant 0 : i32
      %dma_wait3A_1097 = tpu.memref_slice %arg20[%dma_wait3A_1092, %dma_wait3A_1096] : memref<17x32xi32, #tpu.memory_space<vmem>> -> memref<1x32xi32, #tpu.memory_space<vmem>>
      %dma_wait3A_1098 = tpu.memref_squeeze %dma_wait3A_1097 : memref<1x32xi32, #tpu.memory_space<vmem>> -> memref<32xi32, #tpu.memory_space<vmem>>
      %dma_wait3A_1099 = arith.constant 0 : i32
      %dma_wait3A_1100 = arith.constant 0 : i32
      %dma_wait3A_1101 = tpu.memref_slice %arg3[%dma_wait3A_1099, %dma_wait3A_1100] : memref<100000x128xf32, #tpu.memory_space<hbm>> -> memref<100000x128xf32, #tpu.memory_space<hbm>>
      tpu.wait_indirect_dma semaphore(%arg24 : memref<!tpu.dma_semaphore, #tpu.memory_space<semaphore_mem>>) src(%dma_wait3A_1101 : memref<100000x128xf32, #tpu.memory_space<hbm>>) dst(%dma_wait3A_1095 : memref<32x128xf32, #tpu.memory_space<vmem>>)
      %add3A_1102 = arith.addi %mul3A_2, %add3A_39 : i32
      %dma_start3A_1103 = arith.constant 160 : i32
      %dma_start3A_1104 = arith.constant 0 : i32
      %dma_start3A_1105 = tpu.memref_slice %arg23[%dma_start3A_1103, %dma_start3A_1104] : memref<544x128xf32, #tpu.memory_space<vmem>> -> memref<128x128xf32, #tpu.memory_space<vmem>>
      %dma_start3A_1106 = arith.constant 160 : i32
      %dma_start3A_1107 = arith.constant 0 : i32
      %dma_start3A_1108 = tpu.memref_slice %arg8[%add3A_1102, %dma_start3A_1106, %dma_start3A_1107] : memref<256x1088x128xf32, #tpu.memory_space<hbm>> -> memref<1x128x128xf32, #tpu.memory_space<hbm>>
      %dma_start3A_1109 = tpu.memref_squeeze %dma_start3A_1108 : memref<1x128x128xf32, #tpu.memory_space<hbm>> -> memref<128x128xf32, #tpu.memory_space<hbm>>
      %dma_start3A_1110 = arith.constant 160 : i32
      %dma_start3A_1111 = arith.constant 0 : i32
      %dma_start3A_1112 = tpu.memref_slice %arg8[%add3A_1102, %dma_start3A_1110, %dma_start3A_1111] : memref<256x1088x128xf32, #tpu.memory_space<hbm>> -> memref<1x128x128xf32, #tpu.memory_space<hbm>>
      %dma_start3A_1113 = tpu.memref_squeeze %dma_start3A_1112 : memref<1x128x128xf32, #tpu.memory_space<hbm>> -> memref<128x128xf32, #tpu.memory_space<hbm>>
      %dma_start3A_1114 = arith.constant 160 : i32
      %dma_start3A_1115 = arith.constant 0 : i32
      %dma_start3A_1116 = tpu.memref_slice %arg23[%dma_start3A_1114, %dma_start3A_1115] : memref<544x128xf32, #tpu.memory_space<vmem>> -> memref<128x128xf32, #tpu.memory_space<vmem>>
      tpu.enqueue_dma source(%dma_start3A_1116 : memref<128x128xf32, #tpu.memory_space<vmem>>) target(%dma_start3A_1113 : memref<128x128xf32, #tpu.memory_space<hbm>>) target_semaphore(%arg25 : memref<!tpu.dma_semaphore, #tpu.memory_space<semaphore_mem>>)
      %dma_wait3A_1117 = arith.constant 9 : i32
      %dma_wait3A_1118 = arith.constant 288 : i32
      %dma_wait3A_1119 = arith.constant 0 : i32
      %dma_wait3A_1120 = tpu.memref_slice %arg23[%dma_wait3A_1118, %dma_wait3A_1119] : memref<544x128xf32, #tpu.memory_space<vmem>> -> memref<32x128xf32, #tpu.memory_space<vmem>>
      %dma_wait3A_1121 = arith.constant 0 : i32
      %dma_wait3A_1122 = tpu.memref_slice %arg20[%dma_wait3A_1117, %dma_wait3A_1121] : memref<17x32xi32, #tpu.memory_space<vmem>> -> memref<1x32xi32, #tpu.memory_space<vmem>>
      %dma_wait3A_1123 = tpu.memref_squeeze %dma_wait3A_1122 : memref<1x32xi32, #tpu.memory_space<vmem>> -> memref<32xi32, #tpu.memory_space<vmem>>
      %dma_wait3A_1124 = arith.constant 0 : i32
      %dma_wait3A_1125 = arith.constant 0 : i32
      %dma_wait3A_1126 = tpu.memref_slice %arg3[%dma_wait3A_1124, %dma_wait3A_1125] : memref<100000x128xf32, #tpu.memory_space<hbm>> -> memref<100000x128xf32, #tpu.memory_space<hbm>>
      tpu.wait_indirect_dma semaphore(%arg24 : memref<!tpu.dma_semaphore, #tpu.memory_space<semaphore_mem>>) src(%dma_wait3A_1126 : memref<100000x128xf32, #tpu.memory_space<hbm>>) dst(%dma_wait3A_1120 : memref<32x128xf32, #tpu.memory_space<vmem>>)
      %dma_wait3A_1127 = arith.constant 10 : i32
      %dma_wait3A_1128 = arith.constant 320 : i32
      %dma_wait3A_1129 = arith.constant 0 : i32
      %dma_wait3A_1130 = tpu.memref_slice %arg23[%dma_wait3A_1128, %dma_wait3A_1129] : memref<544x128xf32, #tpu.memory_space<vmem>> -> memref<32x128xf32, #tpu.memory_space<vmem>>
      %dma_wait3A_1131 = arith.constant 0 : i32
      %dma_wait3A_1132 = tpu.memref_slice %arg20[%dma_wait3A_1127, %dma_wait3A_1131] : memref<17x32xi32, #tpu.memory_space<vmem>> -> memref<1x32xi32, #tpu.memory_space<vmem>>
      %dma_wait3A_1133 = tpu.memref_squeeze %dma_wait3A_1132 : memref<1x32xi32, #tpu.memory_space<vmem>> -> memref<32xi32, #tpu.memory_space<vmem>>
      %dma_wait3A_1134 = arith.constant 0 : i32
      %dma_wait3A_1135 = arith.constant 0 : i32
      %dma_wait3A_1136 = tpu.memref_slice %arg3[%dma_wait3A_1134, %dma_wait3A_1135] : memref<100000x128xf32, #tpu.memory_space<hbm>> -> memref<100000x128xf32, #tpu.memory_space<hbm>>
      tpu.wait_indirect_dma semaphore(%arg24 : memref<!tpu.dma_semaphore, #tpu.memory_space<semaphore_mem>>) src(%dma_wait3A_1136 : memref<100000x128xf32, #tpu.memory_space<hbm>>) dst(%dma_wait3A_1130 : memref<32x128xf32, #tpu.memory_space<vmem>>)
      %dma_wait3A_1137 = arith.constant 11 : i32
      %dma_wait3A_1138 = arith.constant 352 : i32
      %dma_wait3A_1139 = arith.constant 0 : i32
      %dma_wait3A_1140 = tpu.memref_slice %arg23[%dma_wait3A_1138, %dma_wait3A_1139] : memref<544x128xf32, #tpu.memory_space<vmem>> -> memref<32x128xf32, #tpu.memory_space<vmem>>
      %dma_wait3A_1141 = arith.constant 0 : i32
      %dma_wait3A_1142 = tpu.memref_slice %arg20[%dma_wait3A_1137, %dma_wait3A_1141] : memref<17x32xi32, #tpu.memory_space<vmem>> -> memref<1x32xi32, #tpu.memory_space<vmem>>
      %dma_wait3A_1143 = tpu.memref_squeeze %dma_wait3A_1142 : memref<1x32xi32, #tpu.memory_space<vmem>> -> memref<32xi32, #tpu.memory_space<vmem>>
      %dma_wait3A_1144 = arith.constant 0 : i32
      %dma_wait3A_1145 = arith.constant 0 : i32
      %dma_wait3A_1146 = tpu.memref_slice %arg3[%dma_wait3A_1144, %dma_wait3A_1145] : memref<100000x128xf32, #tpu.memory_space<hbm>> -> memref<100000x128xf32, #tpu.memory_space<hbm>>
      tpu.wait_indirect_dma semaphore(%arg24 : memref<!tpu.dma_semaphore, #tpu.memory_space<semaphore_mem>>) src(%dma_wait3A_1146 : memref<100000x128xf32, #tpu.memory_space<hbm>>) dst(%dma_wait3A_1140 : memref<32x128xf32, #tpu.memory_space<vmem>>)
      %dma_wait3A_1147 = arith.constant 12 : i32
      %dma_wait3A_1148 = arith.constant 384 : i32
      %dma_wait3A_1149 = arith.constant 0 : i32
      %dma_wait3A_1150 = tpu.memref_slice %arg23[%dma_wait3A_1148, %dma_wait3A_1149] : memref<544x128xf32, #tpu.memory_space<vmem>> -> memref<32x128xf32, #tpu.memory_space<vmem>>
      %dma_wait3A_1151 = arith.constant 0 : i32
      %dma_wait3A_1152 = tpu.memref_slice %arg20[%dma_wait3A_1147, %dma_wait3A_1151] : memref<17x32xi32, #tpu.memory_space<vmem>> -> memref<1x32xi32, #tpu.memory_space<vmem>>
      %dma_wait3A_1153 = tpu.memref_squeeze %dma_wait3A_1152 : memref<1x32xi32, #tpu.memory_space<vmem>> -> memref<32xi32, #tpu.memory_space<vmem>>
      %dma_wait3A_1154 = arith.constant 0 : i32
      %dma_wait3A_1155 = arith.constant 0 : i32
      %dma_wait3A_1156 = tpu.memref_slice %arg3[%dma_wait3A_1154, %dma_wait3A_1155] : memref<100000x128xf32, #tpu.memory_space<hbm>> -> memref<100000x128xf32, #tpu.memory_space<hbm>>
      tpu.wait_indirect_dma semaphore(%arg24 : memref<!tpu.dma_semaphore, #tpu.memory_space<semaphore_mem>>) src(%dma_wait3A_1156 : memref<100000x128xf32, #tpu.memory_space<hbm>>) dst(%dma_wait3A_1150 : memref<32x128xf32, #tpu.memory_space<vmem>>)
      %add3A_1157 = arith.addi %mul3A_2, %add3A_39 : i32
      %dma_start3A_1158 = arith.constant 288 : i32
      %dma_start3A_1159 = arith.constant 0 : i32
      %dma_start3A_1160 = tpu.memref_slice %arg23[%dma_start3A_1158, %dma_start3A_1159] : memref<544x128xf32, #tpu.memory_space<vmem>> -> memref<128x128xf32, #tpu.memory_space<vmem>>
      %dma_start3A_1161 = arith.constant 288 : i32
      %dma_start3A_1162 = arith.constant 0 : i32
      %dma_start3A_1163 = tpu.memref_slice %arg8[%add3A_1157, %dma_start3A_1161, %dma_start3A_1162] : memref<256x1088x128xf32, #tpu.memory_space<hbm>> -> memref<1x128x128xf32, #tpu.memory_space<hbm>>
      %dma_start3A_1164 = tpu.memref_squeeze %dma_start3A_1163 : memref<1x128x128xf32, #tpu.memory_space<hbm>> -> memref<128x128xf32, #tpu.memory_space<hbm>>
      %dma_start3A_1165 = arith.constant 288 : i32
      %dma_start3A_1166 = arith.constant 0 : i32
      %dma_start3A_1167 = tpu.memref_slice %arg8[%add3A_1157, %dma_start3A_1165, %dma_start3A_1166] : memref<256x1088x128xf32, #tpu.memory_space<hbm>> -> memref<1x128x128xf32, #tpu.memory_space<hbm>>
      %dma_start3A_1168 = tpu.memref_squeeze %dma_start3A_1167 : memref<1x128x128xf32, #tpu.memory_space<hbm>> -> memref<128x128xf32, #tpu.memory_space<hbm>>
      %dma_start3A_1169 = arith.constant 288 : i32
      %dma_start3A_1170 = arith.constant 0 : i32
      %dma_start3A_1171 = tpu.memref_slice %arg23[%dma_start3A_1169, %dma_start3A_1170] : memref<544x128xf32, #tpu.memory_space<vmem>> -> memref<128x128xf32, #tpu.memory_space<vmem>>
      tpu.enqueue_dma source(%dma_start3A_1171 : memref<128x128xf32, #tpu.memory_space<vmem>>) target(%dma_start3A_1168 : memref<128x128xf32, #tpu.memory_space<hbm>>) target_semaphore(%arg25 : memref<!tpu.dma_semaphore, #tpu.memory_space<semaphore_mem>>)
      %dma_wait3A_1172 = arith.constant 13 : i32
      %dma_wait3A_1173 = arith.constant 416 : i32
      %dma_wait3A_1174 = arith.constant 0 : i32
      %dma_wait3A_1175 = tpu.memref_slice %arg23[%dma_wait3A_1173, %dma_wait3A_1174] : memref<544x128xf32, #tpu.memory_space<vmem>> -> memref<32x128xf32, #tpu.memory_space<vmem>>
      %dma_wait3A_1176 = arith.constant 0 : i32
      %dma_wait3A_1177 = tpu.memref_slice %arg20[%dma_wait3A_1172, %dma_wait3A_1176] : memref<17x32xi32, #tpu.memory_space<vmem>> -> memref<1x32xi32, #tpu.memory_space<vmem>>
      %dma_wait3A_1178 = tpu.memref_squeeze %dma_wait3A_1177 : memref<1x32xi32, #tpu.memory_space<vmem>> -> memref<32xi32, #tpu.memory_space<vmem>>
      %dma_wait3A_1179 = arith.constant 0 : i32
      %dma_wait3A_1180 = arith.constant 0 : i32
      %dma_wait3A_1181 = tpu.memref_slice %arg3[%dma_wait3A_1179, %dma_wait3A_1180] : memref<100000x128xf32, #tpu.memory_space<hbm>> -> memref<100000x128xf32, #tpu.memory_space<hbm>>
      tpu.wait_indirect_dma semaphore(%arg24 : memref<!tpu.dma_semaphore, #tpu.memory_space<semaphore_mem>>) src(%dma_wait3A_1181 : memref<100000x128xf32, #tpu.memory_space<hbm>>) dst(%dma_wait3A_1175 : memref<32x128xf32, #tpu.memory_space<vmem>>)
      %dma_wait3A_1182 = arith.constant 14 : i32
      %dma_wait3A_1183 = arith.constant 448 : i32
      %dma_wait3A_1184 = arith.constant 0 : i32
      %dma_wait3A_1185 = tpu.memref_slice %arg23[%dma_wait3A_1183, %dma_wait3A_1184] : memref<544x128xf32, #tpu.memory_space<vmem>> -> memref<32x128xf32, #tpu.memory_space<vmem>>
      %dma_wait3A_1186 = arith.constant 0 : i32
      %dma_wait3A_1187 = tpu.memref_slice %arg20[%dma_wait3A_1182, %dma_wait3A_1186] : memref<17x32xi32, #tpu.memory_space<vmem>> -> memref<1x32xi32, #tpu.memory_space<vmem>>
      %dma_wait3A_1188 = tpu.memref_squeeze %dma_wait3A_1187 : memref<1x32xi32, #tpu.memory_space<vmem>> -> memref<32xi32, #tpu.memory_space<vmem>>
      %dma_wait3A_1189 = arith.constant 0 : i32
      %dma_wait3A_1190 = arith.constant 0 : i32
      %dma_wait3A_1191 = tpu.memref_slice %arg3[%dma_wait3A_1189, %dma_wait3A_1190] : memref<100000x128xf32, #tpu.memory_space<hbm>> -> memref<100000x128xf32, #tpu.memory_space<hbm>>
      tpu.wait_indirect_dma semaphore(%arg24 : memref<!tpu.dma_semaphore, #tpu.memory_space<semaphore_mem>>) src(%dma_wait3A_1191 : memref<100000x128xf32, #tpu.memory_space<hbm>>) dst(%dma_wait3A_1185 : memref<32x128xf32, #tpu.memory_space<vmem>>)
      %dma_wait3A_1192 = arith.constant 15 : i32
      %dma_wait3A_1193 = arith.constant 480 : i32
      %dma_wait3A_1194 = arith.constant 0 : i32
      %dma_wait3A_1195 = tpu.memref_slice %arg23[%dma_wait3A_1193, %dma_wait3A_1194] : memref<544x128xf32, #tpu.memory_space<vmem>> -> memref<32x128xf32, #tpu.memory_space<vmem>>
      %dma_wait3A_1196 = arith.constant 0 : i32
      %dma_wait3A_1197 = tpu.memref_slice %arg20[%dma_wait3A_1192, %dma_wait3A_1196] : memref<17x32xi32, #tpu.memory_space<vmem>> -> memref<1x32xi32, #tpu.memory_space<vmem>>
      %dma_wait3A_1198 = tpu.memref_squeeze %dma_wait3A_1197 : memref<1x32xi32, #tpu.memory_space<vmem>> -> memref<32xi32, #tpu.memory_space<vmem>>
      %dma_wait3A_1199 = arith.constant 0 : i32
      %dma_wait3A_1200 = arith.constant 0 : i32
      %dma_wait3A_1201 = tpu.memref_slice %arg3[%dma_wait3A_1199, %dma_wait3A_1200] : memref<100000x128xf32, #tpu.memory_space<hbm>> -> memref<100000x128xf32, #tpu.memory_space<hbm>>
      tpu.wait_indirect_dma semaphore(%arg24 : memref<!tpu.dma_semaphore, #tpu.memory_space<semaphore_mem>>) src(%dma_wait3A_1201 : memref<100000x128xf32, #tpu.memory_space<hbm>>) dst(%dma_wait3A_1195 : memref<32x128xf32, #tpu.memory_space<vmem>>)
      %dma_wait3A_1202 = arith.constant 16 : i32
      %dma_wait3A_1203 = arith.constant 512 : i32
      %dma_wait3A_1204 = arith.constant 0 : i32
      %dma_wait3A_1205 = tpu.memref_slice %arg23[%dma_wait3A_1203, %dma_wait3A_1204] : memref<544x128xf32, #tpu.memory_space<vmem>> -> memref<32x128xf32, #tpu.memory_space<vmem>>
      %dma_wait3A_1206 = arith.constant 0 : i32
      %dma_wait3A_1207 = tpu.memref_slice %arg20[%dma_wait3A_1202, %dma_wait3A_1206] : memref<17x32xi32, #tpu.memory_space<vmem>> -> memref<1x32xi32, #tpu.memory_space<vmem>>
      %dma_wait3A_1208 = tpu.memref_squeeze %dma_wait3A_1207 : memref<1x32xi32, #tpu.memory_space<vmem>> -> memref<32xi32, #tpu.memory_space<vmem>>
      %dma_wait3A_1209 = arith.constant 0 : i32
      %dma_wait3A_1210 = arith.constant 0 : i32
      %dma_wait3A_1211 = tpu.memref_slice %arg3[%dma_wait3A_1209, %dma_wait3A_1210] : memref<100000x128xf32, #tpu.memory_space<hbm>> -> memref<100000x128xf32, #tpu.memory_space<hbm>>
      tpu.wait_indirect_dma semaphore(%arg24 : memref<!tpu.dma_semaphore, #tpu.memory_space<semaphore_mem>>) src(%dma_wait3A_1211 : memref<100000x128xf32, #tpu.memory_space<hbm>>) dst(%dma_wait3A_1205 : memref<32x128xf32, #tpu.memory_space<vmem>>)
      %add3A_1212 = arith.addi %mul3A_2, %add3A_39 : i32
      %dma_start3A_1213 = arith.constant 416 : i32
      %dma_start3A_1214 = arith.constant 0 : i32
      %dma_start3A_1215 = tpu.memref_slice %arg23[%dma_start3A_1213, %dma_start3A_1214] : memref<544x128xf32, #tpu.memory_space<vmem>> -> memref<128x128xf32, #tpu.memory_space<vmem>>
      %dma_start3A_1216 = arith.constant 416 : i32
      %dma_start3A_1217 = arith.constant 0 : i32
      %dma_start3A_1218 = tpu.memref_slice %arg8[%add3A_1212, %dma_start3A_1216, %dma_start3A_1217] : memref<256x1088x128xf32, #tpu.memory_space<hbm>> -> memref<1x128x128xf32, #tpu.memory_space<hbm>>
      %dma_start3A_1219 = tpu.memref_squeeze %dma_start3A_1218 : memref<1x128x128xf32, #tpu.memory_space<hbm>> -> memref<128x128xf32, #tpu.memory_space<hbm>>
      %dma_start3A_1220 = arith.constant 416 : i32
      %dma_start3A_1221 = arith.constant 0 : i32
      %dma_start3A_1222 = tpu.memref_slice %arg8[%add3A_1212, %dma_start3A_1220, %dma_start3A_1221] : memref<256x1088x128xf32, #tpu.memory_space<hbm>> -> memref<1x128x128xf32, #tpu.memory_space<hbm>>
      %dma_start3A_1223 = tpu.memref_squeeze %dma_start3A_1222 : memref<1x128x128xf32, #tpu.memory_space<hbm>> -> memref<128x128xf32, #tpu.memory_space<hbm>>
      %dma_start3A_1224 = arith.constant 416 : i32
      %dma_start3A_1225 = arith.constant 0 : i32
      %dma_start3A_1226 = tpu.memref_slice %arg23[%dma_start3A_1224, %dma_start3A_1225] : memref<544x128xf32, #tpu.memory_space<vmem>> -> memref<128x128xf32, #tpu.memory_space<vmem>>
      tpu.enqueue_dma source(%dma_start3A_1226 : memref<128x128xf32, #tpu.memory_space<vmem>>) target(%dma_start3A_1223 : memref<128x128xf32, #tpu.memory_space<hbm>>) target_semaphore(%arg25 : memref<!tpu.dma_semaphore, #tpu.memory_space<semaphore_mem>>)
      %dma_wait3A_1227 = arith.constant 0 : i32
      %dma_wait3A_1228 = arith.constant 0 : i32
      %dma_wait3A_1229 = tpu.memref_slice %arg23[%dma_wait3A_1227, %dma_wait3A_1228] : memref<544x128xf32, #tpu.memory_space<vmem>> -> memref<160x128xf32, #tpu.memory_space<vmem>>
      %dma_wait3A_1230 = arith.constant 0 : i32
      %dma_wait3A_1231 = arith.constant 0 : i32
      %dma_wait3A_1232 = tpu.memref_slice %arg8[%add3A_1047, %dma_wait3A_1230, %dma_wait3A_1231] : memref<256x1088x128xf32, #tpu.memory_space<hbm>> -> memref<1x160x128xf32, #tpu.memory_space<hbm>>
      %dma_wait3A_1233 = tpu.memref_squeeze %dma_wait3A_1232 : memref<1x160x128xf32, #tpu.memory_space<hbm>> -> memref<160x128xf32, #tpu.memory_space<hbm>>
      %dma_wait3A_1234 = arith.constant 0 : i32
      %dma_wait3A_1235 = arith.constant 0 : i32
      %dma_wait3A_1236 = tpu.memref_slice %arg8[%add3A_1047, %dma_wait3A_1234, %dma_wait3A_1235] : memref<256x1088x128xf32, #tpu.memory_space<hbm>> -> memref<1x160x128xf32, #tpu.memory_space<hbm>>
      %dma_wait3A_1237 = tpu.memref_squeeze %dma_wait3A_1236 : memref<1x160x128xf32, #tpu.memory_space<hbm>> -> memref<160x128xf32, #tpu.memory_space<hbm>>
      %dma_wait3A_1238 = arith.constant 0 : i32
      %dma_wait3A_1239 = arith.constant 0 : i32
      %dma_wait3A_1240 = tpu.memref_slice %arg23[%dma_wait3A_1238, %dma_wait3A_1239] : memref<544x128xf32, #tpu.memory_space<vmem>> -> memref<160x128xf32, #tpu.memory_space<vmem>>
      tpu.wait_dma2 semaphore(%arg25 : memref<!tpu.dma_semaphore, #tpu.memory_space<semaphore_mem>>) src(%dma_wait3A_1240 : memref<160x128xf32, #tpu.memory_space<vmem>>) dst(%dma_wait3A_1237 : memref<160x128xf32, #tpu.memory_space<hbm>>)
      %dma_wait3A_1241 = arith.constant 160 : i32
      %dma_wait3A_1242 = arith.constant 0 : i32
      %dma_wait3A_1243 = tpu.memref_slice %arg23[%dma_wait3A_1241, %dma_wait3A_1242] : memref<544x128xf32, #tpu.memory_space<vmem>> -> memref<128x128xf32, #tpu.memory_space<vmem>>
      %dma_wait3A_1244 = arith.constant 160 : i32
      %dma_wait3A_1245 = arith.constant 0 : i32
      %dma_wait3A_1246 = tpu.memref_slice %arg8[%add3A_1102, %dma_wait3A_1244, %dma_wait3A_1245] : memref<256x1088x128xf32, #tpu.memory_space<hbm>> -> memref<1x128x128xf32, #tpu.memory_space<hbm>>
      %dma_wait3A_1247 = tpu.memref_squeeze %dma_wait3A_1246 : memref<1x128x128xf32, #tpu.memory_space<hbm>> -> memref<128x128xf32, #tpu.memory_space<hbm>>
      %dma_wait3A_1248 = arith.constant 160 : i32
      %dma_wait3A_1249 = arith.constant 0 : i32
      %dma_wait3A_1250 = tpu.memref_slice %arg8[%add3A_1102, %dma_wait3A_1248, %dma_wait3A_1249] : memref<256x1088x128xf32, #tpu.memory_space<hbm>> -> memref<1x128x128xf32, #tpu.memory_space<hbm>>
      %dma_wait3A_1251 = tpu.memref_squeeze %dma_wait3A_1250 : memref<1x128x128xf32, #tpu.memory_space<hbm>> -> memref<128x128xf32, #tpu.memory_space<hbm>>
      %dma_wait3A_1252 = arith.constant 160 : i32
      %dma_wait3A_1253 = arith.constant 0 : i32
      %dma_wait3A_1254 = tpu.memref_slice %arg23[%dma_wait3A_1252, %dma_wait3A_1253] : memref<544x128xf32, #tpu.memory_space<vmem>> -> memref<128x128xf32, #tpu.memory_space<vmem>>
      tpu.wait_dma2 semaphore(%arg25 : memref<!tpu.dma_semaphore, #tpu.memory_space<semaphore_mem>>) src(%dma_wait3A_1254 : memref<128x128xf32, #tpu.memory_space<vmem>>) dst(%dma_wait3A_1251 : memref<128x128xf32, #tpu.memory_space<hbm>>)
      %dma_wait3A_1255 = arith.constant 288 : i32
      %dma_wait3A_1256 = arith.constant 0 : i32
      %dma_wait3A_1257 = tpu.memref_slice %arg23[%dma_wait3A_1255, %dma_wait3A_1256] : memref<544x128xf32, #tpu.memory_space<vmem>> -> memref<128x128xf32, #tpu.memory_space<vmem>>
      %dma_wait3A_1258 = arith.constant 288 : i32
      %dma_wait3A_1259 = arith.constant 0 : i32
      %dma_wait3A_1260 = tpu.memref_slice %arg8[%add3A_1157, %dma_wait3A_1258, %dma_wait3A_1259] : memref<256x1088x128xf32, #tpu.memory_space<hbm>> -> memref<1x128x128xf32, #tpu.memory_space<hbm>>
      %dma_wait3A_1261 = tpu.memref_squeeze %dma_wait3A_1260 : memref<1x128x128xf32, #tpu.memory_space<hbm>> -> memref<128x128xf32, #tpu.memory_space<hbm>>
      %dma_wait3A_1262 = arith.constant 288 : i32
      %dma_wait3A_1263 = arith.constant 0 : i32
      %dma_wait3A_1264 = tpu.memref_slice %arg8[%add3A_1157, %dma_wait3A_1262, %dma_wait3A_1263] : memref<256x1088x128xf32, #tpu.memory_space<hbm>> -> memref<1x128x128xf32, #tpu.memory_space<hbm>>
      %dma_wait3A_1265 = tpu.memref_squeeze %dma_wait3A_1264 : memref<1x128x128xf32, #tpu.memory_space<hbm>> -> memref<128x128xf32, #tpu.memory_space<hbm>>
      %dma_wait3A_1266 = arith.constant 288 : i32
      %dma_wait3A_1267 = arith.constant 0 : i32
      %dma_wait3A_1268 = tpu.memref_slice %arg23[%dma_wait3A_1266, %dma_wait3A_1267] : memref<544x128xf32, #tpu.memory_space<vmem>> -> memref<128x128xf32, #tpu.memory_space<vmem>>
      tpu.wait_dma2 semaphore(%arg25 : memref<!tpu.dma_semaphore, #tpu.memory_space<semaphore_mem>>) src(%dma_wait3A_1268 : memref<128x128xf32, #tpu.memory_space<vmem>>) dst(%dma_wait3A_1265 : memref<128x128xf32, #tpu.memory_space<hbm>>)
      %dma_wait3A_1269 = arith.constant 416 : i32
      %dma_wait3A_1270 = arith.constant 0 : i32
      %dma_wait3A_1271 = tpu.memref_slice %arg23[%dma_wait3A_1269, %dma_wait3A_1270] : memref<544x128xf32, #tpu.memory_space<vmem>> -> memref<128x128xf32, #tpu.memory_space<vmem>>
      %dma_wait3A_1272 = arith.constant 416 : i32
      %dma_wait3A_1273 = arith.constant 0 : i32
      %dma_wait3A_1274 = tpu.memref_slice %arg8[%add3A_1212, %dma_wait3A_1272, %dma_wait3A_1273] : memref<256x1088x128xf32, #tpu.memory_space<hbm>> -> memref<1x128x128xf32, #tpu.memory_space<hbm>>
      %dma_wait3A_1275 = tpu.memref_squeeze %dma_wait3A_1274 : memref<1x128x128xf32, #tpu.memory_space<hbm>> -> memref<128x128xf32, #tpu.memory_space<hbm>>
      %dma_wait3A_1276 = arith.constant 416 : i32
      %dma_wait3A_1277 = arith.constant 0 : i32
      %dma_wait3A_1278 = tpu.memref_slice %arg8[%add3A_1212, %dma_wait3A_1276, %dma_wait3A_1277] : memref<256x1088x128xf32, #tpu.memory_space<hbm>> -> memref<1x128x128xf32, #tpu.memory_space<hbm>>
      %dma_wait3A_1279 = tpu.memref_squeeze %dma_wait3A_1278 : memref<1x128x128xf32, #tpu.memory_space<hbm>> -> memref<128x128xf32, #tpu.memory_space<hbm>>
      %dma_wait3A_1280 = arith.constant 416 : i32
      %dma_wait3A_1281 = arith.constant 0 : i32
      %dma_wait3A_1282 = tpu.memref_slice %arg23[%dma_wait3A_1280, %dma_wait3A_1281] : memref<544x128xf32, #tpu.memory_space<vmem>> -> memref<128x128xf32, #tpu.memory_space<vmem>>
      tpu.wait_dma2 semaphore(%arg25 : memref<!tpu.dma_semaphore, #tpu.memory_space<semaphore_mem>>) src(%dma_wait3A_1282 : memref<128x128xf32, #tpu.memory_space<vmem>>) dst(%dma_wait3A_1279 : memref<128x128xf32, #tpu.memory_space<hbm>>)
    }
    %scan3A_29 = arith.constant 8 : i32
    "tpu.region"() ({
      %run_scoped3A = tpu.sem_alloc : memref<!tpu.dma_semaphore, #tpu.memory_space<semaphore_mem>>
      %dma_start3A_35 = arith.constant 0 : i32
      %dma_start3A_36 = arith.constant 0 : i32
      %dma_start3A_37 = tpu.memref_slice %arg9[%add3A, %dma_start3A_35, %dma_start3A_36] : memref<32x1088x8xf32, #tpu.memory_space<hbm>> -> memref<1x544x8xf32, #tpu.memory_space<hbm>>
      %dma_start3A_38 = tpu.memref_squeeze %dma_start3A_37 : memref<1x544x8xf32, #tpu.memory_space<hbm>> -> memref<544x8xf32, #tpu.memory_space<hbm>>
      %dma_start3A_39 = arith.constant 0 : i32
      %dma_start3A_40 = arith.constant 0 : i32
      %dma_start3A_41 = tpu.memref_slice %arg9[%add3A, %dma_start3A_39, %dma_start3A_40] : memref<32x1088x8xf32, #tpu.memory_space<hbm>> -> memref<1x544x8xf32, #tpu.memory_space<hbm>>
      %dma_start3A_42 = tpu.memref_squeeze %dma_start3A_41 : memref<1x544x8xf32, #tpu.memory_space<hbm>> -> memref<544x8xf32, #tpu.memory_space<hbm>>
      tpu.enqueue_dma source(%arg21 : memref<544x8xf32, #tpu.memory_space<vmem>>) target(%dma_start3A_42 : memref<544x8xf32, #tpu.memory_space<hbm>>) target_semaphore(%run_scoped3A : memref<!tpu.dma_semaphore, #tpu.memory_space<semaphore_mem>>)
      %dma_wait3A_43 = arith.constant 0 : i32
      %dma_wait3A_44 = arith.constant 0 : i32
      %dma_wait3A_45 = tpu.memref_slice %arg9[%add3A, %dma_wait3A_43, %dma_wait3A_44] : memref<32x1088x8xf32, #tpu.memory_space<hbm>> -> memref<1x544x8xf32, #tpu.memory_space<hbm>>
      %dma_wait3A_46 = tpu.memref_squeeze %dma_wait3A_45 : memref<1x544x8xf32, #tpu.memory_space<hbm>> -> memref<544x8xf32, #tpu.memory_space<hbm>>
      %dma_wait3A_47 = arith.constant 0 : i32
      %dma_wait3A_48 = arith.constant 0 : i32
      %dma_wait3A_49 = tpu.memref_slice %arg9[%add3A, %dma_wait3A_47, %dma_wait3A_48] : memref<32x1088x8xf32, #tpu.memory_space<hbm>> -> memref<1x544x8xf32, #tpu.memory_space<hbm>>
      %dma_wait3A_50 = tpu.memref_squeeze %dma_wait3A_49 : memref<1x544x8xf32, #tpu.memory_space<hbm>> -> memref<544x8xf32, #tpu.memory_space<hbm>>
      tpu.wait_dma2 semaphore(%run_scoped3A : memref<!tpu.dma_semaphore, #tpu.memory_space<semaphore_mem>>) src(%arg21 : memref<544x8xf32, #tpu.memory_space<vmem>>) dst(%dma_wait3A_50 : memref<544x8xf32, #tpu.memory_space<hbm>>)
      tpu.yield
    }) : () -> ()
    "tpu.region"() ({
      %run_scoped3A = tpu.sem_alloc : memref<!tpu.dma_semaphore, #tpu.memory_space<semaphore_mem>>
      %dma_start3A_35 = arith.constant 0 : i32
      %dma_start3A_36 = arith.constant 0 : i32
      %dma_start3A_37 = tpu.memref_slice %arg10[%add3A, %dma_start3A_35, %dma_start3A_36] : memref<32x1088x8xf32, #tpu.memory_space<hbm>> -> memref<1x544x8xf32, #tpu.memory_space<hbm>>
      %dma_start3A_38 = tpu.memref_squeeze %dma_start3A_37 : memref<1x544x8xf32, #tpu.memory_space<hbm>> -> memref<544x8xf32, #tpu.memory_space<hbm>>
      %dma_start3A_39 = arith.constant 0 : i32
      %dma_start3A_40 = arith.constant 0 : i32
      %dma_start3A_41 = tpu.memref_slice %arg10[%add3A, %dma_start3A_39, %dma_start3A_40] : memref<32x1088x8xf32, #tpu.memory_space<hbm>> -> memref<1x544x8xf32, #tpu.memory_space<hbm>>
      %dma_start3A_42 = tpu.memref_squeeze %dma_start3A_41 : memref<1x544x8xf32, #tpu.memory_space<hbm>> -> memref<544x8xf32, #tpu.memory_space<hbm>>
      tpu.enqueue_dma source(%arg22 : memref<544x8xf32, #tpu.memory_space<vmem>>) target(%dma_start3A_42 : memref<544x8xf32, #tpu.memory_space<hbm>>) target_semaphore(%run_scoped3A : memref<!tpu.dma_semaphore, #tpu.memory_space<semaphore_mem>>)
      %dma_wait3A_43 = arith.constant 0 : i32
      %dma_wait3A_44 = arith.constant 0 : i32
      %dma_wait3A_45 = tpu.memref_slice %arg10[%add3A, %dma_wait3A_43, %dma_wait3A_44] : memref<32x1088x8xf32, #tpu.memory_space<hbm>> -> memref<1x544x8xf32, #tpu.memory_space<hbm>>
      %dma_wait3A_46 = tpu.memref_squeeze %dma_wait3A_45 : memref<1x544x8xf32, #tpu.memory_space<hbm>> -> memref<544x8xf32, #tpu.memory_space<hbm>>
      %dma_wait3A_47 = arith.constant 0 : i32
      %dma_wait3A_48 = arith.constant 0 : i32
      %dma_wait3A_49 = tpu.memref_slice %arg10[%add3A, %dma_wait3A_47, %dma_wait3A_48] : memref<32x1088x8xf32, #tpu.memory_space<hbm>> -> memref<1x544x8xf32, #tpu.memory_space<hbm>>
      %dma_wait3A_50 = tpu.memref_squeeze %dma_wait3A_49 : memref<1x544x8xf32, #tpu.memory_space<hbm>> -> memref<544x8xf32, #tpu.memory_space<hbm>>
      tpu.wait_dma2 semaphore(%run_scoped3A : memref<!tpu.dma_semaphore, #tpu.memory_space<semaphore_mem>>) src(%arg22 : memref<544x8xf32, #tpu.memory_space<vmem>>) dst(%dma_wait3A_50 : memref<544x8xf32, #tpu.memory_space<hbm>>)
      tpu.yield
    }) : () -> ()
    %scan3A_30 = arith.constant 0 : i32
    %scan3A_31 = arith.constant 8 : i32
    %scan3A_32 = arith.addi %scan3A_30, %scan3A_31 : i32
    %scan3A_33 = arith.constant 1 : i32
    scf.for %scan3A_35 = %scan3A_30 to %scan3A_32 step %scan3A_33  : i32 {
      %mul3A_36 = arith.constant 1 : i32
      %mul3A_37 = arith.muli %scan3A_35, %mul3A_36 : i32
      %add3A_38 = arith.constant 0 : i32
      %add3A_39 = arith.addi %add3A_38, %mul3A_37 : i32
      %add3A_40 = vector.broadcast %add3A_39 : i32 to vector<16xi32>
      %add3A_41 = arith.addi %broadcast_in_dim3A_25, %add3A_40 : vector<16xi32>
      %dma_start3A_42 = arith.constant 0 : i32
      %dma_start3A_43 = tpu.memref_slice %arg13[%add3A_39, %dma_start3A_42] : memref<8x16xi32, #tpu.memory_space<vmem>> -> memref<1x16xi32, #tpu.memory_space<vmem>>
      %dma_start3A_44 = tpu.memref_squeeze %dma_start3A_43 : memref<1x16xi32, #tpu.memory_space<vmem>> -> memref<16xi32, #tpu.memory_space<vmem>>
      %dma_start3A_45 = arith.constant 0 : i32
      %dma_start3A_46 = arith.constant 0 : i32
      %dma_start3A_47 = tpu.memref_slice %arg4[%dma_start3A_45, %dma_start3A_46] : memref<100000x16xi32, #tpu.memory_space<hbm>> -> memref<100000x16xi32, #tpu.memory_space<hbm>>
      tpu.enqueue_indirect_dma source(%dma_start3A_47 : memref<100000x16xi32, #tpu.memory_space<hbm>>) target(%arg16 : memref<16x16xi32, #tpu.memory_space<vmem>>) offsets(%dma_start3A_44 : memref<16xi32, #tpu.memory_space<vmem>>) semaphore(%arg24 : memref<!tpu.dma_semaphore, #tpu.memory_space<semaphore_mem>>)
      %dma_start3A_48 = arith.constant 0 : i32
      %dma_start3A_49 = tpu.memref_slice %arg13[%add3A_39, %dma_start3A_48] : memref<8x16xi32, #tpu.memory_space<vmem>> -> memref<1x16xi32, #tpu.memory_space<vmem>>
      %dma_start3A_50 = tpu.memref_squeeze %dma_start3A_49 : memref<1x16xi32, #tpu.memory_space<vmem>> -> memref<16xi32, #tpu.memory_space<vmem>>
      %dma_start3A_51 = arith.constant 0 : i32
      %dma_start3A_52 = arith.constant 0 : i32
      %dma_start3A_53 = tpu.memref_slice %arg5[%dma_start3A_51, %dma_start3A_52] : memref<100000x16xi32, #tpu.memory_space<hbm>> -> memref<100000x16xi32, #tpu.memory_space<hbm>>
      tpu.enqueue_indirect_dma source(%dma_start3A_53 : memref<100000x16xi32, #tpu.memory_space<hbm>>) target(%arg17 : memref<16x16xi32, #tpu.memory_space<vmem>>) offsets(%dma_start3A_50 : memref<16xi32, #tpu.memory_space<vmem>>) semaphore(%arg24 : memref<!tpu.dma_semaphore, #tpu.memory_space<semaphore_mem>>)
      %dma_start3A_54 = arith.constant 0 : i32
      %dma_start3A_55 = tpu.memref_slice %arg13[%add3A_39, %dma_start3A_54] : memref<8x16xi32, #tpu.memory_space<vmem>> -> memref<1x16xi32, #tpu.memory_space<vmem>>
      %dma_start3A_56 = tpu.memref_squeeze %dma_start3A_55 : memref<1x16xi32, #tpu.memory_space<vmem>> -> memref<16xi32, #tpu.memory_space<vmem>>
      %dma_start3A_57 = arith.constant 0 : i32
      %dma_start3A_58 = arith.constant 0 : i32
      %dma_start3A_59 = tpu.memref_slice %arg6[%dma_start3A_57, %dma_start3A_58] : memref<100000x16xf32, #tpu.memory_space<hbm>> -> memref<100000x16xf32, #tpu.memory_space<hbm>>
      tpu.enqueue_indirect_dma source(%dma_start3A_59 : memref<100000x16xf32, #tpu.memory_space<hbm>>) target(%arg18 : memref<16x16xf32, #tpu.memory_space<vmem>>) offsets(%dma_start3A_56 : memref<16xi32, #tpu.memory_space<vmem>>) semaphore(%arg24 : memref<!tpu.dma_semaphore, #tpu.memory_space<semaphore_mem>>)
      %dma_start3A_60 = arith.constant 0 : i32
      %dma_start3A_61 = tpu.memref_slice %arg13[%add3A_39, %dma_start3A_60] : memref<8x16xi32, #tpu.memory_space<vmem>> -> memref<1x16xi32, #tpu.memory_space<vmem>>
      %dma_start3A_62 = tpu.memref_squeeze %dma_start3A_61 : memref<1x16xi32, #tpu.memory_space<vmem>> -> memref<16xi32, #tpu.memory_space<vmem>>
      %dma_start3A_63 = arith.constant 0 : i32
      %dma_start3A_64 = arith.constant 0 : i32
      %dma_start3A_65 = tpu.memref_slice %arg7[%dma_start3A_63, %dma_start3A_64] : memref<100000x16xf32, #tpu.memory_space<hbm>> -> memref<100000x16xf32, #tpu.memory_space<hbm>>
      tpu.enqueue_indirect_dma source(%dma_start3A_65 : memref<100000x16xf32, #tpu.memory_space<hbm>>) target(%arg19 : memref<16x16xf32, #tpu.memory_space<vmem>>) offsets(%dma_start3A_62 : memref<16xi32, #tpu.memory_space<vmem>>) semaphore(%arg24 : memref<!tpu.dma_semaphore, #tpu.memory_space<semaphore_mem>>)
      %gather3A = tpu.vector_load_idx %arg13[%add3A_41, %iota3A] : memref<8x16xi32, #tpu.memory_space<vmem>>[vector<16xi32>, vector<16xi32>], vector<16xi32>,
      %gather3A_66 = tpu.vector_load_idx %arg15[%add3A_41, %iota3A] : memref<8x16xf32, #tpu.memory_space<vmem>>[vector<16xi32>, vector<16xi32>], vector<16xf32>,
      %mul3A_67 = arith.constant 34 : i32
      %mul3A_68 = vector.broadcast %mul3A_67 : i32 to vector<16xi32>
      %mul3A_69 = arith.muli %iota3A, %mul3A_68 : vector<16xi32>
      %add3A_70 = arith.constant 17 : i32
      %add3A_71 = vector.broadcast %add3A_70 : i32 to vector<16xi32>
      %add3A_72 = arith.addi %mul3A_69, %add3A_71 : vector<16xi32>
      %shift_right_arithmetic3A = arith.constant 5 : i32
      %shift_right_arithmetic3A_73 = vector.broadcast %shift_right_arithmetic3A : i32 to vector<16xi32>
      %shift_right_arithmetic3A_74 = arith.shrsi %mul3A_69, %shift_right_arithmetic3A_73 : vector<16xi32>
      %and3A = arith.constant 31 : i32
      %and3A_75 = vector.broadcast %and3A : i32 to vector<16xi32>
      %and3A_76 = arith.andi %mul3A_69, %and3A_75 : vector<16xi32>
      tpu.vector_store_idx %arg20[%shift_right_arithmetic3A_74, %and3A_76], %gather3A : memref<17x32xi32, #tpu.memory_space<vmem>>[vector<16xi32>, vector<16xi32>], vector<16xi32>,
      %shift_right_arithmetic3A_77 = arith.constant 5 : i32
      %shift_right_arithmetic3A_78 = vector.broadcast %shift_right_arithmetic3A_77 : i32 to vector<16xi32>
      %shift_right_arithmetic3A_79 = arith.shrsi %add3A_72, %shift_right_arithmetic3A_78 : vector<16xi32>
      %and3A_80 = arith.constant 31 : i32
      %and3A_81 = vector.broadcast %and3A_80 : i32 to vector<16xi32>
      %and3A_82 = arith.andi %add3A_72, %and3A_81 : vector<16xi32>
      tpu.vector_store_idx %arg20[%shift_right_arithmetic3A_79, %and3A_82], %gather3A : memref<17x32xi32, #tpu.memory_space<vmem>>[vector<16xi32>, vector<16xi32>], vector<16xi32>,
      tpu.vector_store_idx %arg21[%mul3A_69, %add3A_41], %gather3A_66 : memref<544x8xf32, #tpu.memory_space<vmem>>[vector<16xi32>, vector<16xi32>], vector<16xf32>,
      tpu.vector_store_idx %arg21[%add3A_72, %add3A_41], %gather3A_66 : memref<544x8xf32, #tpu.memory_space<vmem>>[vector<16xi32>, vector<16xi32>], vector<16xf32>,
      %mul3A_83 = arith.mulf %gather3A_66, %gather3A_66 : vector<16xf32>
      tpu.vector_store_idx %arg22[%mul3A_69, %add3A_41], %mul3A_83 : memref<544x8xf32, #tpu.memory_space<vmem>>[vector<16xi32>, vector<16xi32>], vector<16xf32>,
      tpu.vector_store_idx %arg22[%add3A_72, %add3A_41], %mul3A_83 : memref<544x8xf32, #tpu.memory_space<vmem>>[vector<16xi32>, vector<16xi32>], vector<16xf32>,
      %dma_wait3A_84 = arith.constant 0 : i32
      %dma_wait3A_85 = tpu.memref_slice %arg13[%add3A_39, %dma_wait3A_84] : memref<8x16xi32, #tpu.memory_space<vmem>> -> memref<1x16xi32, #tpu.memory_space<vmem>>
      %dma_wait3A_86 = tpu.memref_squeeze %dma_wait3A_85 : memref<1x16xi32, #tpu.memory_space<vmem>> -> memref<16xi32, #tpu.memory_space<vmem>>
      %dma_wait3A_87 = arith.constant 0 : i32
      %dma_wait3A_88 = arith.constant 0 : i32
      %dma_wait3A_89 = tpu.memref_slice %arg4[%dma_wait3A_87, %dma_wait3A_88] : memref<100000x16xi32, #tpu.memory_space<hbm>> -> memref<100000x16xi32, #tpu.memory_space<hbm>>
      tpu.wait_indirect_dma semaphore(%arg24 : memref<!tpu.dma_semaphore, #tpu.memory_space<semaphore_mem>>) src(%dma_wait3A_89 : memref<100000x16xi32, #tpu.memory_space<hbm>>) dst(%arg16 : memref<16x16xi32, #tpu.memory_space<vmem>>)
      %dma_wait3A_90 = arith.constant 0 : i32
      %dma_wait3A_91 = tpu.memref_slice %arg13[%add3A_39, %dma_wait3A_90] : memref<8x16xi32, #tpu.memory_space<vmem>> -> memref<1x16xi32, #tpu.memory_space<vmem>>
      %dma_wait3A_92 = tpu.memref_squeeze %dma_wait3A_91 : memref<1x16xi32, #tpu.memory_space<vmem>> -> memref<16xi32, #tpu.memory_space<vmem>>
      %dma_wait3A_93 = arith.constant 0 : i32
      %dma_wait3A_94 = arith.constant 0 : i32
      %dma_wait3A_95 = tpu.memref_slice %arg5[%dma_wait3A_93, %dma_wait3A_94] : memref<100000x16xi32, #tpu.memory_space<hbm>> -> memref<100000x16xi32, #tpu.memory_space<hbm>>
      tpu.wait_indirect_dma semaphore(%arg24 : memref<!tpu.dma_semaphore, #tpu.memory_space<semaphore_mem>>) src(%dma_wait3A_95 : memref<100000x16xi32, #tpu.memory_space<hbm>>) dst(%arg17 : memref<16x16xi32, #tpu.memory_space<vmem>>)
      %dma_wait3A_96 = arith.constant 0 : i32
      %dma_wait3A_97 = tpu.memref_slice %arg13[%add3A_39, %dma_wait3A_96] : memref<8x16xi32, #tpu.memory_space<vmem>> -> memref<1x16xi32, #tpu.memory_space<vmem>>
      %dma_wait3A_98 = tpu.memref_squeeze %dma_wait3A_97 : memref<1x16xi32, #tpu.memory_space<vmem>> -> memref<16xi32, #tpu.memory_space<vmem>>
      %dma_wait3A_99 = arith.constant 0 : i32
      %dma_wait3A_100 = arith.constant 0 : i32
      %dma_wait3A_101 = tpu.memref_slice %arg6[%dma_wait3A_99, %dma_wait3A_100] : memref<100000x16xf32, #tpu.memory_space<hbm>> -> memref<100000x16xf32, #tpu.memory_space<hbm>>
      tpu.wait_indirect_dma semaphore(%arg24 : memref<!tpu.dma_semaphore, #tpu.memory_space<semaphore_mem>>) src(%dma_wait3A_101 : memref<100000x16xf32, #tpu.memory_space<hbm>>) dst(%arg18 : memref<16x16xf32, #tpu.memory_space<vmem>>)
      %dma_wait3A_102 = arith.constant 0 : i32
      %dma_wait3A_103 = tpu.memref_slice %arg13[%add3A_39, %dma_wait3A_102] : memref<8x16xi32, #tpu.memory_space<vmem>> -> memref<1x16xi32, #tpu.memory_space<vmem>>
      %dma_wait3A_104 = tpu.memref_squeeze %dma_wait3A_103 : memref<1x16xi32, #tpu.memory_space<vmem>> -> memref<16xi32, #tpu.memory_space<vmem>>
      %dma_wait3A_105 = arith.constant 0 : i32
      %dma_wait3A_106 = arith.constant 0 : i32
      %dma_wait3A_107 = tpu.memref_slice %arg7[%dma_wait3A_105, %dma_wait3A_106] : memref<100000x16xf32, #tpu.memory_space<hbm>> -> memref<100000x16xf32, #tpu.memory_space<hbm>>
      tpu.wait_indirect_dma semaphore(%arg24 : memref<!tpu.dma_semaphore, #tpu.memory_space<semaphore_mem>>) src(%dma_wait3A_107 : memref<100000x16xf32, #tpu.memory_space<hbm>>) dst(%arg19 : memref<16x16xf32, #tpu.memory_space<vmem>>)
      %add3A_108 = arith.constant 1 : i32
      %add3A_109 = vector.broadcast %add3A_108 : i32 to vector<16xi32>
      %add3A_110 = arith.addi %add3A_109, %iota3A : vector<16xi32>
      %add3A_111 = arith.constant 18 : i32
      %add3A_112 = vector.broadcast %add3A_111 : i32 to vector<16xi32>
      %add3A_113 = arith.addi %add3A_112, %iota3A : vector<16xi32>
      %shift_right_arithmetic3A_114 = arith.constant 5 : i32
      %shift_right_arithmetic3A_115 = vector.broadcast %shift_right_arithmetic3A_114 : i32 to vector<16xi32>
      %shift_right_arithmetic3A_116 = arith.shrsi %add3A_110, %shift_right_arithmetic3A_115 : vector<16xi32>
      %and3A_117 = arith.constant 31 : i32
      %and3A_118 = vector.broadcast %and3A_117 : i32 to vector<16xi32>
      %and3A_119 = arith.andi %add3A_110, %and3A_118 : vector<16xi32>
      %get3A = arith.constant 0 : i32
      %get3A_120 = arith.index_cast %get3A : i32 to index
      %get3A_121 = arith.constant 0 : index
      %get3A_122 = tpu.vector_load %arg16[%get3A_120, %get3A_121] {strides = array<i32>} : memref<16x16xi32, #tpu.memory_space<vmem>>, vector<16xi32>,
      tpu.vector_store_idx %arg20[%shift_right_arithmetic3A_116, %and3A_119], %get3A_122 : memref<17x32xi32, #tpu.memory_space<vmem>>[vector<16xi32>, vector<16xi32>], vector<16xi32>,
      %shift_right_arithmetic3A_123 = arith.constant 5 : i32
      %shift_right_arithmetic3A_124 = vector.broadcast %shift_right_arithmetic3A_123 : i32 to vector<16xi32>
      %shift_right_arithmetic3A_125 = arith.shrsi %add3A_113, %shift_right_arithmetic3A_124 : vector<16xi32>
      %and3A_126 = arith.constant 31 : i32
      %and3A_127 = vector.broadcast %and3A_126 : i32 to vector<16xi32>
      %and3A_128 = arith.andi %add3A_113, %and3A_127 : vector<16xi32>
      %get3A_129 = arith.constant 0 : i32
      %get3A_130 = arith.index_cast %get3A_129 : i32 to index
      %get3A_131 = arith.constant 0 : index
      %get3A_132 = tpu.vector_load %arg17[%get3A_130, %get3A_131] {strides = array<i32>} : memref<16x16xi32, #tpu.memory_space<vmem>>, vector<16xi32>,
      tpu.vector_store_idx %arg20[%shift_right_arithmetic3A_125, %and3A_128], %get3A_132 : memref<17x32xi32, #tpu.memory_space<vmem>>[vector<16xi32>, vector<16xi32>], vector<16xi32>,
      %add3A_133 = arith.constant 35 : i32
      %add3A_134 = vector.broadcast %add3A_133 : i32 to vector<16xi32>
      %add3A_135 = arith.addi %add3A_134, %iota3A : vector<16xi32>
      %add3A_136 = arith.constant 52 : i32
      %add3A_137 = vector.broadcast %add3A_136 : i32 to vector<16xi32>
      %add3A_138 = arith.addi %add3A_137, %iota3A : vector<16xi32>
      %shift_right_arithmetic3A_139 = arith.constant 5 : i32
      %shift_right_arithmetic3A_140 = vector.broadcast %shift_right_arithmetic3A_139 : i32 to vector<16xi32>
      %shift_right_arithmetic3A_141 = arith.shrsi %add3A_135, %shift_right_arithmetic3A_140 : vector<16xi32>
      %and3A_142 = arith.constant 31 : i32
      %and3A_143 = vector.broadcast %and3A_142 : i32 to vector<16xi32>
      %and3A_144 = arith.andi %add3A_135, %and3A_143 : vector<16xi32>
      %get3A_145 = arith.constant 1 : i32
      %get3A_146 = arith.index_cast %get3A_145 : i32 to index
      %get3A_147 = arith.constant 0 : index
      %get3A_148 = tpu.vector_load %arg16[%get3A_146, %get3A_147] {strides = array<i32>} : memref<16x16xi32, #tpu.memory_space<vmem>>, vector<16xi32>,
      tpu.vector_store_idx %arg20[%shift_right_arithmetic3A_141, %and3A_144], %get3A_148 : memref<17x32xi32, #tpu.memory_space<vmem>>[vector<16xi32>, vector<16xi32>], vector<16xi32>,
      %shift_right_arithmetic3A_149 = arith.constant 5 : i32
      %shift_right_arithmetic3A_150 = vector.broadcast %shift_right_arithmetic3A_149 : i32 to vector<16xi32>
      %shift_right_arithmetic3A_151 = arith.shrsi %add3A_138, %shift_right_arithmetic3A_150 : vector<16xi32>
      %and3A_152 = arith.constant 31 : i32
      %and3A_153 = vector.broadcast %and3A_152 : i32 to vector<16xi32>
      %and3A_154 = arith.andi %add3A_138, %and3A_153 : vector<16xi32>
      %get3A_155 = arith.constant 1 : i32
      %get3A_156 = arith.index_cast %get3A_155 : i32 to index
      %get3A_157 = arith.constant 0 : index
      %get3A_158 = tpu.vector_load %arg17[%get3A_156, %get3A_157] {strides = array<i32>} : memref<16x16xi32, #tpu.memory_space<vmem>>, vector<16xi32>,
      tpu.vector_store_idx %arg20[%shift_right_arithmetic3A_151, %and3A_154], %get3A_158 : memref<17x32xi32, #tpu.memory_space<vmem>>[vector<16xi32>, vector<16xi32>], vector<16xi32>,
      %add3A_159 = arith.constant 69 : i32
      %add3A_160 = vector.broadcast %add3A_159 : i32 to vector<16xi32>
      %add3A_161 = arith.addi %add3A_160, %iota3A : vector<16xi32>
      %add3A_162 = arith.constant 86 : i32
      %add3A_163 = vector.broadcast %add3A_162 : i32 to vector<16xi32>
      %add3A_164 = arith.addi %add3A_163, %iota3A : vector<16xi32>
      %shift_right_arithmetic3A_165 = arith.constant 5 : i32
      %shift_right_arithmetic3A_166 = vector.broadcast %shift_right_arithmetic3A_165 : i32 to vector<16xi32>
      %shift_right_arithmetic3A_167 = arith.shrsi %add3A_161, %shift_right_arithmetic3A_166 : vector<16xi32>
      %and3A_168 = arith.constant 31 : i32
      %and3A_169 = vector.broadcast %and3A_168 : i32 to vector<16xi32>
      %and3A_170 = arith.andi %add3A_161, %and3A_169 : vector<16xi32>
      %get3A_171 = arith.constant 2 : i32
      %get3A_172 = arith.index_cast %get3A_171 : i32 to index
      %get3A_173 = arith.constant 0 : index
      %get3A_174 = tpu.vector_load %arg16[%get3A_172, %get3A_173] {strides = array<i32>} : memref<16x16xi32, #tpu.memory_space<vmem>>, vector<16xi32>,
      tpu.vector_store_idx %arg20[%shift_right_arithmetic3A_167, %and3A_170], %get3A_174 : memref<17x32xi32, #tpu.memory_space<vmem>>[vector<16xi32>, vector<16xi32>], vector<16xi32>,
      %shift_right_arithmetic3A_175 = arith.constant 5 : i32
      %shift_right_arithmetic3A_176 = vector.broadcast %shift_right_arithmetic3A_175 : i32 to vector<16xi32>
      %shift_right_arithmetic3A_177 = arith.shrsi %add3A_164, %shift_right_arithmetic3A_176 : vector<16xi32>
      %and3A_178 = arith.constant 31 : i32
      %and3A_179 = vector.broadcast %and3A_178 : i32 to vector<16xi32>
      %and3A_180 = arith.andi %add3A_164, %and3A_179 : vector<16xi32>
      %get3A_181 = arith.constant 2 : i32
      %get3A_182 = arith.index_cast %get3A_181 : i32 to index
      %get3A_183 = arith.constant 0 : index
      %get3A_184 = tpu.vector_load %arg17[%get3A_182, %get3A_183] {strides = array<i32>} : memref<16x16xi32, #tpu.memory_space<vmem>>, vector<16xi32>,
      tpu.vector_store_idx %arg20[%shift_right_arithmetic3A_177, %and3A_180], %get3A_184 : memref<17x32xi32, #tpu.memory_space<vmem>>[vector<16xi32>, vector<16xi32>], vector<16xi32>,
      %add3A_185 = arith.constant 103 : i32
      %add3A_186 = vector.broadcast %add3A_185 : i32 to vector<16xi32>
      %add3A_187 = arith.addi %add3A_186, %iota3A : vector<16xi32>
      %add3A_188 = arith.constant 120 : i32
      %add3A_189 = vector.broadcast %add3A_188 : i32 to vector<16xi32>
      %add3A_190 = arith.addi %add3A_189, %iota3A : vector<16xi32>
      %shift_right_arithmetic3A_191 = arith.constant 5 : i32
      %shift_right_arithmetic3A_192 = vector.broadcast %shift_right_arithmetic3A_191 : i32 to vector<16xi32>
      %shift_right_arithmetic3A_193 = arith.shrsi %add3A_187, %shift_right_arithmetic3A_192 : vector<16xi32>
      %and3A_194 = arith.constant 31 : i32
      %and3A_195 = vector.broadcast %and3A_194 : i32 to vector<16xi32>
      %and3A_196 = arith.andi %add3A_187, %and3A_195 : vector<16xi32>
      %get3A_197 = arith.constant 3 : i32
      %get3A_198 = arith.index_cast %get3A_197 : i32 to index
      %get3A_199 = arith.constant 0 : index
      %get3A_200 = tpu.vector_load %arg16[%get3A_198, %get3A_199] {strides = array<i32>} : memref<16x16xi32, #tpu.memory_space<vmem>>, vector<16xi32>,
      tpu.vector_store_idx %arg20[%shift_right_arithmetic3A_193, %and3A_196], %get3A_200 : memref<17x32xi32, #tpu.memory_space<vmem>>[vector<16xi32>, vector<16xi32>], vector<16xi32>,
      %shift_right_arithmetic3A_201 = arith.constant 5 : i32
      %shift_right_arithmetic3A_202 = vector.broadcast %shift_right_arithmetic3A_201 : i32 to vector<16xi32>
      %shift_right_arithmetic3A_203 = arith.shrsi %add3A_190, %shift_right_arithmetic3A_202 : vector<16xi32>
      %and3A_204 = arith.constant 31 : i32
      %and3A_205 = vector.broadcast %and3A_204 : i32 to vector<16xi32>
      %and3A_206 = arith.andi %add3A_190, %and3A_205 : vector<16xi32>
      %get3A_207 = arith.constant 3 : i32
      %get3A_208 = arith.index_cast %get3A_207 : i32 to index
      %get3A_209 = arith.constant 0 : index
      %get3A_210 = tpu.vector_load %arg17[%get3A_208, %get3A_209] {strides = array<i32>} : memref<16x16xi32, #tpu.memory_space<vmem>>, vector<16xi32>,
      tpu.vector_store_idx %arg20[%shift_right_arithmetic3A_203, %and3A_206], %get3A_210 : memref<17x32xi32, #tpu.memory_space<vmem>>[vector<16xi32>, vector<16xi32>], vector<16xi32>,
      %add3A_211 = arith.constant 137 : i32
      %add3A_212 = vector.broadcast %add3A_211 : i32 to vector<16xi32>
      %add3A_213 = arith.addi %add3A_212, %iota3A : vector<16xi32>
      %add3A_214 = arith.constant 154 : i32
      %add3A_215 = vector.broadcast %add3A_214 : i32 to vector<16xi32>
      %add3A_216 = arith.addi %add3A_215, %iota3A : vector<16xi32>
      %shift_right_arithmetic3A_217 = arith.constant 5 : i32
      %shift_right_arithmetic3A_218 = vector.broadcast %shift_right_arithmetic3A_217 : i32 to vector<16xi32>
      %shift_right_arithmetic3A_219 = arith.shrsi %add3A_213, %shift_right_arithmetic3A_218 : vector<16xi32>
      %and3A_220 = arith.constant 31 : i32
      %and3A_221 = vector.broadcast %and3A_220 : i32 to vector<16xi32>
      %and3A_222 = arith.andi %add3A_213, %and3A_221 : vector<16xi32>
      %get3A_223 = arith.constant 4 : i32
      %get3A_224 = arith.index_cast %get3A_223 : i32 to index
      %get3A_225 = arith.constant 0 : index
      %get3A_226 = tpu.vector_load %arg16[%get3A_224, %get3A_225] {strides = array<i32>} : memref<16x16xi32, #tpu.memory_space<vmem>>, vector<16xi32>,
      tpu.vector_store_idx %arg20[%shift_right_arithmetic3A_219, %and3A_222], %get3A_226 : memref<17x32xi32, #tpu.memory_space<vmem>>[vector<16xi32>, vector<16xi32>], vector<16xi32>,
      %shift_right_arithmetic3A_227 = arith.constant 5 : i32
      %shift_right_arithmetic3A_228 = vector.broadcast %shift_right_arithmetic3A_227 : i32 to vector<16xi32>
      %shift_right_arithmetic3A_229 = arith.shrsi %add3A_216, %shift_right_arithmetic3A_228 : vector<16xi32>
      %and3A_230 = arith.constant 31 : i32
      %and3A_231 = vector.broadcast %and3A_230 : i32 to vector<16xi32>
      %and3A_232 = arith.andi %add3A_216, %and3A_231 : vector<16xi32>
      %get3A_233 = arith.constant 4 : i32
      %get3A_234 = arith.index_cast %get3A_233 : i32 to index
      %get3A_235 = arith.constant 0 : index
      %get3A_236 = tpu.vector_load %arg17[%get3A_234, %get3A_235] {strides = array<i32>} : memref<16x16xi32, #tpu.memory_space<vmem>>, vector<16xi32>,
      tpu.vector_store_idx %arg20[%shift_right_arithmetic3A_229, %and3A_232], %get3A_236 : memref<17x32xi32, #tpu.memory_space<vmem>>[vector<16xi32>, vector<16xi32>], vector<16xi32>,
      %add3A_237 = arith.constant 171 : i32
      %add3A_238 = vector.broadcast %add3A_237 : i32 to vector<16xi32>
      %add3A_239 = arith.addi %add3A_238, %iota3A : vector<16xi32>
      %add3A_240 = arith.constant 188 : i32
      %add3A_241 = vector.broadcast %add3A_240 : i32 to vector<16xi32>
      %add3A_242 = arith.addi %add3A_241, %iota3A : vector<16xi32>
      %shift_right_arithmetic3A_243 = arith.constant 5 : i32
      %shift_right_arithmetic3A_244 = vector.broadcast %shift_right_arithmetic3A_243 : i32 to vector<16xi32>
      %shift_right_arithmetic3A_245 = arith.shrsi %add3A_239, %shift_right_arithmetic3A_244 : vector<16xi32>
      %and3A_246 = arith.constant 31 : i32
      %and3A_247 = vector.broadcast %and3A_246 : i32 to vector<16xi32>
      %and3A_248 = arith.andi %add3A_239, %and3A_247 : vector<16xi32>
      %get3A_249 = arith.constant 5 : i32
      %get3A_250 = arith.index_cast %get3A_249 : i32 to index
      %get3A_251 = arith.constant 0 : index
      %get3A_252 = tpu.vector_load %arg16[%get3A_250, %get3A_251] {strides = array<i32>} : memref<16x16xi32, #tpu.memory_space<vmem>>, vector<16xi32>,
      tpu.vector_store_idx %arg20[%shift_right_arithmetic3A_245, %and3A_248], %get3A_252 : memref<17x32xi32, #tpu.memory_space<vmem>>[vector<16xi32>, vector<16xi32>], vector<16xi32>,
      %shift_right_arithmetic3A_253 = arith.constant 5 : i32
      %shift_right_arithmetic3A_254 = vector.broadcast %shift_right_arithmetic3A_253 : i32 to vector<16xi32>
      %shift_right_arithmetic3A_255 = arith.shrsi %add3A_242, %shift_right_arithmetic3A_254 : vector<16xi32>
      %and3A_256 = arith.constant 31 : i32
      %and3A_257 = vector.broadcast %and3A_256 : i32 to vector<16xi32>
      %and3A_258 = arith.andi %add3A_242, %and3A_257 : vector<16xi32>
      %get3A_259 = arith.constant 5 : i32
      %get3A_260 = arith.index_cast %get3A_259 : i32 to index
      %get3A_261 = arith.constant 0 : index
      %get3A_262 = tpu.vector_load %arg17[%get3A_260, %get3A_261] {strides = array<i32>} : memref<16x16xi32, #tpu.memory_space<vmem>>, vector<16xi32>,
      tpu.vector_store_idx %arg20[%shift_right_arithmetic3A_255, %and3A_258], %get3A_262 : memref<17x32xi32, #tpu.memory_space<vmem>>[vector<16xi32>, vector<16xi32>], vector<16xi32>,
      %add3A_263 = arith.constant 205 : i32
      %add3A_264 = vector.broadcast %add3A_263 : i32 to vector<16xi32>
      %add3A_265 = arith.addi %add3A_264, %iota3A : vector<16xi32>
      %add3A_266 = arith.constant 222 : i32
      %add3A_267 = vector.broadcast %add3A_266 : i32 to vector<16xi32>
      %add3A_268 = arith.addi %add3A_267, %iota3A : vector<16xi32>
      %shift_right_arithmetic3A_269 = arith.constant 5 : i32
      %shift_right_arithmetic3A_270 = vector.broadcast %shift_right_arithmetic3A_269 : i32 to vector<16xi32>
      %shift_right_arithmetic3A_271 = arith.shrsi %add3A_265, %shift_right_arithmetic3A_270 : vector<16xi32>
      %and3A_272 = arith.constant 31 : i32
      %and3A_273 = vector.broadcast %and3A_272 : i32 to vector<16xi32>
      %and3A_274 = arith.andi %add3A_265, %and3A_273 : vector<16xi32>
      %get3A_275 = arith.constant 6 : i32
      %get3A_276 = arith.index_cast %get3A_275 : i32 to index
      %get3A_277 = arith.constant 0 : index
      %get3A_278 = tpu.vector_load %arg16[%get3A_276, %get3A_277] {strides = array<i32>} : memref<16x16xi32, #tpu.memory_space<vmem>>, vector<16xi32>,
      tpu.vector_store_idx %arg20[%shift_right_arithmetic3A_271, %and3A_274], %get3A_278 : memref<17x32xi32, #tpu.memory_space<vmem>>[vector<16xi32>, vector<16xi32>], vector<16xi32>,
      %shift_right_arithmetic3A_279 = arith.constant 5 : i32
      %shift_right_arithmetic3A_280 = vector.broadcast %shift_right_arithmetic3A_279 : i32 to vector<16xi32>
      %shift_right_arithmetic3A_281 = arith.shrsi %add3A_268, %shift_right_arithmetic3A_280 : vector<16xi32>
      %and3A_282 = arith.constant 31 : i32
      %and3A_283 = vector.broadcast %and3A_282 : i32 to vector<16xi32>
      %and3A_284 = arith.andi %add3A_268, %and3A_283 : vector<16xi32>
      %get3A_285 = arith.constant 6 : i32
      %get3A_286 = arith.index_cast %get3A_285 : i32 to index
      %get3A_287 = arith.constant 0 : index
      %get3A_288 = tpu.vector_load %arg17[%get3A_286, %get3A_287] {strides = array<i32>} : memref<16x16xi32, #tpu.memory_space<vmem>>, vector<16xi32>,
      tpu.vector_store_idx %arg20[%shift_right_arithmetic3A_281, %and3A_284], %get3A_288 : memref<17x32xi32, #tpu.memory_space<vmem>>[vector<16xi32>, vector<16xi32>], vector<16xi32>,
      %add3A_289 = arith.constant 239 : i32
      %add3A_290 = vector.broadcast %add3A_289 : i32 to vector<16xi32>
      %add3A_291 = arith.addi %add3A_290, %iota3A : vector<16xi32>
      %add3A_292 = arith.constant 256 : i32
      %add3A_293 = vector.broadcast %add3A_292 : i32 to vector<16xi32>
      %add3A_294 = arith.addi %add3A_293, %iota3A : vector<16xi32>
      %shift_right_arithmetic3A_295 = arith.constant 5 : i32
      %shift_right_arithmetic3A_296 = vector.broadcast %shift_right_arithmetic3A_295 : i32 to vector<16xi32>
      %shift_right_arithmetic3A_297 = arith.shrsi %add3A_291, %shift_right_arithmetic3A_296 : vector<16xi32>
      %and3A_298 = arith.constant 31 : i32
      %and3A_299 = vector.broadcast %and3A_298 : i32 to vector<16xi32>
      %and3A_300 = arith.andi %add3A_291, %and3A_299 : vector<16xi32>
      %get3A_301 = arith.constant 7 : i32
      %get3A_302 = arith.index_cast %get3A_301 : i32 to index
      %get3A_303 = arith.constant 0 : index
      %get3A_304 = tpu.vector_load %arg16[%get3A_302, %get3A_303] {strides = array<i32>} : memref<16x16xi32, #tpu.memory_space<vmem>>, vector<16xi32>,
      tpu.vector_store_idx %arg20[%shift_right_arithmetic3A_297, %and3A_300], %get3A_304 : memref<17x32xi32, #tpu.memory_space<vmem>>[vector<16xi32>, vector<16xi32>], vector<16xi32>,
      %shift_right_arithmetic3A_305 = arith.constant 5 : i32
      %shift_right_arithmetic3A_306 = vector.broadcast %shift_right_arithmetic3A_305 : i32 to vector<16xi32>
      %shift_right_arithmetic3A_307 = arith.shrsi %add3A_294, %shift_right_arithmetic3A_306 : vector<16xi32>
      %and3A_308 = arith.constant 31 : i32
      %and3A_309 = vector.broadcast %and3A_308 : i32 to vector<16xi32>
      %and3A_310 = arith.andi %add3A_294, %and3A_309 : vector<16xi32>
      %get3A_311 = arith.constant 7 : i32
      %get3A_312 = arith.index_cast %get3A_311 : i32 to index
      %get3A_313 = arith.constant 0 : index
      %get3A_314 = tpu.vector_load %arg17[%get3A_312, %get3A_313] {strides = array<i32>} : memref<16x16xi32, #tpu.memory_space<vmem>>, vector<16xi32>,
      tpu.vector_store_idx %arg20[%shift_right_arithmetic3A_307, %and3A_310], %get3A_314 : memref<17x32xi32, #tpu.memory_space<vmem>>[vector<16xi32>, vector<16xi32>], vector<16xi32>,
      %add3A_315 = arith.constant 273 : i32
      %add3A_316 = vector.broadcast %add3A_315 : i32 to vector<16xi32>
      %add3A_317 = arith.addi %add3A_316, %iota3A : vector<16xi32>
      %add3A_318 = arith.constant 290 : i32
      %add3A_319 = vector.broadcast %add3A_318 : i32 to vector<16xi32>
      %add3A_320 = arith.addi %add3A_319, %iota3A : vector<16xi32>
      %shift_right_arithmetic3A_321 = arith.constant 5 : i32
      %shift_right_arithmetic3A_322 = vector.broadcast %shift_right_arithmetic3A_321 : i32 to vector<16xi32>
      %shift_right_arithmetic3A_323 = arith.shrsi %add3A_317, %shift_right_arithmetic3A_322 : vector<16xi32>
      %and3A_324 = arith.constant 31 : i32
      %and3A_325 = vector.broadcast %and3A_324 : i32 to vector<16xi32>
      %and3A_326 = arith.andi %add3A_317, %and3A_325 : vector<16xi32>
      %get3A_327 = arith.constant 8 : i32
      %get3A_328 = arith.index_cast %get3A_327 : i32 to index
      %get3A_329 = arith.constant 0 : index
      %get3A_330 = tpu.vector_load %arg16[%get3A_328, %get3A_329] {strides = array<i32>} : memref<16x16xi32, #tpu.memory_space<vmem>>, vector<16xi32>,
      tpu.vector_store_idx %arg20[%shift_right_arithmetic3A_323, %and3A_326], %get3A_330 : memref<17x32xi32, #tpu.memory_space<vmem>>[vector<16xi32>, vector<16xi32>], vector<16xi32>,
      %shift_right_arithmetic3A_331 = arith.constant 5 : i32
      %shift_right_arithmetic3A_332 = vector.broadcast %shift_right_arithmetic3A_331 : i32 to vector<16xi32>
      %shift_right_arithmetic3A_333 = arith.shrsi %add3A_320, %shift_right_arithmetic3A_332 : vector<16xi32>
      %and3A_334 = arith.constant 31 : i32
      %and3A_335 = vector.broadcast %and3A_334 : i32 to vector<16xi32>
      %and3A_336 = arith.andi %add3A_320, %and3A_335 : vector<16xi32>
      %get3A_337 = arith.constant 8 : i32
      %get3A_338 = arith.index_cast %get3A_337 : i32 to index
      %get3A_339 = arith.constant 0 : index
      %get3A_340 = tpu.vector_load %arg17[%get3A_338, %get3A_339] {strides = array<i32>} : memref<16x16xi32, #tpu.memory_space<vmem>>, vector<16xi32>,
      tpu.vector_store_idx %arg20[%shift_right_arithmetic3A_333, %and3A_336], %get3A_340 : memref<17x32xi32, #tpu.memory_space<vmem>>[vector<16xi32>, vector<16xi32>], vector<16xi32>,
      %add3A_341 = arith.constant 307 : i32
      %add3A_342 = vector.broadcast %add3A_341 : i32 to vector<16xi32>
      %add3A_343 = arith.addi %add3A_342, %iota3A : vector<16xi32>
      %add3A_344 = arith.constant 324 : i32
      %add3A_345 = vector.broadcast %add3A_344 : i32 to vector<16xi32>
      %add3A_346 = arith.addi %add3A_345, %iota3A : vector<16xi32>
      %shift_right_arithmetic3A_347 = arith.constant 5 : i32
      %shift_right_arithmetic3A_348 = vector.broadcast %shift_right_arithmetic3A_347 : i32 to vector<16xi32>
      %shift_right_arithmetic3A_349 = arith.shrsi %add3A_343, %shift_right_arithmetic3A_348 : vector<16xi32>
      %and3A_350 = arith.constant 31 : i32
      %and3A_351 = vector.broadcast %and3A_350 : i32 to vector<16xi32>
      %and3A_352 = arith.andi %add3A_343, %and3A_351 : vector<16xi32>
      %get3A_353 = arith.constant 9 : i32
      %get3A_354 = arith.index_cast %get3A_353 : i32 to index
      %get3A_355 = arith.constant 0 : index
      %get3A_356 = tpu.vector_load %arg16[%get3A_354, %get3A_355] {strides = array<i32>} : memref<16x16xi32, #tpu.memory_space<vmem>>, vector<16xi32>,
      tpu.vector_store_idx %arg20[%shift_right_arithmetic3A_349, %and3A_352], %get3A_356 : memref<17x32xi32, #tpu.memory_space<vmem>>[vector<16xi32>, vector<16xi32>], vector<16xi32>,
      %shift_right_arithmetic3A_357 = arith.constant 5 : i32
      %shift_right_arithmetic3A_358 = vector.broadcast %shift_right_arithmetic3A_357 : i32 to vector<16xi32>
      %shift_right_arithmetic3A_359 = arith.shrsi %add3A_346, %shift_right_arithmetic3A_358 : vector<16xi32>
      %and3A_360 = arith.constant 31 : i32
      %and3A_361 = vector.broadcast %and3A_360 : i32 to vector<16xi32>
      %and3A_362 = arith.andi %add3A_346, %and3A_361 : vector<16xi32>
      %get3A_363 = arith.constant 9 : i32
      %get3A_364 = arith.index_cast %get3A_363 : i32 to index
      %get3A_365 = arith.constant 0 : index
      %get3A_366 = tpu.vector_load %arg17[%get3A_364, %get3A_365] {strides = array<i32>} : memref<16x16xi32, #tpu.memory_space<vmem>>, vector<16xi32>,
      tpu.vector_store_idx %arg20[%shift_right_arithmetic3A_359, %and3A_362], %get3A_366 : memref<17x32xi32, #tpu.memory_space<vmem>>[vector<16xi32>, vector<16xi32>], vector<16xi32>,
      %add3A_367 = arith.constant 341 : i32
      %add3A_368 = vector.broadcast %add3A_367 : i32 to vector<16xi32>
      %add3A_369 = arith.addi %add3A_368, %iota3A : vector<16xi32>
      %add3A_370 = arith.constant 358 : i32
      %add3A_371 = vector.broadcast %add3A_370 : i32 to vector<16xi32>
      %add3A_372 = arith.addi %add3A_371, %iota3A : vector<16xi32>
      %shift_right_arithmetic3A_373 = arith.constant 5 : i32
      %shift_right_arithmetic3A_374 = vector.broadcast %shift_right_arithmetic3A_373 : i32 to vector<16xi32>
      %shift_right_arithmetic3A_375 = arith.shrsi %add3A_369, %shift_right_arithmetic3A_374 : vector<16xi32>
      %and3A_376 = arith.constant 31 : i32
      %and3A_377 = vector.broadcast %and3A_376 : i32 to vector<16xi32>
      %and3A_378 = arith.andi %add3A_369, %and3A_377 : vector<16xi32>
      %get3A_379 = arith.constant 10 : i32
      %get3A_380 = arith.index_cast %get3A_379 : i32 to index
      %get3A_381 = arith.constant 0 : index
      %get3A_382 = tpu.vector_load %arg16[%get3A_380, %get3A_381] {strides = array<i32>} : memref<16x16xi32, #tpu.memory_space<vmem>>, vector<16xi32>,
      tpu.vector_store_idx %arg20[%shift_right_arithmetic3A_375, %and3A_378], %get3A_382 : memref<17x32xi32, #tpu.memory_space<vmem>>[vector<16xi32>, vector<16xi32>], vector<16xi32>,
      %shift_right_arithmetic3A_383 = arith.constant 5 : i32
      %shift_right_arithmetic3A_384 = vector.broadcast %shift_right_arithmetic3A_383 : i32 to vector<16xi32>
      %shift_right_arithmetic3A_385 = arith.shrsi %add3A_372, %shift_right_arithmetic3A_384 : vector<16xi32>
      %and3A_386 = arith.constant 31 : i32
      %and3A_387 = vector.broadcast %and3A_386 : i32 to vector<16xi32>
      %and3A_388 = arith.andi %add3A_372, %and3A_387 : vector<16xi32>
      %get3A_389 = arith.constant 10 : i32
      %get3A_390 = arith.index_cast %get3A_389 : i32 to index
      %get3A_391 = arith.constant 0 : index
      %get3A_392 = tpu.vector_load %arg17[%get3A_390, %get3A_391] {strides = array<i32>} : memref<16x16xi32, #tpu.memory_space<vmem>>, vector<16xi32>,
      tpu.vector_store_idx %arg20[%shift_right_arithmetic3A_385, %and3A_388], %get3A_392 : memref<17x32xi32, #tpu.memory_space<vmem>>[vector<16xi32>, vector<16xi32>], vector<16xi32>,
      %add3A_393 = arith.constant 375 : i32
      %add3A_394 = vector.broadcast %add3A_393 : i32 to vector<16xi32>
      %add3A_395 = arith.addi %add3A_394, %iota3A : vector<16xi32>
      %add3A_396 = arith.constant 392 : i32
      %add3A_397 = vector.broadcast %add3A_396 : i32 to vector<16xi32>
      %add3A_398 = arith.addi %add3A_397, %iota3A : vector<16xi32>
      %shift_right_arithmetic3A_399 = arith.constant 5 : i32
      %shift_right_arithmetic3A_400 = vector.broadcast %shift_right_arithmetic3A_399 : i32 to vector<16xi32>
      %shift_right_arithmetic3A_401 = arith.shrsi %add3A_395, %shift_right_arithmetic3A_400 : vector<16xi32>
      %and3A_402 = arith.constant 31 : i32
      %and3A_403 = vector.broadcast %and3A_402 : i32 to vector<16xi32>
      %and3A_404 = arith.andi %add3A_395, %and3A_403 : vector<16xi32>
      %get3A_405 = arith.constant 11 : i32
      %get3A_406 = arith.index_cast %get3A_405 : i32 to index
      %get3A_407 = arith.constant 0 : index
      %get3A_408 = tpu.vector_load %arg16[%get3A_406, %get3A_407] {strides = array<i32>} : memref<16x16xi32, #tpu.memory_space<vmem>>, vector<16xi32>,
      tpu.vector_store_idx %arg20[%shift_right_arithmetic3A_401, %and3A_404], %get3A_408 : memref<17x32xi32, #tpu.memory_space<vmem>>[vector<16xi32>, vector<16xi32>], vector<16xi32>,
      %shift_right_arithmetic3A_409 = arith.constant 5 : i32
      %shift_right_arithmetic3A_410 = vector.broadcast %shift_right_arithmetic3A_409 : i32 to vector<16xi32>
      %shift_right_arithmetic3A_411 = arith.shrsi %add3A_398, %shift_right_arithmetic3A_410 : vector<16xi32>
      %and3A_412 = arith.constant 31 : i32
      %and3A_413 = vector.broadcast %and3A_412 : i32 to vector<16xi32>
      %and3A_414 = arith.andi %add3A_398, %and3A_413 : vector<16xi32>
      %get3A_415 = arith.constant 11 : i32
      %get3A_416 = arith.index_cast %get3A_415 : i32 to index
      %get3A_417 = arith.constant 0 : index
      %get3A_418 = tpu.vector_load %arg17[%get3A_416, %get3A_417] {strides = array<i32>} : memref<16x16xi32, #tpu.memory_space<vmem>>, vector<16xi32>,
      tpu.vector_store_idx %arg20[%shift_right_arithmetic3A_411, %and3A_414], %get3A_418 : memref<17x32xi32, #tpu.memory_space<vmem>>[vector<16xi32>, vector<16xi32>], vector<16xi32>,
      %add3A_419 = arith.constant 409 : i32
      %add3A_420 = vector.broadcast %add3A_419 : i32 to vector<16xi32>
      %add3A_421 = arith.addi %add3A_420, %iota3A : vector<16xi32>
      %add3A_422 = arith.constant 426 : i32
      %add3A_423 = vector.broadcast %add3A_422 : i32 to vector<16xi32>
      %add3A_424 = arith.addi %add3A_423, %iota3A : vector<16xi32>
      %shift_right_arithmetic3A_425 = arith.constant 5 : i32
      %shift_right_arithmetic3A_426 = vector.broadcast %shift_right_arithmetic3A_425 : i32 to vector<16xi32>
      %shift_right_arithmetic3A_427 = arith.shrsi %add3A_421, %shift_right_arithmetic3A_426 : vector<16xi32>
      %and3A_428 = arith.constant 31 : i32
      %and3A_429 = vector.broadcast %and3A_428 : i32 to vector<16xi32>
      %and3A_430 = arith.andi %add3A_421, %and3A_429 : vector<16xi32>
      %get3A_431 = arith.constant 12 : i32
      %get3A_432 = arith.index_cast %get3A_431 : i32 to index
      %get3A_433 = arith.constant 0 : index
      %get3A_434 = tpu.vector_load %arg16[%get3A_432, %get3A_433] {strides = array<i32>} : memref<16x16xi32, #tpu.memory_space<vmem>>, vector<16xi32>,
      tpu.vector_store_idx %arg20[%shift_right_arithmetic3A_427, %and3A_430], %get3A_434 : memref<17x32xi32, #tpu.memory_space<vmem>>[vector<16xi32>, vector<16xi32>], vector<16xi32>,
      %shift_right_arithmetic3A_435 = arith.constant 5 : i32
      %shift_right_arithmetic3A_436 = vector.broadcast %shift_right_arithmetic3A_435 : i32 to vector<16xi32>
      %shift_right_arithmetic3A_437 = arith.shrsi %add3A_424, %shift_right_arithmetic3A_436 : vector<16xi32>
      %and3A_438 = arith.constant 31 : i32
      %and3A_439 = vector.broadcast %and3A_438 : i32 to vector<16xi32>
      %and3A_440 = arith.andi %add3A_424, %and3A_439 : vector<16xi32>
      %get3A_441 = arith.constant 12 : i32
      %get3A_442 = arith.index_cast %get3A_441 : i32 to index
      %get3A_443 = arith.constant 0 : index
      %get3A_444 = tpu.vector_load %arg17[%get3A_442, %get3A_443] {strides = array<i32>} : memref<16x16xi32, #tpu.memory_space<vmem>>, vector<16xi32>,
      tpu.vector_store_idx %arg20[%shift_right_arithmetic3A_437, %and3A_440], %get3A_444 : memref<17x32xi32, #tpu.memory_space<vmem>>[vector<16xi32>, vector<16xi32>], vector<16xi32>,
      %add3A_445 = arith.constant 443 : i32
      %add3A_446 = vector.broadcast %add3A_445 : i32 to vector<16xi32>
      %add3A_447 = arith.addi %add3A_446, %iota3A : vector<16xi32>
      %add3A_448 = arith.constant 460 : i32
      %add3A_449 = vector.broadcast %add3A_448 : i32 to vector<16xi32>
      %add3A_450 = arith.addi %add3A_449, %iota3A : vector<16xi32>
      %shift_right_arithmetic3A_451 = arith.constant 5 : i32
      %shift_right_arithmetic3A_452 = vector.broadcast %shift_right_arithmetic3A_451 : i32 to vector<16xi32>
      %shift_right_arithmetic3A_453 = arith.shrsi %add3A_447, %shift_right_arithmetic3A_452 : vector<16xi32>
      %and3A_454 = arith.constant 31 : i32
      %and3A_455 = vector.broadcast %and3A_454 : i32 to vector<16xi32>
      %and3A_456 = arith.andi %add3A_447, %and3A_455 : vector<16xi32>
      %get3A_457 = arith.constant 13 : i32
      %get3A_458 = arith.index_cast %get3A_457 : i32 to index
      %get3A_459 = arith.constant 0 : index
      %get3A_460 = tpu.vector_load %arg16[%get3A_458, %get3A_459] {strides = array<i32>} : memref<16x16xi32, #tpu.memory_space<vmem>>, vector<16xi32>,
      tpu.vector_store_idx %arg20[%shift_right_arithmetic3A_453, %and3A_456], %get3A_460 : memref<17x32xi32, #tpu.memory_space<vmem>>[vector<16xi32>, vector<16xi32>], vector<16xi32>,
      %shift_right_arithmetic3A_461 = arith.constant 5 : i32
      %shift_right_arithmetic3A_462 = vector.broadcast %shift_right_arithmetic3A_461 : i32 to vector<16xi32>
      %shift_right_arithmetic3A_463 = arith.shrsi %add3A_450, %shift_right_arithmetic3A_462 : vector<16xi32>
      %and3A_464 = arith.constant 31 : i32
      %and3A_465 = vector.broadcast %and3A_464 : i32 to vector<16xi32>
      %and3A_466 = arith.andi %add3A_450, %and3A_465 : vector<16xi32>
      %get3A_467 = arith.constant 13 : i32
      %get3A_468 = arith.index_cast %get3A_467 : i32 to index
      %get3A_469 = arith.constant 0 : index
      %get3A_470 = tpu.vector_load %arg17[%get3A_468, %get3A_469] {strides = array<i32>} : memref<16x16xi32, #tpu.memory_space<vmem>>, vector<16xi32>,
      tpu.vector_store_idx %arg20[%shift_right_arithmetic3A_463, %and3A_466], %get3A_470 : memref<17x32xi32, #tpu.memory_space<vmem>>[vector<16xi32>, vector<16xi32>], vector<16xi32>,
      %add3A_471 = arith.constant 477 : i32
      %add3A_472 = vector.broadcast %add3A_471 : i32 to vector<16xi32>
      %add3A_473 = arith.addi %add3A_472, %iota3A : vector<16xi32>
      %add3A_474 = arith.constant 494 : i32
      %add3A_475 = vector.broadcast %add3A_474 : i32 to vector<16xi32>
      %add3A_476 = arith.addi %add3A_475, %iota3A : vector<16xi32>
      %shift_right_arithmetic3A_477 = arith.constant 5 : i32
      %shift_right_arithmetic3A_478 = vector.broadcast %shift_right_arithmetic3A_477 : i32 to vector<16xi32>
      %shift_right_arithmetic3A_479 = arith.shrsi %add3A_473, %shift_right_arithmetic3A_478 : vector<16xi32>
      %and3A_480 = arith.constant 31 : i32
      %and3A_481 = vector.broadcast %and3A_480 : i32 to vector<16xi32>
      %and3A_482 = arith.andi %add3A_473, %and3A_481 : vector<16xi32>
      %get3A_483 = arith.constant 14 : i32
      %get3A_484 = arith.index_cast %get3A_483 : i32 to index
      %get3A_485 = arith.constant 0 : index
      %get3A_486 = tpu.vector_load %arg16[%get3A_484, %get3A_485] {strides = array<i32>} : memref<16x16xi32, #tpu.memory_space<vmem>>, vector<16xi32>,
      tpu.vector_store_idx %arg20[%shift_right_arithmetic3A_479, %and3A_482], %get3A_486 : memref<17x32xi32, #tpu.memory_space<vmem>>[vector<16xi32>, vector<16xi32>], vector<16xi32>,
      %shift_right_arithmetic3A_487 = arith.constant 5 : i32
      %shift_right_arithmetic3A_488 = vector.broadcast %shift_right_arithmetic3A_487 : i32 to vector<16xi32>
      %shift_right_arithmetic3A_489 = arith.shrsi %add3A_476, %shift_right_arithmetic3A_488 : vector<16xi32>
      %and3A_490 = arith.constant 31 : i32
      %and3A_491 = vector.broadcast %and3A_490 : i32 to vector<16xi32>
      %and3A_492 = arith.andi %add3A_476, %and3A_491 : vector<16xi32>
      %get3A_493 = arith.constant 14 : i32
      %get3A_494 = arith.index_cast %get3A_493 : i32 to index
      %get3A_495 = arith.constant 0 : index
      %get3A_496 = tpu.vector_load %arg17[%get3A_494, %get3A_495] {strides = array<i32>} : memref<16x16xi32, #tpu.memory_space<vmem>>, vector<16xi32>,
      tpu.vector_store_idx %arg20[%shift_right_arithmetic3A_489, %and3A_492], %get3A_496 : memref<17x32xi32, #tpu.memory_space<vmem>>[vector<16xi32>, vector<16xi32>], vector<16xi32>,
      %add3A_497 = arith.constant 511 : i32
      %add3A_498 = vector.broadcast %add3A_497 : i32 to vector<16xi32>
      %add3A_499 = arith.addi %add3A_498, %iota3A : vector<16xi32>
      %add3A_500 = arith.constant 528 : i32
      %add3A_501 = vector.broadcast %add3A_500 : i32 to vector<16xi32>
      %add3A_502 = arith.addi %add3A_501, %iota3A : vector<16xi32>
      %shift_right_arithmetic3A_503 = arith.constant 5 : i32
      %shift_right_arithmetic3A_504 = vector.broadcast %shift_right_arithmetic3A_503 : i32 to vector<16xi32>
      %shift_right_arithmetic3A_505 = arith.shrsi %add3A_499, %shift_right_arithmetic3A_504 : vector<16xi32>
      %and3A_506 = arith.constant 31 : i32
      %and3A_507 = vector.broadcast %and3A_506 : i32 to vector<16xi32>
      %and3A_508 = arith.andi %add3A_499, %and3A_507 : vector<16xi32>
      %get3A_509 = arith.constant 15 : i32
      %get3A_510 = arith.index_cast %get3A_509 : i32 to index
      %get3A_511 = arith.constant 0 : index
      %get3A_512 = tpu.vector_load %arg16[%get3A_510, %get3A_511] {strides = array<i32>} : memref<16x16xi32, #tpu.memory_space<vmem>>, vector<16xi32>,
      tpu.vector_store_idx %arg20[%shift_right_arithmetic3A_505, %and3A_508], %get3A_512 : memref<17x32xi32, #tpu.memory_space<vmem>>[vector<16xi32>, vector<16xi32>], vector<16xi32>,
      %shift_right_arithmetic3A_513 = arith.constant 5 : i32
      %shift_right_arithmetic3A_514 = vector.broadcast %shift_right_arithmetic3A_513 : i32 to vector<16xi32>
      %shift_right_arithmetic3A_515 = arith.shrsi %add3A_502, %shift_right_arithmetic3A_514 : vector<16xi32>
      %and3A_516 = arith.constant 31 : i32
      %and3A_517 = vector.broadcast %and3A_516 : i32 to vector<16xi32>
      %and3A_518 = arith.andi %add3A_502, %and3A_517 : vector<16xi32>
      %get3A_519 = arith.constant 15 : i32
      %get3A_520 = arith.index_cast %get3A_519 : i32 to index
      %get3A_521 = arith.constant 0 : index
      %get3A_522 = tpu.vector_load %arg17[%get3A_520, %get3A_521] {strides = array<i32>} : memref<16x16xi32, #tpu.memory_space<vmem>>, vector<16xi32>,
      tpu.vector_store_idx %arg20[%shift_right_arithmetic3A_515, %and3A_518], %get3A_522 : memref<17x32xi32, #tpu.memory_space<vmem>>[vector<16xi32>, vector<16xi32>], vector<16xi32>,
      %dma_start3A_523 = arith.constant 0 : i32
      %dma_start3A_524 = arith.constant 0 : i32
      %dma_start3A_525 = arith.constant 0 : i32
      %dma_start3A_526 = tpu.memref_slice %arg23[%dma_start3A_524, %dma_start3A_525] : memref<544x128xf32, #tpu.memory_space<vmem>> -> memref<32x128xf32, #tpu.memory_space<vmem>>
      %dma_start3A_527 = arith.constant 0 : i32
      %dma_start3A_528 = tpu.memref_slice %arg20[%dma_start3A_523, %dma_start3A_527] : memref<17x32xi32, #tpu.memory_space<vmem>> -> memref<1x32xi32, #tpu.memory_space<vmem>>
      %dma_start3A_529 = tpu.memref_squeeze %dma_start3A_528 : memref<1x32xi32, #tpu.memory_space<vmem>> -> memref<32xi32, #tpu.memory_space<vmem>>
      %dma_start3A_530 = arith.constant 0 : i32
      %dma_start3A_531 = arith.constant 0 : i32
      %dma_start3A_532 = tpu.memref_slice %arg3[%dma_start3A_530, %dma_start3A_531] : memref<100000x128xf32, #tpu.memory_space<hbm>> -> memref<100000x128xf32, #tpu.memory_space<hbm>>
      tpu.enqueue_indirect_dma source(%dma_start3A_532 : memref<100000x128xf32, #tpu.memory_space<hbm>>) target(%dma_start3A_526 : memref<32x128xf32, #tpu.memory_space<vmem>>) offsets(%dma_start3A_529 : memref<32xi32, #tpu.memory_space<vmem>>) semaphore(%arg24 : memref<!tpu.dma_semaphore, #tpu.memory_space<semaphore_mem>>)
      %dma_start3A_533 = arith.constant 1 : i32
      %dma_start3A_534 = arith.constant 32 : i32
      %dma_start3A_535 = arith.constant 0 : i32
      %dma_start3A_536 = tpu.memref_slice %arg23[%dma_start3A_534, %dma_start3A_535] : memref<544x128xf32, #tpu.memory_space<vmem>> -> memref<32x128xf32, #tpu.memory_space<vmem>>
      %dma_start3A_537 = arith.constant 0 : i32
      %dma_start3A_538 = tpu.memref_slice %arg20[%dma_start3A_533, %dma_start3A_537] : memref<17x32xi32, #tpu.memory_space<vmem>> -> memref<1x32xi32, #tpu.memory_space<vmem>>
      %dma_start3A_539 = tpu.memref_squeeze %dma_start3A_538 : memref<1x32xi32, #tpu.memory_space<vmem>> -> memref<32xi32, #tpu.memory_space<vmem>>
      %dma_start3A_540 = arith.constant 0 : i32
      %dma_start3A_541 = arith.constant 0 : i32
      %dma_start3A_542 = tpu.memref_slice %arg3[%dma_start3A_540, %dma_start3A_541] : memref<100000x128xf32, #tpu.memory_space<hbm>> -> memref<100000x128xf32, #tpu.memory_space<hbm>>
      tpu.enqueue_indirect_dma source(%dma_start3A_542 : memref<100000x128xf32, #tpu.memory_space<hbm>>) target(%dma_start3A_536 : memref<32x128xf32, #tpu.memory_space<vmem>>) offsets(%dma_start3A_539 : memref<32xi32, #tpu.memory_space<vmem>>) semaphore(%arg24 : memref<!tpu.dma_semaphore, #tpu.memory_space<semaphore_mem>>)
      %dma_start3A_543 = arith.constant 2 : i32
      %dma_start3A_544 = arith.constant 64 : i32
      %dma_start3A_545 = arith.constant 0 : i32
      %dma_start3A_546 = tpu.memref_slice %arg23[%dma_start3A_544, %dma_start3A_545] : memref<544x128xf32, #tpu.memory_space<vmem>> -> memref<32x128xf32, #tpu.memory_space<vmem>>
      %dma_start3A_547 = arith.constant 0 : i32
      %dma_start3A_548 = tpu.memref_slice %arg20[%dma_start3A_543, %dma_start3A_547] : memref<17x32xi32, #tpu.memory_space<vmem>> -> memref<1x32xi32, #tpu.memory_space<vmem>>
      %dma_start3A_549 = tpu.memref_squeeze %dma_start3A_548 : memref<1x32xi32, #tpu.memory_space<vmem>> -> memref<32xi32, #tpu.memory_space<vmem>>
      %dma_start3A_550 = arith.constant 0 : i32
      %dma_start3A_551 = arith.constant 0 : i32
      %dma_start3A_552 = tpu.memref_slice %arg3[%dma_start3A_550, %dma_start3A_551] : memref<100000x128xf32, #tpu.memory_space<hbm>> -> memref<100000x128xf32, #tpu.memory_space<hbm>>
      tpu.enqueue_indirect_dma source(%dma_start3A_552 : memref<100000x128xf32, #tpu.memory_space<hbm>>) target(%dma_start3A_546 : memref<32x128xf32, #tpu.memory_space<vmem>>) offsets(%dma_start3A_549 : memref<32xi32, #tpu.memory_space<vmem>>) semaphore(%arg24 : memref<!tpu.dma_semaphore, #tpu.memory_space<semaphore_mem>>)
      %dma_start3A_553 = arith.constant 3 : i32
      %dma_start3A_554 = arith.constant 96 : i32
      %dma_start3A_555 = arith.constant 0 : i32
      %dma_start3A_556 = tpu.memref_slice %arg23[%dma_start3A_554, %dma_start3A_555] : memref<544x128xf32, #tpu.memory_space<vmem>> -> memref<32x128xf32, #tpu.memory_space<vmem>>
      %dma_start3A_557 = arith.constant 0 : i32
      %dma_start3A_558 = tpu.memref_slice %arg20[%dma_start3A_553, %dma_start3A_557] : memref<17x32xi32, #tpu.memory_space<vmem>> -> memref<1x32xi32, #tpu.memory_space<vmem>>
      %dma_start3A_559 = tpu.memref_squeeze %dma_start3A_558 : memref<1x32xi32, #tpu.memory_space<vmem>> -> memref<32xi32, #tpu.memory_space<vmem>>
      %dma_start3A_560 = arith.constant 0 : i32
      %dma_start3A_561 = arith.constant 0 : i32
      %dma_start3A_562 = tpu.memref_slice %arg3[%dma_start3A_560, %dma_start3A_561] : memref<100000x128xf32, #tpu.memory_space<hbm>> -> memref<100000x128xf32, #tpu.memory_space<hbm>>
      tpu.enqueue_indirect_dma source(%dma_start3A_562 : memref<100000x128xf32, #tpu.memory_space<hbm>>) target(%dma_start3A_556 : memref<32x128xf32, #tpu.memory_space<vmem>>) offsets(%dma_start3A_559 : memref<32xi32, #tpu.memory_space<vmem>>) semaphore(%arg24 : memref<!tpu.dma_semaphore, #tpu.memory_space<semaphore_mem>>)
      %dma_start3A_563 = arith.constant 4 : i32
      %dma_start3A_564 = arith.constant 128 : i32
      %dma_start3A_565 = arith.constant 0 : i32
      %dma_start3A_566 = tpu.memref_slice %arg23[%dma_start3A_564, %dma_start3A_565] : memref<544x128xf32, #tpu.memory_space<vmem>> -> memref<32x128xf32, #tpu.memory_space<vmem>>
      %dma_start3A_567 = arith.constant 0 : i32
      %dma_start3A_568 = tpu.memref_slice %arg20[%dma_start3A_563, %dma_start3A_567] : memref<17x32xi32, #tpu.memory_space<vmem>> -> memref<1x32xi32, #tpu.memory_space<vmem>>
      %dma_start3A_569 = tpu.memref_squeeze %dma_start3A_568 : memref<1x32xi32, #tpu.memory_space<vmem>> -> memref<32xi32, #tpu.memory_space<vmem>>
      %dma_start3A_570 = arith.constant 0 : i32
      %dma_start3A_571 = arith.constant 0 : i32
      %dma_start3A_572 = tpu.memref_slice %arg3[%dma_start3A_570, %dma_start3A_571] : memref<100000x128xf32, #tpu.memory_space<hbm>> -> memref<100000x128xf32, #tpu.memory_space<hbm>>
      tpu.enqueue_indirect_dma source(%dma_start3A_572 : memref<100000x128xf32, #tpu.memory_space<hbm>>) target(%dma_start3A_566 : memref<32x128xf32, #tpu.memory_space<vmem>>) offsets(%dma_start3A_569 : memref<32xi32, #tpu.memory_space<vmem>>) semaphore(%arg24 : memref<!tpu.dma_semaphore, #tpu.memory_space<semaphore_mem>>)
      %dma_start3A_573 = arith.constant 5 : i32
      %dma_start3A_574 = arith.constant 160 : i32
      %dma_start3A_575 = arith.constant 0 : i32
      %dma_start3A_576 = tpu.memref_slice %arg23[%dma_start3A_574, %dma_start3A_575] : memref<544x128xf32, #tpu.memory_space<vmem>> -> memref<32x128xf32, #tpu.memory_space<vmem>>
      %dma_start3A_577 = arith.constant 0 : i32
      %dma_start3A_578 = tpu.memref_slice %arg20[%dma_start3A_573, %dma_start3A_577] : memref<17x32xi32, #tpu.memory_space<vmem>> -> memref<1x32xi32, #tpu.memory_space<vmem>>
      %dma_start3A_579 = tpu.memref_squeeze %dma_start3A_578 : memref<1x32xi32, #tpu.memory_space<vmem>> -> memref<32xi32, #tpu.memory_space<vmem>>
      %dma_start3A_580 = arith.constant 0 : i32
      %dma_start3A_581 = arith.constant 0 : i32
      %dma_start3A_582 = tpu.memref_slice %arg3[%dma_start3A_580, %dma_start3A_581] : memref<100000x128xf32, #tpu.memory_space<hbm>> -> memref<100000x128xf32, #tpu.memory_space<hbm>>
      tpu.enqueue_indirect_dma source(%dma_start3A_582 : memref<100000x128xf32, #tpu.memory_space<hbm>>) target(%dma_start3A_576 : memref<32x128xf32, #tpu.memory_space<vmem>>) offsets(%dma_start3A_579 : memref<32xi32, #tpu.memory_space<vmem>>) semaphore(%arg24 : memref<!tpu.dma_semaphore, #tpu.memory_space<semaphore_mem>>)
      %dma_start3A_583 = arith.constant 6 : i32
      %dma_start3A_584 = arith.constant 192 : i32
      %dma_start3A_585 = arith.constant 0 : i32
      %dma_start3A_586 = tpu.memref_slice %arg23[%dma_start3A_584, %dma_start3A_585] : memref<544x128xf32, #tpu.memory_space<vmem>> -> memref<32x128xf32, #tpu.memory_space<vmem>>
      %dma_start3A_587 = arith.constant 0 : i32
      %dma_start3A_588 = tpu.memref_slice %arg20[%dma_start3A_583, %dma_start3A_587] : memref<17x32xi32, #tpu.memory_space<vmem>> -> memref<1x32xi32, #tpu.memory_space<vmem>>
      %dma_start3A_589 = tpu.memref_squeeze %dma_start3A_588 : memref<1x32xi32, #tpu.memory_space<vmem>> -> memref<32xi32, #tpu.memory_space<vmem>>
      %dma_start3A_590 = arith.constant 0 : i32
      %dma_start3A_591 = arith.constant 0 : i32
      %dma_start3A_592 = tpu.memref_slice %arg3[%dma_start3A_590, %dma_start3A_591] : memref<100000x128xf32, #tpu.memory_space<hbm>> -> memref<100000x128xf32, #tpu.memory_space<hbm>>
      tpu.enqueue_indirect_dma source(%dma_start3A_592 : memref<100000x128xf32, #tpu.memory_space<hbm>>) target(%dma_start3A_586 : memref<32x128xf32, #tpu.memory_space<vmem>>) offsets(%dma_start3A_589 : memref<32xi32, #tpu.memory_space<vmem>>) semaphore(%arg24 : memref<!tpu.dma_semaphore, #tpu.memory_space<semaphore_mem>>)
      %dma_start3A_593 = arith.constant 7 : i32
      %dma_start3A_594 = arith.constant 224 : i32
      %dma_start3A_595 = arith.constant 0 : i32
      %dma_start3A_596 = tpu.memref_slice %arg23[%dma_start3A_594, %dma_start3A_595] : memref<544x128xf32, #tpu.memory_space<vmem>> -> memref<32x128xf32, #tpu.memory_space<vmem>>
      %dma_start3A_597 = arith.constant 0 : i32
      %dma_start3A_598 = tpu.memref_slice %arg20[%dma_start3A_593, %dma_start3A_597] : memref<17x32xi32, #tpu.memory_space<vmem>> -> memref<1x32xi32, #tpu.memory_space<vmem>>
      %dma_start3A_599 = tpu.memref_squeeze %dma_start3A_598 : memref<1x32xi32, #tpu.memory_space<vmem>> -> memref<32xi32, #tpu.memory_space<vmem>>
      %dma_start3A_600 = arith.constant 0 : i32
      %dma_start3A_601 = arith.constant 0 : i32
      %dma_start3A_602 = tpu.memref_slice %arg3[%dma_start3A_600, %dma_start3A_601] : memref<100000x128xf32, #tpu.memory_space<hbm>> -> memref<100000x128xf32, #tpu.memory_space<hbm>>
      tpu.enqueue_indirect_dma source(%dma_start3A_602 : memref<100000x128xf32, #tpu.memory_space<hbm>>) target(%dma_start3A_596 : memref<32x128xf32, #tpu.memory_space<vmem>>) offsets(%dma_start3A_599 : memref<32xi32, #tpu.memory_space<vmem>>) semaphore(%arg24 : memref<!tpu.dma_semaphore, #tpu.memory_space<semaphore_mem>>)
      %dma_start3A_603 = arith.constant 8 : i32
      %dma_start3A_604 = arith.constant 256 : i32
      %dma_start3A_605 = arith.constant 0 : i32
      %dma_start3A_606 = tpu.memref_slice %arg23[%dma_start3A_604, %dma_start3A_605] : memref<544x128xf32, #tpu.memory_space<vmem>> -> memref<32x128xf32, #tpu.memory_space<vmem>>
      %dma_start3A_607 = arith.constant 0 : i32
      %dma_start3A_608 = tpu.memref_slice %arg20[%dma_start3A_603, %dma_start3A_607] : memref<17x32xi32, #tpu.memory_space<vmem>> -> memref<1x32xi32, #tpu.memory_space<vmem>>
      %dma_start3A_609 = tpu.memref_squeeze %dma_start3A_608 : memref<1x32xi32, #tpu.memory_space<vmem>> -> memref<32xi32, #tpu.memory_space<vmem>>
      %dma_start3A_610 = arith.constant 0 : i32
      %dma_start3A_611 = arith.constant 0 : i32
      %dma_start3A_612 = tpu.memref_slice %arg3[%dma_start3A_610, %dma_start3A_611] : memref<100000x128xf32, #tpu.memory_space<hbm>> -> memref<100000x128xf32, #tpu.memory_space<hbm>>
      tpu.enqueue_indirect_dma source(%dma_start3A_612 : memref<100000x128xf32, #tpu.memory_space<hbm>>) target(%dma_start3A_606 : memref<32x128xf32, #tpu.memory_space<vmem>>) offsets(%dma_start3A_609 : memref<32xi32, #tpu.memory_space<vmem>>) semaphore(%arg24 : memref<!tpu.dma_semaphore, #tpu.memory_space<semaphore_mem>>)
      %dma_start3A_613 = arith.constant 9 : i32
      %dma_start3A_614 = arith.constant 288 : i32
      %dma_start3A_615 = arith.constant 0 : i32
      %dma_start3A_616 = tpu.memref_slice %arg23[%dma_start3A_614, %dma_start3A_615] : memref<544x128xf32, #tpu.memory_space<vmem>> -> memref<32x128xf32, #tpu.memory_space<vmem>>
      %dma_start3A_617 = arith.constant 0 : i32
      %dma_start3A_618 = tpu.memref_slice %arg20[%dma_start3A_613, %dma_start3A_617] : memref<17x32xi32, #tpu.memory_space<vmem>> -> memref<1x32xi32, #tpu.memory_space<vmem>>
      %dma_start3A_619 = tpu.memref_squeeze %dma_start3A_618 : memref<1x32xi32, #tpu.memory_space<vmem>> -> memref<32xi32, #tpu.memory_space<vmem>>
      %dma_start3A_620 = arith.constant 0 : i32
      %dma_start3A_621 = arith.constant 0 : i32
      %dma_start3A_622 = tpu.memref_slice %arg3[%dma_start3A_620, %dma_start3A_621] : memref<100000x128xf32, #tpu.memory_space<hbm>> -> memref<100000x128xf32, #tpu.memory_space<hbm>>
      tpu.enqueue_indirect_dma source(%dma_start3A_622 : memref<100000x128xf32, #tpu.memory_space<hbm>>) target(%dma_start3A_616 : memref<32x128xf32, #tpu.memory_space<vmem>>) offsets(%dma_start3A_619 : memref<32xi32, #tpu.memory_space<vmem>>) semaphore(%arg24 : memref<!tpu.dma_semaphore, #tpu.memory_space<semaphore_mem>>)
      %dma_start3A_623 = arith.constant 10 : i32
      %dma_start3A_624 = arith.constant 320 : i32
      %dma_start3A_625 = arith.constant 0 : i32
      %dma_start3A_626 = tpu.memref_slice %arg23[%dma_start3A_624, %dma_start3A_625] : memref<544x128xf32, #tpu.memory_space<vmem>> -> memref<32x128xf32, #tpu.memory_space<vmem>>
      %dma_start3A_627 = arith.constant 0 : i32
      %dma_start3A_628 = tpu.memref_slice %arg20[%dma_start3A_623, %dma_start3A_627] : memref<17x32xi32, #tpu.memory_space<vmem>> -> memref<1x32xi32, #tpu.memory_space<vmem>>
      %dma_start3A_629 = tpu.memref_squeeze %dma_start3A_628 : memref<1x32xi32, #tpu.memory_space<vmem>> -> memref<32xi32, #tpu.memory_space<vmem>>
      %dma_start3A_630 = arith.constant 0 : i32
      %dma_start3A_631 = arith.constant 0 : i32
      %dma_start3A_632 = tpu.memref_slice %arg3[%dma_start3A_630, %dma_start3A_631] : memref<100000x128xf32, #tpu.memory_space<hbm>> -> memref<100000x128xf32, #tpu.memory_space<hbm>>
      tpu.enqueue_indirect_dma source(%dma_start3A_632 : memref<100000x128xf32, #tpu.memory_space<hbm>>) target(%dma_start3A_626 : memref<32x128xf32, #tpu.memory_space<vmem>>) offsets(%dma_start3A_629 : memref<32xi32, #tpu.memory_space<vmem>>) semaphore(%arg24 : memref<!tpu.dma_semaphore, #tpu.memory_space<semaphore_mem>>)
      %dma_start3A_633 = arith.constant 11 : i32
      %dma_start3A_634 = arith.constant 352 : i32
      %dma_start3A_635 = arith.constant 0 : i32
      %dma_start3A_636 = tpu.memref_slice %arg23[%dma_start3A_634, %dma_start3A_635] : memref<544x128xf32, #tpu.memory_space<vmem>> -> memref<32x128xf32, #tpu.memory_space<vmem>>
      %dma_start3A_637 = arith.constant 0 : i32
      %dma_start3A_638 = tpu.memref_slice %arg20[%dma_start3A_633, %dma_start3A_637] : memref<17x32xi32, #tpu.memory_space<vmem>> -> memref<1x32xi32, #tpu.memory_space<vmem>>
      %dma_start3A_639 = tpu.memref_squeeze %dma_start3A_638 : memref<1x32xi32, #tpu.memory_space<vmem>> -> memref<32xi32, #tpu.memory_space<vmem>>
      %dma_start3A_640 = arith.constant 0 : i32
      %dma_start3A_641 = arith.constant 0 : i32
      %dma_start3A_642 = tpu.memref_slice %arg3[%dma_start3A_640, %dma_start3A_641] : memref<100000x128xf32, #tpu.memory_space<hbm>> -> memref<100000x128xf32, #tpu.memory_space<hbm>>
      tpu.enqueue_indirect_dma source(%dma_start3A_642 : memref<100000x128xf32, #tpu.memory_space<hbm>>) target(%dma_start3A_636 : memref<32x128xf32, #tpu.memory_space<vmem>>) offsets(%dma_start3A_639 : memref<32xi32, #tpu.memory_space<vmem>>) semaphore(%arg24 : memref<!tpu.dma_semaphore, #tpu.memory_space<semaphore_mem>>)
      %dma_start3A_643 = arith.constant 12 : i32
      %dma_start3A_644 = arith.constant 384 : i32
      %dma_start3A_645 = arith.constant 0 : i32
      %dma_start3A_646 = tpu.memref_slice %arg23[%dma_start3A_644, %dma_start3A_645] : memref<544x128xf32, #tpu.memory_space<vmem>> -> memref<32x128xf32, #tpu.memory_space<vmem>>
      %dma_start3A_647 = arith.constant 0 : i32
      %dma_start3A_648 = tpu.memref_slice %arg20[%dma_start3A_643, %dma_start3A_647] : memref<17x32xi32, #tpu.memory_space<vmem>> -> memref<1x32xi32, #tpu.memory_space<vmem>>
      %dma_start3A_649 = tpu.memref_squeeze %dma_start3A_648 : memref<1x32xi32, #tpu.memory_space<vmem>> -> memref<32xi32, #tpu.memory_space<vmem>>
      %dma_start3A_650 = arith.constant 0 : i32
      %dma_start3A_651 = arith.constant 0 : i32
      %dma_start3A_652 = tpu.memref_slice %arg3[%dma_start3A_650, %dma_start3A_651] : memref<100000x128xf32, #tpu.memory_space<hbm>> -> memref<100000x128xf32, #tpu.memory_space<hbm>>
      tpu.enqueue_indirect_dma source(%dma_start3A_652 : memref<100000x128xf32, #tpu.memory_space<hbm>>) target(%dma_start3A_646 : memref<32x128xf32, #tpu.memory_space<vmem>>) offsets(%dma_start3A_649 : memref<32xi32, #tpu.memory_space<vmem>>) semaphore(%arg24 : memref<!tpu.dma_semaphore, #tpu.memory_space<semaphore_mem>>)
      %dma_start3A_653 = arith.constant 13 : i32
      %dma_start3A_654 = arith.constant 416 : i32
      %dma_start3A_655 = arith.constant 0 : i32
      %dma_start3A_656 = tpu.memref_slice %arg23[%dma_start3A_654, %dma_start3A_655] : memref<544x128xf32, #tpu.memory_space<vmem>> -> memref<32x128xf32, #tpu.memory_space<vmem>>
      %dma_start3A_657 = arith.constant 0 : i32
      %dma_start3A_658 = tpu.memref_slice %arg20[%dma_start3A_653, %dma_start3A_657] : memref<17x32xi32, #tpu.memory_space<vmem>> -> memref<1x32xi32, #tpu.memory_space<vmem>>
      %dma_start3A_659 = tpu.memref_squeeze %dma_start3A_658 : memref<1x32xi32, #tpu.memory_space<vmem>> -> memref<32xi32, #tpu.memory_space<vmem>>
      %dma_start3A_660 = arith.constant 0 : i32
      %dma_start3A_661 = arith.constant 0 : i32
      %dma_start3A_662 = tpu.memref_slice %arg3[%dma_start3A_660, %dma_start3A_661] : memref<100000x128xf32, #tpu.memory_space<hbm>> -> memref<100000x128xf32, #tpu.memory_space<hbm>>
      tpu.enqueue_indirect_dma source(%dma_start3A_662 : memref<100000x128xf32, #tpu.memory_space<hbm>>) target(%dma_start3A_656 : memref<32x128xf32, #tpu.memory_space<vmem>>) offsets(%dma_start3A_659 : memref<32xi32, #tpu.memory_space<vmem>>) semaphore(%arg24 : memref<!tpu.dma_semaphore, #tpu.memory_space<semaphore_mem>>)
      %dma_start3A_663 = arith.constant 14 : i32
      %dma_start3A_664 = arith.constant 448 : i32
      %dma_start3A_665 = arith.constant 0 : i32
      %dma_start3A_666 = tpu.memref_slice %arg23[%dma_start3A_664, %dma_start3A_665] : memref<544x128xf32, #tpu.memory_space<vmem>> -> memref<32x128xf32, #tpu.memory_space<vmem>>
      %dma_start3A_667 = arith.constant 0 : i32
      %dma_start3A_668 = tpu.memref_slice %arg20[%dma_start3A_663, %dma_start3A_667] : memref<17x32xi32, #tpu.memory_space<vmem>> -> memref<1x32xi32, #tpu.memory_space<vmem>>
      %dma_start3A_669 = tpu.memref_squeeze %dma_start3A_668 : memref<1x32xi32, #tpu.memory_space<vmem>> -> memref<32xi32, #tpu.memory_space<vmem>>
      %dma_start3A_670 = arith.constant 0 : i32
      %dma_start3A_671 = arith.constant 0 : i32
      %dma_start3A_672 = tpu.memref_slice %arg3[%dma_start3A_670, %dma_start3A_671] : memref<100000x128xf32, #tpu.memory_space<hbm>> -> memref<100000x128xf32, #tpu.memory_space<hbm>>
      tpu.enqueue_indirect_dma source(%dma_start3A_672 : memref<100000x128xf32, #tpu.memory_space<hbm>>) target(%dma_start3A_666 : memref<32x128xf32, #tpu.memory_space<vmem>>) offsets(%dma_start3A_669 : memref<32xi32, #tpu.memory_space<vmem>>) semaphore(%arg24 : memref<!tpu.dma_semaphore, #tpu.memory_space<semaphore_mem>>)
      %dma_start3A_673 = arith.constant 15 : i32
      %dma_start3A_674 = arith.constant 480 : i32
      %dma_start3A_675 = arith.constant 0 : i32
      %dma_start3A_676 = tpu.memref_slice %arg23[%dma_start3A_674, %dma_start3A_675] : memref<544x128xf32, #tpu.memory_space<vmem>> -> memref<32x128xf32, #tpu.memory_space<vmem>>
      %dma_start3A_677 = arith.constant 0 : i32
      %dma_start3A_678 = tpu.memref_slice %arg20[%dma_start3A_673, %dma_start3A_677] : memref<17x32xi32, #tpu.memory_space<vmem>> -> memref<1x32xi32, #tpu.memory_space<vmem>>
      %dma_start3A_679 = tpu.memref_squeeze %dma_start3A_678 : memref<1x32xi32, #tpu.memory_space<vmem>> -> memref<32xi32, #tpu.memory_space<vmem>>
      %dma_start3A_680 = arith.constant 0 : i32
      %dma_start3A_681 = arith.constant 0 : i32
      %dma_start3A_682 = tpu.memref_slice %arg3[%dma_start3A_680, %dma_start3A_681] : memref<100000x128xf32, #tpu.memory_space<hbm>> -> memref<100000x128xf32, #tpu.memory_space<hbm>>
      tpu.enqueue_indirect_dma source(%dma_start3A_682 : memref<100000x128xf32, #tpu.memory_space<hbm>>) target(%dma_start3A_676 : memref<32x128xf32, #tpu.memory_space<vmem>>) offsets(%dma_start3A_679 : memref<32xi32, #tpu.memory_space<vmem>>) semaphore(%arg24 : memref<!tpu.dma_semaphore, #tpu.memory_space<semaphore_mem>>)
      %dma_start3A_683 = arith.constant 16 : i32
      %dma_start3A_684 = arith.constant 512 : i32
      %dma_start3A_685 = arith.constant 0 : i32
      %dma_start3A_686 = tpu.memref_slice %arg23[%dma_start3A_684, %dma_start3A_685] : memref<544x128xf32, #tpu.memory_space<vmem>> -> memref<32x128xf32, #tpu.memory_space<vmem>>
      %dma_start3A_687 = arith.constant 0 : i32
      %dma_start3A_688 = tpu.memref_slice %arg20[%dma_start3A_683, %dma_start3A_687] : memref<17x32xi32, #tpu.memory_space<vmem>> -> memref<1x32xi32, #tpu.memory_space<vmem>>
      %dma_start3A_689 = tpu.memref_squeeze %dma_start3A_688 : memref<1x32xi32, #tpu.memory_space<vmem>> -> memref<32xi32, #tpu.memory_space<vmem>>
      %dma_start3A_690 = arith.constant 0 : i32
      %dma_start3A_691 = arith.constant 0 : i32
      %dma_start3A_692 = tpu.memref_slice %arg3[%dma_start3A_690, %dma_start3A_691] : memref<100000x128xf32, #tpu.memory_space<hbm>> -> memref<100000x128xf32, #tpu.memory_space<hbm>>
      tpu.enqueue_indirect_dma source(%dma_start3A_692 : memref<100000x128xf32, #tpu.memory_space<hbm>>) target(%dma_start3A_686 : memref<32x128xf32, #tpu.memory_space<vmem>>) offsets(%dma_start3A_689 : memref<32xi32, #tpu.memory_space<vmem>>) semaphore(%arg24 : memref<!tpu.dma_semaphore, #tpu.memory_space<semaphore_mem>>)
      %broadcast_in_dim3A_693 = arith.constant 0 : i32
      %broadcast_in_dim3A_694 = vector.broadcast %broadcast_in_dim3A_693 : i32 to vector<16xi32>
      %gather3A_695 = tpu.vector_load_idx %arg15[%add3A_41, %broadcast_in_dim3A_694] : memref<8x16xf32, #tpu.memory_space<vmem>>[vector<16xi32>, vector<16xi32>], vector<16xf32>,
      %add3A_696 = arith.constant 1 : i32
      %add3A_697 = vector.broadcast %add3A_696 : i32 to vector<16xi32>
      %add3A_698 = arith.addi %add3A_697, %iota3A : vector<16xi32>
      %add3A_699 = arith.constant 18 : i32
      %add3A_700 = vector.broadcast %add3A_699 : i32 to vector<16xi32>
      %add3A_701 = arith.addi %add3A_700, %iota3A : vector<16xi32>
      %get3A_702 = arith.constant 0 : i32
      %get3A_703 = arith.index_cast %get3A_702 : i32 to index
      %get3A_704 = arith.constant 0 : index
      %get3A_705 = tpu.vector_load %arg18[%get3A_703, %get3A_704] {strides = array<i32>} : memref<16x16xf32, #tpu.memory_space<vmem>>, vector<16xf32>,
      %get3A_706 = arith.constant 0 : i32
      %get3A_707 = arith.index_cast %get3A_706 : i32 to index
      %get3A_708 = arith.constant 0 : index
      %get3A_709 = tpu.vector_load %arg19[%get3A_707, %get3A_708] {strides = array<i32>} : memref<16x16xf32, #tpu.memory_space<vmem>>, vector<16xf32>,
      tpu.vector_store_idx %arg21[%add3A_698, %add3A_41], %get3A_705 : memref<544x8xf32, #tpu.memory_space<vmem>>[vector<16xi32>, vector<16xi32>], vector<16xf32>,
      tpu.vector_store_idx %arg21[%add3A_701, %add3A_41], %get3A_709 : memref<544x8xf32, #tpu.memory_space<vmem>>[vector<16xi32>, vector<16xi32>], vector<16xf32>,
      %mul3A_710 = arith.mulf %get3A_705, %gather3A_695 : vector<16xf32>
      tpu.vector_store_idx %arg22[%add3A_698, %add3A_41], %mul3A_710 : memref<544x8xf32, #tpu.memory_space<vmem>>[vector<16xi32>, vector<16xi32>], vector<16xf32>,
      %mul3A_711 = arith.mulf %get3A_709, %gather3A_695 : vector<16xf32>
      tpu.vector_store_idx %arg22[%add3A_701, %add3A_41], %mul3A_711 : memref<544x8xf32, #tpu.memory_space<vmem>>[vector<16xi32>, vector<16xi32>], vector<16xf32>,
      %broadcast_in_dim3A_712 = arith.constant 1 : i32
      %broadcast_in_dim3A_713 = vector.broadcast %broadcast_in_dim3A_712 : i32 to vector<16xi32>
      %gather3A_714 = tpu.vector_load_idx %arg15[%add3A_41, %broadcast_in_dim3A_713] : memref<8x16xf32, #tpu.memory_space<vmem>>[vector<16xi32>, vector<16xi32>], vector<16xf32>,
      %add3A_715 = arith.constant 35 : i32
      %add3A_716 = vector.broadcast %add3A_715 : i32 to vector<16xi32>
      %add3A_717 = arith.addi %add3A_716, %iota3A : vector<16xi32>
      %add3A_718 = arith.constant 52 : i32
      %add3A_719 = vector.broadcast %add3A_718 : i32 to vector<16xi32>
      %add3A_720 = arith.addi %add3A_719, %iota3A : vector<16xi32>
      %get3A_721 = arith.constant 1 : i32
      %get3A_722 = arith.index_cast %get3A_721 : i32 to index
      %get3A_723 = arith.constant 0 : index
      %get3A_724 = tpu.vector_load %arg18[%get3A_722, %get3A_723] {strides = array<i32>} : memref<16x16xf32, #tpu.memory_space<vmem>>, vector<16xf32>,
      %get3A_725 = arith.constant 1 : i32
      %get3A_726 = arith.index_cast %get3A_725 : i32 to index
      %get3A_727 = arith.constant 0 : index
      %get3A_728 = tpu.vector_load %arg19[%get3A_726, %get3A_727] {strides = array<i32>} : memref<16x16xf32, #tpu.memory_space<vmem>>, vector<16xf32>,
      tpu.vector_store_idx %arg21[%add3A_717, %add3A_41], %get3A_724 : memref<544x8xf32, #tpu.memory_space<vmem>>[vector<16xi32>, vector<16xi32>], vector<16xf32>,
      tpu.vector_store_idx %arg21[%add3A_720, %add3A_41], %get3A_728 : memref<544x8xf32, #tpu.memory_space<vmem>>[vector<16xi32>, vector<16xi32>], vector<16xf32>,
      %mul3A_729 = arith.mulf %get3A_724, %gather3A_714 : vector<16xf32>
      tpu.vector_store_idx %arg22[%add3A_717, %add3A_41], %mul3A_729 : memref<544x8xf32, #tpu.memory_space<vmem>>[vector<16xi32>, vector<16xi32>], vector<16xf32>,
      %mul3A_730 = arith.mulf %get3A_728, %gather3A_714 : vector<16xf32>
      tpu.vector_store_idx %arg22[%add3A_720, %add3A_41], %mul3A_730 : memref<544x8xf32, #tpu.memory_space<vmem>>[vector<16xi32>, vector<16xi32>], vector<16xf32>,
      %broadcast_in_dim3A_731 = arith.constant 2 : i32
      %broadcast_in_dim3A_732 = vector.broadcast %broadcast_in_dim3A_731 : i32 to vector<16xi32>
      %gather3A_733 = tpu.vector_load_idx %arg15[%add3A_41, %broadcast_in_dim3A_732] : memref<8x16xf32, #tpu.memory_space<vmem>>[vector<16xi32>, vector<16xi32>], vector<16xf32>,
      %add3A_734 = arith.constant 69 : i32
      %add3A_735 = vector.broadcast %add3A_734 : i32 to vector<16xi32>
      %add3A_736 = arith.addi %add3A_735, %iota3A : vector<16xi32>
      %add3A_737 = arith.constant 86 : i32
      %add3A_738 = vector.broadcast %add3A_737 : i32 to vector<16xi32>
      %add3A_739 = arith.addi %add3A_738, %iota3A : vector<16xi32>
      %get3A_740 = arith.constant 2 : i32
      %get3A_741 = arith.index_cast %get3A_740 : i32 to index
      %get3A_742 = arith.constant 0 : index
      %get3A_743 = tpu.vector_load %arg18[%get3A_741, %get3A_742] {strides = array<i32>} : memref<16x16xf32, #tpu.memory_space<vmem>>, vector<16xf32>,
      %get3A_744 = arith.constant 2 : i32
      %get3A_745 = arith.index_cast %get3A_744 : i32 to index
      %get3A_746 = arith.constant 0 : index
      %get3A_747 = tpu.vector_load %arg19[%get3A_745, %get3A_746] {strides = array<i32>} : memref<16x16xf32, #tpu.memory_space<vmem>>, vector<16xf32>,
      tpu.vector_store_idx %arg21[%add3A_736, %add3A_41], %get3A_743 : memref<544x8xf32, #tpu.memory_space<vmem>>[vector<16xi32>, vector<16xi32>], vector<16xf32>,
      tpu.vector_store_idx %arg21[%add3A_739, %add3A_41], %get3A_747 : memref<544x8xf32, #tpu.memory_space<vmem>>[vector<16xi32>, vector<16xi32>], vector<16xf32>,
      %mul3A_748 = arith.mulf %get3A_743, %gather3A_733 : vector<16xf32>
      tpu.vector_store_idx %arg22[%add3A_736, %add3A_41], %mul3A_748 : memref<544x8xf32, #tpu.memory_space<vmem>>[vector<16xi32>, vector<16xi32>], vector<16xf32>,
      %mul3A_749 = arith.mulf %get3A_747, %gather3A_733 : vector<16xf32>
      tpu.vector_store_idx %arg22[%add3A_739, %add3A_41], %mul3A_749 : memref<544x8xf32, #tpu.memory_space<vmem>>[vector<16xi32>, vector<16xi32>], vector<16xf32>,
      %broadcast_in_dim3A_750 = arith.constant 3 : i32
      %broadcast_in_dim3A_751 = vector.broadcast %broadcast_in_dim3A_750 : i32 to vector<16xi32>
      %gather3A_752 = tpu.vector_load_idx %arg15[%add3A_41, %broadcast_in_dim3A_751] : memref<8x16xf32, #tpu.memory_space<vmem>>[vector<16xi32>, vector<16xi32>], vector<16xf32>,
      %add3A_753 = arith.constant 103 : i32
      %add3A_754 = vector.broadcast %add3A_753 : i32 to vector<16xi32>
      %add3A_755 = arith.addi %add3A_754, %iota3A : vector<16xi32>
      %add3A_756 = arith.constant 120 : i32
      %add3A_757 = vector.broadcast %add3A_756 : i32 to vector<16xi32>
      %add3A_758 = arith.addi %add3A_757, %iota3A : vector<16xi32>
      %get3A_759 = arith.constant 3 : i32
      %get3A_760 = arith.index_cast %get3A_759 : i32 to index
      %get3A_761 = arith.constant 0 : index
      %get3A_762 = tpu.vector_load %arg18[%get3A_760, %get3A_761] {strides = array<i32>} : memref<16x16xf32, #tpu.memory_space<vmem>>, vector<16xf32>,
      %get3A_763 = arith.constant 3 : i32
      %get3A_764 = arith.index_cast %get3A_763 : i32 to index
      %get3A_765 = arith.constant 0 : index
      %get3A_766 = tpu.vector_load %arg19[%get3A_764, %get3A_765] {strides = array<i32>} : memref<16x16xf32, #tpu.memory_space<vmem>>, vector<16xf32>,
      tpu.vector_store_idx %arg21[%add3A_755, %add3A_41], %get3A_762 : memref<544x8xf32, #tpu.memory_space<vmem>>[vector<16xi32>, vector<16xi32>], vector<16xf32>,
      tpu.vector_store_idx %arg21[%add3A_758, %add3A_41], %get3A_766 : memref<544x8xf32, #tpu.memory_space<vmem>>[vector<16xi32>, vector<16xi32>], vector<16xf32>,
      %mul3A_767 = arith.mulf %get3A_762, %gather3A_752 : vector<16xf32>
      tpu.vector_store_idx %arg22[%add3A_755, %add3A_41], %mul3A_767 : memref<544x8xf32, #tpu.memory_space<vmem>>[vector<16xi32>, vector<16xi32>], vector<16xf32>,
      %mul3A_768 = arith.mulf %get3A_766, %gather3A_752 : vector<16xf32>
      tpu.vector_store_idx %arg22[%add3A_758, %add3A_41], %mul3A_768 : memref<544x8xf32, #tpu.memory_space<vmem>>[vector<16xi32>, vector<16xi32>], vector<16xf32>,
      %broadcast_in_dim3A_769 = arith.constant 4 : i32
      %broadcast_in_dim3A_770 = vector.broadcast %broadcast_in_dim3A_769 : i32 to vector<16xi32>
      %gather3A_771 = tpu.vector_load_idx %arg15[%add3A_41, %broadcast_in_dim3A_770] : memref<8x16xf32, #tpu.memory_space<vmem>>[vector<16xi32>, vector<16xi32>], vector<16xf32>,
      %add3A_772 = arith.constant 137 : i32
      %add3A_773 = vector.broadcast %add3A_772 : i32 to vector<16xi32>
      %add3A_774 = arith.addi %add3A_773, %iota3A : vector<16xi32>
      %add3A_775 = arith.constant 154 : i32
      %add3A_776 = vector.broadcast %add3A_775 : i32 to vector<16xi32>
      %add3A_777 = arith.addi %add3A_776, %iota3A : vector<16xi32>
      %get3A_778 = arith.constant 4 : i32
      %get3A_779 = arith.index_cast %get3A_778 : i32 to index
      %get3A_780 = arith.constant 0 : index
      %get3A_781 = tpu.vector_load %arg18[%get3A_779, %get3A_780] {strides = array<i32>} : memref<16x16xf32, #tpu.memory_space<vmem>>, vector<16xf32>,
      %get3A_782 = arith.constant 4 : i32
      %get3A_783 = arith.index_cast %get3A_782 : i32 to index
      %get3A_784 = arith.constant 0 : index
      %get3A_785 = tpu.vector_load %arg19[%get3A_783, %get3A_784] {strides = array<i32>} : memref<16x16xf32, #tpu.memory_space<vmem>>, vector<16xf32>,
      tpu.vector_store_idx %arg21[%add3A_774, %add3A_41], %get3A_781 : memref<544x8xf32, #tpu.memory_space<vmem>>[vector<16xi32>, vector<16xi32>], vector<16xf32>,
      tpu.vector_store_idx %arg21[%add3A_777, %add3A_41], %get3A_785 : memref<544x8xf32, #tpu.memory_space<vmem>>[vector<16xi32>, vector<16xi32>], vector<16xf32>,
      %mul3A_786 = arith.mulf %get3A_781, %gather3A_771 : vector<16xf32>
      tpu.vector_store_idx %arg22[%add3A_774, %add3A_41], %mul3A_786 : memref<544x8xf32, #tpu.memory_space<vmem>>[vector<16xi32>, vector<16xi32>], vector<16xf32>,
      %mul3A_787 = arith.mulf %get3A_785, %gather3A_771 : vector<16xf32>
      tpu.vector_store_idx %arg22[%add3A_777, %add3A_41], %mul3A_787 : memref<544x8xf32, #tpu.memory_space<vmem>>[vector<16xi32>, vector<16xi32>], vector<16xf32>,
      %broadcast_in_dim3A_788 = arith.constant 5 : i32
      %broadcast_in_dim3A_789 = vector.broadcast %broadcast_in_dim3A_788 : i32 to vector<16xi32>
      %gather3A_790 = tpu.vector_load_idx %arg15[%add3A_41, %broadcast_in_dim3A_789] : memref<8x16xf32, #tpu.memory_space<vmem>>[vector<16xi32>, vector<16xi32>], vector<16xf32>,
      %add3A_791 = arith.constant 171 : i32
      %add3A_792 = vector.broadcast %add3A_791 : i32 to vector<16xi32>
      %add3A_793 = arith.addi %add3A_792, %iota3A : vector<16xi32>
      %add3A_794 = arith.constant 188 : i32
      %add3A_795 = vector.broadcast %add3A_794 : i32 to vector<16xi32>
      %add3A_796 = arith.addi %add3A_795, %iota3A : vector<16xi32>
      %get3A_797 = arith.constant 5 : i32
      %get3A_798 = arith.index_cast %get3A_797 : i32 to index
      %get3A_799 = arith.constant 0 : index
      %get3A_800 = tpu.vector_load %arg18[%get3A_798, %get3A_799] {strides = array<i32>} : memref<16x16xf32, #tpu.memory_space<vmem>>, vector<16xf32>,
      %get3A_801 = arith.constant 5 : i32
      %get3A_802 = arith.index_cast %get3A_801 : i32 to index
      %get3A_803 = arith.constant 0 : index
      %get3A_804 = tpu.vector_load %arg19[%get3A_802, %get3A_803] {strides = array<i32>} : memref<16x16xf32, #tpu.memory_space<vmem>>, vector<16xf32>,
      tpu.vector_store_idx %arg21[%add3A_793, %add3A_41], %get3A_800 : memref<544x8xf32, #tpu.memory_space<vmem>>[vector<16xi32>, vector<16xi32>], vector<16xf32>,
      tpu.vector_store_idx %arg21[%add3A_796, %add3A_41], %get3A_804 : memref<544x8xf32, #tpu.memory_space<vmem>>[vector<16xi32>, vector<16xi32>], vector<16xf32>,
      %mul3A_805 = arith.mulf %get3A_800, %gather3A_790 : vector<16xf32>
      tpu.vector_store_idx %arg22[%add3A_793, %add3A_41], %mul3A_805 : memref<544x8xf32, #tpu.memory_space<vmem>>[vector<16xi32>, vector<16xi32>], vector<16xf32>,
      %mul3A_806 = arith.mulf %get3A_804, %gather3A_790 : vector<16xf32>
      tpu.vector_store_idx %arg22[%add3A_796, %add3A_41], %mul3A_806 : memref<544x8xf32, #tpu.memory_space<vmem>>[vector<16xi32>, vector<16xi32>], vector<16xf32>,
      %broadcast_in_dim3A_807 = arith.constant 6 : i32
      %broadcast_in_dim3A_808 = vector.broadcast %broadcast_in_dim3A_807 : i32 to vector<16xi32>
      %gather3A_809 = tpu.vector_load_idx %arg15[%add3A_41, %broadcast_in_dim3A_808] : memref<8x16xf32, #tpu.memory_space<vmem>>[vector<16xi32>, vector<16xi32>], vector<16xf32>,
      %add3A_810 = arith.constant 205 : i32
      %add3A_811 = vector.broadcast %add3A_810 : i32 to vector<16xi32>
      %add3A_812 = arith.addi %add3A_811, %iota3A : vector<16xi32>
      %add3A_813 = arith.constant 222 : i32
      %add3A_814 = vector.broadcast %add3A_813 : i32 to vector<16xi32>
      %add3A_815 = arith.addi %add3A_814, %iota3A : vector<16xi32>
      %get3A_816 = arith.constant 6 : i32
      %get3A_817 = arith.index_cast %get3A_816 : i32 to index
      %get3A_818 = arith.constant 0 : index
      %get3A_819 = tpu.vector_load %arg18[%get3A_817, %get3A_818] {strides = array<i32>} : memref<16x16xf32, #tpu.memory_space<vmem>>, vector<16xf32>,
      %get3A_820 = arith.constant 6 : i32
      %get3A_821 = arith.index_cast %get3A_820 : i32 to index
      %get3A_822 = arith.constant 0 : index
      %get3A_823 = tpu.vector_load %arg19[%get3A_821, %get3A_822] {strides = array<i32>} : memref<16x16xf32, #tpu.memory_space<vmem>>, vector<16xf32>,
      tpu.vector_store_idx %arg21[%add3A_812, %add3A_41], %get3A_819 : memref<544x8xf32, #tpu.memory_space<vmem>>[vector<16xi32>, vector<16xi32>], vector<16xf32>,
      tpu.vector_store_idx %arg21[%add3A_815, %add3A_41], %get3A_823 : memref<544x8xf32, #tpu.memory_space<vmem>>[vector<16xi32>, vector<16xi32>], vector<16xf32>,
      %mul3A_824 = arith.mulf %get3A_819, %gather3A_809 : vector<16xf32>
      tpu.vector_store_idx %arg22[%add3A_812, %add3A_41], %mul3A_824 : memref<544x8xf32, #tpu.memory_space<vmem>>[vector<16xi32>, vector<16xi32>], vector<16xf32>,
      %mul3A_825 = arith.mulf %get3A_823, %gather3A_809 : vector<16xf32>
      tpu.vector_store_idx %arg22[%add3A_815, %add3A_41], %mul3A_825 : memref<544x8xf32, #tpu.memory_space<vmem>>[vector<16xi32>, vector<16xi32>], vector<16xf32>,
      %broadcast_in_dim3A_826 = arith.constant 7 : i32
      %broadcast_in_dim3A_827 = vector.broadcast %broadcast_in_dim3A_826 : i32 to vector<16xi32>
      %gather3A_828 = tpu.vector_load_idx %arg15[%add3A_41, %broadcast_in_dim3A_827] : memref<8x16xf32, #tpu.memory_space<vmem>>[vector<16xi32>, vector<16xi32>], vector<16xf32>,
      %add3A_829 = arith.constant 239 : i32
      %add3A_830 = vector.broadcast %add3A_829 : i32 to vector<16xi32>
      %add3A_831 = arith.addi %add3A_830, %iota3A : vector<16xi32>
      %add3A_832 = arith.constant 256 : i32
      %add3A_833 = vector.broadcast %add3A_832 : i32 to vector<16xi32>
      %add3A_834 = arith.addi %add3A_833, %iota3A : vector<16xi32>
      %get3A_835 = arith.constant 7 : i32
      %get3A_836 = arith.index_cast %get3A_835 : i32 to index
      %get3A_837 = arith.constant 0 : index
      %get3A_838 = tpu.vector_load %arg18[%get3A_836, %get3A_837] {strides = array<i32>} : memref<16x16xf32, #tpu.memory_space<vmem>>, vector<16xf32>,
      %get3A_839 = arith.constant 7 : i32
      %get3A_840 = arith.index_cast %get3A_839 : i32 to index
      %get3A_841 = arith.constant 0 : index
      %get3A_842 = tpu.vector_load %arg19[%get3A_840, %get3A_841] {strides = array<i32>} : memref<16x16xf32, #tpu.memory_space<vmem>>, vector<16xf32>,
      tpu.vector_store_idx %arg21[%add3A_831, %add3A_41], %get3A_838 : memref<544x8xf32, #tpu.memory_space<vmem>>[vector<16xi32>, vector<16xi32>], vector<16xf32>,
      tpu.vector_store_idx %arg21[%add3A_834, %add3A_41], %get3A_842 : memref<544x8xf32, #tpu.memory_space<vmem>>[vector<16xi32>, vector<16xi32>], vector<16xf32>,
      %mul3A_843 = arith.mulf %get3A_838, %gather3A_828 : vector<16xf32>
      tpu.vector_store_idx %arg22[%add3A_831, %add3A_41], %mul3A_843 : memref<544x8xf32, #tpu.memory_space<vmem>>[vector<16xi32>, vector<16xi32>], vector<16xf32>,
      %mul3A_844 = arith.mulf %get3A_842, %gather3A_828 : vector<16xf32>
      tpu.vector_store_idx %arg22[%add3A_834, %add3A_41], %mul3A_844 : memref<544x8xf32, #tpu.memory_space<vmem>>[vector<16xi32>, vector<16xi32>], vector<16xf32>,
      %broadcast_in_dim3A_845 = arith.constant 8 : i32
      %broadcast_in_dim3A_846 = vector.broadcast %broadcast_in_dim3A_845 : i32 to vector<16xi32>
      %gather3A_847 = tpu.vector_load_idx %arg15[%add3A_41, %broadcast_in_dim3A_846] : memref<8x16xf32, #tpu.memory_space<vmem>>[vector<16xi32>, vector<16xi32>], vector<16xf32>,
      %add3A_848 = arith.constant 273 : i32
      %add3A_849 = vector.broadcast %add3A_848 : i32 to vector<16xi32>
      %add3A_850 = arith.addi %add3A_849, %iota3A : vector<16xi32>
      %add3A_851 = arith.constant 290 : i32
      %add3A_852 = vector.broadcast %add3A_851 : i32 to vector<16xi32>
      %add3A_853 = arith.addi %add3A_852, %iota3A : vector<16xi32>
      %get3A_854 = arith.constant 8 : i32
      %get3A_855 = arith.index_cast %get3A_854 : i32 to index
      %get3A_856 = arith.constant 0 : index
      %get3A_857 = tpu.vector_load %arg18[%get3A_855, %get3A_856] {strides = array<i32>} : memref<16x16xf32, #tpu.memory_space<vmem>>, vector<16xf32>,
      %get3A_858 = arith.constant 8 : i32
      %get3A_859 = arith.index_cast %get3A_858 : i32 to index
      %get3A_860 = arith.constant 0 : index
      %get3A_861 = tpu.vector_load %arg19[%get3A_859, %get3A_860] {strides = array<i32>} : memref<16x16xf32, #tpu.memory_space<vmem>>, vector<16xf32>,
      tpu.vector_store_idx %arg21[%add3A_850, %add3A_41], %get3A_857 : memref<544x8xf32, #tpu.memory_space<vmem>>[vector<16xi32>, vector<16xi32>], vector<16xf32>,
      tpu.vector_store_idx %arg21[%add3A_853, %add3A_41], %get3A_861 : memref<544x8xf32, #tpu.memory_space<vmem>>[vector<16xi32>, vector<16xi32>], vector<16xf32>,
      %mul3A_862 = arith.mulf %get3A_857, %gather3A_847 : vector<16xf32>
      tpu.vector_store_idx %arg22[%add3A_850, %add3A_41], %mul3A_862 : memref<544x8xf32, #tpu.memory_space<vmem>>[vector<16xi32>, vector<16xi32>], vector<16xf32>,
      %mul3A_863 = arith.mulf %get3A_861, %gather3A_847 : vector<16xf32>
      tpu.vector_store_idx %arg22[%add3A_853, %add3A_41], %mul3A_863 : memref<544x8xf32, #tpu.memory_space<vmem>>[vector<16xi32>, vector<16xi32>], vector<16xf32>,
      %broadcast_in_dim3A_864 = arith.constant 9 : i32
      %broadcast_in_dim3A_865 = vector.broadcast %broadcast_in_dim3A_864 : i32 to vector<16xi32>
      %gather3A_866 = tpu.vector_load_idx %arg15[%add3A_41, %broadcast_in_dim3A_865] : memref<8x16xf32, #tpu.memory_space<vmem>>[vector<16xi32>, vector<16xi32>], vector<16xf32>,
      %add3A_867 = arith.constant 307 : i32
      %add3A_868 = vector.broadcast %add3A_867 : i32 to vector<16xi32>
      %add3A_869 = arith.addi %add3A_868, %iota3A : vector<16xi32>
      %add3A_870 = arith.constant 324 : i32
      %add3A_871 = vector.broadcast %add3A_870 : i32 to vector<16xi32>
      %add3A_872 = arith.addi %add3A_871, %iota3A : vector<16xi32>
      %get3A_873 = arith.constant 9 : i32
      %get3A_874 = arith.index_cast %get3A_873 : i32 to index
      %get3A_875 = arith.constant 0 : index
      %get3A_876 = tpu.vector_load %arg18[%get3A_874, %get3A_875] {strides = array<i32>} : memref<16x16xf32, #tpu.memory_space<vmem>>, vector<16xf32>,
      %get3A_877 = arith.constant 9 : i32
      %get3A_878 = arith.index_cast %get3A_877 : i32 to index
      %get3A_879 = arith.constant 0 : index
      %get3A_880 = tpu.vector_load %arg19[%get3A_878, %get3A_879] {strides = array<i32>} : memref<16x16xf32, #tpu.memory_space<vmem>>, vector<16xf32>,
      tpu.vector_store_idx %arg21[%add3A_869, %add3A_41], %get3A_876 : memref<544x8xf32, #tpu.memory_space<vmem>>[vector<16xi32>, vector<16xi32>], vector<16xf32>,
      tpu.vector_store_idx %arg21[%add3A_872, %add3A_41], %get3A_880 : memref<544x8xf32, #tpu.memory_space<vmem>>[vector<16xi32>, vector<16xi32>], vector<16xf32>,
      %mul3A_881 = arith.mulf %get3A_876, %gather3A_866 : vector<16xf32>
      tpu.vector_store_idx %arg22[%add3A_869, %add3A_41], %mul3A_881 : memref<544x8xf32, #tpu.memory_space<vmem>>[vector<16xi32>, vector<16xi32>], vector<16xf32>,
      %mul3A_882 = arith.mulf %get3A_880, %gather3A_866 : vector<16xf32>
      tpu.vector_store_idx %arg22[%add3A_872, %add3A_41], %mul3A_882 : memref<544x8xf32, #tpu.memory_space<vmem>>[vector<16xi32>, vector<16xi32>], vector<16xf32>,
      %broadcast_in_dim3A_883 = arith.constant 10 : i32
      %broadcast_in_dim3A_884 = vector.broadcast %broadcast_in_dim3A_883 : i32 to vector<16xi32>
      %gather3A_885 = tpu.vector_load_idx %arg15[%add3A_41, %broadcast_in_dim3A_884] : memref<8x16xf32, #tpu.memory_space<vmem>>[vector<16xi32>, vector<16xi32>], vector<16xf32>,
      %add3A_886 = arith.constant 341 : i32
      %add3A_887 = vector.broadcast %add3A_886 : i32 to vector<16xi32>
      %add3A_888 = arith.addi %add3A_887, %iota3A : vector<16xi32>
      %add3A_889 = arith.constant 358 : i32
      %add3A_890 = vector.broadcast %add3A_889 : i32 to vector<16xi32>
      %add3A_891 = arith.addi %add3A_890, %iota3A : vector<16xi32>
      %get3A_892 = arith.constant 10 : i32
      %get3A_893 = arith.index_cast %get3A_892 : i32 to index
      %get3A_894 = arith.constant 0 : index
      %get3A_895 = tpu.vector_load %arg18[%get3A_893, %get3A_894] {strides = array<i32>} : memref<16x16xf32, #tpu.memory_space<vmem>>, vector<16xf32>,
      %get3A_896 = arith.constant 10 : i32
      %get3A_897 = arith.index_cast %get3A_896 : i32 to index
      %get3A_898 = arith.constant 0 : index
      %get3A_899 = tpu.vector_load %arg19[%get3A_897, %get3A_898] {strides = array<i32>} : memref<16x16xf32, #tpu.memory_space<vmem>>, vector<16xf32>,
      tpu.vector_store_idx %arg21[%add3A_888, %add3A_41], %get3A_895 : memref<544x8xf32, #tpu.memory_space<vmem>>[vector<16xi32>, vector<16xi32>], vector<16xf32>,
      tpu.vector_store_idx %arg21[%add3A_891, %add3A_41], %get3A_899 : memref<544x8xf32, #tpu.memory_space<vmem>>[vector<16xi32>, vector<16xi32>], vector<16xf32>,
      %mul3A_900 = arith.mulf %get3A_895, %gather3A_885 : vector<16xf32>
      tpu.vector_store_idx %arg22[%add3A_888, %add3A_41], %mul3A_900 : memref<544x8xf32, #tpu.memory_space<vmem>>[vector<16xi32>, vector<16xi32>], vector<16xf32>,
      %mul3A_901 = arith.mulf %get3A_899, %gather3A_885 : vector<16xf32>
      tpu.vector_store_idx %arg22[%add3A_891, %add3A_41], %mul3A_901 : memref<544x8xf32, #tpu.memory_space<vmem>>[vector<16xi32>, vector<16xi32>], vector<16xf32>,
      %broadcast_in_dim3A_902 = arith.constant 11 : i32
      %broadcast_in_dim3A_903 = vector.broadcast %broadcast_in_dim3A_902 : i32 to vector<16xi32>
      %gather3A_904 = tpu.vector_load_idx %arg15[%add3A_41, %broadcast_in_dim3A_903] : memref<8x16xf32, #tpu.memory_space<vmem>>[vector<16xi32>, vector<16xi32>], vector<16xf32>,
      %add3A_905 = arith.constant 375 : i32
      %add3A_906 = vector.broadcast %add3A_905 : i32 to vector<16xi32>
      %add3A_907 = arith.addi %add3A_906, %iota3A : vector<16xi32>
      %add3A_908 = arith.constant 392 : i32
      %add3A_909 = vector.broadcast %add3A_908 : i32 to vector<16xi32>
      %add3A_910 = arith.addi %add3A_909, %iota3A : vector<16xi32>
      %get3A_911 = arith.constant 11 : i32
      %get3A_912 = arith.index_cast %get3A_911 : i32 to index
      %get3A_913 = arith.constant 0 : index
      %get3A_914 = tpu.vector_load %arg18[%get3A_912, %get3A_913] {strides = array<i32>} : memref<16x16xf32, #tpu.memory_space<vmem>>, vector<16xf32>,
      %get3A_915 = arith.constant 11 : i32
      %get3A_916 = arith.index_cast %get3A_915 : i32 to index
      %get3A_917 = arith.constant 0 : index
      %get3A_918 = tpu.vector_load %arg19[%get3A_916, %get3A_917] {strides = array<i32>} : memref<16x16xf32, #tpu.memory_space<vmem>>, vector<16xf32>,
      tpu.vector_store_idx %arg21[%add3A_907, %add3A_41], %get3A_914 : memref<544x8xf32, #tpu.memory_space<vmem>>[vector<16xi32>, vector<16xi32>], vector<16xf32>,
      tpu.vector_store_idx %arg21[%add3A_910, %add3A_41], %get3A_918 : memref<544x8xf32, #tpu.memory_space<vmem>>[vector<16xi32>, vector<16xi32>], vector<16xf32>,
      %mul3A_919 = arith.mulf %get3A_914, %gather3A_904 : vector<16xf32>
      tpu.vector_store_idx %arg22[%add3A_907, %add3A_41], %mul3A_919 : memref<544x8xf32, #tpu.memory_space<vmem>>[vector<16xi32>, vector<16xi32>], vector<16xf32>,
      %mul3A_920 = arith.mulf %get3A_918, %gather3A_904 : vector<16xf32>
      tpu.vector_store_idx %arg22[%add3A_910, %add3A_41], %mul3A_920 : memref<544x8xf32, #tpu.memory_space<vmem>>[vector<16xi32>, vector<16xi32>], vector<16xf32>,
      %broadcast_in_dim3A_921 = arith.constant 12 : i32
      %broadcast_in_dim3A_922 = vector.broadcast %broadcast_in_dim3A_921 : i32 to vector<16xi32>
      %gather3A_923 = tpu.vector_load_idx %arg15[%add3A_41, %broadcast_in_dim3A_922] : memref<8x16xf32, #tpu.memory_space<vmem>>[vector<16xi32>, vector<16xi32>], vector<16xf32>,
      %add3A_924 = arith.constant 409 : i32
      %add3A_925 = vector.broadcast %add3A_924 : i32 to vector<16xi32>
      %add3A_926 = arith.addi %add3A_925, %iota3A : vector<16xi32>
      %add3A_927 = arith.constant 426 : i32
      %add3A_928 = vector.broadcast %add3A_927 : i32 to vector<16xi32>
      %add3A_929 = arith.addi %add3A_928, %iota3A : vector<16xi32>
      %get3A_930 = arith.constant 12 : i32
      %get3A_931 = arith.index_cast %get3A_930 : i32 to index
      %get3A_932 = arith.constant 0 : index
      %get3A_933 = tpu.vector_load %arg18[%get3A_931, %get3A_932] {strides = array<i32>} : memref<16x16xf32, #tpu.memory_space<vmem>>, vector<16xf32>,
      %get3A_934 = arith.constant 12 : i32
      %get3A_935 = arith.index_cast %get3A_934 : i32 to index
      %get3A_936 = arith.constant 0 : index
      %get3A_937 = tpu.vector_load %arg19[%get3A_935, %get3A_936] {strides = array<i32>} : memref<16x16xf32, #tpu.memory_space<vmem>>, vector<16xf32>,
      tpu.vector_store_idx %arg21[%add3A_926, %add3A_41], %get3A_933 : memref<544x8xf32, #tpu.memory_space<vmem>>[vector<16xi32>, vector<16xi32>], vector<16xf32>,
      tpu.vector_store_idx %arg21[%add3A_929, %add3A_41], %get3A_937 : memref<544x8xf32, #tpu.memory_space<vmem>>[vector<16xi32>, vector<16xi32>], vector<16xf32>,
      %mul3A_938 = arith.mulf %get3A_933, %gather3A_923 : vector<16xf32>
      tpu.vector_store_idx %arg22[%add3A_926, %add3A_41], %mul3A_938 : memref<544x8xf32, #tpu.memory_space<vmem>>[vector<16xi32>, vector<16xi32>], vector<16xf32>,
      %mul3A_939 = arith.mulf %get3A_937, %gather3A_923 : vector<16xf32>
      tpu.vector_store_idx %arg22[%add3A_929, %add3A_41], %mul3A_939 : memref<544x8xf32, #tpu.memory_space<vmem>>[vector<16xi32>, vector<16xi32>], vector<16xf32>,
      %broadcast_in_dim3A_940 = arith.constant 13 : i32
      %broadcast_in_dim3A_941 = vector.broadcast %broadcast_in_dim3A_940 : i32 to vector<16xi32>
      %gather3A_942 = tpu.vector_load_idx %arg15[%add3A_41, %broadcast_in_dim3A_941] : memref<8x16xf32, #tpu.memory_space<vmem>>[vector<16xi32>, vector<16xi32>], vector<16xf32>,
      %add3A_943 = arith.constant 443 : i32
      %add3A_944 = vector.broadcast %add3A_943 : i32 to vector<16xi32>
      %add3A_945 = arith.addi %add3A_944, %iota3A : vector<16xi32>
      %add3A_946 = arith.constant 460 : i32
      %add3A_947 = vector.broadcast %add3A_946 : i32 to vector<16xi32>
      %add3A_948 = arith.addi %add3A_947, %iota3A : vector<16xi32>
      %get3A_949 = arith.constant 13 : i32
      %get3A_950 = arith.index_cast %get3A_949 : i32 to index
      %get3A_951 = arith.constant 0 : index
      %get3A_952 = tpu.vector_load %arg18[%get3A_950, %get3A_951] {strides = array<i32>} : memref<16x16xf32, #tpu.memory_space<vmem>>, vector<16xf32>,
      %get3A_953 = arith.constant 13 : i32
      %get3A_954 = arith.index_cast %get3A_953 : i32 to index
      %get3A_955 = arith.constant 0 : index
      %get3A_956 = tpu.vector_load %arg19[%get3A_954, %get3A_955] {strides = array<i32>} : memref<16x16xf32, #tpu.memory_space<vmem>>, vector<16xf32>,
      tpu.vector_store_idx %arg21[%add3A_945, %add3A_41], %get3A_952 : memref<544x8xf32, #tpu.memory_space<vmem>>[vector<16xi32>, vector<16xi32>], vector<16xf32>,
      tpu.vector_store_idx %arg21[%add3A_948, %add3A_41], %get3A_956 : memref<544x8xf32, #tpu.memory_space<vmem>>[vector<16xi32>, vector<16xi32>], vector<16xf32>,
      %mul3A_957 = arith.mulf %get3A_952, %gather3A_942 : vector<16xf32>
      tpu.vector_store_idx %arg22[%add3A_945, %add3A_41], %mul3A_957 : memref<544x8xf32, #tpu.memory_space<vmem>>[vector<16xi32>, vector<16xi32>], vector<16xf32>,
      %mul3A_958 = arith.mulf %get3A_956, %gather3A_942 : vector<16xf32>
      tpu.vector_store_idx %arg22[%add3A_948, %add3A_41], %mul3A_958 : memref<544x8xf32, #tpu.memory_space<vmem>>[vector<16xi32>, vector<16xi32>], vector<16xf32>,
      %broadcast_in_dim3A_959 = arith.constant 14 : i32
      %broadcast_in_dim3A_960 = vector.broadcast %broadcast_in_dim3A_959 : i32 to vector<16xi32>
      %gather3A_961 = tpu.vector_load_idx %arg15[%add3A_41, %broadcast_in_dim3A_960] : memref<8x16xf32, #tpu.memory_space<vmem>>[vector<16xi32>, vector<16xi32>], vector<16xf32>,
      %add3A_962 = arith.constant 477 : i32
      %add3A_963 = vector.broadcast %add3A_962 : i32 to vector<16xi32>
      %add3A_964 = arith.addi %add3A_963, %iota3A : vector<16xi32>
      %add3A_965 = arith.constant 494 : i32
      %add3A_966 = vector.broadcast %add3A_965 : i32 to vector<16xi32>
      %add3A_967 = arith.addi %add3A_966, %iota3A : vector<16xi32>
      %get3A_968 = arith.constant 14 : i32
      %get3A_969 = arith.index_cast %get3A_968 : i32 to index
      %get3A_970 = arith.constant 0 : index
      %get3A_971 = tpu.vector_load %arg18[%get3A_969, %get3A_970] {strides = array<i32>} : memref<16x16xf32, #tpu.memory_space<vmem>>, vector<16xf32>,
      %get3A_972 = arith.constant 14 : i32
      %get3A_973 = arith.index_cast %get3A_972 : i32 to index
      %get3A_974 = arith.constant 0 : index
      %get3A_975 = tpu.vector_load %arg19[%get3A_973, %get3A_974] {strides = array<i32>} : memref<16x16xf32, #tpu.memory_space<vmem>>, vector<16xf32>,
      tpu.vector_store_idx %arg21[%add3A_964, %add3A_41], %get3A_971 : memref<544x8xf32, #tpu.memory_space<vmem>>[vector<16xi32>, vector<16xi32>], vector<16xf32>,
      tpu.vector_store_idx %arg21[%add3A_967, %add3A_41], %get3A_975 : memref<544x8xf32, #tpu.memory_space<vmem>>[vector<16xi32>, vector<16xi32>], vector<16xf32>,
      %mul3A_976 = arith.mulf %get3A_971, %gather3A_961 : vector<16xf32>
      tpu.vector_store_idx %arg22[%add3A_964, %add3A_41], %mul3A_976 : memref<544x8xf32, #tpu.memory_space<vmem>>[vector<16xi32>, vector<16xi32>], vector<16xf32>,
      %mul3A_977 = arith.mulf %get3A_975, %gather3A_961 : vector<16xf32>
      tpu.vector_store_idx %arg22[%add3A_967, %add3A_41], %mul3A_977 : memref<544x8xf32, #tpu.memory_space<vmem>>[vector<16xi32>, vector<16xi32>], vector<16xf32>,
      %broadcast_in_dim3A_978 = arith.constant 15 : i32
      %broadcast_in_dim3A_979 = vector.broadcast %broadcast_in_dim3A_978 : i32 to vector<16xi32>
      %gather3A_980 = tpu.vector_load_idx %arg15[%add3A_41, %broadcast_in_dim3A_979] : memref<8x16xf32, #tpu.memory_space<vmem>>[vector<16xi32>, vector<16xi32>], vector<16xf32>,
      %add3A_981 = arith.constant 511 : i32
      %add3A_982 = vector.broadcast %add3A_981 : i32 to vector<16xi32>
      %add3A_983 = arith.addi %add3A_982, %iota3A : vector<16xi32>
      %add3A_984 = arith.constant 528 : i32
      %add3A_985 = vector.broadcast %add3A_984 : i32 to vector<16xi32>
      %add3A_986 = arith.addi %add3A_985, %iota3A : vector<16xi32>
      %get3A_987 = arith.constant 15 : i32
      %get3A_988 = arith.index_cast %get3A_987 : i32 to index
      %get3A_989 = arith.constant 0 : index
      %get3A_990 = tpu.vector_load %arg18[%get3A_988, %get3A_989] {strides = array<i32>} : memref<16x16xf32, #tpu.memory_space<vmem>>, vector<16xf32>,
      %get3A_991 = arith.constant 15 : i32
      %get3A_992 = arith.index_cast %get3A_991 : i32 to index
      %get3A_993 = arith.constant 0 : index
      %get3A_994 = tpu.vector_load %arg19[%get3A_992, %get3A_993] {strides = array<i32>} : memref<16x16xf32, #tpu.memory_space<vmem>>, vector<16xf32>,
      tpu.vector_store_idx %arg21[%add3A_983, %add3A_41], %get3A_990 : memref<544x8xf32, #tpu.memory_space<vmem>>[vector<16xi32>, vector<16xi32>], vector<16xf32>,
      tpu.vector_store_idx %arg21[%add3A_986, %add3A_41], %get3A_994 : memref<544x8xf32, #tpu.memory_space<vmem>>[vector<16xi32>, vector<16xi32>], vector<16xf32>,
      %mul3A_995 = arith.mulf %get3A_990, %gather3A_980 : vector<16xf32>
      tpu.vector_store_idx %arg22[%add3A_983, %add3A_41], %mul3A_995 : memref<544x8xf32, #tpu.memory_space<vmem>>[vector<16xi32>, vector<16xi32>], vector<16xf32>,
      %mul3A_996 = arith.mulf %get3A_994, %gather3A_980 : vector<16xf32>
      tpu.vector_store_idx %arg22[%add3A_986, %add3A_41], %mul3A_996 : memref<544x8xf32, #tpu.memory_space<vmem>>[vector<16xi32>, vector<16xi32>], vector<16xf32>,
      %dma_wait3A_997 = arith.constant 0 : i32
      %dma_wait3A_998 = arith.constant 0 : i32
      %dma_wait3A_999 = arith.constant 0 : i32
      %dma_wait3A_1000 = tpu.memref_slice %arg23[%dma_wait3A_998, %dma_wait3A_999] : memref<544x128xf32, #tpu.memory_space<vmem>> -> memref<32x128xf32, #tpu.memory_space<vmem>>
      %dma_wait3A_1001 = arith.constant 0 : i32
      %dma_wait3A_1002 = tpu.memref_slice %arg20[%dma_wait3A_997, %dma_wait3A_1001] : memref<17x32xi32, #tpu.memory_space<vmem>> -> memref<1x32xi32, #tpu.memory_space<vmem>>
      %dma_wait3A_1003 = tpu.memref_squeeze %dma_wait3A_1002 : memref<1x32xi32, #tpu.memory_space<vmem>> -> memref<32xi32, #tpu.memory_space<vmem>>
      %dma_wait3A_1004 = arith.constant 0 : i32
      %dma_wait3A_1005 = arith.constant 0 : i32
      %dma_wait3A_1006 = tpu.memref_slice %arg3[%dma_wait3A_1004, %dma_wait3A_1005] : memref<100000x128xf32, #tpu.memory_space<hbm>> -> memref<100000x128xf32, #tpu.memory_space<hbm>>
      tpu.wait_indirect_dma semaphore(%arg24 : memref<!tpu.dma_semaphore, #tpu.memory_space<semaphore_mem>>) src(%dma_wait3A_1006 : memref<100000x128xf32, #tpu.memory_space<hbm>>) dst(%dma_wait3A_1000 : memref<32x128xf32, #tpu.memory_space<vmem>>)
      %dma_wait3A_1007 = arith.constant 1 : i32
      %dma_wait3A_1008 = arith.constant 32 : i32
      %dma_wait3A_1009 = arith.constant 0 : i32
      %dma_wait3A_1010 = tpu.memref_slice %arg23[%dma_wait3A_1008, %dma_wait3A_1009] : memref<544x128xf32, #tpu.memory_space<vmem>> -> memref<32x128xf32, #tpu.memory_space<vmem>>
      %dma_wait3A_1011 = arith.constant 0 : i32
      %dma_wait3A_1012 = tpu.memref_slice %arg20[%dma_wait3A_1007, %dma_wait3A_1011] : memref<17x32xi32, #tpu.memory_space<vmem>> -> memref<1x32xi32, #tpu.memory_space<vmem>>
      %dma_wait3A_1013 = tpu.memref_squeeze %dma_wait3A_1012 : memref<1x32xi32, #tpu.memory_space<vmem>> -> memref<32xi32, #tpu.memory_space<vmem>>
      %dma_wait3A_1014 = arith.constant 0 : i32
      %dma_wait3A_1015 = arith.constant 0 : i32
      %dma_wait3A_1016 = tpu.memref_slice %arg3[%dma_wait3A_1014, %dma_wait3A_1015] : memref<100000x128xf32, #tpu.memory_space<hbm>> -> memref<100000x128xf32, #tpu.memory_space<hbm>>
      tpu.wait_indirect_dma semaphore(%arg24 : memref<!tpu.dma_semaphore, #tpu.memory_space<semaphore_mem>>) src(%dma_wait3A_1016 : memref<100000x128xf32, #tpu.memory_space<hbm>>) dst(%dma_wait3A_1010 : memref<32x128xf32, #tpu.memory_space<vmem>>)
      %dma_wait3A_1017 = arith.constant 2 : i32
      %dma_wait3A_1018 = arith.constant 64 : i32
      %dma_wait3A_1019 = arith.constant 0 : i32
      %dma_wait3A_1020 = tpu.memref_slice %arg23[%dma_wait3A_1018, %dma_wait3A_1019] : memref<544x128xf32, #tpu.memory_space<vmem>> -> memref<32x128xf32, #tpu.memory_space<vmem>>
      %dma_wait3A_1021 = arith.constant 0 : i32
      %dma_wait3A_1022 = tpu.memref_slice %arg20[%dma_wait3A_1017, %dma_wait3A_1021] : memref<17x32xi32, #tpu.memory_space<vmem>> -> memref<1x32xi32, #tpu.memory_space<vmem>>
      %dma_wait3A_1023 = tpu.memref_squeeze %dma_wait3A_1022 : memref<1x32xi32, #tpu.memory_space<vmem>> -> memref<32xi32, #tpu.memory_space<vmem>>
      %dma_wait3A_1024 = arith.constant 0 : i32
      %dma_wait3A_1025 = arith.constant 0 : i32
      %dma_wait3A_1026 = tpu.memref_slice %arg3[%dma_wait3A_1024, %dma_wait3A_1025] : memref<100000x128xf32, #tpu.memory_space<hbm>> -> memref<100000x128xf32, #tpu.memory_space<hbm>>
      tpu.wait_indirect_dma semaphore(%arg24 : memref<!tpu.dma_semaphore, #tpu.memory_space<semaphore_mem>>) src(%dma_wait3A_1026 : memref<100000x128xf32, #tpu.memory_space<hbm>>) dst(%dma_wait3A_1020 : memref<32x128xf32, #tpu.memory_space<vmem>>)
      %dma_wait3A_1027 = arith.constant 3 : i32
      %dma_wait3A_1028 = arith.constant 96 : i32
      %dma_wait3A_1029 = arith.constant 0 : i32
      %dma_wait3A_1030 = tpu.memref_slice %arg23[%dma_wait3A_1028, %dma_wait3A_1029] : memref<544x128xf32, #tpu.memory_space<vmem>> -> memref<32x128xf32, #tpu.memory_space<vmem>>
      %dma_wait3A_1031 = arith.constant 0 : i32
      %dma_wait3A_1032 = tpu.memref_slice %arg20[%dma_wait3A_1027, %dma_wait3A_1031] : memref<17x32xi32, #tpu.memory_space<vmem>> -> memref<1x32xi32, #tpu.memory_space<vmem>>
      %dma_wait3A_1033 = tpu.memref_squeeze %dma_wait3A_1032 : memref<1x32xi32, #tpu.memory_space<vmem>> -> memref<32xi32, #tpu.memory_space<vmem>>
      %dma_wait3A_1034 = arith.constant 0 : i32
      %dma_wait3A_1035 = arith.constant 0 : i32
      %dma_wait3A_1036 = tpu.memref_slice %arg3[%dma_wait3A_1034, %dma_wait3A_1035] : memref<100000x128xf32, #tpu.memory_space<hbm>> -> memref<100000x128xf32, #tpu.memory_space<hbm>>
      tpu.wait_indirect_dma semaphore(%arg24 : memref<!tpu.dma_semaphore, #tpu.memory_space<semaphore_mem>>) src(%dma_wait3A_1036 : memref<100000x128xf32, #tpu.memory_space<hbm>>) dst(%dma_wait3A_1030 : memref<32x128xf32, #tpu.memory_space<vmem>>)
      %dma_wait3A_1037 = arith.constant 4 : i32
      %dma_wait3A_1038 = arith.constant 128 : i32
      %dma_wait3A_1039 = arith.constant 0 : i32
      %dma_wait3A_1040 = tpu.memref_slice %arg23[%dma_wait3A_1038, %dma_wait3A_1039] : memref<544x128xf32, #tpu.memory_space<vmem>> -> memref<32x128xf32, #tpu.memory_space<vmem>>
      %dma_wait3A_1041 = arith.constant 0 : i32
      %dma_wait3A_1042 = tpu.memref_slice %arg20[%dma_wait3A_1037, %dma_wait3A_1041] : memref<17x32xi32, #tpu.memory_space<vmem>> -> memref<1x32xi32, #tpu.memory_space<vmem>>
      %dma_wait3A_1043 = tpu.memref_squeeze %dma_wait3A_1042 : memref<1x32xi32, #tpu.memory_space<vmem>> -> memref<32xi32, #tpu.memory_space<vmem>>
      %dma_wait3A_1044 = arith.constant 0 : i32
      %dma_wait3A_1045 = arith.constant 0 : i32
      %dma_wait3A_1046 = tpu.memref_slice %arg3[%dma_wait3A_1044, %dma_wait3A_1045] : memref<100000x128xf32, #tpu.memory_space<hbm>> -> memref<100000x128xf32, #tpu.memory_space<hbm>>
      tpu.wait_indirect_dma semaphore(%arg24 : memref<!tpu.dma_semaphore, #tpu.memory_space<semaphore_mem>>) src(%dma_wait3A_1046 : memref<100000x128xf32, #tpu.memory_space<hbm>>) dst(%dma_wait3A_1040 : memref<32x128xf32, #tpu.memory_space<vmem>>)
      %add3A_1047 = arith.addi %mul3A_2, %add3A_39 : i32
      %dma_start3A_1048 = arith.constant 0 : i32
      %dma_start3A_1049 = arith.constant 0 : i32
      %dma_start3A_1050 = tpu.memref_slice %arg23[%dma_start3A_1048, %dma_start3A_1049] : memref<544x128xf32, #tpu.memory_space<vmem>> -> memref<160x128xf32, #tpu.memory_space<vmem>>
      %dma_start3A_1051 = arith.constant 544 : i32
      %dma_start3A_1052 = arith.constant 0 : i32
      %dma_start3A_1053 = tpu.memref_slice %arg8[%add3A_1047, %dma_start3A_1051, %dma_start3A_1052] : memref<256x1088x128xf32, #tpu.memory_space<hbm>> -> memref<1x160x128xf32, #tpu.memory_space<hbm>>
      %dma_start3A_1054 = tpu.memref_squeeze %dma_start3A_1053 : memref<1x160x128xf32, #tpu.memory_space<hbm>> -> memref<160x128xf32, #tpu.memory_space<hbm>>
      %dma_start3A_1055 = arith.constant 544 : i32
      %dma_start3A_1056 = arith.constant 0 : i32
      %dma_start3A_1057 = tpu.memref_slice %arg8[%add3A_1047, %dma_start3A_1055, %dma_start3A_1056] : memref<256x1088x128xf32, #tpu.memory_space<hbm>> -> memref<1x160x128xf32, #tpu.memory_space<hbm>>
      %dma_start3A_1058 = tpu.memref_squeeze %dma_start3A_1057 : memref<1x160x128xf32, #tpu.memory_space<hbm>> -> memref<160x128xf32, #tpu.memory_space<hbm>>
      %dma_start3A_1059 = arith.constant 0 : i32
      %dma_start3A_1060 = arith.constant 0 : i32
      %dma_start3A_1061 = tpu.memref_slice %arg23[%dma_start3A_1059, %dma_start3A_1060] : memref<544x128xf32, #tpu.memory_space<vmem>> -> memref<160x128xf32, #tpu.memory_space<vmem>>
      tpu.enqueue_dma source(%dma_start3A_1061 : memref<160x128xf32, #tpu.memory_space<vmem>>) target(%dma_start3A_1058 : memref<160x128xf32, #tpu.memory_space<hbm>>) target_semaphore(%arg25 : memref<!tpu.dma_semaphore, #tpu.memory_space<semaphore_mem>>)
      %dma_wait3A_1062 = arith.constant 5 : i32
      %dma_wait3A_1063 = arith.constant 160 : i32
      %dma_wait3A_1064 = arith.constant 0 : i32
      %dma_wait3A_1065 = tpu.memref_slice %arg23[%dma_wait3A_1063, %dma_wait3A_1064] : memref<544x128xf32, #tpu.memory_space<vmem>> -> memref<32x128xf32, #tpu.memory_space<vmem>>
      %dma_wait3A_1066 = arith.constant 0 : i32
      %dma_wait3A_1067 = tpu.memref_slice %arg20[%dma_wait3A_1062, %dma_wait3A_1066] : memref<17x32xi32, #tpu.memory_space<vmem>> -> memref<1x32xi32, #tpu.memory_space<vmem>>
      %dma_wait3A_1068 = tpu.memref_squeeze %dma_wait3A_1067 : memref<1x32xi32, #tpu.memory_space<vmem>> -> memref<32xi32, #tpu.memory_space<vmem>>
      %dma_wait3A_1069 = arith.constant 0 : i32
      %dma_wait3A_1070 = arith.constant 0 : i32
      %dma_wait3A_1071 = tpu.memref_slice %arg3[%dma_wait3A_1069, %dma_wait3A_1070] : memref<100000x128xf32, #tpu.memory_space<hbm>> -> memref<100000x128xf32, #tpu.memory_space<hbm>>
      tpu.wait_indirect_dma semaphore(%arg24 : memref<!tpu.dma_semaphore, #tpu.memory_space<semaphore_mem>>) src(%dma_wait3A_1071 : memref<100000x128xf32, #tpu.memory_space<hbm>>) dst(%dma_wait3A_1065 : memref<32x128xf32, #tpu.memory_space<vmem>>)
      %dma_wait3A_1072 = arith.constant 6 : i32
      %dma_wait3A_1073 = arith.constant 192 : i32
      %dma_wait3A_1074 = arith.constant 0 : i32
      %dma_wait3A_1075 = tpu.memref_slice %arg23[%dma_wait3A_1073, %dma_wait3A_1074] : memref<544x128xf32, #tpu.memory_space<vmem>> -> memref<32x128xf32, #tpu.memory_space<vmem>>
      %dma_wait3A_1076 = arith.constant 0 : i32
      %dma_wait3A_1077 = tpu.memref_slice %arg20[%dma_wait3A_1072, %dma_wait3A_1076] : memref<17x32xi32, #tpu.memory_space<vmem>> -> memref<1x32xi32, #tpu.memory_space<vmem>>
      %dma_wait3A_1078 = tpu.memref_squeeze %dma_wait3A_1077 : memref<1x32xi32, #tpu.memory_space<vmem>> -> memref<32xi32, #tpu.memory_space<vmem>>
      %dma_wait3A_1079 = arith.constant 0 : i32
      %dma_wait3A_1080 = arith.constant 0 : i32
      %dma_wait3A_1081 = tpu.memref_slice %arg3[%dma_wait3A_1079, %dma_wait3A_1080] : memref<100000x128xf32, #tpu.memory_space<hbm>> -> memref<100000x128xf32, #tpu.memory_space<hbm>>
      tpu.wait_indirect_dma semaphore(%arg24 : memref<!tpu.dma_semaphore, #tpu.memory_space<semaphore_mem>>) src(%dma_wait3A_1081 : memref<100000x128xf32, #tpu.memory_space<hbm>>) dst(%dma_wait3A_1075 : memref<32x128xf32, #tpu.memory_space<vmem>>)
      %dma_wait3A_1082 = arith.constant 7 : i32
      %dma_wait3A_1083 = arith.constant 224 : i32
      %dma_wait3A_1084 = arith.constant 0 : i32
      %dma_wait3A_1085 = tpu.memref_slice %arg23[%dma_wait3A_1083, %dma_wait3A_1084] : memref<544x128xf32, #tpu.memory_space<vmem>> -> memref<32x128xf32, #tpu.memory_space<vmem>>
      %dma_wait3A_1086 = arith.constant 0 : i32
      %dma_wait3A_1087 = tpu.memref_slice %arg20[%dma_wait3A_1082, %dma_wait3A_1086] : memref<17x32xi32, #tpu.memory_space<vmem>> -> memref<1x32xi32, #tpu.memory_space<vmem>>
      %dma_wait3A_1088 = tpu.memref_squeeze %dma_wait3A_1087 : memref<1x32xi32, #tpu.memory_space<vmem>> -> memref<32xi32, #tpu.memory_space<vmem>>
      %dma_wait3A_1089 = arith.constant 0 : i32
      %dma_wait3A_1090 = arith.constant 0 : i32
      %dma_wait3A_1091 = tpu.memref_slice %arg3[%dma_wait3A_1089, %dma_wait3A_1090] : memref<100000x128xf32, #tpu.memory_space<hbm>> -> memref<100000x128xf32, #tpu.memory_space<hbm>>
      tpu.wait_indirect_dma semaphore(%arg24 : memref<!tpu.dma_semaphore, #tpu.memory_space<semaphore_mem>>) src(%dma_wait3A_1091 : memref<100000x128xf32, #tpu.memory_space<hbm>>) dst(%dma_wait3A_1085 : memref<32x128xf32, #tpu.memory_space<vmem>>)
      %dma_wait3A_1092 = arith.constant 8 : i32
      %dma_wait3A_1093 = arith.constant 256 : i32
      %dma_wait3A_1094 = arith.constant 0 : i32
      %dma_wait3A_1095 = tpu.memref_slice %arg23[%dma_wait3A_1093, %dma_wait3A_1094] : memref<544x128xf32, #tpu.memory_space<vmem>> -> memref<32x128xf32, #tpu.memory_space<vmem>>
      %dma_wait3A_1096 = arith.constant 0 : i32
      %dma_wait3A_1097 = tpu.memref_slice %arg20[%dma_wait3A_1092, %dma_wait3A_1096] : memref<17x32xi32, #tpu.memory_space<vmem>> -> memref<1x32xi32, #tpu.memory_space<vmem>>
      %dma_wait3A_1098 = tpu.memref_squeeze %dma_wait3A_1097 : memref<1x32xi32, #tpu.memory_space<vmem>> -> memref<32xi32, #tpu.memory_space<vmem>>
      %dma_wait3A_1099 = arith.constant 0 : i32
      %dma_wait3A_1100 = arith.constant 0 : i32
      %dma_wait3A_1101 = tpu.memref_slice %arg3[%dma_wait3A_1099, %dma_wait3A_1100] : memref<100000x128xf32, #tpu.memory_space<hbm>> -> memref<100000x128xf32, #tpu.memory_space<hbm>>
      tpu.wait_indirect_dma semaphore(%arg24 : memref<!tpu.dma_semaphore, #tpu.memory_space<semaphore_mem>>) src(%dma_wait3A_1101 : memref<100000x128xf32, #tpu.memory_space<hbm>>) dst(%dma_wait3A_1095 : memref<32x128xf32, #tpu.memory_space<vmem>>)
      %add3A_1102 = arith.addi %mul3A_2, %add3A_39 : i32
      %dma_start3A_1103 = arith.constant 160 : i32
      %dma_start3A_1104 = arith.constant 0 : i32
      %dma_start3A_1105 = tpu.memref_slice %arg23[%dma_start3A_1103, %dma_start3A_1104] : memref<544x128xf32, #tpu.memory_space<vmem>> -> memref<128x128xf32, #tpu.memory_space<vmem>>
      %dma_start3A_1106 = arith.constant 704 : i32
      %dma_start3A_1107 = arith.constant 0 : i32
      %dma_start3A_1108 = tpu.memref_slice %arg8[%add3A_1102, %dma_start3A_1106, %dma_start3A_1107] : memref<256x1088x128xf32, #tpu.memory_space<hbm>> -> memref<1x128x128xf32, #tpu.memory_space<hbm>>
      %dma_start3A_1109 = tpu.memref_squeeze %dma_start3A_1108 : memref<1x128x128xf32, #tpu.memory_space<hbm>> -> memref<128x128xf32, #tpu.memory_space<hbm>>
      %dma_start3A_1110 = arith.constant 704 : i32
      %dma_start3A_1111 = arith.constant 0 : i32
      %dma_start3A_1112 = tpu.memref_slice %arg8[%add3A_1102, %dma_start3A_1110, %dma_start3A_1111] : memref<256x1088x128xf32, #tpu.memory_space<hbm>> -> memref<1x128x128xf32, #tpu.memory_space<hbm>>
      %dma_start3A_1113 = tpu.memref_squeeze %dma_start3A_1112 : memref<1x128x128xf32, #tpu.memory_space<hbm>> -> memref<128x128xf32, #tpu.memory_space<hbm>>
      %dma_start3A_1114 = arith.constant 160 : i32
      %dma_start3A_1115 = arith.constant 0 : i32
      %dma_start3A_1116 = tpu.memref_slice %arg23[%dma_start3A_1114, %dma_start3A_1115] : memref<544x128xf32, #tpu.memory_space<vmem>> -> memref<128x128xf32, #tpu.memory_space<vmem>>
      tpu.enqueue_dma source(%dma_start3A_1116 : memref<128x128xf32, #tpu.memory_space<vmem>>) target(%dma_start3A_1113 : memref<128x128xf32, #tpu.memory_space<hbm>>) target_semaphore(%arg25 : memref<!tpu.dma_semaphore, #tpu.memory_space<semaphore_mem>>)
      %dma_wait3A_1117 = arith.constant 9 : i32
      %dma_wait3A_1118 = arith.constant 288 : i32
      %dma_wait3A_1119 = arith.constant 0 : i32
      %dma_wait3A_1120 = tpu.memref_slice %arg23[%dma_wait3A_1118, %dma_wait3A_1119] : memref<544x128xf32, #tpu.memory_space<vmem>> -> memref<32x128xf32, #tpu.memory_space<vmem>>
      %dma_wait3A_1121 = arith.constant 0 : i32
      %dma_wait3A_1122 = tpu.memref_slice %arg20[%dma_wait3A_1117, %dma_wait3A_1121] : memref<17x32xi32, #tpu.memory_space<vmem>> -> memref<1x32xi32, #tpu.memory_space<vmem>>
      %dma_wait3A_1123 = tpu.memref_squeeze %dma_wait3A_1122 : memref<1x32xi32, #tpu.memory_space<vmem>> -> memref<32xi32, #tpu.memory_space<vmem>>
      %dma_wait3A_1124 = arith.constant 0 : i32
      %dma_wait3A_1125 = arith.constant 0 : i32
      %dma_wait3A_1126 = tpu.memref_slice %arg3[%dma_wait3A_1124, %dma_wait3A_1125] : memref<100000x128xf32, #tpu.memory_space<hbm>> -> memref<100000x128xf32, #tpu.memory_space<hbm>>
      tpu.wait_indirect_dma semaphore(%arg24 : memref<!tpu.dma_semaphore, #tpu.memory_space<semaphore_mem>>) src(%dma_wait3A_1126 : memref<100000x128xf32, #tpu.memory_space<hbm>>) dst(%dma_wait3A_1120 : memref<32x128xf32, #tpu.memory_space<vmem>>)
      %dma_wait3A_1127 = arith.constant 10 : i32
      %dma_wait3A_1128 = arith.constant 320 : i32
      %dma_wait3A_1129 = arith.constant 0 : i32
      %dma_wait3A_1130 = tpu.memref_slice %arg23[%dma_wait3A_1128, %dma_wait3A_1129] : memref<544x128xf32, #tpu.memory_space<vmem>> -> memref<32x128xf32, #tpu.memory_space<vmem>>
      %dma_wait3A_1131 = arith.constant 0 : i32
      %dma_wait3A_1132 = tpu.memref_slice %arg20[%dma_wait3A_1127, %dma_wait3A_1131] : memref<17x32xi32, #tpu.memory_space<vmem>> -> memref<1x32xi32, #tpu.memory_space<vmem>>
      %dma_wait3A_1133 = tpu.memref_squeeze %dma_wait3A_1132 : memref<1x32xi32, #tpu.memory_space<vmem>> -> memref<32xi32, #tpu.memory_space<vmem>>
      %dma_wait3A_1134 = arith.constant 0 : i32
      %dma_wait3A_1135 = arith.constant 0 : i32
      %dma_wait3A_1136 = tpu.memref_slice %arg3[%dma_wait3A_1134, %dma_wait3A_1135] : memref<100000x128xf32, #tpu.memory_space<hbm>> -> memref<100000x128xf32, #tpu.memory_space<hbm>>
      tpu.wait_indirect_dma semaphore(%arg24 : memref<!tpu.dma_semaphore, #tpu.memory_space<semaphore_mem>>) src(%dma_wait3A_1136 : memref<100000x128xf32, #tpu.memory_space<hbm>>) dst(%dma_wait3A_1130 : memref<32x128xf32, #tpu.memory_space<vmem>>)
      %dma_wait3A_1137 = arith.constant 11 : i32
      %dma_wait3A_1138 = arith.constant 352 : i32
      %dma_wait3A_1139 = arith.constant 0 : i32
      %dma_wait3A_1140 = tpu.memref_slice %arg23[%dma_wait3A_1138, %dma_wait3A_1139] : memref<544x128xf32, #tpu.memory_space<vmem>> -> memref<32x128xf32, #tpu.memory_space<vmem>>
      %dma_wait3A_1141 = arith.constant 0 : i32
      %dma_wait3A_1142 = tpu.memref_slice %arg20[%dma_wait3A_1137, %dma_wait3A_1141] : memref<17x32xi32, #tpu.memory_space<vmem>> -> memref<1x32xi32, #tpu.memory_space<vmem>>
      %dma_wait3A_1143 = tpu.memref_squeeze %dma_wait3A_1142 : memref<1x32xi32, #tpu.memory_space<vmem>> -> memref<32xi32, #tpu.memory_space<vmem>>
      %dma_wait3A_1144 = arith.constant 0 : i32
      %dma_wait3A_1145 = arith.constant 0 : i32
      %dma_wait3A_1146 = tpu.memref_slice %arg3[%dma_wait3A_1144, %dma_wait3A_1145] : memref<100000x128xf32, #tpu.memory_space<hbm>> -> memref<100000x128xf32, #tpu.memory_space<hbm>>
      tpu.wait_indirect_dma semaphore(%arg24 : memref<!tpu.dma_semaphore, #tpu.memory_space<semaphore_mem>>) src(%dma_wait3A_1146 : memref<100000x128xf32, #tpu.memory_space<hbm>>) dst(%dma_wait3A_1140 : memref<32x128xf32, #tpu.memory_space<vmem>>)
      %dma_wait3A_1147 = arith.constant 12 : i32
      %dma_wait3A_1148 = arith.constant 384 : i32
      %dma_wait3A_1149 = arith.constant 0 : i32
      %dma_wait3A_1150 = tpu.memref_slice %arg23[%dma_wait3A_1148, %dma_wait3A_1149] : memref<544x128xf32, #tpu.memory_space<vmem>> -> memref<32x128xf32, #tpu.memory_space<vmem>>
      %dma_wait3A_1151 = arith.constant 0 : i32
      %dma_wait3A_1152 = tpu.memref_slice %arg20[%dma_wait3A_1147, %dma_wait3A_1151] : memref<17x32xi32, #tpu.memory_space<vmem>> -> memref<1x32xi32, #tpu.memory_space<vmem>>
      %dma_wait3A_1153 = tpu.memref_squeeze %dma_wait3A_1152 : memref<1x32xi32, #tpu.memory_space<vmem>> -> memref<32xi32, #tpu.memory_space<vmem>>
      %dma_wait3A_1154 = arith.constant 0 : i32
      %dma_wait3A_1155 = arith.constant 0 : i32
      %dma_wait3A_1156 = tpu.memref_slice %arg3[%dma_wait3A_1154, %dma_wait3A_1155] : memref<100000x128xf32, #tpu.memory_space<hbm>> -> memref<100000x128xf32, #tpu.memory_space<hbm>>
      tpu.wait_indirect_dma semaphore(%arg24 : memref<!tpu.dma_semaphore, #tpu.memory_space<semaphore_mem>>) src(%dma_wait3A_1156 : memref<100000x128xf32, #tpu.memory_space<hbm>>) dst(%dma_wait3A_1150 : memref<32x128xf32, #tpu.memory_space<vmem>>)
      %add3A_1157 = arith.addi %mul3A_2, %add3A_39 : i32
      %dma_start3A_1158 = arith.constant 288 : i32
      %dma_start3A_1159 = arith.constant 0 : i32
      %dma_start3A_1160 = tpu.memref_slice %arg23[%dma_start3A_1158, %dma_start3A_1159] : memref<544x128xf32, #tpu.memory_space<vmem>> -> memref<128x128xf32, #tpu.memory_space<vmem>>
      %dma_start3A_1161 = arith.constant 832 : i32
      %dma_start3A_1162 = arith.constant 0 : i32
      %dma_start3A_1163 = tpu.memref_slice %arg8[%add3A_1157, %dma_start3A_1161, %dma_start3A_1162] : memref<256x1088x128xf32, #tpu.memory_space<hbm>> -> memref<1x128x128xf32, #tpu.memory_space<hbm>>
      %dma_start3A_1164 = tpu.memref_squeeze %dma_start3A_1163 : memref<1x128x128xf32, #tpu.memory_space<hbm>> -> memref<128x128xf32, #tpu.memory_space<hbm>>
      %dma_start3A_1165 = arith.constant 832 : i32
      %dma_start3A_1166 = arith.constant 0 : i32
      %dma_start3A_1167 = tpu.memref_slice %arg8[%add3A_1157, %dma_start3A_1165, %dma_start3A_1166] : memref<256x1088x128xf32, #tpu.memory_space<hbm>> -> memref<1x128x128xf32, #tpu.memory_space<hbm>>
      %dma_start3A_1168 = tpu.memref_squeeze %dma_start3A_1167 : memref<1x128x128xf32, #tpu.memory_space<hbm>> -> memref<128x128xf32, #tpu.memory_space<hbm>>
      %dma_start3A_1169 = arith.constant 288 : i32
      %dma_start3A_1170 = arith.constant 0 : i32
      %dma_start3A_1171 = tpu.memref_slice %arg23[%dma_start3A_1169, %dma_start3A_1170] : memref<544x128xf32, #tpu.memory_space<vmem>> -> memref<128x128xf32, #tpu.memory_space<vmem>>
      tpu.enqueue_dma source(%dma_start3A_1171 : memref<128x128xf32, #tpu.memory_space<vmem>>) target(%dma_start3A_1168 : memref<128x128xf32, #tpu.memory_space<hbm>>) target_semaphore(%arg25 : memref<!tpu.dma_semaphore, #tpu.memory_space<semaphore_mem>>)
      %dma_wait3A_1172 = arith.constant 13 : i32
      %dma_wait3A_1173 = arith.constant 416 : i32
      %dma_wait3A_1174 = arith.constant 0 : i32
      %dma_wait3A_1175 = tpu.memref_slice %arg23[%dma_wait3A_1173, %dma_wait3A_1174] : memref<544x128xf32, #tpu.memory_space<vmem>> -> memref<32x128xf32, #tpu.memory_space<vmem>>
      %dma_wait3A_1176 = arith.constant 0 : i32
      %dma_wait3A_1177 = tpu.memref_slice %arg20[%dma_wait3A_1172, %dma_wait3A_1176] : memref<17x32xi32, #tpu.memory_space<vmem>> -> memref<1x32xi32, #tpu.memory_space<vmem>>
      %dma_wait3A_1178 = tpu.memref_squeeze %dma_wait3A_1177 : memref<1x32xi32, #tpu.memory_space<vmem>> -> memref<32xi32, #tpu.memory_space<vmem>>
      %dma_wait3A_1179 = arith.constant 0 : i32
      %dma_wait3A_1180 = arith.constant 0 : i32
      %dma_wait3A_1181 = tpu.memref_slice %arg3[%dma_wait3A_1179, %dma_wait3A_1180] : memref<100000x128xf32, #tpu.memory_space<hbm>> -> memref<100000x128xf32, #tpu.memory_space<hbm>>
      tpu.wait_indirect_dma semaphore(%arg24 : memref<!tpu.dma_semaphore, #tpu.memory_space<semaphore_mem>>) src(%dma_wait3A_1181 : memref<100000x128xf32, #tpu.memory_space<hbm>>) dst(%dma_wait3A_1175 : memref<32x128xf32, #tpu.memory_space<vmem>>)
      %dma_wait3A_1182 = arith.constant 14 : i32
      %dma_wait3A_1183 = arith.constant 448 : i32
      %dma_wait3A_1184 = arith.constant 0 : i32
      %dma_wait3A_1185 = tpu.memref_slice %arg23[%dma_wait3A_1183, %dma_wait3A_1184] : memref<544x128xf32, #tpu.memory_space<vmem>> -> memref<32x128xf32, #tpu.memory_space<vmem>>
      %dma_wait3A_1186 = arith.constant 0 : i32
      %dma_wait3A_1187 = tpu.memref_slice %arg20[%dma_wait3A_1182, %dma_wait3A_1186] : memref<17x32xi32, #tpu.memory_space<vmem>> -> memref<1x32xi32, #tpu.memory_space<vmem>>
      %dma_wait3A_1188 = tpu.memref_squeeze %dma_wait3A_1187 : memref<1x32xi32, #tpu.memory_space<vmem>> -> memref<32xi32, #tpu.memory_space<vmem>>
      %dma_wait3A_1189 = arith.constant 0 : i32
      %dma_wait3A_1190 = arith.constant 0 : i32
      %dma_wait3A_1191 = tpu.memref_slice %arg3[%dma_wait3A_1189, %dma_wait3A_1190] : memref<100000x128xf32, #tpu.memory_space<hbm>> -> memref<100000x128xf32, #tpu.memory_space<hbm>>
      tpu.wait_indirect_dma semaphore(%arg24 : memref<!tpu.dma_semaphore, #tpu.memory_space<semaphore_mem>>) src(%dma_wait3A_1191 : memref<100000x128xf32, #tpu.memory_space<hbm>>) dst(%dma_wait3A_1185 : memref<32x128xf32, #tpu.memory_space<vmem>>)
      %dma_wait3A_1192 = arith.constant 15 : i32
      %dma_wait3A_1193 = arith.constant 480 : i32
      %dma_wait3A_1194 = arith.constant 0 : i32
      %dma_wait3A_1195 = tpu.memref_slice %arg23[%dma_wait3A_1193, %dma_wait3A_1194] : memref<544x128xf32, #tpu.memory_space<vmem>> -> memref<32x128xf32, #tpu.memory_space<vmem>>
      %dma_wait3A_1196 = arith.constant 0 : i32
      %dma_wait3A_1197 = tpu.memref_slice %arg20[%dma_wait3A_1192, %dma_wait3A_1196] : memref<17x32xi32, #tpu.memory_space<vmem>> -> memref<1x32xi32, #tpu.memory_space<vmem>>
      %dma_wait3A_1198 = tpu.memref_squeeze %dma_wait3A_1197 : memref<1x32xi32, #tpu.memory_space<vmem>> -> memref<32xi32, #tpu.memory_space<vmem>>
      %dma_wait3A_1199 = arith.constant 0 : i32
      %dma_wait3A_1200 = arith.constant 0 : i32
      %dma_wait3A_1201 = tpu.memref_slice %arg3[%dma_wait3A_1199, %dma_wait3A_1200] : memref<100000x128xf32, #tpu.memory_space<hbm>> -> memref<100000x128xf32, #tpu.memory_space<hbm>>
      tpu.wait_indirect_dma semaphore(%arg24 : memref<!tpu.dma_semaphore, #tpu.memory_space<semaphore_mem>>) src(%dma_wait3A_1201 : memref<100000x128xf32, #tpu.memory_space<hbm>>) dst(%dma_wait3A_1195 : memref<32x128xf32, #tpu.memory_space<vmem>>)
      %dma_wait3A_1202 = arith.constant 16 : i32
      %dma_wait3A_1203 = arith.constant 512 : i32
      %dma_wait3A_1204 = arith.constant 0 : i32
      %dma_wait3A_1205 = tpu.memref_slice %arg23[%dma_wait3A_1203, %dma_wait3A_1204] : memref<544x128xf32, #tpu.memory_space<vmem>> -> memref<32x128xf32, #tpu.memory_space<vmem>>
      %dma_wait3A_1206 = arith.constant 0 : i32
      %dma_wait3A_1207 = tpu.memref_slice %arg20[%dma_wait3A_1202, %dma_wait3A_1206] : memref<17x32xi32, #tpu.memory_space<vmem>> -> memref<1x32xi32, #tpu.memory_space<vmem>>
      %dma_wait3A_1208 = tpu.memref_squeeze %dma_wait3A_1207 : memref<1x32xi32, #tpu.memory_space<vmem>> -> memref<32xi32, #tpu.memory_space<vmem>>
      %dma_wait3A_1209 = arith.constant 0 : i32
      %dma_wait3A_1210 = arith.constant 0 : i32
      %dma_wait3A_1211 = tpu.memref_slice %arg3[%dma_wait3A_1209, %dma_wait3A_1210] : memref<100000x128xf32, #tpu.memory_space<hbm>> -> memref<100000x128xf32, #tpu.memory_space<hbm>>
      tpu.wait_indirect_dma semaphore(%arg24 : memref<!tpu.dma_semaphore, #tpu.memory_space<semaphore_mem>>) src(%dma_wait3A_1211 : memref<100000x128xf32, #tpu.memory_space<hbm>>) dst(%dma_wait3A_1205 : memref<32x128xf32, #tpu.memory_space<vmem>>)
      %add3A_1212 = arith.addi %mul3A_2, %add3A_39 : i32
      %dma_start3A_1213 = arith.constant 416 : i32
      %dma_start3A_1214 = arith.constant 0 : i32
      %dma_start3A_1215 = tpu.memref_slice %arg23[%dma_start3A_1213, %dma_start3A_1214] : memref<544x128xf32, #tpu.memory_space<vmem>> -> memref<128x128xf32, #tpu.memory_space<vmem>>
      %dma_start3A_1216 = arith.constant 960 : i32
      %dma_start3A_1217 = arith.constant 0 : i32
      %dma_start3A_1218 = tpu.memref_slice %arg8[%add3A_1212, %dma_start3A_1216, %dma_start3A_1217] : memref<256x1088x128xf32, #tpu.memory_space<hbm>> -> memref<1x128x128xf32, #tpu.memory_space<hbm>>
      %dma_start3A_1219 = tpu.memref_squeeze %dma_start3A_1218 : memref<1x128x128xf32, #tpu.memory_space<hbm>> -> memref<128x128xf32, #tpu.memory_space<hbm>>
      %dma_start3A_1220 = arith.constant 960 : i32
      %dma_start3A_1221 = arith.constant 0 : i32
      %dma_start3A_1222 = tpu.memref_slice %arg8[%add3A_1212, %dma_start3A_1220, %dma_start3A_1221] : memref<256x1088x128xf32, #tpu.memory_space<hbm>> -> memref<1x128x128xf32, #tpu.memory_space<hbm>>
      %dma_start3A_1223 = tpu.memref_squeeze %dma_start3A_1222 : memref<1x128x128xf32, #tpu.memory_space<hbm>> -> memref<128x128xf32, #tpu.memory_space<hbm>>
      %dma_start3A_1224 = arith.constant 416 : i32
      %dma_start3A_1225 = arith.constant 0 : i32
      %dma_start3A_1226 = tpu.memref_slice %arg23[%dma_start3A_1224, %dma_start3A_1225] : memref<544x128xf32, #tpu.memory_space<vmem>> -> memref<128x128xf32, #tpu.memory_space<vmem>>
      tpu.enqueue_dma source(%dma_start3A_1226 : memref<128x128xf32, #tpu.memory_space<vmem>>) target(%dma_start3A_1223 : memref<128x128xf32, #tpu.memory_space<hbm>>) target_semaphore(%arg25 : memref<!tpu.dma_semaphore, #tpu.memory_space<semaphore_mem>>)
      %dma_wait3A_1227 = arith.constant 0 : i32
      %dma_wait3A_1228 = arith.constant 0 : i32
      %dma_wait3A_1229 = tpu.memref_slice %arg23[%dma_wait3A_1227, %dma_wait3A_1228] : memref<544x128xf32, #tpu.memory_space<vmem>> -> memref<160x128xf32, #tpu.memory_space<vmem>>
      %dma_wait3A_1230 = arith.constant 544 : i32
      %dma_wait3A_1231 = arith.constant 0 : i32
      %dma_wait3A_1232 = tpu.memref_slice %arg8[%add3A_1047, %dma_wait3A_1230, %dma_wait3A_1231] : memref<256x1088x128xf32, #tpu.memory_space<hbm>> -> memref<1x160x128xf32, #tpu.memory_space<hbm>>
      %dma_wait3A_1233 = tpu.memref_squeeze %dma_wait3A_1232 : memref<1x160x128xf32, #tpu.memory_space<hbm>> -> memref<160x128xf32, #tpu.memory_space<hbm>>
      %dma_wait3A_1234 = arith.constant 544 : i32
      %dma_wait3A_1235 = arith.constant 0 : i32
      %dma_wait3A_1236 = tpu.memref_slice %arg8[%add3A_1047, %dma_wait3A_1234, %dma_wait3A_1235] : memref<256x1088x128xf32, #tpu.memory_space<hbm>> -> memref<1x160x128xf32, #tpu.memory_space<hbm>>
      %dma_wait3A_1237 = tpu.memref_squeeze %dma_wait3A_1236 : memref<1x160x128xf32, #tpu.memory_space<hbm>> -> memref<160x128xf32, #tpu.memory_space<hbm>>
      %dma_wait3A_1238 = arith.constant 0 : i32
      %dma_wait3A_1239 = arith.constant 0 : i32
      %dma_wait3A_1240 = tpu.memref_slice %arg23[%dma_wait3A_1238, %dma_wait3A_1239] : memref<544x128xf32, #tpu.memory_space<vmem>> -> memref<160x128xf32, #tpu.memory_space<vmem>>
      tpu.wait_dma2 semaphore(%arg25 : memref<!tpu.dma_semaphore, #tpu.memory_space<semaphore_mem>>) src(%dma_wait3A_1240 : memref<160x128xf32, #tpu.memory_space<vmem>>) dst(%dma_wait3A_1237 : memref<160x128xf32, #tpu.memory_space<hbm>>)
      %dma_wait3A_1241 = arith.constant 160 : i32
      %dma_wait3A_1242 = arith.constant 0 : i32
      %dma_wait3A_1243 = tpu.memref_slice %arg23[%dma_wait3A_1241, %dma_wait3A_1242] : memref<544x128xf32, #tpu.memory_space<vmem>> -> memref<128x128xf32, #tpu.memory_space<vmem>>
      %dma_wait3A_1244 = arith.constant 704 : i32
      %dma_wait3A_1245 = arith.constant 0 : i32
      %dma_wait3A_1246 = tpu.memref_slice %arg8[%add3A_1102, %dma_wait3A_1244, %dma_wait3A_1245] : memref<256x1088x128xf32, #tpu.memory_space<hbm>> -> memref<1x128x128xf32, #tpu.memory_space<hbm>>
      %dma_wait3A_1247 = tpu.memref_squeeze %dma_wait3A_1246 : memref<1x128x128xf32, #tpu.memory_space<hbm>> -> memref<128x128xf32, #tpu.memory_space<hbm>>
      %dma_wait3A_1248 = arith.constant 704 : i32
      %dma_wait3A_1249 = arith.constant 0 : i32
      %dma_wait3A_1250 = tpu.memref_slice %arg8[%add3A_1102, %dma_wait3A_1248, %dma_wait3A_1249] : memref<256x1088x128xf32, #tpu.memory_space<hbm>> -> memref<1x128x128xf32, #tpu.memory_space<hbm>>
      %dma_wait3A_1251 = tpu.memref_squeeze %dma_wait3A_1250 : memref<1x128x128xf32, #tpu.memory_space<hbm>> -> memref<128x128xf32, #tpu.memory_space<hbm>>
      %dma_wait3A_1252 = arith.constant 160 : i32
      %dma_wait3A_1253 = arith.constant 0 : i32
      %dma_wait3A_1254 = tpu.memref_slice %arg23[%dma_wait3A_1252, %dma_wait3A_1253] : memref<544x128xf32, #tpu.memory_space<vmem>> -> memref<128x128xf32, #tpu.memory_space<vmem>>
      tpu.wait_dma2 semaphore(%arg25 : memref<!tpu.dma_semaphore, #tpu.memory_space<semaphore_mem>>) src(%dma_wait3A_1254 : memref<128x128xf32, #tpu.memory_space<vmem>>) dst(%dma_wait3A_1251 : memref<128x128xf32, #tpu.memory_space<hbm>>)
      %dma_wait3A_1255 = arith.constant 288 : i32
      %dma_wait3A_1256 = arith.constant 0 : i32
      %dma_wait3A_1257 = tpu.memref_slice %arg23[%dma_wait3A_1255, %dma_wait3A_1256] : memref<544x128xf32, #tpu.memory_space<vmem>> -> memref<128x128xf32, #tpu.memory_space<vmem>>
      %dma_wait3A_1258 = arith.constant 832 : i32
      %dma_wait3A_1259 = arith.constant 0 : i32
      %dma_wait3A_1260 = tpu.memref_slice %arg8[%add3A_1157, %dma_wait3A_1258, %dma_wait3A_1259] : memref<256x1088x128xf32, #tpu.memory_space<hbm>> -> memref<1x128x128xf32, #tpu.memory_space<hbm>>
      %dma_wait3A_1261 = tpu.memref_squeeze %dma_wait3A_1260 : memref<1x128x128xf32, #tpu.memory_space<hbm>> -> memref<128x128xf32, #tpu.memory_space<hbm>>
      %dma_wait3A_1262 = arith.constant 832 : i32
      %dma_wait3A_1263 = arith.constant 0 : i32
      %dma_wait3A_1264 = tpu.memref_slice %arg8[%add3A_1157, %dma_wait3A_1262, %dma_wait3A_1263] : memref<256x1088x128xf32, #tpu.memory_space<hbm>> -> memref<1x128x128xf32, #tpu.memory_space<hbm>>
      %dma_wait3A_1265 = tpu.memref_squeeze %dma_wait3A_1264 : memref<1x128x128xf32, #tpu.memory_space<hbm>> -> memref<128x128xf32, #tpu.memory_space<hbm>>
      %dma_wait3A_1266 = arith.constant 288 : i32
      %dma_wait3A_1267 = arith.constant 0 : i32
      %dma_wait3A_1268 = tpu.memref_slice %arg23[%dma_wait3A_1266, %dma_wait3A_1267] : memref<544x128xf32, #tpu.memory_space<vmem>> -> memref<128x128xf32, #tpu.memory_space<vmem>>
      tpu.wait_dma2 semaphore(%arg25 : memref<!tpu.dma_semaphore, #tpu.memory_space<semaphore_mem>>) src(%dma_wait3A_1268 : memref<128x128xf32, #tpu.memory_space<vmem>>) dst(%dma_wait3A_1265 : memref<128x128xf32, #tpu.memory_space<hbm>>)
      %dma_wait3A_1269 = arith.constant 416 : i32
      %dma_wait3A_1270 = arith.constant 0 : i32
      %dma_wait3A_1271 = tpu.memref_slice %arg23[%dma_wait3A_1269, %dma_wait3A_1270] : memref<544x128xf32, #tpu.memory_space<vmem>> -> memref<128x128xf32, #tpu.memory_space<vmem>>
      %dma_wait3A_1272 = arith.constant 960 : i32
      %dma_wait3A_1273 = arith.constant 0 : i32
      %dma_wait3A_1274 = tpu.memref_slice %arg8[%add3A_1212, %dma_wait3A_1272, %dma_wait3A_1273] : memref<256x1088x128xf32, #tpu.memory_space<hbm>> -> memref<1x128x128xf32, #tpu.memory_space<hbm>>
      %dma_wait3A_1275 = tpu.memref_squeeze %dma_wait3A_1274 : memref<1x128x128xf32, #tpu.memory_space<hbm>> -> memref<128x128xf32, #tpu.memory_space<hbm>>
      %dma_wait3A_1276 = arith.constant 960 : i32
      %dma_wait3A_1277 = arith.constant 0 : i32
      %dma_wait3A_1278 = tpu.memref_slice %arg8[%add3A_1212, %dma_wait3A_1276, %dma_wait3A_1277] : memref<256x1088x128xf32, #tpu.memory_space<hbm>> -> memref<1x128x128xf32, #tpu.memory_space<hbm>>
      %dma_wait3A_1279 = tpu.memref_squeeze %dma_wait3A_1278 : memref<1x128x128xf32, #tpu.memory_space<hbm>> -> memref<128x128xf32, #tpu.memory_space<hbm>>
      %dma_wait3A_1280 = arith.constant 416 : i32
      %dma_wait3A_1281 = arith.constant 0 : i32
      %dma_wait3A_1282 = tpu.memref_slice %arg23[%dma_wait3A_1280, %dma_wait3A_1281] : memref<544x128xf32, #tpu.memory_space<vmem>> -> memref<128x128xf32, #tpu.memory_space<vmem>>
      tpu.wait_dma2 semaphore(%arg25 : memref<!tpu.dma_semaphore, #tpu.memory_space<semaphore_mem>>) src(%dma_wait3A_1282 : memref<128x128xf32, #tpu.memory_space<vmem>>) dst(%dma_wait3A_1279 : memref<128x128xf32, #tpu.memory_space<hbm>>)
    }
    %scan3A_34 = arith.constant 8 : i32
    "tpu.region"() ({
      %run_scoped3A = tpu.sem_alloc : memref<!tpu.dma_semaphore, #tpu.memory_space<semaphore_mem>>
      %dma_start3A_35 = arith.constant 544 : i32
      %dma_start3A_36 = arith.constant 0 : i32
      %dma_start3A_37 = tpu.memref_slice %arg9[%add3A, %dma_start3A_35, %dma_start3A_36] : memref<32x1088x8xf32, #tpu.memory_space<hbm>> -> memref<1x544x8xf32, #tpu.memory_space<hbm>>
      %dma_start3A_38 = tpu.memref_squeeze %dma_start3A_37 : memref<1x544x8xf32, #tpu.memory_space<hbm>> -> memref<544x8xf32, #tpu.memory_space<hbm>>
      %dma_start3A_39 = arith.constant 544 : i32
      %dma_start3A_40 = arith.constant 0 : i32
      %dma_start3A_41 = tpu.memref_slice %arg9[%add3A, %dma_start3A_39, %dma_start3A_40] : memref<32x1088x8xf32, #tpu.memory_space<hbm>> -> memref<1x544x8xf32, #tpu.memory_space<hbm>>
      %dma_start3A_42 = tpu.memref_squeeze %dma_start3A_41 : memref<1x544x8xf32, #tpu.memory_space<hbm>> -> memref<544x8xf32, #tpu.memory_space<hbm>>
      tpu.enqueue_dma source(%arg21 : memref<544x8xf32, #tpu.memory_space<vmem>>) target(%dma_start3A_42 : memref<544x8xf32, #tpu.memory_space<hbm>>) target_semaphore(%run_scoped3A : memref<!tpu.dma_semaphore, #tpu.memory_space<semaphore_mem>>)
      %dma_wait3A_43 = arith.constant 544 : i32
      %dma_wait3A_44 = arith.constant 0 : i32
      %dma_wait3A_45 = tpu.memref_slice %arg9[%add3A, %dma_wait3A_43, %dma_wait3A_44] : memref<32x1088x8xf32, #tpu.memory_space<hbm>> -> memref<1x544x8xf32, #tpu.memory_space<hbm>>
      %dma_wait3A_46 = tpu.memref_squeeze %dma_wait3A_45 : memref<1x544x8xf32, #tpu.memory_space<hbm>> -> memref<544x8xf32, #tpu.memory_space<hbm>>
      %dma_wait3A_47 = arith.constant 544 : i32
      %dma_wait3A_48 = arith.constant 0 : i32
      %dma_wait3A_49 = tpu.memref_slice %arg9[%add3A, %dma_wait3A_47, %dma_wait3A_48] : memref<32x1088x8xf32, #tpu.memory_space<hbm>> -> memref<1x544x8xf32, #tpu.memory_space<hbm>>
      %dma_wait3A_50 = tpu.memref_squeeze %dma_wait3A_49 : memref<1x544x8xf32, #tpu.memory_space<hbm>> -> memref<544x8xf32, #tpu.memory_space<hbm>>
      tpu.wait_dma2 semaphore(%run_scoped3A : memref<!tpu.dma_semaphore, #tpu.memory_space<semaphore_mem>>) src(%arg21 : memref<544x8xf32, #tpu.memory_space<vmem>>) dst(%dma_wait3A_50 : memref<544x8xf32, #tpu.memory_space<hbm>>)
      tpu.yield
    }) : () -> ()
    "tpu.region"() ({
      %run_scoped3A = tpu.sem_alloc : memref<!tpu.dma_semaphore, #tpu.memory_space<semaphore_mem>>
      %dma_start3A_35 = arith.constant 544 : i32
      %dma_start3A_36 = arith.constant 0 : i32
      %dma_start3A_37 = tpu.memref_slice %arg10[%add3A, %dma_start3A_35, %dma_start3A_36] : memref<32x1088x8xf32, #tpu.memory_space<hbm>> -> memref<1x544x8xf32, #tpu.memory_space<hbm>>
      %dma_start3A_38 = tpu.memref_squeeze %dma_start3A_37 : memref<1x544x8xf32, #tpu.memory_space<hbm>> -> memref<544x8xf32, #tpu.memory_space<hbm>>
      %dma_start3A_39 = arith.constant 544 : i32
      %dma_start3A_40 = arith.constant 0 : i32
      %dma_start3A_41 = tpu.memref_slice %arg10[%add3A, %dma_start3A_39, %dma_start3A_40] : memref<32x1088x8xf32, #tpu.memory_space<hbm>> -> memref<1x544x8xf32, #tpu.memory_space<hbm>>
      %dma_start3A_42 = tpu.memref_squeeze %dma_start3A_41 : memref<1x544x8xf32, #tpu.memory_space<hbm>> -> memref<544x8xf32, #tpu.memory_space<hbm>>
      tpu.enqueue_dma source(%arg22 : memref<544x8xf32, #tpu.memory_space<vmem>>) target(%dma_start3A_42 : memref<544x8xf32, #tpu.memory_space<hbm>>) target_semaphore(%run_scoped3A : memref<!tpu.dma_semaphore, #tpu.memory_space<semaphore_mem>>)
      %dma_wait3A_43 = arith.constant 544 : i32
      %dma_wait3A_44 = arith.constant 0 : i32
      %dma_wait3A_45 = tpu.memref_slice %arg10[%add3A, %dma_wait3A_43, %dma_wait3A_44] : memref<32x1088x8xf32, #tpu.memory_space<hbm>> -> memref<1x544x8xf32, #tpu.memory_space<hbm>>
      %dma_wait3A_46 = tpu.memref_squeeze %dma_wait3A_45 : memref<1x544x8xf32, #tpu.memory_space<hbm>> -> memref<544x8xf32, #tpu.memory_space<hbm>>
      %dma_wait3A_47 = arith.constant 544 : i32
      %dma_wait3A_48 = arith.constant 0 : i32
      %dma_wait3A_49 = tpu.memref_slice %arg10[%add3A, %dma_wait3A_47, %dma_wait3A_48] : memref<32x1088x8xf32, #tpu.memory_space<hbm>> -> memref<1x544x8xf32, #tpu.memory_space<hbm>>
      %dma_wait3A_50 = tpu.memref_squeeze %dma_wait3A_49 : memref<1x544x8xf32, #tpu.memory_space<hbm>> -> memref<544x8xf32, #tpu.memory_space<hbm>>
      tpu.wait_dma2 semaphore(%run_scoped3A : memref<!tpu.dma_semaphore, #tpu.memory_space<semaphore_mem>>) src(%arg22 : memref<544x8xf32, #tpu.memory_space<vmem>>) dst(%dma_wait3A_50 : memref<544x8xf32, #tpu.memory_space<hbm>>)
      tpu.yield
    }) : () -> ()
    return
  }
}

module attributes {stable_mosaic.version = 14 : i64} {
  func.func @_tc_body(%arg0: i32, %arg1: i32, %arg2: memref<128x8x128xf32, #tpu.memory_space<vmem>>, %arg3: memref<8x128xf32, #tpu.memory_space<vmem>>, %arg4: memref<129x8x128xf32, #tpu.memory_space<vmem>>) attributes {dimension_semantics = [#tpu.dimension_semantics<arbitrary>, #tpu.dimension_semantics<arbitrary>], iteration_bounds = array<i64: 136, 2>, scalar_prefetch = 0 : i64, scratch_operands = 0 : i64, tpu.core_type = #tpu.core_type<tc>, window_params = [{transform_indices = @transform_0, window_bounds = array<i64: 128, 8, 128>}, {transform_indices = @transform_1, window_bounds = array<i64: 8, 128>}, {transform_indices = @transform_2, window_bounds = array<i64: 129, 8, 128>}]} {
    %get3A = arith.constant 0 : index
    %get3A_0 = arith.constant 0 : index
    %get3A_1 = vector.load %arg3[%get3A, %get3A_0] : memref<8x128xf32, #tpu.memory_space<vmem>>, vector<8x128xf32>
    %swap3A = arith.constant 0 : index
    %swap3A_2 = arith.constant 0 : index
    %swap3A_3 = arith.constant 0 : index
    %swap3A_4 = vector.load %arg4[%swap3A, %swap3A_2, %swap3A_3] : memref<129x8x128xf32, #tpu.memory_space<vmem>>, vector<1x8x128xf32>
    %swap3A_5 = vector.shape_cast %swap3A_4 : vector<1x8x128xf32> to vector<8x128xf32>
    %swap3A_6 = vector.shape_cast %get3A_1 : vector<8x128xf32> to vector<1x8x128xf32>
    tpu.vector_store %arg4[%swap3A, %swap3A_2, %swap3A_3], %swap3A_6 {strides = array<i32>} : memref<129x8x128xf32, #tpu.memory_space<vmem>>, vector<1x8x128xf32>,
    %get3A_7 = arith.constant 0 : index
    %get3A_8 = arith.constant 0 : index
    %get3A_9 = arith.constant 0 : index
    %get3A_10 = vector.load %arg2[%get3A_7, %get3A_8, %get3A_9] : memref<128x8x128xf32, #tpu.memory_space<vmem>>, vector<128x1x128xf32>
    %get3A_11 = vector.shape_cast %get3A_10 : vector<128x1x128xf32> to vector<128x128xf32>
    %transpose3A = tpu.transpose %get3A_11, [1, 0] : vector<128x128xf32> -> vector<128x128xf32>
    %swap3A_12 = arith.constant 1 : index
    %swap3A_13 = arith.constant 0 : index
    %swap3A_14 = arith.constant 0 : index
    %swap3A_15 = vector.load %arg4[%swap3A_12, %swap3A_13, %swap3A_14] : memref<129x8x128xf32, #tpu.memory_space<vmem>>, vector<128x1x128xf32>
    %swap3A_16 = vector.shape_cast %swap3A_15 : vector<128x1x128xf32> to vector<128x128xf32>
    %swap3A_17 = vector.shape_cast %transpose3A : vector<128x128xf32> to vector<128x1x128xf32>
    tpu.vector_store %arg4[%swap3A_12, %swap3A_13, %swap3A_14], %swap3A_17 {strides = array<i32>} : memref<129x8x128xf32, #tpu.memory_space<vmem>>, vector<128x1x128xf32>,
    %get3A_18 = arith.constant 0 : index
    %get3A_19 = arith.constant 1 : index
    %get3A_20 = arith.constant 0 : index
    %get3A_21 = vector.load %arg2[%get3A_18, %get3A_19, %get3A_20] : memref<128x8x128xf32, #tpu.memory_space<vmem>>, vector<128x1x128xf32>
    %get3A_22 = vector.shape_cast %get3A_21 : vector<128x1x128xf32> to vector<128x128xf32>
    %transpose3A_23 = tpu.transpose %get3A_22, [1, 0] : vector<128x128xf32> -> vector<128x128xf32>
    %swap3A_24 = arith.constant 1 : index
    %swap3A_25 = arith.constant 1 : index
    %swap3A_26 = arith.constant 0 : index
    %swap3A_27 = vector.load %arg4[%swap3A_24, %swap3A_25, %swap3A_26] : memref<129x8x128xf32, #tpu.memory_space<vmem>>, vector<128x1x128xf32>
    %swap3A_28 = vector.shape_cast %swap3A_27 : vector<128x1x128xf32> to vector<128x128xf32>
    %swap3A_29 = vector.shape_cast %transpose3A_23 : vector<128x128xf32> to vector<128x1x128xf32>
    tpu.vector_store %arg4[%swap3A_24, %swap3A_25, %swap3A_26], %swap3A_29 {strides = array<i32>} : memref<129x8x128xf32, #tpu.memory_space<vmem>>, vector<128x1x128xf32>,
    %get3A_30 = arith.constant 0 : index
    %get3A_31 = arith.constant 2 : index
    %get3A_32 = arith.constant 0 : index
    %get3A_33 = vector.load %arg2[%get3A_30, %get3A_31, %get3A_32] : memref<128x8x128xf32, #tpu.memory_space<vmem>>, vector<128x1x128xf32>
    %get3A_34 = vector.shape_cast %get3A_33 : vector<128x1x128xf32> to vector<128x128xf32>
    %transpose3A_35 = tpu.transpose %get3A_34, [1, 0] : vector<128x128xf32> -> vector<128x128xf32>
    %swap3A_36 = arith.constant 1 : index
    %swap3A_37 = arith.constant 2 : index
    %swap3A_38 = arith.constant 0 : index
    %swap3A_39 = vector.load %arg4[%swap3A_36, %swap3A_37, %swap3A_38] : memref<129x8x128xf32, #tpu.memory_space<vmem>>, vector<128x1x128xf32>
    %swap3A_40 = vector.shape_cast %swap3A_39 : vector<128x1x128xf32> to vector<128x128xf32>
    %swap3A_41 = vector.shape_cast %transpose3A_35 : vector<128x128xf32> to vector<128x1x128xf32>
    tpu.vector_store %arg4[%swap3A_36, %swap3A_37, %swap3A_38], %swap3A_41 {strides = array<i32>} : memref<129x8x128xf32, #tpu.memory_space<vmem>>, vector<128x1x128xf32>,
    %get3A_42 = arith.constant 0 : index
    %get3A_43 = arith.constant 3 : index
    %get3A_44 = arith.constant 0 : index
    %get3A_45 = vector.load %arg2[%get3A_42, %get3A_43, %get3A_44] : memref<128x8x128xf32, #tpu.memory_space<vmem>>, vector<128x1x128xf32>
    %get3A_46 = vector.shape_cast %get3A_45 : vector<128x1x128xf32> to vector<128x128xf32>
    %transpose3A_47 = tpu.transpose %get3A_46, [1, 0] : vector<128x128xf32> -> vector<128x128xf32>
    %swap3A_48 = arith.constant 1 : index
    %swap3A_49 = arith.constant 3 : index
    %swap3A_50 = arith.constant 0 : index
    %swap3A_51 = vector.load %arg4[%swap3A_48, %swap3A_49, %swap3A_50] : memref<129x8x128xf32, #tpu.memory_space<vmem>>, vector<128x1x128xf32>
    %swap3A_52 = vector.shape_cast %swap3A_51 : vector<128x1x128xf32> to vector<128x128xf32>
    %swap3A_53 = vector.shape_cast %transpose3A_47 : vector<128x128xf32> to vector<128x1x128xf32>
    tpu.vector_store %arg4[%swap3A_48, %swap3A_49, %swap3A_50], %swap3A_53 {strides = array<i32>} : memref<129x8x128xf32, #tpu.memory_space<vmem>>, vector<128x1x128xf32>,
    %get3A_54 = arith.constant 0 : index
    %get3A_55 = arith.constant 4 : index
    %get3A_56 = arith.constant 0 : index
    %get3A_57 = vector.load %arg2[%get3A_54, %get3A_55, %get3A_56] : memref<128x8x128xf32, #tpu.memory_space<vmem>>, vector<128x1x128xf32>
    %get3A_58 = vector.shape_cast %get3A_57 : vector<128x1x128xf32> to vector<128x128xf32>
    %transpose3A_59 = tpu.transpose %get3A_58, [1, 0] : vector<128x128xf32> -> vector<128x128xf32>
    %swap3A_60 = arith.constant 1 : index
    %swap3A_61 = arith.constant 4 : index
    %swap3A_62 = arith.constant 0 : index
    %swap3A_63 = vector.load %arg4[%swap3A_60, %swap3A_61, %swap3A_62] : memref<129x8x128xf32, #tpu.memory_space<vmem>>, vector<128x1x128xf32>
    %swap3A_64 = vector.shape_cast %swap3A_63 : vector<128x1x128xf32> to vector<128x128xf32>
    %swap3A_65 = vector.shape_cast %transpose3A_59 : vector<128x128xf32> to vector<128x1x128xf32>
    tpu.vector_store %arg4[%swap3A_60, %swap3A_61, %swap3A_62], %swap3A_65 {strides = array<i32>} : memref<129x8x128xf32, #tpu.memory_space<vmem>>, vector<128x1x128xf32>,
    %get3A_66 = arith.constant 0 : index
    %get3A_67 = arith.constant 5 : index
    %get3A_68 = arith.constant 0 : index
    %get3A_69 = vector.load %arg2[%get3A_66, %get3A_67, %get3A_68] : memref<128x8x128xf32, #tpu.memory_space<vmem>>, vector<128x1x128xf32>
    %get3A_70 = vector.shape_cast %get3A_69 : vector<128x1x128xf32> to vector<128x128xf32>
    %transpose3A_71 = tpu.transpose %get3A_70, [1, 0] : vector<128x128xf32> -> vector<128x128xf32>
    %swap3A_72 = arith.constant 1 : index
    %swap3A_73 = arith.constant 5 : index
    %swap3A_74 = arith.constant 0 : index
    %swap3A_75 = vector.load %arg4[%swap3A_72, %swap3A_73, %swap3A_74] : memref<129x8x128xf32, #tpu.memory_space<vmem>>, vector<128x1x128xf32>
    %swap3A_76 = vector.shape_cast %swap3A_75 : vector<128x1x128xf32> to vector<128x128xf32>
    %swap3A_77 = vector.shape_cast %transpose3A_71 : vector<128x128xf32> to vector<128x1x128xf32>
    tpu.vector_store %arg4[%swap3A_72, %swap3A_73, %swap3A_74], %swap3A_77 {strides = array<i32>} : memref<129x8x128xf32, #tpu.memory_space<vmem>>, vector<128x1x128xf32>,
    %get3A_78 = arith.constant 0 : index
    %get3A_79 = arith.constant 6 : index
    %get3A_80 = arith.constant 0 : index
    %get3A_81 = vector.load %arg2[%get3A_78, %get3A_79, %get3A_80] : memref<128x8x128xf32, #tpu.memory_space<vmem>>, vector<128x1x128xf32>
    %get3A_82 = vector.shape_cast %get3A_81 : vector<128x1x128xf32> to vector<128x128xf32>
    %transpose3A_83 = tpu.transpose %get3A_82, [1, 0] : vector<128x128xf32> -> vector<128x128xf32>
    %swap3A_84 = arith.constant 1 : index
    %swap3A_85 = arith.constant 6 : index
    %swap3A_86 = arith.constant 0 : index
    %swap3A_87 = vector.load %arg4[%swap3A_84, %swap3A_85, %swap3A_86] : memref<129x8x128xf32, #tpu.memory_space<vmem>>, vector<128x1x128xf32>
    %swap3A_88 = vector.shape_cast %swap3A_87 : vector<128x1x128xf32> to vector<128x128xf32>
    %swap3A_89 = vector.shape_cast %transpose3A_83 : vector<128x128xf32> to vector<128x1x128xf32>
    tpu.vector_store %arg4[%swap3A_84, %swap3A_85, %swap3A_86], %swap3A_89 {strides = array<i32>} : memref<129x8x128xf32, #tpu.memory_space<vmem>>, vector<128x1x128xf32>,
    %get3A_90 = arith.constant 0 : index
    %get3A_91 = arith.constant 7 : index
    %get3A_92 = arith.constant 0 : index
    %get3A_93 = vector.load %arg2[%get3A_90, %get3A_91, %get3A_92] : memref<128x8x128xf32, #tpu.memory_space<vmem>>, vector<128x1x128xf32>
    %get3A_94 = vector.shape_cast %get3A_93 : vector<128x1x128xf32> to vector<128x128xf32>
    %transpose3A_95 = tpu.transpose %get3A_94, [1, 0] : vector<128x128xf32> -> vector<128x128xf32>
    %swap3A_96 = arith.constant 1 : index
    %swap3A_97 = arith.constant 7 : index
    %swap3A_98 = arith.constant 0 : index
    %swap3A_99 = vector.load %arg4[%swap3A_96, %swap3A_97, %swap3A_98] : memref<129x8x128xf32, #tpu.memory_space<vmem>>, vector<128x1x128xf32>
    %swap3A_100 = vector.shape_cast %swap3A_99 : vector<128x1x128xf32> to vector<128x128xf32>
    %swap3A_101 = vector.shape_cast %transpose3A_95 : vector<128x128xf32> to vector<128x1x128xf32>
    tpu.vector_store %arg4[%swap3A_96, %swap3A_97, %swap3A_98], %swap3A_101 {strides = array<i32>} : memref<129x8x128xf32, #tpu.memory_space<vmem>>, vector<128x1x128xf32>,
    return
  }
  func.func @transform_0(%arg0: i32, %arg1: i32) -> (i32, i32, i32) {
    %c0_i32 = arith.constant 0 : i32
    %c0_i32_0 = arith.constant 0 : i32
    return %arg1, %arg0, %c0_i32 : i32, i32, i32
  }
  func.func @transform_1(%arg0: i32, %arg1: i32) -> (i32, i32) {
    %c0_i32 = arith.constant 0 : i32
    return %arg0, %arg1 : i32, i32
  }
  func.func @transform_2(%arg0: i32, %arg1: i32) -> (i32, i32, i32) {
    %c0_i32 = arith.constant 0 : i32
    %c0_i32_0 = arith.constant 0 : i32
    return %c0_i32, %arg0, %arg1 : i32, i32, i32
  }
}

</mosaic_0001>

<sc_bundles>
// kernel: kernel.4.cloned.1.call-start
scs
__scs_entry_jumppad:
0x0: {  	(pc) =	sbr.rel $0x88, $3  }
0x1: {  	(tag) =	ssettag $0x0;
	lr =	simm.s32 $0x1  }
0x2: {  	[smem:$0x3F9B] =	sst lr;
	_ =	strace $0xD0000000  }
0x3: {  	_ = 	snop  }
0x4: {  	_ = 	snop  }
0x5: {  	_ = 	snop  }
0x6: {  	_ = 	snop  }
0x7: {  	_ = 	snop  }
__scs_overlays_trampoline_lowered:
0x8: {  	[smem:$0x3FAA] =	sst s0  }
0x9: {  	[smem:$0x3FAB] =	sst s1  }
0xa: {  	[smem:$0x3FAC] =	sst s2  }
0xb: {  	[smem:$0x3FAD] =	sst s3  }
0xc: {  	[smem:$0x3FAE] =	sst s4  }
0xd: {  	[smem:$0x3FAF] =	sst s5  }
0xe: {  	[smem:$0x3FB0] =	sst s6  }
0xf: {  	[smem:$0x3FB1] =	sst s7  }
0x10: {  	[smem:$0x3FB2] =	sst s8  }
0x11: {  	[smem:$0x3FB3] =	sst s9;
	s0 =	simm.s32 @!p0 $0x0  }
0x12: {  	s1 =	sld [smem:$0x3F99];
	s0 =	simm.s32 @p0 $0x1  }
0x13: {  	[smem:$0x3FB4] =	sst s0;
	s0 =	simm.s32 @!p1 $0x0  }
0x14: {  	s2 =	sld [smem:$0x3F98];
	s0 =	simm.s32 @p1 $0x1  }
0x15: {  	[smem:$0x3FB5] =	sst s0;
	s0 =	simm.s32 @!p2 $0x0  }
0x16: {  	s3 =	sld [smem:$0x3FDB];
	s0 =	simm.s32 @p2 $0x1  }
0x17: {  	s4 =	simm.s32 $0x1BF5;
	[smem:$0x3FB7] =	sst s0  }
0x18: {  	s0 =	sld [smem:$0x3F9A];
	_ =	swait.ge [sflag:s4], $0x0  }
0x19: {  	s7 =	sld [smem:$0x3F9B]  }
0x1a: {  	s8 =	sadd.s32 $0xFFFFE003, lr  }
0x1b: {  	s9 =	sadd.s32 $0xFFFFFEF7, lr;
	s5 =	simm.s32 $0xFFFFFFFF;
	p2 =	slt.u32 s8, $0xFFFFF086  }
0x1c: {  	p1 =	slt.u32 s9, $0xF7A;
	s5 =	simm.s32 @!p2 $0x0  }
0x1d: {  	s5 =	simm.s32 @p1 $0x1;
	p0 =	seq.s32 s7, s2  }
0x1e: {  	s7 =	smul.u32 @!p0 $0xF7A, s2;
	p2 =	seq.s32 @!p0 s5, $0x0  }
0x1f: {  	s9 =	smul.u32 $0xF7A, s1;
	s8 =	simm.s32 @!p0 $0x1BF5;
	p2 =	por !p2, p0  }
0x20: {  	[sflag:s8] =	ssyncset.s32 @!p0 $0xFFFFF086;
	s6 =	sadd.s32 @!p0 s3, s7;
	s7 =	simm.s32 @!p0 $0x108  }
0x21: {  	s3 =	sadd.s32 s3, s9;
	s6 =	sadd.s32 @!p0 $0x88, s6;
	s7 =	simm.s32 @p2 $0x1082  }
0x22: {  	[simem:s7], [sflag:s8] =	dma.local @!p0 [hbm:s6], $0xF7A  }
0x23: {  	s9 =	sor.u32 $0xD0000000, s2;
	s6 =	simm.s32 $0x108;
	_ =	swait.ge @!p0 [sflag:s8], $0x0  }
0x24: {  	s3 =	sadd.s32 $0x88, s3;
	s6 =	simm.s32 @!p1 $0x1082;
	[sflag:s4] =	ssyncset.s32 $0xFFFFF086  }
0x25: {  	[simem:s6], [sflag:s4] =	dma.local [hbm:s3], $0xF7A  }
0x26: {  	[smem:$0x3F9B] =	sst s1;
	(tag) =	ssettag s2;
	_ =	strace s9  }
0x27: {  	s1 =	sld [smem:$0x3FAB]  }
0x28: {  	s2 =	sld [smem:$0x3FAC]  }
0x29: {  	s4 =	sld [smem:$0x3FAE]  }
0x2a: {  	p0 =	seq.s32 s5, $0x0;
	s5 =	sld [smem:$0x3FAF]  }
0x2b: {  	s6 =	sld [smem:$0x3FB0]  }
0x2c: {  	s7 =	sld [smem:$0x3FB1]  }
0x2d: {  	s3 =	simm.s32 $0x108;
	s8 =	sld [smem:$0x3FB2]  }
0x2e: {  	s3 =	simm.s32 @!p0 $0x1082;
	s9 =	sld [smem:$0x3FB3]  }
0x2f: {  	lr =	sadd.s32 s0, s3;
	s0 =	sld [smem:$0x3FAA]  }
0x30: {  	s3 =	sld [smem:$0x3FAD]  }
0x31: {  	[smem:$0x3FB6] =	sst s10  }
0x32: {  	s10 =	sld [smem:$0x3FB4];
	_ =	sdelay $0x3  }
0x33: {  	p0 =	seq.s32 s10, $0x1;
	s10 =	sld [smem:$0x3FB6];
	_ =	sdelay $0x3  }
0x34: {  	[smem:$0x3FB6] =	sst s10  }
0x35: {  	s10 =	sld [smem:$0x3FB5];
	_ =	sdelay $0x3  }
0x36: {  	p1 =	seq.s32 s10, $0x1;
	s10 =	sld [smem:$0x3FB6];
	_ =	sdelay $0x3  }
0x37: {  	[smem:$0x3FB6] =	sst s10  }
0x38: {  	s10 =	sld [smem:$0x3FB7]  }
0x39: {  	_ = 	snop;
	(pc) =	sbr.ind lr, $3  }
0x3a: {  	_ = 	snop  }
0x3b: {  	_ = 	snop  }
0x3c: {  	p2 =	seq.s32 s10, $0x1;
	s10 =	sld [smem:$0x3FB6]  }
0x3d: {  	_ =	shalt  }
0x3e: {  	_ =	shalt  }
0x3f: {  	_ =	shalt  }
0x40: {  	_ =	shalt  }
0x41: {  	_ =	shalt  }
0x42: {  	_ =	shalt  }
0x43: {  	_ =	shalt  }
0x44: {  	_ =	shalt  }
0x45: {  	_ =	shalt  }
0x46: {  	_ =	shalt  }
0x47: {  	_ =	shalt  }
0x48: {  	_ =	shalt  }
0x49: {  	_ =	shalt  }
0x4a: {  	_ =	shalt  }
0x4b: {  	_ =	shalt  }
0x4c: {  	_ =	shalt  }
0x4d: {  	_ =	shalt  }
0x4e: {  	_ =	shalt  }
0x4f: {  	_ =	shalt  }
0x50: {  	_ =	shalt  }
0x51: {  	_ =	shalt  }
0x52: {  	_ =	shalt  }
0x53: {  	_ =	shalt  }
0x54: {  	_ =	shalt  }
0x55: {  	_ =	shalt  }
0x56: {  	_ =	shalt  }
0x57: {  	_ =	shalt  }
0x58: {  	_ =	shalt  }
0x59: {  	_ =	shalt  }
0x5a: {  	_ =	shalt  }
0x5b: {  	_ =	shalt  }
0x5c: {  	_ =	shalt  }
0x5d: {  	_ =	shalt  }
0x5e: {  	_ =	shalt  }
0x5f: {  	_ =	shalt  }
0x60: {  	_ =	shalt  }
0x61: {  	_ =	shalt  }
0x62: {  	_ =	shalt  }
0x63: {  	_ =	shalt  }
0x64: {  	_ =	shalt  }
0x65: {  	_ =	shalt  }
0x66: {  	_ =	shalt  }
0x67: {  	_ =	shalt  }
0x68: {  	_ =	shalt  }
0x69: {  	_ =	shalt  }
0x6a: {  	_ =	shalt  }
0x6b: {  	_ =	shalt  }
0x6c: {  	_ =	shalt  }
0x6d: {  	_ =	shalt  }
0x6e: {  	_ =	shalt  }
0x6f: {  	_ =	shalt  }
0x70: {  	_ =	shalt  }
0x71: {  	_ =	shalt  }
0x72: {  	_ =	shalt  }
0x73: {  	_ =	shalt  }
0x74: {  	_ =	shalt  }
0x75: {  	_ =	shalt  }
0x76: {  	_ =	shalt  }
0x77: {  	_ =	shalt  }
0x78: {  	_ =	shalt  }
0x79: {  	_ =	shalt  }
0x7a: {  	_ =	shalt  }
0x7b: {  	_ =	shalt  }
0x7c: {  	_ =	shalt  }
0x7d: {  	_ =	shalt  }
0x7e: {  	_ =	shalt  }
0x7f: {  	_ =	shalt  }
0x80: {  	_ =	shalt  }
0x81: {  	_ =	shalt  }
0x82: {  	_ =	shalt  }
0x83: {  	_ =	shalt  }
0x84: {  	_ =	shalt  }
0x85: {  	_ =	shalt  }
0x86: {  	_ =	shalt  }
0x87: {  	_ =	shalt  }
.Lfunc_end0:
.L_simem_size_0:
called_computation_lowered:
.L_overlay_start_0:
0x88: {  	s2 =	sld [smem:$0x3FD9]  }
0x89: {  	s3 =	sld [smem:$0x3FFE];
	_ =	sdelay $0x1  }
0x8a: {  	s1 =	srdreg.scid  }
0x8b: {  	s0 =	sand.u32 $0x1, s1  }
0x8c: {  	s14 =	sshll.u32 s0, $0xA;
	s2 =	sadd.s32 s3, s2  }
0x8d: {  	s2 =	sadd.s32 s2, s14  }
0x8e: {  	[smem:$0x3FC2] =	sst s2  }
0x8f: {  	_ = 	snop  }
0x90: {  	s2 =	sld [smem:$0x3FD0];
	_ =	sdelay $0x1  }
0x91: {  	s15 =	sld [smem:$0x3FC9]  }
0x92: {  	s5 =	simm.s32 $0xA;
	s6 =	simm.s32 $0x10;
	s4 =	sld [smem:$0x3FC8]  }
0x93: {  	[smem:s6], [sflag:s5] =	dma.local [hbm:s2], $0x1  }
0x94: {  	_ =	swait.eq [sflag:s5], $0x1  }
0x95: {  	[sflag:s5] =	ssyncset.done $0x0  }
0x96: {  	s16 =	sld [smem:$0x10];
	[sflag:s5] =	ssyncadd.s32 $0xFFFFFFFF  }
0x97: {  	s17 =	sld [smem:$0x11];
	(tm) =	ssettm $0x1  }
0x98: {  	s18 =	sld [smem:$0x3FFB];
	_ =	sdelay $0x3  }
0x99: {  	_ =	strace s18  }
0x9a: {  	s6 =	sld [smem:$0x3FFC];
	_ =	sdelay $0x3  }
0x9b: {  	_ =	strace s6  }
0x9c: {  	s6 =	sld [smem:$0x3FFD];
	_ =	sdelay $0x3  }
0x9d: {  	_ =	strace s6  }
0x9e: {  	_ =	strace $0x8FFFFFFF  }
0x9f: {  	s19 =	sld [smem:$0x3FDB];
	_ =	sdelay $0x1  }
0xa0: {  	s7 =	simm.s32 $_scs_section_size  }
0xa1: {  	s8 =	simm.s32 $_size__tile_overlayer_lowered;
	s9 =	simm.s32 $_tile_overlayer_lowered  }
0xa2: {  	s22 =	simm.s32 $0x1BFF;
	s21 =	sshll.u32 s9, $0x1;
	s6 =	sadd.s32 s7, s19  }
0xa3: {  	s10 =	simm.s32 $0x0;
	s20 =	sshll.u32 s8, $0x1;
	s8 =	sadd.s32 s21, s6  }
0xa4: {  	[timem:s10], [sflag:s22] =	dma.local [hbm:s8], s20  }
0xa5: {  	_ =	swait.ge [sflag:s22], s20  }
0xa6: {  	s7 =	ssub.s32 $0x0, s20;
	[sflag:s22] =	ssyncset.done $0x0  }
0xa7: {  	[sflag:s22] =	ssyncadd.s32 s7;
	_ =	sdelay $0x1  }
0xa8: {  	s23 =	simm.s32 $0x1B8B  }
0xa9: {  	_ =	swait.ge [sflag:s23], $0x1  }
0xaa: {  	[sflag:s23] =	ssyncset.done $0x0  }
0xab: {  	s25 =	simm.s32 $0x1B8E;
	s24 =	sld [smem:$0x3FFE];
	[sflag:s23] =	ssyncadd.s32 $0xFFFFFFFF  }
0xac: {  	s26 =	simm.s32 $execute0_lowered;
	[smem:$0x3FD2] =	sst s25  }
0xad: {  	s8 =	sshll.u32 s26, $0x1;
	_ =	strace $0x80000046;
	[dreg:$0x1] =	wrdreg $0xFFFFFFFF  }
0xae: {  	s28 =	simm.s32 $_size_execute0_lowered;
	s6 =	sadd.s32 s6, s8;
	[dreg:$0x0] =	wrdreg $0x0  }
0xaf: {  	s8 =	sshll.u32 s28, $0x1;
	[dreg:$0x2] =	wrdreg s6  }
0xb0: {  	[dreg:$0x3] =	wrdreg s8  }
0xb1: {  	[dreg:$0x4] =	wrdreg $0xC0  }
0xb2: {  	_ =	task [dreg:s10], $0x5FFFF  }
0xb3: {  	[dreg:$0x1] =	wrdreg $0xFFFFFFFF  }
0xb4: {  	[dreg:$0x0] =	wrdreg $0x60  }
0xb5: {  	[dreg:$0x2] =	wrdreg s15  }
0xb6: {  	[dreg:$0x3] =	wrdreg s4  }
0xb7: {  	[dreg:$0x4] =	wrdreg s24  }
0xb8: {  	[dreg:$0x5] =	wrdreg s17  }
0xb9: {  	[dreg:$0x6] =	wrdreg s16  }
0xba: {  	[dreg:$0x7] =	wrdreg $0x9  }
0xbb: {  	_ =	task.clear_ibuf [dreg:s10], $0x8FFFF;
	_ =	strace $0x90000046  }
0xbc: {  	s29 =	simm.s32 $0x9;
	_ =	strace $0x80000048  }
0xbd: {  	_ =	swait.ge [sflag:s29], $0x1  }
0xbe: {  	[sflag:s29] =	ssyncadd.s32 $0xFFFFFFFF  }
0xbf: {  	_ =	strace $0x90000048  }
0xc0: {  	_ =	sfence  }
0xc1: {  	s30 =	sld [smem:$0x0];
	_ =	sdelay $0x2  }
0xc2: {  	s31 =	sshll.u32 s1, $0xD;
	s1 =	sshrl.u32 s1, $0x2  }
0xc3: {  	s3 =	sand.u32 $0x4000, s31;
	s1 =	sadd.s32 s1, s30  }
0xc4: {  	s0 =	sor.u32 s3, s0;
	s1 =	sshll.u32 s1, $0x11  }
0xc5: {  	s0 =	sor.u32 s1, s0  }
0xc6: {  	s0 =	sadd.s32 $0x8F2B, s0  }
0xc7: {  	[sflag:s0] =	ssyncadd.remote.s32 $0x1  }
0xc8: {  	_ =	sfence.sel $0xFFFF  }
0xc9: {  	[dreg:$0x0] =	wrdreg $0xFFFFFFFF;
	(pc) =	sbr.abs _section_cstart, $3  }
0xca: {  	[dreg:$0x1] =	wrdreg $0xFFFFFFFF  }
0xcb: {  	_ =	task.clear_ibuf [dreg:s10], $0x2FFFF;
	_ =	strace $0x9FFFFFFF  }
0xcc: {  	(tm) =	ssettm $0x7FFFFFFF  }
0xcd: {  	_ =	shalt  }
tec
execute0_lowered:
.L_overlay_start_1:
0x0: {  	(tag) =	ssettag $0x1  }
0x1: {  	s0 =	rddreg [dreg:$0x0]  }
0x2: {  	s1 =	rddreg [dreg:$0x1]  }
0x3: {  	s2 =	rddreg [dreg:$0x2]  }
0x4: {  	s8 =	rddreg [dreg:$0x3]  }
0x5: {  	s9 =	rddreg [dreg:$0x4];
	s31 =	simm.s32 $0x0  }
0x6: {  	s5 =	srdreg.scid;
	s15 =	stileid.u32;
	s28 =	simm.s32 $0x10  }
0x7: {  	v0 =	vlaneseq.u32;
	[smem:$0x7FF] =	sst s31;
	s4 =	sadd.s32 $0x1C00, s2;
	s10 =	sand.u32 $0x1, s5  }
0x8: {  	s7 =	sshll.u32 s15, $0x1;
	s3 =	sadd.s32 $0x32A00, s2;
	s5 =	sadd.s32 $0x63800, s2;
	v46 =	vadd.s32 $0x1, v0  }
0x9: {  	s29 =	sadd.s32 $0x94600, s2;
	s2 =	sadd.s32 $0xC5400, s2;
	v47 =	vadd.s32 $0x12, v0;
	_ =	strace $0x80000047;
	[tilespmem:$0x1FEC0] =	vst v46  }
0xa: {  	s15 =	smul.u32 $0x220000, s15;
	v48 =	vadd.s32 $0x23, v0;
	s11 =	sor.u32 s10, s7;
	[tilespmem:$0x1FED0] =	vst v47;
	[dreg:$0x15] =	wrdreg s4  }
0xb: {  	v49 =	vadd.s32 $0x34, v0;
	s12 =	ssub.s32 $0x2, s10;
	s10 =	smul.u32 $0x110000, s10;
	[tilespmem:$0x1FEE0] =	vst v48;
	[dreg:$0x16] =	wrdreg s3  }
0xc: {  	v50 =	vadd.s32 $0x45, v0;
	[tilespmem:$0x1FEF0] =	vst v49;
	[dreg:$0x17] =	wrdreg s5;
	s13 =	smul.u32 $0x2200, s11;
	s14 =	sshrl.u32 s12, $0x1  }
0xd: {  	v12 =	vlaneseq.u32;
	v51 =	vadd.s32 $0x56, v0;
	[tilespmem:$0x1FF00] =	vst v50;
	s0 =	sadd.s32 s0, s11;
	s11 =	simm.s32 $0x20;
	s12 =	ssub.s32 s12, s14  }
0xe: {  	v1 =	vmul.u32 $0x22, v0;
	v2 =	vmul.u32 $0x110, v0;
	v52 =	vadd.s32 $0x67, v0;
	[tilespmem:$0x1FF10] =	vst v51;
	[dreg:$0x6] =	wrdreg s0;
	s14 =	sadd.s32 s10, s15;
	s10 =	simm.s32 $0x1928  }
0xf: {  	v23 =	vadd.s32 $0x78, v0;
	v24 =	vadd.s32 $0x89, v0;
	v25 =	vadd.s32 $0x9A, v0;
	[tilespmem:$0x1FF20] =	vst v52;
	s13 =	sshrl.u32 s13, $0x3;
	s15 =	sor.u32 $0xD000, s14;
	s16 =	sor.u32 $0x9000, s14  }
0x10: {  	v26 =	vadd.s32 $0xAB, v0;
	v27 =	vadd.s32 $0xBC, v0;
	v28 =	vadd.s32 $0xCD, v0;
	[tilespmem:$0x1FE80] =	vst v1;
	s17 =	smax.u32 s12, $0x1;
	s19 =	sor.u32 $0x5000, s14;
	s20 =	sshrl.u32 s14, $0x3  }
0x11: {  	v29 =	vadd.s32 $0xDE, v0;
	v33 =	vmul.u32 $0x8, v0;
	v1 =	vadd.s32 $0x11, v1;
	[tilespmem:$0x1FEA0] =	vst v2;
	s21 =	sadd.s32 $0x1E000, s14;
	s24 =	sadd.s32 $0x1A000, s14;
	s25 =	sadd.s32 $0x16000, s14  }
0x12: {  	v30 =	vadd.s32 $0xEF, v0;
	v31 =	vor.u32 $0x100, v0;
	v45 =	vadd.s32 $0x88, v2;
	[tilespmem:$0x1FE90] =	vst v1;
	s12 =	simm.s32 $0x2A28;
	s6 =	sadd.s32 s8, s13;
	[dreg:$0xb] =	wrdreg s17  }
0x13: {  	v32 =	vadd.s32 $0x111, v0;
	v34 =	vadd.s32 $0x122, v0;
	v53 =	vor.u32 $0x800, v33;
	[tilespmem:$0x1FEB0] =	vst v45;
	s7 =	sadd.s32 $0x220, s13;
	s13 =	sadd.s32 s9, s13;
	[dreg:$0x7] =	wrdreg s6  }
0x14: {  	v35 =	vadd.s32 $0x133, v0;
	v36 =	vadd.s32 $0x144, v0;
	v54 =	vadd.s32 $0x888, v33;
	[tilespmem:$0x1FF30] =	vst v53;
	s22 =	sadd.s32 s20, s2;
	s23 =	sshrl.u32 s21, $0x3;
	[dreg:$0x8] =	wrdreg s13  }
0x15: {  	v37 =	vadd.s32 $0x155, v0;
	v38 =	vadd.s32 $0x166, v0;
	v55 =	vadd.s32 $0x910, v33;
	[tilespmem:$0x1FF40] =	vst v54;
	s17 =	simm.s32 $0x3;
	s8 =	sadd.s32 s8, s7;
	[dreg:$0xf] =	wrdreg s22  }
0x16: {  	v39 =	vadd.s32 $0x177, v0;
	v40 =	vadd.s32 $0x188, v0;
	v56 =	vadd.s32 $0x998, v33;
	[tilespmem:$0x1FF50] =	vst v55;
	s0 =	sadd.s32 s9, s7;
	s9 =	sshrl.u32 s16, $0x3;
	[dreg:$0x9] =	wrdreg s8  }
0x17: {  	v41 =	vadd.s32 $0x199, v0;
	v42 =	vadd.s32 $0x1AA, v0;
	v57 =	vadd.s32 $0xA20, v33;
	[tilespmem:$0x1FF60] =	vst v56;
	s6 =	simm.s32 $0x308;
	s13 =	simm.s32 $0x0;
	[dreg:$0xa] =	wrdreg s0  }
0x18: {  	v43 =	vadd.s32 $0x1BB, v0;
	v44 =	vadd.s32 $0x1CC, v0;
	v58 =	vadd.s32 $0xAA8, v33;
	[tilespmem:$0x1FF70] =	vst v57;
	s0 =	sshrl.u32 s15, $0x3;
	s18 =	sadd.s32 s9, s2;
	s9 =	sshrl.u32 s25, $0x3  }
0x19: {  	v46 =	vadd.s32 $0x1EE, v0;
	v47 =	vadd.s32 $0x1FF, v0;
	v59 =	vadd.s32 $0xB30, v33;
	[tilespmem:$0x1FF80] =	vst v58;
	s8 =	sadd.s32 $0x11000, s14;
	s25 =	simm.s32 $0x188;
	s0 =	sadd.s32 s0, s2  }
0x1a: {  	v48 =	vor.u32 $0x210, v0;
	v49 =	vadd.s32 $0x8, v33;
	v60 =	vadd.s32 $0xBB8, v33;
	[tilespmem:$0x1FF90] =	vst v59;
	s15 =	simm.s32 $0x2;
	[dreg:$0xc] =	wrdreg s0;
	s0 =	sshrl.u32 s19, $0x3  }
0x1b: {  	v50 =	vadd.s32 $0x90, v33;
	v52 =	vadd.s32 $0x118, v33;
	v61 =	vadd.s32 $0xC40, v33;
	[tilespmem:$0x1FFA0] =	vst v60;
	[dreg:$0xd] =	wrdreg s18;
	s26 =	sadd.s32 s9, s2;
	s0 =	sadd.s32 s0, s2  }
0x1c: {  	v51 =	vadd.s32 $0x1A0, v33;
	v9 =	vadd.s32 $0x228, v33;
	v62 =	vadd.s32 $0xCC8, v33;
	[tilespmem:$0x1FFB0] =	vst v61;
	s30 =	sshrl.u32 s8, $0x3;
	[dreg:$0xe] =	wrdreg s0;
	s0 =	sadd.s32 s23, s2  }
0x1d: {  	v10 =	vadd.s32 $0x2B0, v33;
	v11 =	vadd.s32 $0x338, v33;
	v63 =	vadd.s32 $0xD50, v33;
	[tilespmem:$0x1FFC0] =	vst v62;
	s8 =	simm.s32 $0x608;
	[dreg:$0x10] =	wrdreg s0;
	s0 =	sshrl.u32 s24, $0x3  }
0x1e: {  	v13 =	vadd.s32 $0x3C0, v33;
	v14 =	vadd.s32 $0x448, v33;
	v15 =	vadd.s32 $0x4D0, v33;
	[tilespmem:$0x1FFD0] =	vst v63;
	s9 =	simm.s32 $0x828;
	[dreg:$0x12] =	wrdreg s26;
	s0 =	sadd.s32 s0, s2  }
0x1f: {  	v16 =	vadd.s32 $0x558, v33;
	v17 =	vadd.s32 $0x5E0, v33;
	v18 =	vadd.s32 $0x668, v33;
	[tilespmem:$0x1FFE0] =	vst v51;
	s26 =	simm.s32 $0x1;
	[dreg:$0x11] =	wrdreg s0;
	s0 =	sadd.s32 s30, s2  }
0x20: {  	v21 =	vadd.s32 $0x6F0, v33;
	v22 =	vadd.s32 $0x778, v33;
	v45 =	vadd.s32 $0x1DD, v0;
	[tilespmem:$0x1FFF0] =	vst v11;
	s24 =	simm.s32 $0x108;
	s2 =	simm.s32 $0x88;
	[dreg:$0x13] =	wrdreg s0  }
.LBB2_1:
0x21: {  	[dreg:$0x14] =	wrdreg s13  }
0x22: {  	s16 =	rddreg [dreg:$0x6]  }
0x23: {  	[tilespmem:s31], [sflag:$0x3] =	stream.linear.gather [hbm4b:s16+s31], $0x8, $0x38;
	[tilespmem:$0x13A28] =	vst v63  }
0x24: {  	_ =	swait.ge [sflag:s17], $0x8  }
0x25: {  	[sflag:s17] =	ssyncset.done $0x0  }
0x26: {  	s0 =	simm.s32 $0x8;
	[sflag:s17] =	ssyncadd.s32 $0xFFFFFFF8  }
0x27: {  	[tilespmem:s0], [sflag:$0x1] =	stream.indirect.gather [hbm4b:s4+s0], $0x10, s31, s0, $0xb8;
	[tilespmem:$0x13A28] =	vst v63  }
0x28: {  	_ = 	snop  }
0x29: {  	[tilespmem:s2], [sflag:$0x1] =	stream.indirect.gather [hbm4b:s3+s0], $0x10, s31, s0, $0xb8;
	[tilespmem:$0x13A28] =	vst v63  }
0x2a: {  	_ = 	snop  }
0x2b: {  	[tilespmem:s24], [sflag:$0x1] =	stream.indirect.gather [hbm4b:s5+s0], $0x10, s31, s0, $0xb8;
	[tilespmem:$0x13A28] =	vst v63  }
0x2c: {  	_ = 	snop  }
0x2d: {  	[tilespmem:s25], [sflag:$0x1] =	stream.indirect.gather [hbm4b:s29+s0], $0x10, s31, s0, $0xb8;
	[tilespmem:$0x13A28] =	vst v63  }
0x2e: {  	_ =	swait.ge [sflag:s26], $0x80  }
0x2f: {  	[sflag:s26] =	ssyncset.done $0x0  }
0x30: {  	[sflag:s26] =	ssyncadd.s32 $0xFFFFFF80  }
0x31: {  	_ =	swait.ge [sflag:s26], $0x80  }
0x32: {  	[sflag:s26] =	ssyncset.done $0x0  }
0x33: {  	[sflag:s26] =	ssyncadd.s32 $0xFFFFFF80  }
0x34: {  	_ =	swait.ge [sflag:s26], $0x80  }
0x35: {  	[sflag:s26] =	ssyncset.done $0x0  }
0x36: {  	[sflag:s26] =	ssyncadd.s32 $0xFFFFFF80  }
0x37: {  	_ =	swait.ge [sflag:s26], $0x80  }
0x38: {  	v63 =	vld [tilespmem:$0x1FF30]  }
0x39: {  	v62 =	vld [tilespmem:$0x1FF40]  }
0x3a: {  	v61 =	vld [tilespmem:$0x1FF50]  }
0x3b: {  	v60 =	vld [tilespmem:$0x1FF60]  }
0x3c: {  	v59 =	vld [tilespmem:$0x1FF70]  }
0x3d: {  	v58 =	vld [tilespmem:$0x1FF80]  }
0x3e: {  	v56 =	vld [tilespmem:$0x1FF90]  }
0x3f: {  	s20 =	simm.s32 $0x8;
	s16 =	rddreg [dreg:$0xf];
	v57 =	vld [tilespmem:$0x1FFA0]  }
0x40: {  	s21 =	simm.s32 $0x0;
	s30 =	smov.u32 s3;
	s17 =	rddreg [dreg:$0xe];
	v55 =	vld [tilespmem:$0x1FFC0]  }
0x41: {  	s7 =	smov.u32 s5;
	[sflag:s26] =	ssyncset.done $0x0;
	s18 =	rddreg [dreg:$0xd];
	v54 =	vld [tilespmem:$0x1FFD0]  }
0x42: {  	s0 =	smov.u32 s29;
	s19 =	rddreg [dreg:$0xc];
	v53 =	vld [tilespmem:$0x1FFB0];
	[sflag:s26] =	ssyncadd.s32 $0xFFFFFF80  }
.LBB2_2:
0x43: {  	s2 =	simm.s32 $0x208  }
0x44: {  	v0 =	vmov s21;
	[tilespmem:s2], [sflag:$0x1] =	stream.indirect.gather [hbm4b:s4+s28], $0x10, s20, s28, $0xb8;
	[tilespmem:$0x13A28] =	vst v63  }
0x45: {  	v4 =	vshll.u32 v0, $0x4  }
0x46: {  	v0 =	vor.u32 v12, v4;
	[tilespmem:s6], [sflag:$0x1] =	stream.indirect.gather [hbm4b:s30+s28], $0x10, s20, s28, $0xb8;
	[tilespmem:$0x13A28] =	vst v63  }
0x47: {  	s5 =	simm.s32 $0x408  }
0x48: {  	v5 =	vld [tilespmem:$0x1FE80];
	[tilespmem:s5], [sflag:$0x1] =	stream.indirect.gather [hbm4b:s7+s28], $0x10, s20, s28, $0xb8  }
0x49: {  	s6 =	simm.s32 $0x508;
	s7 =	simm.s32 $0x8  }
0x4a: {  	[tilespmem:s6], [sflag:$0x1] =	stream.indirect.gather [hbm4b:s0+s28], $0x10, s20, s28, $0xb8;
	[tilespmem:$0x13A28] =	vst v63  }
0x4b: {  	v1 =	vld.idx.msk [tilespmem:v0+s7+$0x0], $0xffff;
	_ =	sdelay $0x1  }
0x4c: {  	v2 =	vld [tilespmem:$0x1FEA0]  }
0x4d: {  	v3 =	vld [tilespmem:$0x1FEB0]  }
0x4e: {  	v0 =	vld.idx.msk [tilespmem:v0+s24+$0x0], $0xffff  }
0x4f: {  	[tilespmem:v5+s8+$0x0] =	vst.idx.msk $0xffff, v1;
	v5 =	vld [tilespmem:$0x1FE90];
	_ =	sdelay $0x3  }
0x50: {  	v2 =	vor.u32 s21, v2  }
0x51: {  	v3 =	vor.u32 s21, v3;
	_ =	sdelay $0x2  }
0x52: {  	[tilespmem:v5+s8+$0x0] =	vst.idx.msk $0xffff, v1  }
0x53: {  	v1 =	vmul.f32 v0, v0;
	[tilespmem:v2+s9+$0x0] =	vst.idx.msk $0xffff, v0  }
0x54: {  	[tilespmem:v3+s9+$0x0] =	vst.idx.msk $0xffff, v0  }
0x55: {  	[tilespmem:v2+s10+$0x0] =	vst.idx.msk $0xffff, v1  }
0x56: {  	[tilespmem:v3+s10+$0x0] =	vst.idx.msk $0xffff, v1  }
0x57: {  	_ =	swait.ge [sflag:s26], $0x100  }
0x58: {  	[sflag:s26] =	ssyncset.done $0x0  }
0x59: {  	[sflag:s26] =	ssyncadd.s32 $0xFFFFFF00  }
0x5a: {  	_ =	swait.ge [sflag:s26], $0x100  }
0x5b: {  	[sflag:s26] =	ssyncset.done $0x0  }
0x5c: {  	[sflag:s26] =	ssyncadd.s32 $0xFFFFFF00  }
0x5d: {  	_ =	swait.ge [sflag:s26], $0x100  }
0x5e: {  	[sflag:s26] =	ssyncset.done $0x0  }
0x5f: {  	[sflag:s26] =	ssyncadd.s32 $0xFFFFFF00  }
0x60: {  	_ =	swait.ge [sflag:s26], $0x100  }
0x61: {  	v1 =	vld [tilespmem:$0x1FEC0]  }
0x62: {  	[sflag:s26] =	ssyncset.done $0x0  }
0x63: {  	[sflag:s26] =	ssyncadd.s32 $0xFFFFFF00  }
0x64: {  	v0 =	vld [tilespmem:$0x208];
	_ =	sdelay $0x4  }
0x65: {  	[tilespmem:v1+s8+$0x0] =	vst.idx.msk $0xffff, v0;
	v1 =	vld [tilespmem:$0x1FED0];
	_ =	sdelay $0x2  }
0x66: {  	v0 =	vld [tilespmem:$0x308];
	_ =	sdelay $0x4  }
0x67: {  	[tilespmem:v1+s8+$0x0] =	vst.idx.msk $0xffff, v0;
	v1 =	vld [tilespmem:$0x1FEE0];
	_ =	sdelay $0x2  }
0x68: {  	v0 =	vld [tilespmem:$0x218];
	_ =	sdelay $0x4  }
0x69: {  	[tilespmem:v1+s8+$0x0] =	vst.idx.msk $0xffff, v0;
	v1 =	vld [tilespmem:$0x1FEF0];
	_ =	sdelay $0x2  }
0x6a: {  	v0 =	vld [tilespmem:$0x318];
	_ =	sdelay $0x4  }
0x6b: {  	[tilespmem:v1+s8+$0x0] =	vst.idx.msk $0xffff, v0;
	v1 =	vld [tilespmem:$0x1FF00];
	_ =	sdelay $0x2  }
0x6c: {  	v0 =	vld [tilespmem:$0x228];
	_ =	sdelay $0x4  }
0x6d: {  	[tilespmem:v1+s8+$0x0] =	vst.idx.msk $0xffff, v0;
	v1 =	vld [tilespmem:$0x1FF10];
	_ =	sdelay $0x2  }
0x6e: {  	v0 =	vld [tilespmem:$0x328];
	_ =	sdelay $0x4  }
0x6f: {  	[tilespmem:v1+s8+$0x0] =	vst.idx.msk $0xffff, v0;
	v1 =	vld [tilespmem:$0x1FF20];
	_ =	sdelay $0x2  }
0x70: {  	v0 =	vld [tilespmem:$0x238];
	_ =	sdelay $0x4  }
0x71: {  	[tilespmem:v1+s8+$0x0] =	vst.idx.msk $0xffff, v0  }
0x72: {  	v0 =	vld [tilespmem:$0x338];
	_ =	sdelay $0x4  }
0x73: {  	[tilespmem:v23+s8+$0x0] =	vst.idx.msk $0xffff, v0  }
0x74: {  	v0 =	vld [tilespmem:$0x248];
	_ =	sdelay $0x4  }
0x75: {  	[tilespmem:v24+s8+$0x0] =	vst.idx.msk $0xffff, v0  }
0x76: {  	v0 =	vld [tilespmem:$0x348];
	_ =	sdelay $0x4  }
0x77: {  	[tilespmem:v25+s8+$0x0] =	vst.idx.msk $0xffff, v0  }
0x78: {  	v0 =	vld [tilespmem:$0x258];
	_ =	sdelay $0x4  }
0x79: {  	[tilespmem:v26+s8+$0x0] =	vst.idx.msk $0xffff, v0  }
0x7a: {  	v0 =	vld [tilespmem:$0x358];
	_ =	sdelay $0x4  }
0x7b: {  	[tilespmem:v27+s8+$0x0] =	vst.idx.msk $0xffff, v0  }
0x7c: {  	v0 =	vld [tilespmem:$0x268];
	_ =	sdelay $0x4  }
0x7d: {  	[tilespmem:v28+s8+$0x0] =	vst.idx.msk $0xffff, v0  }
0x7e: {  	v0 =	vld [tilespmem:$0x368];
	_ =	sdelay $0x4  }
0x7f: {  	[tilespmem:v29+s8+$0x0] =	vst.idx.msk $0xffff, v0  }
0x80: {  	v0 =	vld [tilespmem:$0x278];
	_ =	sdelay $0x4  }
0x81: {  	[tilespmem:v30+s8+$0x0] =	vst.idx.msk $0xffff, v0  }
0x82: {  	v0 =	vld [tilespmem:$0x378];
	_ =	sdelay $0x4  }
0x83: {  	[tilespmem:v31+s8+$0x0] =	vst.idx.msk $0xffff, v0  }
0x84: {  	v0 =	vld [tilespmem:$0x288];
	_ =	sdelay $0x4  }
0x85: {  	[tilespmem:v32+s8+$0x0] =	vst.idx.msk $0xffff, v0  }
0x86: {  	v0 =	vld [tilespmem:$0x388];
	_ =	sdelay $0x4  }
0x87: {  	[tilespmem:v34+s8+$0x0] =	vst.idx.msk $0xffff, v0  }
0x88: {  	v0 =	vld [tilespmem:$0x298];
	_ =	sdelay $0x4  }
0x89: {  	[tilespmem:v35+s8+$0x0] =	vst.idx.msk $0xffff, v0  }
0x8a: {  	v0 =	vld [tilespmem:$0x398];
	_ =	sdelay $0x4  }
0x8b: {  	[tilespmem:v36+s8+$0x0] =	vst.idx.msk $0xffff, v0  }
0x8c: {  	v0 =	vld [tilespmem:$0x2A8];
	_ =	sdelay $0x4  }
0x8d: {  	[tilespmem:v37+s8+$0x0] =	vst.idx.msk $0xffff, v0  }
0x8e: {  	v0 =	vld [tilespmem:$0x3A8];
	_ =	sdelay $0x4  }
0x8f: {  	[tilespmem:v38+s8+$0x0] =	vst.idx.msk $0xffff, v0  }
0x90: {  	v0 =	vld [tilespmem:$0x2B8];
	_ =	sdelay $0x4  }
0x91: {  	[tilespmem:v39+s8+$0x0] =	vst.idx.msk $0xffff, v0  }
0x92: {  	v0 =	vld [tilespmem:$0x3B8];
	_ =	sdelay $0x4  }
0x93: {  	[tilespmem:v40+s8+$0x0] =	vst.idx.msk $0xffff, v0  }
0x94: {  	v0 =	vld [tilespmem:$0x2C8];
	_ =	sdelay $0x4  }
0x95: {  	[tilespmem:v41+s8+$0x0] =	vst.idx.msk $0xffff, v0  }
0x96: {  	v0 =	vld [tilespmem:$0x3C8];
	_ =	sdelay $0x4  }
0x97: {  	[tilespmem:v42+s8+$0x0] =	vst.idx.msk $0xffff, v0  }
0x98: {  	v0 =	vld [tilespmem:$0x2D8];
	_ =	sdelay $0x4  }
0x99: {  	[tilespmem:v43+s8+$0x0] =	vst.idx.msk $0xffff, v0  }
0x9a: {  	v0 =	vld [tilespmem:$0x3D8];
	_ =	sdelay $0x4  }
0x9b: {  	[tilespmem:v44+s8+$0x0] =	vst.idx.msk $0xffff, v0  }
0x9c: {  	v0 =	vld [tilespmem:$0x2E8];
	_ =	sdelay $0x4  }
0x9d: {  	[tilespmem:v45+s8+$0x0] =	vst.idx.msk $0xffff, v0  }
0x9e: {  	v0 =	vld [tilespmem:$0x3E8];
	_ =	sdelay $0x4  }
0x9f: {  	[tilespmem:v46+s8+$0x0] =	vst.idx.msk $0xffff, v0  }
0xa0: {  	v0 =	vld [tilespmem:$0x2F8];
	_ =	sdelay $0x4  }
0xa1: {  	[tilespmem:v47+s8+$0x0] =	vst.idx.msk $0xffff, v0  }
0xa2: {  	v0 =	vld [tilespmem:$0x3F8];
	_ =	sdelay $0x4  }
0xa3: {  	[tilespmem:v48+s8+$0x0] =	vst.idx.msk $0xffff, v0  }
0xa4: {  	[tilespmem:s12], [sflag:$0x1] =	stream.indirect.gather [hbm4b:s1+s11], $0x80, s8, s11, $0xb8;
	[tilespmem:$0x13A28] =	vst v63  }
0xa5: {  	s13 =	simm.s32 $0x628;
	s2 =	simm.s32 $0x3A28  }
0xa6: {  	[tilespmem:s2], [sflag:$0x1] =	stream.indirect.gather [hbm4b:s1+s11], $0x80, s13, s11, $0xb8;
	[tilespmem:$0x13A28] =	vst v63  }
0xa7: {  	s4 =	simm.s32 $0x4A28;
	s13 =	simm.s32 $0x648  }
0xa8: {  	[tilespmem:s4], [sflag:$0x1] =	stream.indirect.gather [hbm4b:s1+s11], $0x80, s13, s11, $0xb8;
	[tilespmem:$0x13A28] =	vst v63  }
0xa9: {  	s30 =	simm.s32 $0x5A28;
	s13 =	simm.s32 $0x668  }
0xaa: {  	[tilespmem:s30], [sflag:$0x1] =	stream.indirect.gather [hbm4b:s1+s11], $0x80, s13, s11, $0xb8;
	[tilespmem:$0x13A28] =	vst v63  }
0xab: {  	s31 =	simm.s32 $0x6A28;
	s13 =	simm.s32 $0x688  }
0xac: {  	[tilespmem:s31], [sflag:$0x1] =	stream.indirect.gather [hbm4b:s1+s11], $0x80, s13, s11, $0xb8;
	[tilespmem:$0x13A28] =	vst v63  }
0xad: {  	s14 =	simm.s32 $0x7A28;
	s31 =	simm.s32 $0x6A8  }
0xae: {  	[tilespmem:s14], [sflag:$0x1] =	stream.indirect.gather [hbm4b:s1+s11], $0x80, s31, s11, $0xb8;
	[tilespmem:$0x13A28] =	vst v63  }
0xaf: {  	s12 =	simm.s32 $0x8A28;
	s31 =	simm.s32 $0x6C8  }
0xb0: {  	[tilespmem:s12], [sflag:$0x1] =	stream.indirect.gather [hbm4b:s1+s11], $0x80, s31, s11, $0xb8;
	[tilespmem:$0x13A28] =	vst v63  }
0xb1: {  	s22 =	simm.s32 $0x9A28;
	s31 =	simm.s32 $0x6E8  }
0xb2: {  	[tilespmem:s22], [sflag:$0x1] =	stream.indirect.gather [hbm4b:s1+s11], $0x80, s31, s11, $0xb8;
	[tilespmem:$0x13A28] =	vst v63  }
0xb3: {  	s23 =	simm.s32 $0xAA28;
	s31 =	simm.s32 $0x708  }
0xb4: {  	[tilespmem:s23], [sflag:$0x1] =	stream.indirect.gather [hbm4b:s1+s11], $0x80, s31, s11, $0xb8;
	[tilespmem:$0x13A28] =	vst v63  }
0xb5: {  	s14 =	simm.s32 $0xBA28;
	s31 =	simm.s32 $0x728  }
0xb6: {  	[tilespmem:s14], [sflag:$0x1] =	stream.indirect.gather [hbm4b:s1+s11], $0x80, s31, s11, $0xb8;
	[tilespmem:$0x13A28] =	vst v63  }
0xb7: {  	s29 =	smov.u32 s0;
	s0 =	simm.s32 $0xCA28;
	s31 =	simm.s32 $0x748  }
0xb8: {  	[tilespmem:s0], [sflag:$0x1] =	stream.indirect.gather [hbm4b:s1+s11], $0x80, s31, s11, $0xb8;
	[tilespmem:$0x13A28] =	vst v63  }
0xb9: {  	s7 =	simm.s32 $0xDA28;
	s31 =	simm.s32 $0x768  }
0xba: {  	[tilespmem:s7], [sflag:$0x1] =	stream.indirect.gather [hbm4b:s1+s11], $0x80, s31, s11, $0xb8;
	[tilespmem:$0x13A28] =	vst v63  }
0xbb: {  	s28 =	simm.s32 $0xEA28;
	s2 =	simm.s32 $0x788  }
0xbc: {  	[tilespmem:s28], [sflag:$0x1] =	stream.indirect.gather [hbm4b:s1+s11], $0x80, s2, s11, $0xb8;
	[tilespmem:$0x13A28] =	vst v63  }
0xbd: {  	s23 =	simm.s32 $0xFA28;
	s31 =	simm.s32 $0x7A8  }
0xbe: {  	[tilespmem:s23], [sflag:$0x1] =	stream.indirect.gather [hbm4b:s1+s11], $0x80, s31, s11, $0xb8;
	[tilespmem:$0x13A28] =	vst v63  }
0xbf: {  	s5 =	simm.s32 $0x10A28;
	s31 =	simm.s32 $0x7C8  }
0xc0: {  	[tilespmem:s5], [sflag:$0x1] =	stream.indirect.gather [hbm4b:s1+s11], $0x80, s31, s11, $0xb8;
	[tilespmem:$0x13A28] =	vst v63  }
0xc1: {  	s6 =	simm.s32 $0x11A28;
	s5 =	simm.s32 $0x7E8  }
0xc2: {  	[tilespmem:s6], [sflag:$0x1] =	stream.indirect.gather [hbm4b:s1+s11], $0x80, s5, s11, $0xb8;
	[tilespmem:$0x13A28] =	vst v63  }
0xc3: {  	s3 =	simm.s32 $0x12A28;
	s31 =	simm.s32 $0x808  }
0xc4: {  	[tilespmem:s3], [sflag:$0x1] =	stream.indirect.gather [hbm4b:s1+s11], $0x80, s31, s11, $0xb8;
	[tilespmem:$0x13A28] =	vst v63  }
0xc5: {  	v0 =	vld.idx.msk [tilespmem:v4+s24+$0x0], $0xffff  }
0xc6: {  	v2 =	vor.u32 s21, v49;
	v1 =	vld [tilespmem:$0x408]  }
0xc7: {  	v5 =	vor.u32 s21, v50;
	v3 =	vld [tilespmem:$0x508];
	_ =	sdelay $0x2  }
0xc8: {  	v6 =	vor.u32 $0x1, v4  }
0xc9: {  	[tilespmem:v2+s9+$0x0] =	vst.idx.msk $0xffff, v1;
	v1 =	vmul.f32 v1, v0  }
0xca: {  	v0 =	vmul.f32 v3, v0;
	[tilespmem:v5+s9+$0x0] =	vst.idx.msk $0xffff, v3  }
0xcb: {  	[tilespmem:v2+s10+$0x0] =	vst.idx.msk $0xffff, v1  }
0xcc: {  	[tilespmem:v5+s10+$0x0] =	vst.idx.msk $0xffff, v0  }
0xcd: {  	v0 =	vld.idx.msk [tilespmem:v6+s24+$0x0], $0xffff  }
0xce: {  	v2 =	vor.u32 s21, v52;
	v1 =	vld [tilespmem:$0x418]  }
0xcf: {  	v5 =	vor.u32 s21, v51;
	v3 =	vld [tilespmem:$0x518];
	_ =	sdelay $0x2  }
0xd0: {  	v6 =	vor.u32 $0x2, v4  }
0xd1: {  	[tilespmem:v2+s9+$0x0] =	vst.idx.msk $0xffff, v1;
	v1 =	vmul.f32 v1, v0  }
0xd2: {  	v0 =	vmul.f32 v3, v0;
	[tilespmem:v5+s9+$0x0] =	vst.idx.msk $0xffff, v3  }
0xd3: {  	[tilespmem:v2+s10+$0x0] =	vst.idx.msk $0xffff, v1  }
0xd4: {  	[tilespmem:v5+s10+$0x0] =	vst.idx.msk $0xffff, v0  }
0xd5: {  	v0 =	vld.idx.msk [tilespmem:v6+s24+$0x0], $0xffff  }
0xd6: {  	v2 =	vor.u32 s21, v9;
	v1 =	vld [tilespmem:$0x428]  }
0xd7: {  	v5 =	vor.u32 s21, v10;
	v3 =	vld [tilespmem:$0x528];
	_ =	sdelay $0x2  }
0xd8: {  	v6 =	vor.u32 $0x3, v4  }
0xd9: {  	[tilespmem:v2+s9+$0x0] =	vst.idx.msk $0xffff, v1;
	v1 =	vmul.f32 v1, v0  }
0xda: {  	v0 =	vmul.f32 v3, v0;
	[tilespmem:v5+s9+$0x0] =	vst.idx.msk $0xffff, v3  }
0xdb: {  	[tilespmem:v2+s10+$0x0] =	vst.idx.msk $0xffff, v1  }
0xdc: {  	[tilespmem:v5+s10+$0x0] =	vst.idx.msk $0xffff, v0  }
0xdd: {  	v0 =	vld.idx.msk [tilespmem:v6+s24+$0x0], $0xffff  }
0xde: {  	v2 =	vor.u32 s21, v11;
	v1 =	vld [tilespmem:$0x438]  }
0xdf: {  	v5 =	vor.u32 s21, v13;
	v3 =	vld [tilespmem:$0x538];
	_ =	sdelay $0x2  }
0xe0: {  	v6 =	vor.u32 $0x4, v4  }
0xe1: {  	[tilespmem:v2+s9+$0x0] =	vst.idx.msk $0xffff, v1;
	v1 =	vmul.f32 v1, v0  }
0xe2: {  	v0 =	vmul.f32 v3, v0;
	[tilespmem:v5+s9+$0x0] =	vst.idx.msk $0xffff, v3  }
0xe3: {  	[tilespmem:v2+s10+$0x0] =	vst.idx.msk $0xffff, v1  }
0xe4: {  	[tilespmem:v5+s10+$0x0] =	vst.idx.msk $0xffff, v0  }
0xe5: {  	v0 =	vld.idx.msk [tilespmem:v6+s24+$0x0], $0xffff  }
0xe6: {  	v2 =	vor.u32 s21, v14;
	v1 =	vld [tilespmem:$0x448]  }
0xe7: {  	v5 =	vor.u32 s21, v15;
	v3 =	vld [tilespmem:$0x548];
	_ =	sdelay $0x2  }
0xe8: {  	v6 =	vor.u32 $0x5, v4  }
0xe9: {  	[tilespmem:v2+s9+$0x0] =	vst.idx.msk $0xffff, v1;
	v1 =	vmul.f32 v1, v0  }
0xea: {  	v0 =	vmul.f32 v3, v0;
	[tilespmem:v5+s9+$0x0] =	vst.idx.msk $0xffff, v3  }
0xeb: {  	[tilespmem:v2+s10+$0x0] =	vst.idx.msk $0xffff, v1  }
0xec: {  	[tilespmem:v5+s10+$0x0] =	vst.idx.msk $0xffff, v0  }
0xed: {  	v0 =	vld.idx.msk [tilespmem:v6+s24+$0x0], $0xffff  }
0xee: {  	v2 =	vor.u32 s21, v16;
	v1 =	vld [tilespmem:$0x458]  }
0xef: {  	v5 =	vor.u32 s21, v17;
	v3 =	vld [tilespmem:$0x558];
	_ =	sdelay $0x2  }
0xf0: {  	v6 =	vor.u32 $0x6, v4  }
0xf1: {  	[tilespmem:v2+s9+$0x0] =	vst.idx.msk $0xffff, v1;
	v1 =	vmul.f32 v1, v0  }
0xf2: {  	v0 =	vmul.f32 v3, v0;
	[tilespmem:v5+s9+$0x0] =	vst.idx.msk $0xffff, v3  }
0xf3: {  	[tilespmem:v2+s10+$0x0] =	vst.idx.msk $0xffff, v1  }
0xf4: {  	[tilespmem:v5+s10+$0x0] =	vst.idx.msk $0xffff, v0  }
0xf5: {  	v0 =	vld.idx.msk [tilespmem:v6+s24+$0x0], $0xffff  }
0xf6: {  	v2 =	vor.u32 s21, v18;
	v1 =	vld [tilespmem:$0x468]  }
0xf7: {  	v5 =	vor.u32 s21, v21;
	v3 =	vld [tilespmem:$0x568];
	_ =	sdelay $0x2  }
0xf8: {  	v6 =	vor.u32 $0x7, v4  }
0xf9: {  	[tilespmem:v2+s9+$0x0] =	vst.idx.msk $0xffff, v1;
	v1 =	vmul.f32 v1, v0  }
0xfa: {  	v0 =	vmul.f32 v3, v0;
	[tilespmem:v5+s9+$0x0] =	vst.idx.msk $0xffff, v3  }
0xfb: {  	[tilespmem:v2+s10+$0x0] =	vst.idx.msk $0xffff, v1  }
0xfc: {  	[tilespmem:v5+s10+$0x0] =	vst.idx.msk $0xffff, v0  }
0xfd: {  	v0 =	vld.idx.msk [tilespmem:v6+s24+$0x0], $0xffff  }
0xfe: {  	v2 =	vor.u32 s21, v22;
	v1 =	vld [tilespmem:$0x478]  }
0xff: {  	v5 =	vor.u32 s21, v63;
	v3 =	vld [tilespmem:$0x578];
	_ =	sdelay $0x2  }
0x100: {  	v6 =	vor.u32 $0x8, v4  }
0x101: {  	[tilespmem:v2+s9+$0x0] =	vst.idx.msk $0xffff, v1;
	v1 =	vmul.f32 v1, v0  }
0x102: {  	v0 =	vmul.f32 v3, v0;
	[tilespmem:v5+s9+$0x0] =	vst.idx.msk $0xffff, v3  }
0x103: {  	[tilespmem:v2+s10+$0x0] =	vst.idx.msk $0xffff, v1  }
0x104: {  	[tilespmem:v5+s10+$0x0] =	vst.idx.msk $0xffff, v0  }
0x105: {  	v0 =	vld.idx.msk [tilespmem:v6+s24+$0x0], $0xffff  }
0x106: {  	v2 =	vor.u32 s21, v62;
	v1 =	vld [tilespmem:$0x488]  }
0x107: {  	v5 =	vor.u32 s21, v61;
	v3 =	vld [tilespmem:$0x588];
	_ =	sdelay $0x2  }
0x108: {  	v6 =	vor.u32 $0x9, v4  }
0x109: {  	[tilespmem:v2+s9+$0x0] =	vst.idx.msk $0xffff, v1;
	v1 =	vmul.f32 v1, v0  }
0x10a: {  	v0 =	vmul.f32 v3, v0;
	[tilespmem:v5+s9+$0x0] =	vst.idx.msk $0xffff, v3  }
0x10b: {  	[tilespmem:v2+s10+$0x0] =	vst.idx.msk $0xffff, v1  }
0x10c: {  	[tilespmem:v5+s10+$0x0] =	vst.idx.msk $0xffff, v0  }
0x10d: {  	v0 =	vld.idx.msk [tilespmem:v6+s24+$0x0], $0xffff  }
0x10e: {  	v2 =	vor.u32 s21, v60;
	v1 =	vld [tilespmem:$0x498]  }
0x10f: {  	v5 =	vor.u32 s21, v59;
	v3 =	vld [tilespmem:$0x598];
	_ =	sdelay $0x2  }
0x110: {  	v6 =	vor.u32 $0xA, v4  }
0x111: {  	[tilespmem:v2+s9+$0x0] =	vst.idx.msk $0xffff, v1;
	v1 =	vmul.f32 v1, v0  }
0x112: {  	v0 =	vmul.f32 v3, v0;
	[tilespmem:v5+s9+$0x0] =	vst.idx.msk $0xffff, v3  }
0x113: {  	[tilespmem:v2+s10+$0x0] =	vst.idx.msk $0xffff, v1  }
0x114: {  	[tilespmem:v5+s10+$0x0] =	vst.idx.msk $0xffff, v0  }
0x115: {  	v0 =	vld.idx.msk [tilespmem:v6+s24+$0x0], $0xffff  }
0x116: {  	v2 =	vor.u32 s21, v58;
	v1 =	vld [tilespmem:$0x4A8]  }
0x117: {  	v5 =	vor.u32 s21, v56;
	v3 =	vld [tilespmem:$0x5A8];
	_ =	sdelay $0x2  }
0x118: {  	v6 =	vor.u32 $0xB, v4  }
0x119: {  	[tilespmem:v2+s9+$0x0] =	vst.idx.msk $0xffff, v1;
	v1 =	vmul.f32 v1, v0  }
0x11a: {  	v0 =	vmul.f32 v3, v0;
	[tilespmem:v5+s9+$0x0] =	vst.idx.msk $0xffff, v3  }
0x11b: {  	[tilespmem:v2+s10+$0x0] =	vst.idx.msk $0xffff, v1  }
0x11c: {  	[tilespmem:v5+s10+$0x0] =	vst.idx.msk $0xffff, v0  }
0x11d: {  	v0 =	vld.idx.msk [tilespmem:v6+s24+$0x0], $0xffff  }
0x11e: {  	v2 =	vor.u32 s21, v57;
	v1 =	vld [tilespmem:$0x4B8]  }
0x11f: {  	v5 =	vor.u32 s21, v53;
	v3 =	vld [tilespmem:$0x5B8];
	_ =	sdelay $0x2  }
0x120: {  	v6 =	vor.u32 $0xC, v4  }
0x121: {  	[tilespmem:v2+s9+$0x0] =	vst.idx.msk $0xffff, v1;
	v1 =	vmul.f32 v1, v0  }
0x122: {  	v0 =	vmul.f32 v3, v0;
	[tilespmem:v5+s9+$0x0] =	vst.idx.msk $0xffff, v3  }
0x123: {  	[tilespmem:v2+s10+$0x0] =	vst.idx.msk $0xffff, v1  }
0x124: {  	[tilespmem:v5+s10+$0x0] =	vst.idx.msk $0xffff, v0  }
0x125: {  	v0 =	vld.idx.msk [tilespmem:v6+s24+$0x0], $0xffff  }
0x126: {  	v2 =	vor.u32 s21, v55;
	v1 =	vld [tilespmem:$0x4C8]  }
0x127: {  	v5 =	vor.u32 s21, v54;
	v3 =	vld [tilespmem:$0x5C8];
	_ =	sdelay $0x2  }
0x128: {  	v6 =	vor.u32 $0xD, v4  }
0x129: {  	[tilespmem:v2+s9+$0x0] =	vst.idx.msk $0xffff, v1;
	v1 =	vmul.f32 v1, v0  }
0x12a: {  	v0 =	vmul.f32 v3, v0;
	[tilespmem:v5+s9+$0x0] =	vst.idx.msk $0xffff, v3  }
0x12b: {  	[tilespmem:v2+s10+$0x0] =	vst.idx.msk $0xffff, v1  }
0x12c: {  	[tilespmem:v5+s10+$0x0] =	vst.idx.msk $0xffff, v0  }
0x12d: {  	v0 =	vadd.s32 $0xDD8, v33;
	v2 =	vld.idx.msk [tilespmem:v6+s24+$0x0], $0xffff  }
0x12e: {  	v1 =	vadd.s32 $0xE60, v33;
	v3 =	vld [tilespmem:$0x4D8];
	v5 =	vor.u32 s21, v0  }
0x12f: {  	v7 =	vor.u32 s21, v1;
	v6 =	vld [tilespmem:$0x5D8];
	_ =	sdelay $0x2  }
0x130: {  	v8 =	vor.u32 $0xE, v4  }
0x131: {  	[tilespmem:v5+s9+$0x0] =	vst.idx.msk $0xffff, v3;
	v3 =	vmul.f32 v3, v2  }
0x132: {  	v2 =	vmul.f32 v6, v2;
	[tilespmem:v7+s9+$0x0] =	vst.idx.msk $0xffff, v6  }
0x133: {  	[tilespmem:v5+s10+$0x0] =	vst.idx.msk $0xffff, v3  }
0x134: {  	v20 =	vmov v18;
	v18 =	vmov v53;
	[tilespmem:v7+s10+$0x0] =	vst.idx.msk $0xffff, v2  }
0x135: {  	v53 =	vmovc v54;
	v54 =	vmovc v55;
	v55 =	vmov v57;
	v57 =	vmov v56;
	v2 =	vadd.s32 $0xEE8, v33;
	v5 =	vld.idx.msk [tilespmem:v8+s24+$0x0], $0xffff  }
0x136: {  	v56 =	vmovc v58;
	v58 =	vmovc v59;
	v59 =	vmov v60;
	v3 =	vadd.s32 $0xF70, v33;
	v6 =	vld [tilespmem:$0x4E8];
	v7 =	vor.u32 s21, v2  }
0x137: {  	v60 =	vmovc v61;
	v61 =	vmovc v62;
	v62 =	vmov v63;
	v63 =	vmov v9;
	v9 =	vor.u32 s21, v3;
	v8 =	vld [tilespmem:$0x5E8];
	_ =	sdelay $0x2  }
0x138: {  	v4 =	vor.u32 $0xF, v4  }
0x139: {  	[tilespmem:v7+s9+$0x0] =	vst.idx.msk $0xffff, v6;
	v6 =	vmul.f32 v6, v5  }
0x13a: {  	v5 =	vmul.f32 v8, v5;
	[tilespmem:v9+s9+$0x0] =	vst.idx.msk $0xffff, v8  }
0x13b: {  	[tilespmem:v7+s10+$0x0] =	vst.idx.msk $0xffff, v6  }
0x13c: {  	[tilespmem:v9+s10+$0x0] =	vst.idx.msk $0xffff, v5  }
0x13d: {  	v6 =	vld.idx.msk [tilespmem:v4+s24+$0x0], $0xffff;
	v4 =	vadd.s32 $0xFF8, v33  }
0x13e: {  	v5 =	vor.u32 $0x1080, v33;
	v7 =	vld [tilespmem:$0x4F8];
	v8 =	vor.u32 s21, v4  }
0x13f: {  	v19 =	vmovc v17;
	v17 =	vmovc v15;
	v15 =	vmov v13;
	v13 =	vmov v10;
	v9 =	vld [tilespmem:$0x5F8];
	v10 =	vor.u32 s21, v5;
	_ =	sdelay $0x3  }
0x140: {  	[tilespmem:v8+s9+$0x0] =	vst.idx.msk $0xffff, v7;
	v7 =	vmul.f32 v7, v6  }
0x141: {  	v6 =	vmul.f32 v9, v6;
	[tilespmem:v10+s9+$0x0] =	vst.idx.msk $0xffff, v9  }
0x142: {  	s4 =	rddreg [dreg:$0x15];
	[tilespmem:v8+s10+$0x0] =	vst.idx.msk $0xffff, v7  }
0x143: {  	s30 =	rddreg [dreg:$0x16];
	[tilespmem:v10+s10+$0x0] =	vst.idx.msk $0xffff, v6  }
0x144: {  	s7 =	rddreg [dreg:$0x17];
	_ =	swait.ge [sflag:s26], $0x1000  }
0x145: {  	[sflag:s26] =	ssyncset.done $0x0  }
0x146: {  	[sflag:s26] =	ssyncadd.s32 $0xFFFFF000  }
0x147: {  	_ =	swait.ge [sflag:s26], $0x1000  }
0x148: {  	[sflag:s26] =	ssyncset.done $0x0  }
0x149: {  	[sflag:s26] =	ssyncadd.s32 $0xFFFFF000  }
0x14a: {  	_ =	swait.ge [sflag:s26], $0x1000  }
0x14b: {  	[sflag:s26] =	ssyncset.done $0x0  }
0x14c: {  	[sflag:s26] =	ssyncadd.s32 $0xFFFFF000  }
0x14d: {  	_ =	swait.ge [sflag:s26], $0x1000  }
0x14e: {  	[sflag:s26] =	ssyncset.done $0x0  }
0x14f: {  	[sflag:s26] =	ssyncadd.s32 $0xFFFFF000  }
0x150: {  	_ =	swait.ge [sflag:s26], $0x1000  }
0x151: {  	[sflag:s26] =	ssyncset.done $0x0  }
0x152: {  	s13 =	simm.s32 $0x0;
	s12 =	simm.s32 $0x2A28;
	[sflag:s26] =	ssyncadd.s32 $0xFFFFF000  }
0x153: {  	[hbm4b:s16+s13] =	stream.linear.scatter [tilespmem:s12], [sflag:$0x2], $0x5000, $0x38;
	[tilespmem:$0x13A28] =	vst v63  }
0x154: {  	_ =	swait.ge [sflag:s26], $0x1000  }
0x155: {  	[sflag:s26] =	ssyncset.done $0x0  }
0x156: {  	[sflag:s26] =	ssyncadd.s32 $0xFFFFF000  }
0x157: {  	_ =	swait.ge [sflag:s26], $0x1000  }
0x158: {  	[sflag:s26] =	ssyncset.done $0x0  }
0x159: {  	[sflag:s26] =	ssyncadd.s32 $0xFFFFF000  }
0x15a: {  	_ =	swait.ge [sflag:s26], $0x1000  }
0x15b: {  	[sflag:s26] =	ssyncset.done $0x0  }
0x15c: {  	[sflag:s26] =	ssyncadd.s32 $0xFFFFF000  }
0x15d: {  	_ =	swait.ge [sflag:s26], $0x1000  }
0x15e: {  	[sflag:s26] =	ssyncset.done $0x0  }
0x15f: {  	s22 =	simm.s32 $0x7A28;
	[sflag:s26] =	ssyncadd.s32 $0xFFFFF000  }
0x160: {  	[hbm4b:s17+s13] =	stream.linear.scatter [tilespmem:s22], [sflag:$0x2], $0x4000, $0x38;
	[tilespmem:$0x13A28] =	vst v63  }
0x161: {  	_ =	swait.ge [sflag:s26], $0x1000  }
0x162: {  	[sflag:s26] =	ssyncset.done $0x0  }
0x163: {  	[sflag:s26] =	ssyncadd.s32 $0xFFFFF000  }
0x164: {  	_ =	swait.ge [sflag:s26], $0x1000  }
0x165: {  	[sflag:s26] =	ssyncset.done $0x0  }
0x166: {  	[sflag:s26] =	ssyncadd.s32 $0xFFFFF000  }
0x167: {  	_ =	swait.ge [sflag:s26], $0x1000  }
0x168: {  	[sflag:s26] =	ssyncset.done $0x0  }
0x169: {  	[sflag:s26] =	ssyncadd.s32 $0xFFFFF000  }
0x16a: {  	_ =	swait.ge [sflag:s26], $0x1000  }
0x16b: {  	[sflag:s26] =	ssyncset.done $0x0  }
0x16c: {  	[sflag:s26] =	ssyncadd.s32 $0xFFFFF000  }
0x16d: {  	[hbm4b:s18+s13] =	stream.linear.scatter [tilespmem:s14], [sflag:$0x2], $0x4000, $0x38;
	[tilespmem:$0x13A28] =	vst v63  }
0x16e: {  	_ =	swait.ge [sflag:s26], $0x1000  }
0x16f: {  	[sflag:s26] =	ssyncset.done $0x0  }
0x170: {  	[sflag:s26] =	ssyncadd.s32 $0xFFFFF000  }
0x171: {  	_ =	swait.ge [sflag:s26], $0x1000  }
0x172: {  	[sflag:s26] =	ssyncset.done $0x0  }
0x173: {  	[sflag:s26] =	ssyncadd.s32 $0xFFFFF000  }
0x174: {  	_ =	swait.ge [sflag:s26], $0x1000  }
0x175: {  	[sflag:s26] =	ssyncset.done $0x0  }
0x176: {  	[sflag:s26] =	ssyncadd.s32 $0xFFFFF000  }
0x177: {  	_ =	swait.ge [sflag:s26], $0x1000  }
0x178: {  	[sflag:s26] =	ssyncset.done $0x0  }
0x179: {  	[sflag:s26] =	ssyncadd.s32 $0xFFFFF000  }
0x17a: {  	[hbm4b:s19+s13] =	stream.linear.scatter [tilespmem:s23], [sflag:$0x2], $0x4000, $0x38;
	[tilespmem:$0x13A28] =	vst v63  }
0x17b: {  	_ =	swait.ge [sflag:s15], $0x5000  }
0x17c: {  	[sflag:s15] =	ssyncset.done $0x0  }
0x17d: {  	[sflag:s15] =	ssyncadd.s32 $0xFFFFB000  }
0x17e: {  	_ =	swait.ge [sflag:s15], $0x4000  }
0x17f: {  	[sflag:s15] =	ssyncset.done $0x0  }
0x180: {  	[sflag:s15] =	ssyncadd.s32 $0xFFFFC000  }
0x181: {  	p0 =	sne.s32 s21, $0x7;
	_ =	swait.ge [sflag:s15], $0x4000  }
.Ltmp0:
0x182: {  	s20 =	sadd.s32 $0x10, s20;
	[sflag:s15] =	ssyncset.done $0x0;
	(pc) =	sbr.rel @p0 .LBB2_2-.Ltmp0, $4  }
0x183: {  	s0 =	smov.u32 s29;
	s28 =	simm.s32 $0x10;
	v9 =	vmov v63;
	v63 =	vmov v62;
	[sflag:s15] =	ssyncadd.s32 $0xFFFFC000  }
0x184: {  	s6 =	simm.s32 $0x308;
	s21 =	sadd.s32 $0x1, s21;
	v62 =	vmovc v61;
	v61 =	vmovc v60;
	v60 =	vmov v59;
	v59 =	vmov v58;
	v58 =	vmov v56;
	_ =	swait.ge [sflag:s15], $0x4000  }
0x185: {  	v56 =	vmovc v57;
	v57 =	vmovc v55;
	v55 =	vmov v54;
	v54 =	vmov v53;
	v53 =	vmov v18;
	s16 =	sadd.s32 $0x4400, s16;
	s17 =	sadd.s32 $0x4400, s17;
	[sflag:s15] =	ssyncset.done $0x0  }
0x186: {  	v18 =	vmovc v20;
	v10 =	vmovc v13;
	v13 =	vmov v15;
	v15 =	vmov v17;
	v17 =	vmov v19;
	s18 =	sadd.s32 $0x4400, s18;
	s19 =	sadd.s32 $0x4400, s19;
	[sflag:s15] =	ssyncadd.s32 $0xFFFFC000  }
0x187: {  	s16 =	simm.s32 $0x0;
	s17 =	rddreg [dreg:$0x7];
	s18 =	simm.s32 $0x3  }
0x188: {  	[hbm4b:s17+s16] =	stream.linear.scatter [tilespmem:s9], [sflag:$0x3], $0x1100, $0x38;
	[tilespmem:$0x13A28] =	vst v63  }
0x189: {  	_ =	swait.ge [sflag:s18], $0x1100  }
0x18a: {  	[sflag:s18] =	ssyncset.done $0x0  }
0x18b: {  	s31 =	rddreg [dreg:$0x8];
	[sflag:s18] =	ssyncadd.s32 $0xFFFFEF00  }
0x18c: {  	[hbm4b:s31+s16] =	stream.linear.scatter [tilespmem:s10], [sflag:$0x3], $0x1100, $0x38;
	[tilespmem:$0x13A28] =	vst v63  }
0x18d: {  	_ =	swait.ge [sflag:s18], $0x1100  }
0x18e: {  	s19 =	rddreg [dreg:$0x12]  }
0x18f: {  	s20 =	rddreg [dreg:$0x11]  }
0x190: {  	[sflag:s18] =	ssyncset.done $0x0;
	s21 =	rddreg [dreg:$0x10]  }
0x191: {  	v20 =	vmovc v22;
	v19 =	vmov v21;
	v22 =	vmov v10;
	v21 =	vmov v9;
	s17 =	simm.s32 $0x88;
	[sflag:s18] =	ssyncadd.s32 $0xFFFFEF00;
	s18 =	rddreg [dreg:$0x13]  }
.LBB2_4:
0x192: {  	s2 =	simm.s32 $0x208  }
0x193: {  	v6 =	vmov s16;
	[tilespmem:s2], [sflag:$0x1] =	stream.indirect.gather [hbm4b:s4+s28], $0x10, s17, s28, $0xb8;
	[tilespmem:$0x13A28] =	vst v63  }
0x194: {  	v6 =	vshll.u32 v6, $0x4;
	s4 =	simm.s32 $0x308  }
0x195: {  	v9 =	vld [tilespmem:$0x1FEA0];
	v7 =	vor.u32 v12, v6;
	[tilespmem:s4], [sflag:$0x1] =	stream.indirect.gather [hbm4b:s30+s28], $0x10, s17, s28, $0xb8  }
0x196: {  	s5 =	simm.s32 $0x408;
	v10 =	vld [tilespmem:$0x1FEB0]  }
0x197: {  	v11 =	vld [tilespmem:$0x1FE80];
	[tilespmem:s5], [sflag:$0x1] =	stream.indirect.gather [hbm4b:s7+s28], $0x10, s17, s28, $0xb8  }
0x198: {  	s6 =	simm.s32 $0x508;
	v51 =	vld [tilespmem:$0x1FE90];
	s7 =	simm.s32 $0x88  }
0x199: {  	[tilespmem:s6], [sflag:$0x1] =	stream.indirect.gather [hbm4b:s0+s28], $0x10, s17, s28, $0xb8;
	[tilespmem:$0x13A28] =	vst v63  }
0x19a: {  	v8 =	vld.idx.msk [tilespmem:v7+s7+$0x0], $0xffff;
	_ =	sdelay $0x1  }
0x19b: {  	v9 =	vor.u32 s16, v9;
	v7 =	vld.idx.msk [tilespmem:v7+s25+$0x0], $0xffff  }
0x19c: {  	v10 =	vor.u32 s16, v10;
	_ =	sdelay $0x1  }
0x19d: {  	[tilespmem:v11+s8+$0x0] =	vst.idx.msk $0xffff, v8  }
0x19e: {  	[tilespmem:v51+s8+$0x0] =	vst.idx.msk $0xffff, v8  }
0x19f: {  	v51 =	vmul.f32 v7, v7;
	[tilespmem:v9+s9+$0x0] =	vst.idx.msk $0xffff, v7  }
0x1a0: {  	[tilespmem:v10+s9+$0x0] =	vst.idx.msk $0xffff, v7  }
0x1a1: {  	[tilespmem:v9+s10+$0x0] =	vst.idx.msk $0xffff, v51  }
0x1a2: {  	[tilespmem:v10+s10+$0x0] =	vst.idx.msk $0xffff, v51  }
0x1a3: {  	_ =	swait.ge [sflag:s26], $0x100  }
0x1a4: {  	[sflag:s26] =	ssyncset.done $0x0  }
0x1a5: {  	[sflag:s26] =	ssyncadd.s32 $0xFFFFFF00  }
0x1a6: {  	_ =	swait.ge [sflag:s26], $0x100  }
0x1a7: {  	[sflag:s26] =	ssyncset.done $0x0  }
0x1a8: {  	[sflag:s26] =	ssyncadd.s32 $0xFFFFFF00  }
0x1a9: {  	_ =	swait.ge [sflag:s26], $0x100  }
0x1aa: {  	[sflag:s26] =	ssyncset.done $0x0  }
0x1ab: {  	[sflag:s26] =	ssyncadd.s32 $0xFFFFFF00  }
0x1ac: {  	_ =	swait.ge [sflag:s26], $0x100  }
0x1ad: {  	v51 =	vld [tilespmem:$0x1FEC0]  }
0x1ae: {  	[sflag:s26] =	ssyncset.done $0x0  }
0x1af: {  	[sflag:s26] =	ssyncadd.s32 $0xFFFFFF00  }
0x1b0: {  	v7 =	vld [tilespmem:$0x208];
	_ =	sdelay $0x4  }
0x1b1: {  	[tilespmem:v51+s8+$0x0] =	vst.idx.msk $0xffff, v7;
	v51 =	vld [tilespmem:$0x1FED0];
	_ =	sdelay $0x2  }
0x1b2: {  	v7 =	vld [tilespmem:$0x308];
	_ =	sdelay $0x4  }
0x1b3: {  	[tilespmem:v51+s8+$0x0] =	vst.idx.msk $0xffff, v7;
	v51 =	vld [tilespmem:$0x1FEE0];
	_ =	sdelay $0x2  }
0x1b4: {  	v7 =	vld [tilespmem:$0x218];
	_ =	sdelay $0x4  }
0x1b5: {  	[tilespmem:v51+s8+$0x0] =	vst.idx.msk $0xffff, v7;
	v51 =	vld [tilespmem:$0x1FEF0];
	_ =	sdelay $0x2  }
0x1b6: {  	v7 =	vld [tilespmem:$0x318];
	_ =	sdelay $0x4  }
0x1b7: {  	[tilespmem:v51+s8+$0x0] =	vst.idx.msk $0xffff, v7;
	v51 =	vld [tilespmem:$0x1FF00];
	_ =	sdelay $0x2  }
0x1b8: {  	v7 =	vld [tilespmem:$0x228];
	_ =	sdelay $0x4  }
0x1b9: {  	[tilespmem:v51+s8+$0x0] =	vst.idx.msk $0xffff, v7;
	v51 =	vld [tilespmem:$0x1FF10];
	_ =	sdelay $0x2  }
0x1ba: {  	v7 =	vld [tilespmem:$0x328];
	_ =	sdelay $0x4  }
0x1bb: {  	[tilespmem:v51+s8+$0x0] =	vst.idx.msk $0xffff, v7;
	v51 =	vld [tilespmem:$0x1FF20];
	_ =	sdelay $0x2  }
0x1bc: {  	v7 =	vld [tilespmem:$0x238];
	_ =	sdelay $0x4  }
0x1bd: {  	[tilespmem:v51+s8+$0x0] =	vst.idx.msk $0xffff, v7  }
0x1be: {  	v7 =	vld [tilespmem:$0x338];
	_ =	sdelay $0x4  }
0x1bf: {  	[tilespmem:v23+s8+$0x0] =	vst.idx.msk $0xffff, v7  }
0x1c0: {  	v7 =	vld [tilespmem:$0x248];
	_ =	sdelay $0x4  }
0x1c1: {  	[tilespmem:v24+s8+$0x0] =	vst.idx.msk $0xffff, v7  }
0x1c2: {  	v7 =	vld [tilespmem:$0x348];
	_ =	sdelay $0x4  }
0x1c3: {  	[tilespmem:v25+s8+$0x0] =	vst.idx.msk $0xffff, v7  }
0x1c4: {  	v7 =	vld [tilespmem:$0x258];
	_ =	sdelay $0x4  }
0x1c5: {  	[tilespmem:v26+s8+$0x0] =	vst.idx.msk $0xffff, v7  }
0x1c6: {  	v7 =	vld [tilespmem:$0x358];
	_ =	sdelay $0x4  }
0x1c7: {  	[tilespmem:v27+s8+$0x0] =	vst.idx.msk $0xffff, v7  }
0x1c8: {  	v7 =	vld [tilespmem:$0x268];
	_ =	sdelay $0x4  }
0x1c9: {  	[tilespmem:v28+s8+$0x0] =	vst.idx.msk $0xffff, v7  }
0x1ca: {  	v7 =	vld [tilespmem:$0x368];
	_ =	sdelay $0x4  }
0x1cb: {  	[tilespmem:v29+s8+$0x0] =	vst.idx.msk $0xffff, v7  }
0x1cc: {  	v7 =	vld [tilespmem:$0x278];
	_ =	sdelay $0x4  }
0x1cd: {  	[tilespmem:v30+s8+$0x0] =	vst.idx.msk $0xffff, v7  }
0x1ce: {  	v7 =	vld [tilespmem:$0x378];
	_ =	sdelay $0x4  }
0x1cf: {  	[tilespmem:v31+s8+$0x0] =	vst.idx.msk $0xffff, v7  }
0x1d0: {  	v7 =	vld [tilespmem:$0x288];
	_ =	sdelay $0x4  }
0x1d1: {  	[tilespmem:v32+s8+$0x0] =	vst.idx.msk $0xffff, v7  }
0x1d2: {  	v7 =	vld [tilespmem:$0x388];
	_ =	sdelay $0x4  }
0x1d3: {  	[tilespmem:v34+s8+$0x0] =	vst.idx.msk $0xffff, v7  }
0x1d4: {  	v7 =	vld [tilespmem:$0x298];
	_ =	sdelay $0x4  }
0x1d5: {  	[tilespmem:v35+s8+$0x0] =	vst.idx.msk $0xffff, v7  }
0x1d6: {  	v7 =	vld [tilespmem:$0x398];
	_ =	sdelay $0x4  }
0x1d7: {  	[tilespmem:v36+s8+$0x0] =	vst.idx.msk $0xffff, v7  }
0x1d8: {  	v7 =	vld [tilespmem:$0x2A8];
	_ =	sdelay $0x4  }
0x1d9: {  	[tilespmem:v37+s8+$0x0] =	vst.idx.msk $0xffff, v7  }
0x1da: {  	v7 =	vld [tilespmem:$0x3A8];
	_ =	sdelay $0x4  }
0x1db: {  	[tilespmem:v38+s8+$0x0] =	vst.idx.msk $0xffff, v7  }
0x1dc: {  	v7 =	vld [tilespmem:$0x2B8];
	_ =	sdelay $0x4  }
0x1dd: {  	[tilespmem:v39+s8+$0x0] =	vst.idx.msk $0xffff, v7  }
0x1de: {  	v7 =	vld [tilespmem:$0x3B8];
	_ =	sdelay $0x4  }
0x1df: {  	[tilespmem:v40+s8+$0x0] =	vst.idx.msk $0xffff, v7  }
0x1e0: {  	v7 =	vld [tilespmem:$0x2C8];
	_ =	sdelay $0x4  }
0x1e1: {  	[tilespmem:v41+s8+$0x0] =	vst.idx.msk $0xffff, v7  }
0x1e2: {  	v7 =	vld [tilespmem:$0x3C8];
	_ =	sdelay $0x4  }
0x1e3: {  	[tilespmem:v42+s8+$0x0] =	vst.idx.msk $0xffff, v7  }
0x1e4: {  	v7 =	vld [tilespmem:$0x2D8];
	_ =	sdelay $0x4  }
0x1e5: {  	[tilespmem:v43+s8+$0x0] =	vst.idx.msk $0xffff, v7  }
0x1e6: {  	v7 =	vld [tilespmem:$0x3D8];
	_ =	sdelay $0x4  }
0x1e7: {  	[tilespmem:v44+s8+$0x0] =	vst.idx.msk $0xffff, v7  }
0x1e8: {  	v7 =	vld [tilespmem:$0x2E8];
	_ =	sdelay $0x4  }
0x1e9: {  	[tilespmem:v45+s8+$0x0] =	vst.idx.msk $0xffff, v7  }
0x1ea: {  	v7 =	vld [tilespmem:$0x3E8];
	_ =	sdelay $0x4  }
0x1eb: {  	[tilespmem:v46+s8+$0x0] =	vst.idx.msk $0xffff, v7  }
0x1ec: {  	v7 =	vld [tilespmem:$0x2F8];
	_ =	sdelay $0x4  }
0x1ed: {  	[tilespmem:v47+s8+$0x0] =	vst.idx.msk $0xffff, v7  }
0x1ee: {  	v7 =	vld [tilespmem:$0x3F8];
	_ =	sdelay $0x4  }
0x1ef: {  	[tilespmem:v48+s8+$0x0] =	vst.idx.msk $0xffff, v7  }
0x1f0: {  	[tilespmem:s12], [sflag:$0x1] =	stream.indirect.gather [hbm4b:s1+s11], $0x80, s8, s11, $0xb8;
	[tilespmem:$0x13A28] =	vst v63  }
0x1f1: {  	s13 =	simm.s32 $0x628;
	s2 =	simm.s32 $0x3A28  }
0x1f2: {  	[tilespmem:s2], [sflag:$0x1] =	stream.indirect.gather [hbm4b:s1+s11], $0x80, s13, s11, $0xb8;
	[tilespmem:$0x13A28] =	vst v63  }
0x1f3: {  	s4 =	simm.s32 $0x4A28;
	s13 =	simm.s32 $0x648  }
0x1f4: {  	[tilespmem:s4], [sflag:$0x1] =	stream.indirect.gather [hbm4b:s1+s11], $0x80, s13, s11, $0xb8;
	[tilespmem:$0x13A28] =	vst v63  }
0x1f5: {  	s0 =	simm.s32 $0x5A28;
	s13 =	simm.s32 $0x668  }
0x1f6: {  	[tilespmem:s0], [sflag:$0x1] =	stream.indirect.gather [hbm4b:s1+s11], $0x80, s13, s11, $0xb8;
	[tilespmem:$0x13A28] =	vst v63  }
0x1f7: {  	s0 =	simm.s32 $0x6A28;
	s13 =	simm.s32 $0x688  }
0x1f8: {  	[tilespmem:s0], [sflag:$0x1] =	stream.indirect.gather [hbm4b:s1+s11], $0x80, s13, s11, $0xb8;
	[tilespmem:$0x13A28] =	vst v63  }
0x1f9: {  	s13 =	simm.s32 $0x6A8  }
0x1fa: {  	[tilespmem:s22], [sflag:$0x1] =	stream.indirect.gather [hbm4b:s1+s11], $0x80, s13, s11, $0xb8;
	[tilespmem:$0x13A28] =	vst v63  }
0x1fb: {  	s30 =	simm.s32 $0x8A28;
	s2 =	simm.s32 $0x6C8  }
0x1fc: {  	[tilespmem:s30], [sflag:$0x1] =	stream.indirect.gather [hbm4b:s1+s11], $0x80, s2, s11, $0xb8;
	[tilespmem:$0x13A28] =	vst v63  }
0x1fd: {  	s0 =	simm.s32 $0x9A28;
	s13 =	simm.s32 $0x6E8  }
0x1fe: {  	[tilespmem:s0], [sflag:$0x1] =	stream.indirect.gather [hbm4b:s1+s11], $0x80, s13, s11, $0xb8;
	[tilespmem:$0x13A28] =	vst v63  }
0x1ff: {  	s0 =	simm.s32 $0xAA28;
	s13 =	simm.s32 $0x708  }
0x200: {  	[tilespmem:s0], [sflag:$0x1] =	stream.indirect.gather [hbm4b:s1+s11], $0x80, s13, s11, $0xb8;
	[tilespmem:$0x13A28] =	vst v63  }
0x201: {  	s13 =	simm.s32 $0x728  }
0x202: {  	[tilespmem:s14], [sflag:$0x1] =	stream.indirect.gather [hbm4b:s1+s11], $0x80, s13, s11, $0xb8;
	[tilespmem:$0x13A28] =	vst v63  }
0x203: {  	s31 =	simm.s32 $0xCA28;
	s2 =	simm.s32 $0x748  }
0x204: {  	[tilespmem:s31], [sflag:$0x1] =	stream.indirect.gather [hbm4b:s1+s11], $0x80, s2, s11, $0xb8;
	[tilespmem:$0x13A28] =	vst v63  }
0x205: {  	s7 =	simm.s32 $0xDA28;
	s0 =	simm.s32 $0x768  }
0x206: {  	[tilespmem:s7], [sflag:$0x1] =	stream.indirect.gather [hbm4b:s1+s11], $0x80, s0, s11, $0xb8;
	[tilespmem:$0x13A28] =	vst v63  }
0x207: {  	s28 =	simm.s32 $0xEA28;
	s13 =	simm.s32 $0x788  }
0x208: {  	[tilespmem:s28], [sflag:$0x1] =	stream.indirect.gather [hbm4b:s1+s11], $0x80, s13, s11, $0xb8;
	[tilespmem:$0x13A28] =	vst v63  }
0x209: {  	s13 =	simm.s32 $0x7A8  }
0x20a: {  	[tilespmem:s23], [sflag:$0x1] =	stream.indirect.gather [hbm4b:s1+s11], $0x80, s13, s11, $0xb8;
	[tilespmem:$0x13A28] =	vst v63  }
0x20b: {  	s5 =	simm.s32 $0x10A28;
	s13 =	simm.s32 $0x7C8  }
0x20c: {  	[tilespmem:s5], [sflag:$0x1] =	stream.indirect.gather [hbm4b:s1+s11], $0x80, s13, s11, $0xb8;
	[tilespmem:$0x13A28] =	vst v63  }
0x20d: {  	s6 =	simm.s32 $0x11A28;
	s5 =	simm.s32 $0x7E8  }
0x20e: {  	[tilespmem:s6], [sflag:$0x1] =	stream.indirect.gather [hbm4b:s1+s11], $0x80, s5, s11, $0xb8;
	[tilespmem:$0x13A28] =	vst v63  }
0x20f: {  	s3 =	simm.s32 $0x12A28;
	s13 =	simm.s32 $0x808  }
0x210: {  	[tilespmem:s3], [sflag:$0x1] =	stream.indirect.gather [hbm4b:s1+s11], $0x80, s13, s11, $0xb8;
	[tilespmem:$0x13A28] =	vst v63  }
0x211: {  	v7 =	vld.idx.msk [tilespmem:v6+s25+$0x0], $0xffff  }
0x212: {  	v9 =	vor.u32 s16, v49;
	v8 =	vld [tilespmem:$0x408]  }
0x213: {  	v11 =	vor.u32 s16, v50;
	v10 =	vld [tilespmem:$0x508];
	_ =	sdelay $0x3  }
0x214: {  	[tilespmem:v9+s9+$0x0] =	vst.idx.msk $0xffff, v8;
	v8 =	vmul.f32 v8, v7  }
0x215: {  	v12 =	vor.u32 $0x1, v6;
	v7 =	vmul.f32 v10, v7;
	[tilespmem:v11+s9+$0x0] =	vst.idx.msk $0xffff, v10  }
0x216: {  	[tilespmem:v9+s10+$0x0] =	vst.idx.msk $0xffff, v8  }
0x217: {  	[tilespmem:v11+s10+$0x0] =	vst.idx.msk $0xffff, v7;
	v11 =	vld [tilespmem:$0x1FFE0];
	_ =	sdelay $0x2  }
0x218: {  	v7 =	vld.idx.msk [tilespmem:v12+s25+$0x0], $0xffff  }
0x219: {  	v9 =	vor.u32 s16, v52;
	v8 =	vld [tilespmem:$0x418]  }
0x21a: {  	v10 =	vld [tilespmem:$0x518];
	v11 =	vor.u32 s16, v11;
	_ =	sdelay $0x2  }
0x21b: {  	v12 =	vor.u32 $0x2, v6  }
0x21c: {  	[tilespmem:v9+s9+$0x0] =	vst.idx.msk $0xffff, v8;
	v8 =	vmul.f32 v8, v7  }
0x21d: {  	v7 =	vmul.f32 v10, v7;
	[tilespmem:v11+s9+$0x0] =	vst.idx.msk $0xffff, v10  }
0x21e: {  	[tilespmem:v9+s10+$0x0] =	vst.idx.msk $0xffff, v8  }
0x21f: {  	[tilespmem:v11+s10+$0x0] =	vst.idx.msk $0xffff, v7  }
0x220: {  	v7 =	vld.idx.msk [tilespmem:v12+s25+$0x0], $0xffff  }
0x221: {  	v9 =	vor.u32 s16, v21;
	v8 =	vld [tilespmem:$0x428]  }
0x222: {  	v11 =	vor.u32 s16, v22;
	v10 =	vld [tilespmem:$0x528];
	_ =	sdelay $0x3  }
0x223: {  	[tilespmem:v9+s9+$0x0] =	vst.idx.msk $0xffff, v8;
	v8 =	vmul.f32 v8, v7  }
0x224: {  	v12 =	vor.u32 $0x3, v6;
	[tilespmem:v11+s9+$0x0] =	vst.idx.msk $0xffff, v10  }
0x225: {  	[tilespmem:v9+s10+$0x0] =	vst.idx.msk $0xffff, v8;
	v9 =	vld [tilespmem:$0x1FFF0]  }
0x226: {  	v7 =	vmul.f32 v10, v7;
	_ =	sdelay $0x1  }
0x227: {  	[tilespmem:v11+s10+$0x0] =	vst.idx.msk $0xffff, v7  }
0x228: {  	v7 =	vld.idx.msk [tilespmem:v12+s25+$0x0], $0xffff  }
0x229: {  	v8 =	vld [tilespmem:$0x438];
	v9 =	vor.u32 s16, v9  }
0x22a: {  	v11 =	vor.u32 s16, v13;
	v10 =	vld [tilespmem:$0x538];
	_ =	sdelay $0x2  }
0x22b: {  	v12 =	vor.u32 $0x4, v6  }
0x22c: {  	[tilespmem:v9+s9+$0x0] =	vst.idx.msk $0xffff, v8;
	v8 =	vmul.f32 v8, v7  }
0x22d: {  	v7 =	vmul.f32 v10, v7;
	[tilespmem:v11+s9+$0x0] =	vst.idx.msk $0xffff, v10  }
0x22e: {  	[tilespmem:v9+s10+$0x0] =	vst.idx.msk $0xffff, v8  }
0x22f: {  	[tilespmem:v11+s10+$0x0] =	vst.idx.msk $0xffff, v7  }
0x230: {  	v7 =	vld.idx.msk [tilespmem:v12+s25+$0x0], $0xffff  }
0x231: {  	v9 =	vor.u32 s16, v14;
	v8 =	vld [tilespmem:$0x448]  }
0x232: {  	v11 =	vor.u32 s16, v15;
	v10 =	vld [tilespmem:$0x548];
	_ =	sdelay $0x2  }
0x233: {  	v12 =	vor.u32 $0x5, v6  }
0x234: {  	[tilespmem:v9+s9+$0x0] =	vst.idx.msk $0xffff, v8;
	v8 =	vmul.f32 v8, v7  }
0x235: {  	v7 =	vmul.f32 v10, v7;
	[tilespmem:v11+s9+$0x0] =	vst.idx.msk $0xffff, v10  }
0x236: {  	[tilespmem:v9+s10+$0x0] =	vst.idx.msk $0xffff, v8  }
0x237: {  	[tilespmem:v11+s10+$0x0] =	vst.idx.msk $0xffff, v7  }
0x238: {  	v7 =	vld.idx.msk [tilespmem:v12+s25+$0x0], $0xffff  }
0x239: {  	v9 =	vor.u32 s16, v16;
	v8 =	vld [tilespmem:$0x458]  }
0x23a: {  	v11 =	vor.u32 s16, v17;
	v10 =	vld [tilespmem:$0x558];
	_ =	sdelay $0x2  }
0x23b: {  	v12 =	vor.u32 $0x6, v6  }
0x23c: {  	[tilespmem:v9+s9+$0x0] =	vst.idx.msk $0xffff, v8;
	v8 =	vmul.f32 v8, v7  }
0x23d: {  	v7 =	vmul.f32 v10, v7;
	[tilespmem:v11+s9+$0x0] =	vst.idx.msk $0xffff, v10  }
0x23e: {  	[tilespmem:v9+s10+$0x0] =	vst.idx.msk $0xffff, v8  }
0x23f: {  	[tilespmem:v11+s10+$0x0] =	vst.idx.msk $0xffff, v7  }
0x240: {  	v7 =	vld.idx.msk [tilespmem:v12+s25+$0x0], $0xffff  }
0x241: {  	v9 =	vor.u32 s16, v18;
	v8 =	vld [tilespmem:$0x468]  }
0x242: {  	v11 =	vor.u32 s16, v19;
	v10 =	vld [tilespmem:$0x568];
	_ =	sdelay $0x2  }
0x243: {  	v12 =	vor.u32 $0x7, v6  }
0x244: {  	[tilespmem:v9+s9+$0x0] =	vst.idx.msk $0xffff, v8;
	v8 =	vmul.f32 v8, v7  }
0x245: {  	v7 =	vmul.f32 v10, v7;
	[tilespmem:v11+s9+$0x0] =	vst.idx.msk $0xffff, v10  }
0x246: {  	[tilespmem:v9+s10+$0x0] =	vst.idx.msk $0xffff, v8  }
0x247: {  	[tilespmem:v11+s10+$0x0] =	vst.idx.msk $0xffff, v7  }
0x248: {  	v7 =	vld.idx.msk [tilespmem:v12+s25+$0x0], $0xffff  }
0x249: {  	v9 =	vor.u32 s16, v20;
	v8 =	vld [tilespmem:$0x478]  }
0x24a: {  	v11 =	vor.u32 s16, v63;
	v10 =	vld [tilespmem:$0x578];
	_ =	sdelay $0x2  }
0x24b: {  	v12 =	vor.u32 $0x8, v6  }
0x24c: {  	[tilespmem:v9+s9+$0x0] =	vst.idx.msk $0xffff, v8;
	v8 =	vmul.f32 v8, v7  }
0x24d: {  	v7 =	vmul.f32 v10, v7;
	[tilespmem:v11+s9+$0x0] =	vst.idx.msk $0xffff, v10  }
0x24e: {  	[tilespmem:v9+s10+$0x0] =	vst.idx.msk $0xffff, v8  }
0x24f: {  	[tilespmem:v11+s10+$0x0] =	vst.idx.msk $0xffff, v7  }
0x250: {  	v7 =	vld.idx.msk [tilespmem:v12+s25+$0x0], $0xffff  }
0x251: {  	v9 =	vor.u32 s16, v62;
	v8 =	vld [tilespmem:$0x488]  }
0x252: {  	v11 =	vor.u32 s16, v61;
	v10 =	vld [tilespmem:$0x588];
	_ =	sdelay $0x2  }
0x253: {  	v12 =	vor.u32 $0x9, v6  }
0x254: {  	[tilespmem:v9+s9+$0x0] =	vst.idx.msk $0xffff, v8;
	v8 =	vmul.f32 v8, v7  }
0x255: {  	v7 =	vmul.f32 v10, v7;
	[tilespmem:v11+s9+$0x0] =	vst.idx.msk $0xffff, v10  }
0x256: {  	[tilespmem:v9+s10+$0x0] =	vst.idx.msk $0xffff, v8  }
0x257: {  	[tilespmem:v11+s10+$0x0] =	vst.idx.msk $0xffff, v7  }
0x258: {  	v7 =	vld.idx.msk [tilespmem:v12+s25+$0x0], $0xffff  }
0x259: {  	v9 =	vor.u32 s16, v60;
	v8 =	vld [tilespmem:$0x498]  }
0x25a: {  	v11 =	vor.u32 s16, v59;
	v10 =	vld [tilespmem:$0x598];
	_ =	sdelay $0x2  }
0x25b: {  	v12 =	vor.u32 $0xA, v6  }
0x25c: {  	[tilespmem:v9+s9+$0x0] =	vst.idx.msk $0xffff, v8;
	v8 =	vmul.f32 v8, v7  }
0x25d: {  	v7 =	vmul.f32 v10, v7;
	[tilespmem:v11+s9+$0x0] =	vst.idx.msk $0xffff, v10  }
0x25e: {  	[tilespmem:v9+s10+$0x0] =	vst.idx.msk $0xffff, v8  }
0x25f: {  	[tilespmem:v11+s10+$0x0] =	vst.idx.msk $0xffff, v7  }
0x260: {  	v7 =	vld.idx.msk [tilespmem:v12+s25+$0x0], $0xffff  }
0x261: {  	v9 =	vor.u32 s16, v58;
	v8 =	vld [tilespmem:$0x4A8]  }
0x262: {  	v11 =	vor.u32 s16, v56;
	v10 =	vld [tilespmem:$0x5A8];
	_ =	sdelay $0x2  }
0x263: {  	v12 =	vor.u32 $0xB, v6  }
0x264: {  	[tilespmem:v9+s9+$0x0] =	vst.idx.msk $0xffff, v8;
	v8 =	vmul.f32 v8, v7  }
0x265: {  	v7 =	vmul.f32 v10, v7;
	[tilespmem:v11+s9+$0x0] =	vst.idx.msk $0xffff, v10  }
0x266: {  	[tilespmem:v9+s10+$0x0] =	vst.idx.msk $0xffff, v8  }
0x267: {  	[tilespmem:v11+s10+$0x0] =	vst.idx.msk $0xffff, v7  }
0x268: {  	v7 =	vld.idx.msk [tilespmem:v12+s25+$0x0], $0xffff  }
0x269: {  	v9 =	vor.u32 s16, v57;
	v8 =	vld [tilespmem:$0x4B8]  }
0x26a: {  	v11 =	vor.u32 s16, v53;
	v10 =	vld [tilespmem:$0x5B8];
	_ =	sdelay $0x2  }
0x26b: {  	v12 =	vor.u32 $0xC, v6  }
0x26c: {  	[tilespmem:v9+s9+$0x0] =	vst.idx.msk $0xffff, v8;
	v8 =	vmul.f32 v8, v7  }
0x26d: {  	v7 =	vmul.f32 v10, v7;
	[tilespmem:v11+s9+$0x0] =	vst.idx.msk $0xffff, v10  }
0x26e: {  	[tilespmem:v9+s10+$0x0] =	vst.idx.msk $0xffff, v8  }
0x26f: {  	[tilespmem:v11+s10+$0x0] =	vst.idx.msk $0xffff, v7  }
0x270: {  	v7 =	vld.idx.msk [tilespmem:v12+s25+$0x0], $0xffff  }
0x271: {  	v9 =	vor.u32 s16, v55;
	v8 =	vld [tilespmem:$0x4C8]  }
0x272: {  	v11 =	vor.u32 s16, v54;
	v10 =	vld [tilespmem:$0x5C8];
	_ =	sdelay $0x2  }
0x273: {  	v12 =	vor.u32 $0xD, v6  }
0x274: {  	[tilespmem:v9+s9+$0x0] =	vst.idx.msk $0xffff, v8;
	v8 =	vmul.f32 v8, v7  }
0x275: {  	v7 =	vmul.f32 v10, v7;
	[tilespmem:v11+s9+$0x0] =	vst.idx.msk $0xffff, v10  }
0x276: {  	[tilespmem:v9+s10+$0x0] =	vst.idx.msk $0xffff, v8  }
0x277: {  	v51 =	vmov v50;
	v50 =	vmov v49;
	[tilespmem:v11+s10+$0x0] =	vst.idx.msk $0xffff, v7  }
0x278: {  	v49 =	vmovc v48;
	v48 =	vmovc v47;
	v47 =	vmov v46;
	v46 =	vmov v45;
	v45 =	vmov v44;
	v7 =	vld.idx.msk [tilespmem:v12+s25+$0x0], $0xffff  }
0x279: {  	v44 =	vmovc v43;
	v43 =	vmovc v42;
	v42 =	vmov v41;
	v41 =	vmov v40;
	v9 =	vor.u32 s16, v0;
	v8 =	vld [tilespmem:$0x4D8]  }
0x27a: {  	v40 =	vmovc v39;
	v39 =	vmovc v38;
	v38 =	vmov v37;
	v37 =	vmov v36;
	v11 =	vor.u32 s16, v1;
	v10 =	vld [tilespmem:$0x5D8]  }
0x27b: {  	v36 =	vmovc v35;
	v35 =	vmovc v34;
	v34 =	vmov v32;
	v32 =	vmov v31;
	v31 =	vmov v30  }
0x27c: {  	v30 =	vmovc v29;
	v29 =	vmovc v28;
	v28 =	vmov v27;
	v27 =	vmov v26;
	v26 =	vmov v25  }
0x27d: {  	v12 =	vor.u32 $0xE, v6  }
0x27e: {  	[tilespmem:v9+s9+$0x0] =	vst.idx.msk $0xffff, v8;
	v8 =	vmul.f32 v8, v7  }
0x27f: {  	v25 =	vmov v26;
	v26 =	vmov v27;
	v7 =	vmul.f32 v10, v7;
	[tilespmem:v11+s9+$0x0] =	vst.idx.msk $0xffff, v10  }
0x280: {  	v27 =	vmovc v28;
	v28 =	vmovc v29;
	v29 =	vmov v30;
	v30 =	vmov v31;
	v31 =	vmov v32;
	[tilespmem:v9+s10+$0x0] =	vst.idx.msk $0xffff, v8  }
0x281: {  	v32 =	vmovc v34;
	v34 =	vmovc v35;
	v35 =	vmov v36;
	v36 =	vmov v37;
	v37 =	vmov v38;
	[tilespmem:v11+s10+$0x0] =	vst.idx.msk $0xffff, v7  }
0x282: {  	v38 =	vmovc v39;
	v39 =	vmovc v40;
	v40 =	vmov v41;
	v41 =	vmov v42;
	v42 =	vmov v43;
	v7 =	vld.idx.msk [tilespmem:v12+s25+$0x0], $0xffff  }
0x283: {  	v43 =	vmovc v44;
	v44 =	vmovc v45;
	v45 =	vmov v46;
	v46 =	vmov v47;
	v9 =	vor.u32 s16, v2;
	v8 =	vld [tilespmem:$0x4E8]  }
0x284: {  	v47 =	vmovc v48;
	v48 =	vmovc v49;
	v49 =	vmov v50;
	v50 =	vmov v51;
	v51 =	vor.u32 s16, v3;
	v10 =	vld [tilespmem:$0x5E8];
	_ =	sdelay $0x2  }
0x285: {  	v6 =	vor.u32 $0xF, v6  }
0x286: {  	[tilespmem:v9+s9+$0x0] =	vst.idx.msk $0xffff, v8;
	v8 =	vmul.f32 v8, v7  }
0x287: {  	v7 =	vmul.f32 v10, v7;
	[tilespmem:v51+s9+$0x0] =	vst.idx.msk $0xffff, v10  }
0x288: {  	[tilespmem:v9+s10+$0x0] =	vst.idx.msk $0xffff, v8  }
0x289: {  	[tilespmem:v51+s10+$0x0] =	vst.idx.msk $0xffff, v7  }
0x28a: {  	v6 =	vld.idx.msk [tilespmem:v6+s25+$0x0], $0xffff  }
0x28b: {  	v8 =	vor.u32 s16, v4;
	v7 =	vld [tilespmem:$0x4F8]  }
0x28c: {  	v51 =	vor.u32 s16, v5;
	v9 =	vld [tilespmem:$0x5F8];
	_ =	sdelay $0x3  }
0x28d: {  	[tilespmem:v8+s9+$0x0] =	vst.idx.msk $0xffff, v7;
	v7 =	vmul.f32 v7, v6  }
0x28e: {  	v6 =	vmul.f32 v9, v6;
	[tilespmem:v51+s9+$0x0] =	vst.idx.msk $0xffff, v9  }
0x28f: {  	s4 =	rddreg [dreg:$0x15];
	[tilespmem:v8+s10+$0x0] =	vst.idx.msk $0xffff, v7  }
0x290: {  	s30 =	rddreg [dreg:$0x16];
	[tilespmem:v51+s10+$0x0] =	vst.idx.msk $0xffff, v6  }
0x291: {  	s7 =	rddreg [dreg:$0x17];
	_ =	swait.ge [sflag:s26], $0x1000  }
0x292: {  	[sflag:s26] =	ssyncset.done $0x0  }
0x293: {  	[sflag:s26] =	ssyncadd.s32 $0xFFFFF000  }
0x294: {  	_ =	swait.ge [sflag:s26], $0x1000  }
0x295: {  	[sflag:s26] =	ssyncset.done $0x0  }
0x296: {  	[sflag:s26] =	ssyncadd.s32 $0xFFFFF000  }
0x297: {  	_ =	swait.ge [sflag:s26], $0x1000  }
0x298: {  	[sflag:s26] =	ssyncset.done $0x0  }
0x299: {  	[sflag:s26] =	ssyncadd.s32 $0xFFFFF000  }
0x29a: {  	_ =	swait.ge [sflag:s26], $0x1000  }
0x29b: {  	[sflag:s26] =	ssyncset.done $0x0  }
0x29c: {  	[sflag:s26] =	ssyncadd.s32 $0xFFFFF000  }
0x29d: {  	_ =	swait.ge [sflag:s26], $0x1000  }
0x29e: {  	[sflag:s26] =	ssyncset.done $0x0  }
0x29f: {  	s31 =	simm.s32 $0x0;
	[sflag:s26] =	ssyncadd.s32 $0xFFFFF000  }
0x2a0: {  	[hbm4b:s18+s31] =	stream.linear.scatter [tilespmem:s12], [sflag:$0x2], $0x5000, $0x38;
	[tilespmem:$0x13A28] =	vst v63  }
0x2a1: {  	_ =	swait.ge [sflag:s26], $0x1000  }
0x2a2: {  	[sflag:s26] =	ssyncset.done $0x0  }
0x2a3: {  	[sflag:s26] =	ssyncadd.s32 $0xFFFFF000  }
0x2a4: {  	_ =	swait.ge [sflag:s26], $0x1000  }
0x2a5: {  	[sflag:s26] =	ssyncset.done $0x0  }
0x2a6: {  	[sflag:s26] =	ssyncadd.s32 $0xFFFFF000  }
0x2a7: {  	_ =	swait.ge [sflag:s26], $0x1000  }
0x2a8: {  	[sflag:s26] =	ssyncset.done $0x0  }
0x2a9: {  	[sflag:s26] =	ssyncadd.s32 $0xFFFFF000  }
0x2aa: {  	_ =	swait.ge [sflag:s26], $0x1000  }
0x2ab: {  	[sflag:s26] =	ssyncset.done $0x0  }
0x2ac: {  	[sflag:s26] =	ssyncadd.s32 $0xFFFFF000  }
0x2ad: {  	[hbm4b:s19+s31] =	stream.linear.scatter [tilespmem:s22], [sflag:$0x2], $0x4000, $0x38;
	[tilespmem:$0x13A28] =	vst v63  }
0x2ae: {  	_ =	swait.ge [sflag:s26], $0x1000  }
0x2af: {  	[sflag:s26] =	ssyncset.done $0x0  }
0x2b0: {  	[sflag:s26] =	ssyncadd.s32 $0xFFFFF000  }
0x2b1: {  	_ =	swait.ge [sflag:s26], $0x1000  }
0x2b2: {  	[sflag:s26] =	ssyncset.done $0x0  }
0x2b3: {  	[sflag:s26] =	ssyncadd.s32 $0xFFFFF000  }
0x2b4: {  	_ =	swait.ge [sflag:s26], $0x1000  }
0x2b5: {  	[sflag:s26] =	ssyncset.done $0x0  }
0x2b6: {  	[sflag:s26] =	ssyncadd.s32 $0xFFFFF000  }
0x2b7: {  	_ =	swait.ge [sflag:s26], $0x1000  }
0x2b8: {  	[sflag:s26] =	ssyncset.done $0x0  }
0x2b9: {  	[sflag:s26] =	ssyncadd.s32 $0xFFFFF000  }
0x2ba: {  	[hbm4b:s20+s31] =	stream.linear.scatter [tilespmem:s14], [sflag:$0x2], $0x4000, $0x38;
	[tilespmem:$0x13A28] =	vst v63  }
0x2bb: {  	_ =	swait.ge [sflag:s26], $0x1000  }
0x2bc: {  	[sflag:s26] =	ssyncset.done $0x0  }
0x2bd: {  	[sflag:s26] =	ssyncadd.s32 $0xFFFFF000  }
0x2be: {  	_ =	swait.ge [sflag:s26], $0x1000  }
0x2bf: {  	[sflag:s26] =	ssyncset.done $0x0  }
0x2c0: {  	[sflag:s26] =	ssyncadd.s32 $0xFFFFF000  }
0x2c1: {  	_ =	swait.ge [sflag:s26], $0x1000  }
0x2c2: {  	[sflag:s26] =	ssyncset.done $0x0  }
0x2c3: {  	[sflag:s26] =	ssyncadd.s32 $0xFFFFF000  }
0x2c4: {  	_ =	swait.ge [sflag:s26], $0x1000  }
0x2c5: {  	[sflag:s26] =	ssyncset.done $0x0  }
0x2c6: {  	[sflag:s26] =	ssyncadd.s32 $0xFFFFF000  }
0x2c7: {  	[hbm4b:s21+s31] =	stream.linear.scatter [tilespmem:s23], [sflag:$0x2], $0x4000, $0x38;
	[tilespmem:$0x13A28] =	vst v63  }
0x2c8: {  	_ =	swait.ge [sflag:s15], $0x5000  }
0x2c9: {  	[sflag:s15] =	ssyncset.done $0x0  }
0x2ca: {  	[sflag:s15] =	ssyncadd.s32 $0xFFFFB000  }
0x2cb: {  	_ =	swait.ge [sflag:s15], $0x4000  }
0x2cc: {  	[sflag:s15] =	ssyncset.done $0x0  }
0x2cd: {  	[sflag:s15] =	ssyncadd.s32 $0xFFFFC000  }
0x2ce: {  	p0 =	sne.s32 s16, $0x7;
	_ =	swait.ge [sflag:s15], $0x4000  }
.Ltmp1:
0x2cf: {  	[sflag:s15] =	ssyncset.done $0x0;
	(pc) =	sbr.rel @p0 .LBB2_4-.Ltmp1, $4  }
0x2d0: {  	s17 =	sadd.s32 $0x10, s17;
	s0 =	smov.u32 s29;
	[sflag:s15] =	ssyncadd.s32 $0xFFFFC000  }
0x2d1: {  	s28 =	simm.s32 $0x10;
	s16 =	sadd.s32 $0x1, s16;
	_ =	swait.ge [sflag:s15], $0x4000  }
0x2d2: {  	s18 =	sadd.s32 $0x4400, s18;
	s19 =	sadd.s32 $0x4400, s19;
	[sflag:s15] =	ssyncset.done $0x0  }
0x2d3: {  	v12 =	vlaneseq.u32;
	s20 =	sadd.s32 $0x4400, s20;
	s21 =	sadd.s32 $0x4400, s21;
	[sflag:s15] =	ssyncadd.s32 $0xFFFFC000  }
0x2d4: {  	s16 =	rddreg [dreg:$0x9];
	s17 =	simm.s32 $0x3  }
0x2d5: {  	[hbm4b:s16+s31] =	stream.linear.scatter [tilespmem:s9], [sflag:$0x3], $0x1100, $0x38;
	[tilespmem:$0x13A28] =	vst v63  }
0x2d6: {  	_ =	swait.ge [sflag:s17], $0x1100  }
0x2d7: {  	[sflag:s17] =	ssyncset.done $0x0  }
0x2d8: {  	s22 =	rddreg [dreg:$0xa];
	[sflag:s17] =	ssyncadd.s32 $0xFFFFEF00  }
0x2d9: {  	[hbm4b:s22+s31] =	stream.linear.scatter [tilespmem:s10], [sflag:$0x3], $0x1100, $0x38;
	[tilespmem:$0x13A28] =	vst v63  }
0x2da: {  	_ =	swait.ge [sflag:s17], $0x1100  }
0x2db: {  	s13 =	rddreg [dreg:$0x14]  }
0x2dc: {  	s23 =	rddreg [dreg:$0xb];
	s13 =	sadd.s32 $0x1, s13  }
0x2dd: {  	p0 =	sne.s32 s13, s23  }
.Ltmp2:
0x2de: {  	_ = 	snop;
	(pc) =	sbr.rel @p0 .LBB2_1-.Ltmp2, $4  }
0x2df: {  	_ = 	snop  }
0x2e0: {  	s2 =	simm.s32 $0x88  }
0x2e1: {  	s6 =	simm.s32 $0x308;
	s3 =	smov.u32 s30;
	[sflag:s17] =	ssyncset.done $0x0;
	v51 =	vld [tilespmem:$0x1FFE0]  }
0x2e2: {  	v9 =	vmovc v21;
	v10 =	vmov v22;
	v21 =	vmov v19;
	v22 =	vmov v20;
	s5 =	smov.u32 s7;
	s29 =	smov.u32 s0;
	v11 =	vld [tilespmem:$0x1FFF0];
	[sflag:s17] =	ssyncadd.s32 $0xFFFFEF00  }
0x2e3: {  	_ =	sfence.sel $0x180000  }
0x2e4: {  	[bflag:$0x0] =	sbarrier.arrive $0xFFFF  }
0x2e5: {  	_ =	strace $0x90000047  }
0x2e6: {  	s0 =	stileid.u32;
	[bflag:$0x2] =	sbarrier.arrive $0xFFFF  }
0x2e7: {  	p0 =	sne.s32 s0, $0x0;
	s0 =	rddreg [dreg:$0x5]  }
0x2e8: {  	s0 =	sadd.s32 @!p0 $0x100000, s0  }
0x2e9: {  	[sflag:s0] =	ssyncadd.tile.s32 @!p0 $0x1;
	_ =	shalt  }
.Lfunc_end2:
_tile_overlayer_lowered:
.L_overlay_start_2:
0x2ea: {  	(tag) =	ssettag $0x2  }
0x2eb: {  	s0 =	rddreg [dreg:$0x0];
	s2 =	stileid.u32  }
0x2ec: {  	s1 =	rddreg [dreg:$0x1];
	p0 =	sne.s32 s2, $0x0  }
0x2ed: {  	s3 =	rddreg [dreg:$0x2];
	[bflag:$0x3] =	sbarrier.arrive $0xFFFF;
	s2 =	simm.s32 @!p0 $0x1C03  }
0x2ee: {  	[timem:s3], [sflag:s2] =	dma.local @!p0 [hbm:s0], s1  }
0x2ef: {  	s0 =	simm.s32 @!p0 $0x3  }
0x2f0: {  	_ =	swait.ge @!p0 [sflag:s0], s1  }
0x2f1: {  	s1 =	ssub.s32 @!p0 $0x0, s1;
	[sflag:s0] =	ssyncset.done @!p0 $0x0  }
0x2f2: {  	[sflag:s0] =	ssyncadd.s32 @!p0 s1  }
0x2f3: {  	[bflag:$0x3] =	sbarrier.arrive $0xFFFF  }
0x2f4: {  	_ =	shalt  }

</sc_bundles>
